<compile_context>
chip_gen: v7x
topology: tpu7x:2x2x1
jax: 0.10.2.dev20260603
libtpu: 0.0.44.dev20260713+nightly
codegen_flags: <defaults>
</compile_context>

<pallas_src>
import functools

import jax
import jax.numpy as jnp
from jax import lax
from jax.experimental import pallas as pl
from jax.experimental.pallas import tpu as pltpu
from jax.experimental.pallas import tpu_sc as plsc

B = 1024
N = 10000
E = 160000

NC = 2
NS = 16
NW = NC * NS
P = B // 2
PROWS_PER_W = P // NW
SLAB = 8
N_SLABS = PROWS_PER_W // SLAB
ROWS_PER_W = B // NW
CHUNK = 3200
N_PAIRS = E // (2 * CHUNK)
GROUPS = CHUNK // 16
H_GROUPS = N // 16

HIMASK = -65536

_mesh = plsc.VectorSubcoreMesh(core_axis_name="c", subcore_axis_name="s")


@functools.partial(
    pl.kernel,
    mesh=_mesh,
    compiler_params=pltpu.CompilerParams(needs_layout_passes=False),
    out_type=jax.ShapeDtypeStruct((B,), jnp.float32),
    scratch_types=[
        pltpu.VMEM((SLAB * N,), jnp.int32),
        pltpu.VMEM((N,), jnp.float32),
        pltpu.VMEM((N,), jnp.float32),
        pltpu.VMEM((N,), jnp.float32),
        pltpu.VMEM((CHUNK,), jnp.int32),
        pltpu.VMEM((CHUNK,), jnp.int32),
        pltpu.VMEM((CHUNK,), jnp.float32),
        pltpu.VMEM((CHUNK,), jnp.int32),
        pltpu.VMEM((CHUNK,), jnp.int32),
        pltpu.VMEM((CHUNK,), jnp.float32),
        pltpu.VMEM((ROWS_PER_W,), jnp.float32),
        pltpu.SemaphoreType.DMA,
        pltpu.SemaphoreType.DMA,
        pltpu.SemaphoreType.DMA,
    ],
)
def _rbm_sc(x_hbm, h_hbm, j_hbm, ei_hbm, ej_hbm, out_hbm,
            xslab, stg0, stg1, h_v, ei_a, ej_a, jv_a, ei_b, ej_b, jv_b,
            out_v, sem_a, sem_b, sem_s):
    wid = lax.axis_index("s") * NC + lax.axis_index("c")

    pltpu.sync_copy(h_hbm, h_v)

    lane = lax.iota(jnp.int32, 16)
    row_refs = [xslab.at[pl.ds(r * N, N)] for r in range(SLAB)]
    stg = (stg0, stg1)

    def start_row(batch_row, buf):
        pltpu.async_copy(x_hbm.at[pl.ds(batch_row * N, N)], buf, sem_s)

    def wait_row(buf):
        pltpu.make_async_copy(x_hbm.at[pl.ds(0, N)], buf, sem_s).wait()

    def pack_hi(src, r):
        def body(k):
            o = k * 16
            w = plsc.bitcast(src[pl.ds(o, 16)], jnp.int32)
            xslab[pl.ds(r * N + o, 16)] = (w + 0x8000) & HIMASK

        plsc.parallel_loop(0, H_GROUPS, unroll=4)(body)

    def pack_lo(src, r):
        def body(k):
            o = k * 16
            w = plsc.bitcast(src[pl.ds(o, 16)], jnp.int32)
            t = lax.shift_right_logical(w + 0x8000, 16)
            xslab[pl.ds(r * N + o, 16)] |= t

        plsc.parallel_loop(0, H_GROUPS, unroll=4)(body)

    def start_chunk(c, bufs, sem):
        off = c * CHUNK
        pltpu.async_copy(ei_hbm.at[pl.ds(off, CHUNK)], bufs[0], sem)
        pltpu.async_copy(ej_hbm.at[pl.ds(off, CHUNK)], bufs[1], sem)
        pltpu.async_copy(j_hbm.at[pl.ds(off, CHUNK)], bufs[2], sem)

    def wait_chunk(bufs, sem):
        pltpu.make_async_copy(ei_hbm.at[pl.ds(0, CHUNK)], bufs[0], sem).wait()
        pltpu.make_async_copy(ej_hbm.at[pl.ds(0, CHUNK)], bufs[1], sem).wait()
        pltpu.make_async_copy(j_hbm.at[pl.ds(0, CHUNK)], bufs[2], sem).wait()

    def edge_accum(bufs, accs):
        ei_v, ej_v, jv_v = bufs

        def group_body(g, accs):
            base = g * 16
            ii = ei_v[pl.ds(base, 16)]
            jj = ej_v[pl.ds(base, 16)]
            Jv = jv_v[pl.ds(base, 16)]
            acc_a, acc_b = accs
            new_a, new_b = [], []
            for r in range(SLAB):
                wi = plsc.load_gather(row_refs[r], [ii])
                wj = plsc.load_gather(row_refs[r], [jj])
                ai = plsc.bitcast(wi & HIMASK, jnp.float32)
                aj = plsc.bitcast(wj & HIMASK, jnp.float32)
                bi = plsc.bitcast(wi << 16, jnp.float32)
                bj = plsc.bitcast(wj << 16, jnp.float32)
                new_a.append(acc_a[r] + (ai * aj) * Jv)
                new_b.append(acc_b[r] + (bi * bj) * Jv)
            return tuple(new_a), tuple(new_b)

        return plsc.parallel_loop(0, GROUPS, unroll=2, carry=accs)(group_body)

    bufs_a = (ei_a, ej_a, jv_a)
    bufs_b = (ei_b, ej_b, jv_b)

    tile_sums = [None] * ROWS_PER_W
    for s in range(N_SLABS):
        p0 = wid * PROWS_PER_W + s * SLAB
        start_chunk(0, bufs_a, sem_a)
        start_chunk(1, bufs_b, sem_b)
        start_row(2 * p0, stg[0])
        for r in range(SLAB):
            p = p0 + r
            wait_row(stg[0])
            start_row(2 * p + 1, stg[1])
            pack_hi(stg[0], r)
            wait_row(stg[1])
            if r < SLAB - 1:
                start_row(2 * p + 2, stg[0])
            pack_lo(stg[1], r)

        def h_body(k, accs):
            base = k * 16
            hv = h_v[pl.ds(base, 16)]
            acc_a, acc_b = accs
            new_a, new_b = [], []
            for r in range(SLAB):
                w = xslab[pl.ds(r * N + base, 16)]
                av = plsc.bitcast(w & HIMASK, jnp.float32)
                bv = plsc.bitcast(w << 16, jnp.float32)
                new_a.append(acc_a[r] + av * hv)
                new_b.append(acc_b[r] + bv * hv)
            return tuple(new_a), tuple(new_b)

        zeros = tuple(jnp.zeros((16,), jnp.float32) for _ in range(SLAB))
        accs = lax.fori_loop(0, H_GROUPS, h_body, (zeros, zeros))

        def pair_body(c, accs):
            wait_chunk(bufs_a, sem_a)
            accs = edge_accum(bufs_a, accs)

            @pl.when(c < N_PAIRS - 1)
            def _():
                start_chunk(2 * c + 2, bufs_a, sem_a)

            wait_chunk(bufs_b, sem_b)
            accs = edge_accum(bufs_b, accs)

            @pl.when(c < N_PAIRS - 1)
            def _():
                start_chunk(2 * c + 3, bufs_b, sem_b)

            return accs

        acc_a, acc_b = lax.fori_loop(0, N_PAIRS, pair_body, accs)
        for r in range(SLAB):
            tile_sums[16 * s + 2 * r] = lax.reduce_sum_p.bind(
                acc_a[r], axes=(0,))
            tile_sums[16 * s + 2 * r + 1] = lax.reduce_sum_p.bind(
                acc_b[r], axes=(0,))

    for half in range(ROWS_PER_W // 16):
        vec = jnp.zeros((16,), jnp.float32)
        for k in range(16):
            vec = jnp.where(lane == k, tile_sums[half * 16 + k], vec)
        out_v[pl.ds(half * 16, 16)] = vec
    pltpu.sync_copy(out_v, out_hbm.at[pl.ds(wid * ROWS_PER_W, ROWS_PER_W)])


def kernel(x, h, J, edge_idx_i, edge_idx_j):
    return _rbm_sc(x.reshape(-1), h, J, edge_idx_i, edge_idx_j)

# --- scband reference (transcript-rebuilt; emitter-appended) ---
"""Pipeline reference for scband-graph-restricted-boltzmann-machine-29944511988448 (READ-ONLY COPY).

The authoritative reference and input builder live on the scoring server;
editing this copy changes nothing except your own understanding.
"""

import jax, jax.numpy as jnp
import numpy as np

NUM_NODES = 10000
NUM_EDGES = 160000
BATCH = 1024


def setup_inputs(seed: int = 0) -> dict:
    key = jax.random.key(seed)
    k1, k2, k3, k4, k5 = jax.random.split(key, 5)
    x = jax.random.normal(k1, (BATCH, NUM_NODES), dtype=jnp.float32)
    edge_idx_i = jax.random.randint(k2, (NUM_EDGES,), 0, NUM_NODES, dtype=jnp.int32)
    edge_idx_j = jax.random.randint(k3, (NUM_EDGES,), 0, NUM_NODES, dtype=jnp.int32)
    # Learned parameters, initialized exactly like the torch module:
    # h = 0.01 * (2*randint(0,2) - 1), J = 1.0 * (2*randint(0,2) - 1)
    h = 0.01 * (2.0 * jax.random.randint(k4, (NUM_NODES,), 0, 2).astype(jnp.float32) - 1.0)
    J = 1.0 * (2.0 * jax.random.randint(k5, (NUM_EDGES,), 0, 2).astype(jnp.float32) - 1.0)
    return {"x": x, "h": h, "J": J, "edge_idx_i": edge_idx_i, "edge_idx_j": edge_idx_j}


def reference(x, h, J, edge_idx_i, edge_idx_j):
    # clip_parameters() is a no-op here: h_range/j_range default to (-inf, inf).
    # interactions(x): gather endpoint spins per edge and multiply -> (B, E)
    interactions = x[..., edge_idx_i] * x[..., edge_idx_j]
    # Hamiltonian: x @ h + interactions @ J -> (B,)
    return x @ h + interactions @ J

if __name__ == "__main__":
    import jax
    _d = setup_inputs()
    print(jax.jit(kernel)(*tuple(_d.values())))

</pallas_src>

<mosaic_0001>
#map = affine_map<(d0, d1) -> (0)>
module attributes {stable_mosaic.version = 14 : i64} {
  func.func @_rbm_sc(%arg0: i32, %arg1: i32, %arg2: memref<10240000xf32, #tpu.memory_space<hbm>>, %arg3: memref<10000xf32, #tpu.memory_space<hbm>>, %arg4: memref<160000xf32, #tpu.memory_space<hbm>>, %arg5: memref<160000xi32, #tpu.memory_space<hbm>>, %arg6: memref<160000xi32, #tpu.memory_space<hbm>>, %arg7: memref<1024xf32, #tpu.memory_space<hbm>>, %arg8: memref<80000xi32, #tpu.memory_space<vmem>>, %arg9: memref<10000xf32, #tpu.memory_space<vmem>>, %arg10: memref<10000xf32, #tpu.memory_space<vmem>>, %arg11: memref<10000xf32, #tpu.memory_space<vmem>>, %arg12: memref<3200xi32, #tpu.memory_space<vmem>>, %arg13: memref<3200xi32, #tpu.memory_space<vmem>>, %arg14: memref<3200xf32, #tpu.memory_space<vmem>>, %arg15: memref<3200xi32, #tpu.memory_space<vmem>>, %arg16: memref<3200xi32, #tpu.memory_space<vmem>>, %arg17: memref<3200xf32, #tpu.memory_space<vmem>>, %arg18: memref<32xf32, #tpu.memory_space<vmem>>, %arg19: memref<!tpu.dma_semaphore, #tpu.memory_space<semaphore_mem>>, %arg20: memref<!tpu.dma_semaphore, #tpu.memory_space<semaphore_mem>>, %arg21: memref<!tpu.dma_semaphore, #tpu.memory_space<semaphore_mem>>) attributes {dimension_semantics = [#tpu.dimension_semantics<core_parallel>, #tpu.dimension_semantics<subcore_parallel>], iteration_bounds = array<i64: 2, 16>, scalar_prefetch = 0 : i64, scratch_operands = 14 : i64, tpu.core_type = #tpu.core_type<sc_vector_subcore>, window_params = [{transform_indices = #map}, {transform_indices = #map}, {transform_indices = #map}, {transform_indices = #map}, {transform_indices = #map}, {transform_indices = #map}]} {
    %mul3A = arith.constant 2 : i32
    %mul3A_0 = arith.muli %arg1, %mul3A : i32
    %add3A = arith.addi %mul3A_0, %arg0 : i32
    "tpu.region"() ({
      %run_scoped3A = tpu.sem_alloc : memref<!tpu.dma_semaphore, #tpu.memory_space<semaphore_mem>>
      tpu.enqueue_dma source(%arg3 : memref<10000xf32, #tpu.memory_space<hbm>>) target(%arg11 : memref<10000xf32, #tpu.memory_space<vmem>>) target_semaphore(%run_scoped3A : memref<!tpu.dma_semaphore, #tpu.memory_space<semaphore_mem>>)
      tpu.wait_dma2 semaphore(%run_scoped3A : memref<!tpu.dma_semaphore, #tpu.memory_space<semaphore_mem>>) src(%arg3 : memref<10000xf32, #tpu.memory_space<hbm>>) dst(%arg11 : memref<10000xf32, #tpu.memory_space<vmem>>)
      tpu.yield
    }) : () -> ()
    %iota3A = tpu.iota {dimensions = array<i32: 0>} : vector<16xi32>
    %mul3A_1 = arith.constant 16 : i32
    %mul3A_2 = arith.muli %add3A, %mul3A_1 : i32
    %add3A_3 = arith.constant 0 : i32
    %add3A_4 = arith.addi %mul3A_2, %add3A_3 : i32
    %dma_start3A = arith.constant 0 : i32
    %dma_start3A_5 = tpu.memref_slice %arg5[%dma_start3A] : memref<160000xi32, #tpu.memory_space<hbm>> -> memref<3200xi32, #tpu.memory_space<hbm>>
    %dma_start3A_6 = arith.constant 0 : i32
    %dma_start3A_7 = tpu.memref_slice %arg5[%dma_start3A_6] : memref<160000xi32, #tpu.memory_space<hbm>> -> memref<3200xi32, #tpu.memory_space<hbm>>
    tpu.enqueue_dma source(%dma_start3A_7 : memref<3200xi32, #tpu.memory_space<hbm>>) target(%arg12 : memref<3200xi32, #tpu.memory_space<vmem>>) target_semaphore(%arg19 : memref<!tpu.dma_semaphore, #tpu.memory_space<semaphore_mem>>)
    %dma_start3A_8 = arith.constant 0 : i32
    %dma_start3A_9 = tpu.memref_slice %arg6[%dma_start3A_8] : memref<160000xi32, #tpu.memory_space<hbm>> -> memref<3200xi32, #tpu.memory_space<hbm>>
    %dma_start3A_10 = arith.constant 0 : i32
    %dma_start3A_11 = tpu.memref_slice %arg6[%dma_start3A_10] : memref<160000xi32, #tpu.memory_space<hbm>> -> memref<3200xi32, #tpu.memory_space<hbm>>
    tpu.enqueue_dma source(%dma_start3A_11 : memref<3200xi32, #tpu.memory_space<hbm>>) target(%arg13 : memref<3200xi32, #tpu.memory_space<vmem>>) target_semaphore(%arg19 : memref<!tpu.dma_semaphore, #tpu.memory_space<semaphore_mem>>)
    %dma_start3A_12 = arith.constant 0 : i32
    %dma_start3A_13 = tpu.memref_slice %arg4[%dma_start3A_12] : memref<160000xf32, #tpu.memory_space<hbm>> -> memref<3200xf32, #tpu.memory_space<hbm>>
    %dma_start3A_14 = arith.constant 0 : i32
    %dma_start3A_15 = tpu.memref_slice %arg4[%dma_start3A_14] : memref<160000xf32, #tpu.memory_space<hbm>> -> memref<3200xf32, #tpu.memory_space<hbm>>
    tpu.enqueue_dma source(%dma_start3A_15 : memref<3200xf32, #tpu.memory_space<hbm>>) target(%arg14 : memref<3200xf32, #tpu.memory_space<vmem>>) target_semaphore(%arg19 : memref<!tpu.dma_semaphore, #tpu.memory_space<semaphore_mem>>)
    %dma_start3A_16 = arith.constant 3200 : i32
    %dma_start3A_17 = tpu.memref_slice %arg5[%dma_start3A_16] : memref<160000xi32, #tpu.memory_space<hbm>> -> memref<3200xi32, #tpu.memory_space<hbm>>
    %dma_start3A_18 = arith.constant 3200 : i32
    %dma_start3A_19 = tpu.memref_slice %arg5[%dma_start3A_18] : memref<160000xi32, #tpu.memory_space<hbm>> -> memref<3200xi32, #tpu.memory_space<hbm>>
    tpu.enqueue_dma source(%dma_start3A_19 : memref<3200xi32, #tpu.memory_space<hbm>>) target(%arg15 : memref<3200xi32, #tpu.memory_space<vmem>>) target_semaphore(%arg20 : memref<!tpu.dma_semaphore, #tpu.memory_space<semaphore_mem>>)
    %dma_start3A_20 = arith.constant 3200 : i32
    %dma_start3A_21 = tpu.memref_slice %arg6[%dma_start3A_20] : memref<160000xi32, #tpu.memory_space<hbm>> -> memref<3200xi32, #tpu.memory_space<hbm>>
    %dma_start3A_22 = arith.constant 3200 : i32
    %dma_start3A_23 = tpu.memref_slice %arg6[%dma_start3A_22] : memref<160000xi32, #tpu.memory_space<hbm>> -> memref<3200xi32, #tpu.memory_space<hbm>>
    tpu.enqueue_dma source(%dma_start3A_23 : memref<3200xi32, #tpu.memory_space<hbm>>) target(%arg16 : memref<3200xi32, #tpu.memory_space<vmem>>) target_semaphore(%arg20 : memref<!tpu.dma_semaphore, #tpu.memory_space<semaphore_mem>>)
    %dma_start3A_24 = arith.constant 3200 : i32
    %dma_start3A_25 = tpu.memref_slice %arg4[%dma_start3A_24] : memref<160000xf32, #tpu.memory_space<hbm>> -> memref<3200xf32, #tpu.memory_space<hbm>>
    %dma_start3A_26 = arith.constant 3200 : i32
    %dma_start3A_27 = tpu.memref_slice %arg4[%dma_start3A_26] : memref<160000xf32, #tpu.memory_space<hbm>> -> memref<3200xf32, #tpu.memory_space<hbm>>
    tpu.enqueue_dma source(%dma_start3A_27 : memref<3200xf32, #tpu.memory_space<hbm>>) target(%arg17 : memref<3200xf32, #tpu.memory_space<vmem>>) target_semaphore(%arg20 : memref<!tpu.dma_semaphore, #tpu.memory_space<semaphore_mem>>)
    %mul3A_28 = arith.constant 2 : i32
    %mul3A_29 = arith.muli %mul3A_28, %add3A_4 : i32
    %mul3A_30 = arith.constant 10000 : i32
    %mul3A_31 = arith.muli %mul3A_29, %mul3A_30 : i32
    %dma_start3A_32 = tpu.memref_slice %arg2[%mul3A_31] : memref<10240000xf32, #tpu.memory_space<hbm>> -> memref<10000xf32, #tpu.memory_space<hbm>>
    %dma_start3A_33 = tpu.memref_slice %arg2[%mul3A_31] : memref<10240000xf32, #tpu.memory_space<hbm>> -> memref<10000xf32, #tpu.memory_space<hbm>>
    tpu.enqueue_dma source(%dma_start3A_33 : memref<10000xf32, #tpu.memory_space<hbm>>) target(%arg9 : memref<10000xf32, #tpu.memory_space<vmem>>) target_semaphore(%arg21 : memref<!tpu.dma_semaphore, #tpu.memory_space<semaphore_mem>>)
    %add3A_34 = arith.constant 0 : i32
    %add3A_35 = arith.addi %add3A_4, %add3A_34 : i32
    %dma_wait3A = arith.constant 0 : i32
    %dma_wait3A_36 = tpu.memref_slice %arg2[%dma_wait3A] : memref<10240000xf32, #tpu.memory_space<hbm>> -> memref<10000xf32, #tpu.memory_space<hbm>>
    %dma_wait3A_37 = arith.constant 0 : i32
    %dma_wait3A_38 = tpu.memref_slice %arg2[%dma_wait3A_37] : memref<10240000xf32, #tpu.memory_space<hbm>> -> memref<10000xf32, #tpu.memory_space<hbm>>
    tpu.wait_dma2 semaphore(%arg21 : memref<!tpu.dma_semaphore, #tpu.memory_space<semaphore_mem>>) src(%dma_wait3A_38 : memref<10000xf32, #tpu.memory_space<hbm>>) dst(%arg9 : memref<10000xf32, #tpu.memory_space<vmem>>)
    %mul3A_39 = arith.constant 2 : i32
    %mul3A_40 = arith.muli %mul3A_39, %add3A_35 : i32
    %add3A_41 = arith.constant 1 : i32
    %add3A_42 = arith.addi %mul3A_40, %add3A_41 : i32
    %mul3A_43 = arith.constant 10000 : i32
    %mul3A_44 = arith.muli %add3A_42, %mul3A_43 : i32
    %dma_start3A_45 = tpu.memref_slice %arg2[%mul3A_44] : memref<10240000xf32, #tpu.memory_space<hbm>> -> memref<10000xf32, #tpu.memory_space<hbm>>
    %dma_start3A_46 = tpu.memref_slice %arg2[%mul3A_44] : memref<10240000xf32, #tpu.memory_space<hbm>> -> memref<10000xf32, #tpu.memory_space<hbm>>
    tpu.enqueue_dma source(%dma_start3A_46 : memref<10000xf32, #tpu.memory_space<hbm>>) target(%arg10 : memref<10000xf32, #tpu.memory_space<vmem>>) target_semaphore(%arg21 : memref<!tpu.dma_semaphore, #tpu.memory_space<semaphore_mem>>)
    %parallel_loop3A = arith.constant 0 : i32
    %parallel_loop3A_47 = arith.constant 625 : i32
    %parallel_loop3A_48 = arith.constant 1 : i32
    scf.for %parallel_loop3A_910 = %parallel_loop3A to %parallel_loop3A_47 step %parallel_loop3A_48  : i32 {
      %parallel_loop3A_911 = arith.constant 16 : i32
      %parallel_loop3A_912 = arith.muli %parallel_loop3A_910, %parallel_loop3A_911 : i32
      %parallel_loop3A_913 = arith.index_cast %parallel_loop3A_912 : i32 to index
      %parallel_loop3A_914 = tpu.vector_load %arg9[%parallel_loop3A_913] {strides = array<i32>} : memref<10000xf32, #tpu.memory_space<vmem>>, vector<16xf32>,
      %parallel_loop3A_915 = vector.bitcast %parallel_loop3A_914 : vector<16xf32> to vector<16xi32>
      %parallel_loop3A_916 = arith.constant 32768 : i32
      %parallel_loop3A_917 = vector.broadcast %parallel_loop3A_916 : i32 to vector<16xi32>
      %parallel_loop3A_918 = arith.addi %parallel_loop3A_915, %parallel_loop3A_917 : vector<16xi32>
      %parallel_loop3A_919 = arith.constant -65536 : i32
      %parallel_loop3A_920 = vector.broadcast %parallel_loop3A_919 : i32 to vector<16xi32>
      %parallel_loop3A_921 = arith.andi %parallel_loop3A_918, %parallel_loop3A_920 : vector<16xi32>
      %parallel_loop3A_922 = arith.constant 0 : i32
      %parallel_loop3A_923 = arith.addi %parallel_loop3A_922, %parallel_loop3A_912 : i32
      %parallel_loop3A_924 = arith.index_cast %parallel_loop3A_923 : i32 to index
      %parallel_loop3A_925 = tpu.vector_load %arg8[%parallel_loop3A_924] {strides = array<i32>} : memref<80000xi32, #tpu.memory_space<vmem>>, vector<16xi32>,
      tpu.vector_store %arg8[%parallel_loop3A_924], %parallel_loop3A_921 {strides = array<i32>} : memref<80000xi32, #tpu.memory_space<vmem>>, vector<16xi32>,
    } {sc.loop_unroll_factor = 4 : i64, sc.parallel_access}
    %dma_wait3A_49 = arith.constant 0 : i32
    %dma_wait3A_50 = tpu.memref_slice %arg2[%dma_wait3A_49] : memref<10240000xf32, #tpu.memory_space<hbm>> -> memref<10000xf32, #tpu.memory_space<hbm>>
    %dma_wait3A_51 = arith.constant 0 : i32
    %dma_wait3A_52 = tpu.memref_slice %arg2[%dma_wait3A_51] : memref<10240000xf32, #tpu.memory_space<hbm>> -> memref<10000xf32, #tpu.memory_space<hbm>>
    tpu.wait_dma2 semaphore(%arg21 : memref<!tpu.dma_semaphore, #tpu.memory_space<semaphore_mem>>) src(%dma_wait3A_52 : memref<10000xf32, #tpu.memory_space<hbm>>) dst(%arg10 : memref<10000xf32, #tpu.memory_space<vmem>>)
    %mul3A_53 = arith.constant 2 : i32
    %mul3A_54 = arith.muli %mul3A_53, %add3A_35 : i32
    %add3A_55 = arith.constant 2 : i32
    %add3A_56 = arith.addi %mul3A_54, %add3A_55 : i32
    %mul3A_57 = arith.constant 10000 : i32
    %mul3A_58 = arith.muli %add3A_56, %mul3A_57 : i32
    %dma_start3A_59 = tpu.memref_slice %arg2[%mul3A_58] : memref<10240000xf32, #tpu.memory_space<hbm>> -> memref<10000xf32, #tpu.memory_space<hbm>>
    %dma_start3A_60 = tpu.memref_slice %arg2[%mul3A_58] : memref<10240000xf32, #tpu.memory_space<hbm>> -> memref<10000xf32, #tpu.memory_space<hbm>>
    tpu.enqueue_dma source(%dma_start3A_60 : memref<10000xf32, #tpu.memory_space<hbm>>) target(%arg9 : memref<10000xf32, #tpu.memory_space<vmem>>) target_semaphore(%arg21 : memref<!tpu.dma_semaphore, #tpu.memory_space<semaphore_mem>>)
    %parallel_loop3A_61 = arith.constant 0 : i32
    %parallel_loop3A_62 = arith.constant 625 : i32
    %parallel_loop3A_63 = arith.constant 1 : i32
    scf.for %parallel_loop3A_910 = %parallel_loop3A_61 to %parallel_loop3A_62 step %parallel_loop3A_63  : i32 {
      %parallel_loop3A_911 = arith.constant 16 : i32
      %parallel_loop3A_912 = arith.muli %parallel_loop3A_910, %parallel_loop3A_911 : i32
      %parallel_loop3A_913 = arith.index_cast %parallel_loop3A_912 : i32 to index
      %parallel_loop3A_914 = tpu.vector_load %arg10[%parallel_loop3A_913] {strides = array<i32>} : memref<10000xf32, #tpu.memory_space<vmem>>, vector<16xf32>,
      %parallel_loop3A_915 = vector.bitcast %parallel_loop3A_914 : vector<16xf32> to vector<16xi32>
      %parallel_loop3A_916 = arith.constant 32768 : i32
      %parallel_loop3A_917 = vector.broadcast %parallel_loop3A_916 : i32 to vector<16xi32>
      %parallel_loop3A_918 = arith.addi %parallel_loop3A_915, %parallel_loop3A_917 : vector<16xi32>
      %parallel_loop3A_919 = arith.constant 16 : i32
      %parallel_loop3A_920 = vector.broadcast %parallel_loop3A_919 : i32 to vector<16xi32>
      %parallel_loop3A_921 = arith.shrui %parallel_loop3A_918, %parallel_loop3A_920 : vector<16xi32>
      %parallel_loop3A_922 = arith.constant 0 : i32
      %parallel_loop3A_923 = arith.addi %parallel_loop3A_922, %parallel_loop3A_912 : i32
      %parallel_loop3A_924 = arith.index_cast %parallel_loop3A_923 : i32 to index
      %parallel_loop3A_925 = tpu.vector_load %arg8[%parallel_loop3A_924] {strides = array<i32>} : memref<80000xi32, #tpu.memory_space<vmem>>, vector<16xi32>,
      %parallel_loop3A_926 = arith.ori %parallel_loop3A_925, %parallel_loop3A_921 : vector<16xi32>
      %parallel_loop3A_927 = arith.index_cast %parallel_loop3A_923 : i32 to index
      %parallel_loop3A_928 = tpu.vector_load %arg8[%parallel_loop3A_927] {strides = array<i32>} : memref<80000xi32, #tpu.memory_space<vmem>>, vector<16xi32>,
      tpu.vector_store %arg8[%parallel_loop3A_927], %parallel_loop3A_926 {strides = array<i32>} : memref<80000xi32, #tpu.memory_space<vmem>>, vector<16xi32>,
    } {sc.loop_unroll_factor = 4 : i64, sc.parallel_access}
    %add3A_64 = arith.constant 1 : i32
    %add3A_65 = arith.addi %add3A_4, %add3A_64 : i32
    %dma_wait3A_66 = arith.constant 0 : i32
    %dma_wait3A_67 = tpu.memref_slice %arg2[%dma_wait3A_66] : memref<10240000xf32, #tpu.memory_space<hbm>> -> memref<10000xf32, #tpu.memory_space<hbm>>
    %dma_wait3A_68 = arith.constant 0 : i32
    %dma_wait3A_69 = tpu.memref_slice %arg2[%dma_wait3A_68] : memref<10240000xf32, #tpu.memory_space<hbm>> -> memref<10000xf32, #tpu.memory_space<hbm>>
    tpu.wait_dma2 semaphore(%arg21 : memref<!tpu.dma_semaphore, #tpu.memory_space<semaphore_mem>>) src(%dma_wait3A_69 : memref<10000xf32, #tpu.memory_space<hbm>>) dst(%arg9 : memref<10000xf32, #tpu.memory_space<vmem>>)
    %mul3A_70 = arith.constant 2 : i32
    %mul3A_71 = arith.muli %mul3A_70, %add3A_65 : i32
    %add3A_72 = arith.constant 1 : i32
    %add3A_73 = arith.addi %mul3A_71, %add3A_72 : i32
    %mul3A_74 = arith.constant 10000 : i32
    %mul3A_75 = arith.muli %add3A_73, %mul3A_74 : i32
    %dma_start3A_76 = tpu.memref_slice %arg2[%mul3A_75] : memref<10240000xf32, #tpu.memory_space<hbm>> -> memref<10000xf32, #tpu.memory_space<hbm>>
    %dma_start3A_77 = tpu.memref_slice %arg2[%mul3A_75] : memref<10240000xf32, #tpu.memory_space<hbm>> -> memref<10000xf32, #tpu.memory_space<hbm>>
    tpu.enqueue_dma source(%dma_start3A_77 : memref<10000xf32, #tpu.memory_space<hbm>>) target(%arg10 : memref<10000xf32, #tpu.memory_space<vmem>>) target_semaphore(%arg21 : memref<!tpu.dma_semaphore, #tpu.memory_space<semaphore_mem>>)
    %parallel_loop3A_78 = arith.constant 0 : i32
    %parallel_loop3A_79 = arith.constant 625 : i32
    %parallel_loop3A_80 = arith.constant 1 : i32
    scf.for %parallel_loop3A_910 = %parallel_loop3A_78 to %parallel_loop3A_79 step %parallel_loop3A_80  : i32 {
      %parallel_loop3A_911 = arith.constant 16 : i32
      %parallel_loop3A_912 = arith.muli %parallel_loop3A_910, %parallel_loop3A_911 : i32
      %parallel_loop3A_913 = arith.index_cast %parallel_loop3A_912 : i32 to index
      %parallel_loop3A_914 = tpu.vector_load %arg9[%parallel_loop3A_913] {strides = array<i32>} : memref<10000xf32, #tpu.memory_space<vmem>>, vector<16xf32>,
      %parallel_loop3A_915 = vector.bitcast %parallel_loop3A_914 : vector<16xf32> to vector<16xi32>
      %parallel_loop3A_916 = arith.constant 32768 : i32
      %parallel_loop3A_917 = vector.broadcast %parallel_loop3A_916 : i32 to vector<16xi32>
      %parallel_loop3A_918 = arith.addi %parallel_loop3A_915, %parallel_loop3A_917 : vector<16xi32>
      %parallel_loop3A_919 = arith.constant -65536 : i32
      %parallel_loop3A_920 = vector.broadcast %parallel_loop3A_919 : i32 to vector<16xi32>
      %parallel_loop3A_921 = arith.andi %parallel_loop3A_918, %parallel_loop3A_920 : vector<16xi32>
      %parallel_loop3A_922 = arith.constant 10000 : i32
      %parallel_loop3A_923 = arith.addi %parallel_loop3A_922, %parallel_loop3A_912 : i32
      %parallel_loop3A_924 = arith.index_cast %parallel_loop3A_923 : i32 to index
      %parallel_loop3A_925 = tpu.vector_load %arg8[%parallel_loop3A_924] {strides = array<i32>} : memref<80000xi32, #tpu.memory_space<vmem>>, vector<16xi32>,
      tpu.vector_store %arg8[%parallel_loop3A_924], %parallel_loop3A_921 {strides = array<i32>} : memref<80000xi32, #tpu.memory_space<vmem>>, vector<16xi32>,
    } {sc.loop_unroll_factor = 4 : i64, sc.parallel_access}
    %dma_wait3A_81 = arith.constant 0 : i32
    %dma_wait3A_82 = tpu.memref_slice %arg2[%dma_wait3A_81] : memref<10240000xf32, #tpu.memory_space<hbm>> -> memref<10000xf32, #tpu.memory_space<hbm>>
    %dma_wait3A_83 = arith.constant 0 : i32
    %dma_wait3A_84 = tpu.memref_slice %arg2[%dma_wait3A_83] : memref<10240000xf32, #tpu.memory_space<hbm>> -> memref<10000xf32, #tpu.memory_space<hbm>>
    tpu.wait_dma2 semaphore(%arg21 : memref<!tpu.dma_semaphore, #tpu.memory_space<semaphore_mem>>) src(%dma_wait3A_84 : memref<10000xf32, #tpu.memory_space<hbm>>) dst(%arg10 : memref<10000xf32, #tpu.memory_space<vmem>>)
    %mul3A_85 = arith.constant 2 : i32
    %mul3A_86 = arith.muli %mul3A_85, %add3A_65 : i32
    %add3A_87 = arith.constant 2 : i32
    %add3A_88 = arith.addi %mul3A_86, %add3A_87 : i32
    %mul3A_89 = arith.constant 10000 : i32
    %mul3A_90 = arith.muli %add3A_88, %mul3A_89 : i32
    %dma_start3A_91 = tpu.memref_slice %arg2[%mul3A_90] : memref<10240000xf32, #tpu.memory_space<hbm>> -> memref<10000xf32, #tpu.memory_space<hbm>>
    %dma_start3A_92 = tpu.memref_slice %arg2[%mul3A_90] : memref<10240000xf32, #tpu.memory_space<hbm>> -> memref<10000xf32, #tpu.memory_space<hbm>>
    tpu.enqueue_dma source(%dma_start3A_92 : memref<10000xf32, #tpu.memory_space<hbm>>) target(%arg9 : memref<10000xf32, #tpu.memory_space<vmem>>) target_semaphore(%arg21 : memref<!tpu.dma_semaphore, #tpu.memory_space<semaphore_mem>>)
    %parallel_loop3A_93 = arith.constant 0 : i32
    %parallel_loop3A_94 = arith.constant 625 : i32
    %parallel_loop3A_95 = arith.constant 1 : i32
    scf.for %parallel_loop3A_910 = %parallel_loop3A_93 to %parallel_loop3A_94 step %parallel_loop3A_95  : i32 {
      %parallel_loop3A_911 = arith.constant 16 : i32
      %parallel_loop3A_912 = arith.muli %parallel_loop3A_910, %parallel_loop3A_911 : i32
      %parallel_loop3A_913 = arith.index_cast %parallel_loop3A_912 : i32 to index
      %parallel_loop3A_914 = tpu.vector_load %arg10[%parallel_loop3A_913] {strides = array<i32>} : memref<10000xf32, #tpu.memory_space<vmem>>, vector<16xf32>,
      %parallel_loop3A_915 = vector.bitcast %parallel_loop3A_914 : vector<16xf32> to vector<16xi32>
      %parallel_loop3A_916 = arith.constant 32768 : i32
      %parallel_loop3A_917 = vector.broadcast %parallel_loop3A_916 : i32 to vector<16xi32>
      %parallel_loop3A_918 = arith.addi %parallel_loop3A_915, %parallel_loop3A_917 : vector<16xi32>
      %parallel_loop3A_919 = arith.constant 16 : i32
      %parallel_loop3A_920 = vector.broadcast %parallel_loop3A_919 : i32 to vector<16xi32>
      %parallel_loop3A_921 = arith.shrui %parallel_loop3A_918, %parallel_loop3A_920 : vector<16xi32>
      %parallel_loop3A_922 = arith.constant 10000 : i32
      %parallel_loop3A_923 = arith.addi %parallel_loop3A_922, %parallel_loop3A_912 : i32
      %parallel_loop3A_924 = arith.index_cast %parallel_loop3A_923 : i32 to index
      %parallel_loop3A_925 = tpu.vector_load %arg8[%parallel_loop3A_924] {strides = array<i32>} : memref<80000xi32, #tpu.memory_space<vmem>>, vector<16xi32>,
      %parallel_loop3A_926 = arith.ori %parallel_loop3A_925, %parallel_loop3A_921 : vector<16xi32>
      %parallel_loop3A_927 = arith.index_cast %parallel_loop3A_923 : i32 to index
      %parallel_loop3A_928 = tpu.vector_load %arg8[%parallel_loop3A_927] {strides = array<i32>} : memref<80000xi32, #tpu.memory_space<vmem>>, vector<16xi32>,
      tpu.vector_store %arg8[%parallel_loop3A_927], %parallel_loop3A_926 {strides = array<i32>} : memref<80000xi32, #tpu.memory_space<vmem>>, vector<16xi32>,
    } {sc.loop_unroll_factor = 4 : i64, sc.parallel_access}
    %add3A_96 = arith.constant 2 : i32
    %add3A_97 = arith.addi %add3A_4, %add3A_96 : i32
    %dma_wait3A_98 = arith.constant 0 : i32
    %dma_wait3A_99 = tpu.memref_slice %arg2[%dma_wait3A_98] : memref<10240000xf32, #tpu.memory_space<hbm>> -> memref<10000xf32, #tpu.memory_space<hbm>>
    %dma_wait3A_100 = arith.constant 0 : i32
    %dma_wait3A_101 = tpu.memref_slice %arg2[%dma_wait3A_100] : memref<10240000xf32, #tpu.memory_space<hbm>> -> memref<10000xf32, #tpu.memory_space<hbm>>
    tpu.wait_dma2 semaphore(%arg21 : memref<!tpu.dma_semaphore, #tpu.memory_space<semaphore_mem>>) src(%dma_wait3A_101 : memref<10000xf32, #tpu.memory_space<hbm>>) dst(%arg9 : memref<10000xf32, #tpu.memory_space<vmem>>)
    %mul3A_102 = arith.constant 2 : i32
    %mul3A_103 = arith.muli %mul3A_102, %add3A_97 : i32
    %add3A_104 = arith.constant 1 : i32
    %add3A_105 = arith.addi %mul3A_103, %add3A_104 : i32
    %mul3A_106 = arith.constant 10000 : i32
    %mul3A_107 = arith.muli %add3A_105, %mul3A_106 : i32
    %dma_start3A_108 = tpu.memref_slice %arg2[%mul3A_107] : memref<10240000xf32, #tpu.memory_space<hbm>> -> memref<10000xf32, #tpu.memory_space<hbm>>
    %dma_start3A_109 = tpu.memref_slice %arg2[%mul3A_107] : memref<10240000xf32, #tpu.memory_space<hbm>> -> memref<10000xf32, #tpu.memory_space<hbm>>
    tpu.enqueue_dma source(%dma_start3A_109 : memref<10000xf32, #tpu.memory_space<hbm>>) target(%arg10 : memref<10000xf32, #tpu.memory_space<vmem>>) target_semaphore(%arg21 : memref<!tpu.dma_semaphore, #tpu.memory_space<semaphore_mem>>)
    %parallel_loop3A_110 = arith.constant 0 : i32
    %parallel_loop3A_111 = arith.constant 625 : i32
    %parallel_loop3A_112 = arith.constant 1 : i32
    scf.for %parallel_loop3A_910 = %parallel_loop3A_110 to %parallel_loop3A_111 step %parallel_loop3A_112  : i32 {
      %parallel_loop3A_911 = arith.constant 16 : i32
      %parallel_loop3A_912 = arith.muli %parallel_loop3A_910, %parallel_loop3A_911 : i32
      %parallel_loop3A_913 = arith.index_cast %parallel_loop3A_912 : i32 to index
      %parallel_loop3A_914 = tpu.vector_load %arg9[%parallel_loop3A_913] {strides = array<i32>} : memref<10000xf32, #tpu.memory_space<vmem>>, vector<16xf32>,
      %parallel_loop3A_915 = vector.bitcast %parallel_loop3A_914 : vector<16xf32> to vector<16xi32>
      %parallel_loop3A_916 = arith.constant 32768 : i32
      %parallel_loop3A_917 = vector.broadcast %parallel_loop3A_916 : i32 to vector<16xi32>
      %parallel_loop3A_918 = arith.addi %parallel_loop3A_915, %parallel_loop3A_917 : vector<16xi32>
      %parallel_loop3A_919 = arith.constant -65536 : i32
      %parallel_loop3A_920 = vector.broadcast %parallel_loop3A_919 : i32 to vector<16xi32>
      %parallel_loop3A_921 = arith.andi %parallel_loop3A_918, %parallel_loop3A_920 : vector<16xi32>
      %parallel_loop3A_922 = arith.constant 20000 : i32
      %parallel_loop3A_923 = arith.addi %parallel_loop3A_922, %parallel_loop3A_912 : i32
      %parallel_loop3A_924 = arith.index_cast %parallel_loop3A_923 : i32 to index
      %parallel_loop3A_925 = tpu.vector_load %arg8[%parallel_loop3A_924] {strides = array<i32>} : memref<80000xi32, #tpu.memory_space<vmem>>, vector<16xi32>,
      tpu.vector_store %arg8[%parallel_loop3A_924], %parallel_loop3A_921 {strides = array<i32>} : memref<80000xi32, #tpu.memory_space<vmem>>, vector<16xi32>,
    } {sc.loop_unroll_factor = 4 : i64, sc.parallel_access}
    %dma_wait3A_113 = arith.constant 0 : i32
    %dma_wait3A_114 = tpu.memref_slice %arg2[%dma_wait3A_113] : memref<10240000xf32, #tpu.memory_space<hbm>> -> memref<10000xf32, #tpu.memory_space<hbm>>
    %dma_wait3A_115 = arith.constant 0 : i32
    %dma_wait3A_116 = tpu.memref_slice %arg2[%dma_wait3A_115] : memref<10240000xf32, #tpu.memory_space<hbm>> -> memref<10000xf32, #tpu.memory_space<hbm>>
    tpu.wait_dma2 semaphore(%arg21 : memref<!tpu.dma_semaphore, #tpu.memory_space<semaphore_mem>>) src(%dma_wait3A_116 : memref<10000xf32, #tpu.memory_space<hbm>>) dst(%arg10 : memref<10000xf32, #tpu.memory_space<vmem>>)
    %mul3A_117 = arith.constant 2 : i32
    %mul3A_118 = arith.muli %mul3A_117, %add3A_97 : i32
    %add3A_119 = arith.constant 2 : i32
    %add3A_120 = arith.addi %mul3A_118, %add3A_119 : i32
    %mul3A_121 = arith.constant 10000 : i32
    %mul3A_122 = arith.muli %add3A_120, %mul3A_121 : i32
    %dma_start3A_123 = tpu.memref_slice %arg2[%mul3A_122] : memref<10240000xf32, #tpu.memory_space<hbm>> -> memref<10000xf32, #tpu.memory_space<hbm>>
    %dma_start3A_124 = tpu.memref_slice %arg2[%mul3A_122] : memref<10240000xf32, #tpu.memory_space<hbm>> -> memref<10000xf32, #tpu.memory_space<hbm>>
    tpu.enqueue_dma source(%dma_start3A_124 : memref<10000xf32, #tpu.memory_space<hbm>>) target(%arg9 : memref<10000xf32, #tpu.memory_space<vmem>>) target_semaphore(%arg21 : memref<!tpu.dma_semaphore, #tpu.memory_space<semaphore_mem>>)
    %parallel_loop3A_125 = arith.constant 0 : i32
    %parallel_loop3A_126 = arith.constant 625 : i32
    %parallel_loop3A_127 = arith.constant 1 : i32
    scf.for %parallel_loop3A_910 = %parallel_loop3A_125 to %parallel_loop3A_126 step %parallel_loop3A_127  : i32 {
      %parallel_loop3A_911 = arith.constant 16 : i32
      %parallel_loop3A_912 = arith.muli %parallel_loop3A_910, %parallel_loop3A_911 : i32
      %parallel_loop3A_913 = arith.index_cast %parallel_loop3A_912 : i32 to index
      %parallel_loop3A_914 = tpu.vector_load %arg10[%parallel_loop3A_913] {strides = array<i32>} : memref<10000xf32, #tpu.memory_space<vmem>>, vector<16xf32>,
      %parallel_loop3A_915 = vector.bitcast %parallel_loop3A_914 : vector<16xf32> to vector<16xi32>
      %parallel_loop3A_916 = arith.constant 32768 : i32
      %parallel_loop3A_917 = vector.broadcast %parallel_loop3A_916 : i32 to vector<16xi32>
      %parallel_loop3A_918 = arith.addi %parallel_loop3A_915, %parallel_loop3A_917 : vector<16xi32>
      %parallel_loop3A_919 = arith.constant 16 : i32
      %parallel_loop3A_920 = vector.broadcast %parallel_loop3A_919 : i32 to vector<16xi32>
      %parallel_loop3A_921 = arith.shrui %parallel_loop3A_918, %parallel_loop3A_920 : vector<16xi32>
      %parallel_loop3A_922 = arith.constant 20000 : i32
      %parallel_loop3A_923 = arith.addi %parallel_loop3A_922, %parallel_loop3A_912 : i32
      %parallel_loop3A_924 = arith.index_cast %parallel_loop3A_923 : i32 to index
      %parallel_loop3A_925 = tpu.vector_load %arg8[%parallel_loop3A_924] {strides = array<i32>} : memref<80000xi32, #tpu.memory_space<vmem>>, vector<16xi32>,
      %parallel_loop3A_926 = arith.ori %parallel_loop3A_925, %parallel_loop3A_921 : vector<16xi32>
      %parallel_loop3A_927 = arith.index_cast %parallel_loop3A_923 : i32 to index
      %parallel_loop3A_928 = tpu.vector_load %arg8[%parallel_loop3A_927] {strides = array<i32>} : memref<80000xi32, #tpu.memory_space<vmem>>, vector<16xi32>,
      tpu.vector_store %arg8[%parallel_loop3A_927], %parallel_loop3A_926 {strides = array<i32>} : memref<80000xi32, #tpu.memory_space<vmem>>, vector<16xi32>,
    } {sc.loop_unroll_factor = 4 : i64, sc.parallel_access}
    %add3A_128 = arith.constant 3 : i32
    %add3A_129 = arith.addi %add3A_4, %add3A_128 : i32
    %dma_wait3A_130 = arith.constant 0 : i32
    %dma_wait3A_131 = tpu.memref_slice %arg2[%dma_wait3A_130] : memref<10240000xf32, #tpu.memory_space<hbm>> -> memref<10000xf32, #tpu.memory_space<hbm>>
    %dma_wait3A_132 = arith.constant 0 : i32
    %dma_wait3A_133 = tpu.memref_slice %arg2[%dma_wait3A_132] : memref<10240000xf32, #tpu.memory_space<hbm>> -> memref<10000xf32, #tpu.memory_space<hbm>>
    tpu.wait_dma2 semaphore(%arg21 : memref<!tpu.dma_semaphore, #tpu.memory_space<semaphore_mem>>) src(%dma_wait3A_133 : memref<10000xf32, #tpu.memory_space<hbm>>) dst(%arg9 : memref<10000xf32, #tpu.memory_space<vmem>>)
    %mul3A_134 = arith.constant 2 : i32
    %mul3A_135 = arith.muli %mul3A_134, %add3A_129 : i32
    %add3A_136 = arith.constant 1 : i32
    %add3A_137 = arith.addi %mul3A_135, %add3A_136 : i32
    %mul3A_138 = arith.constant 10000 : i32
    %mul3A_139 = arith.muli %add3A_137, %mul3A_138 : i32
    %dma_start3A_140 = tpu.memref_slice %arg2[%mul3A_139] : memref<10240000xf32, #tpu.memory_space<hbm>> -> memref<10000xf32, #tpu.memory_space<hbm>>
    %dma_start3A_141 = tpu.memref_slice %arg2[%mul3A_139] : memref<10240000xf32, #tpu.memory_space<hbm>> -> memref<10000xf32, #tpu.memory_space<hbm>>
    tpu.enqueue_dma source(%dma_start3A_141 : memref<10000xf32, #tpu.memory_space<hbm>>) target(%arg10 : memref<10000xf32, #tpu.memory_space<vmem>>) target_semaphore(%arg21 : memref<!tpu.dma_semaphore, #tpu.memory_space<semaphore_mem>>)
    %parallel_loop3A_142 = arith.constant 0 : i32
    %parallel_loop3A_143 = arith.constant 625 : i32
    %parallel_loop3A_144 = arith.constant 1 : i32
    scf.for %parallel_loop3A_910 = %parallel_loop3A_142 to %parallel_loop3A_143 step %parallel_loop3A_144  : i32 {
      %parallel_loop3A_911 = arith.constant 16 : i32
      %parallel_loop3A_912 = arith.muli %parallel_loop3A_910, %parallel_loop3A_911 : i32
      %parallel_loop3A_913 = arith.index_cast %parallel_loop3A_912 : i32 to index
      %parallel_loop3A_914 = tpu.vector_load %arg9[%parallel_loop3A_913] {strides = array<i32>} : memref<10000xf32, #tpu.memory_space<vmem>>, vector<16xf32>,
      %parallel_loop3A_915 = vector.bitcast %parallel_loop3A_914 : vector<16xf32> to vector<16xi32>
      %parallel_loop3A_916 = arith.constant 32768 : i32
      %parallel_loop3A_917 = vector.broadcast %parallel_loop3A_916 : i32 to vector<16xi32>
      %parallel_loop3A_918 = arith.addi %parallel_loop3A_915, %parallel_loop3A_917 : vector<16xi32>
      %parallel_loop3A_919 = arith.constant -65536 : i32
      %parallel_loop3A_920 = vector.broadcast %parallel_loop3A_919 : i32 to vector<16xi32>
      %parallel_loop3A_921 = arith.andi %parallel_loop3A_918, %parallel_loop3A_920 : vector<16xi32>
      %parallel_loop3A_922 = arith.constant 30000 : i32
      %parallel_loop3A_923 = arith.addi %parallel_loop3A_922, %parallel_loop3A_912 : i32
      %parallel_loop3A_924 = arith.index_cast %parallel_loop3A_923 : i32 to index
      %parallel_loop3A_925 = tpu.vector_load %arg8[%parallel_loop3A_924] {strides = array<i32>} : memref<80000xi32, #tpu.memory_space<vmem>>, vector<16xi32>,
      tpu.vector_store %arg8[%parallel_loop3A_924], %parallel_loop3A_921 {strides = array<i32>} : memref<80000xi32, #tpu.memory_space<vmem>>, vector<16xi32>,
    } {sc.loop_unroll_factor = 4 : i64, sc.parallel_access}
    %dma_wait3A_145 = arith.constant 0 : i32
    %dma_wait3A_146 = tpu.memref_slice %arg2[%dma_wait3A_145] : memref<10240000xf32, #tpu.memory_space<hbm>> -> memref<10000xf32, #tpu.memory_space<hbm>>
    %dma_wait3A_147 = arith.constant 0 : i32
    %dma_wait3A_148 = tpu.memref_slice %arg2[%dma_wait3A_147] : memref<10240000xf32, #tpu.memory_space<hbm>> -> memref<10000xf32, #tpu.memory_space<hbm>>
    tpu.wait_dma2 semaphore(%arg21 : memref<!tpu.dma_semaphore, #tpu.memory_space<semaphore_mem>>) src(%dma_wait3A_148 : memref<10000xf32, #tpu.memory_space<hbm>>) dst(%arg10 : memref<10000xf32, #tpu.memory_space<vmem>>)
    %mul3A_149 = arith.constant 2 : i32
    %mul3A_150 = arith.muli %mul3A_149, %add3A_129 : i32
    %add3A_151 = arith.constant 2 : i32
    %add3A_152 = arith.addi %mul3A_150, %add3A_151 : i32
    %mul3A_153 = arith.constant 10000 : i32
    %mul3A_154 = arith.muli %add3A_152, %mul3A_153 : i32
    %dma_start3A_155 = tpu.memref_slice %arg2[%mul3A_154] : memref<10240000xf32, #tpu.memory_space<hbm>> -> memref<10000xf32, #tpu.memory_space<hbm>>
    %dma_start3A_156 = tpu.memref_slice %arg2[%mul3A_154] : memref<10240000xf32, #tpu.memory_space<hbm>> -> memref<10000xf32, #tpu.memory_space<hbm>>
    tpu.enqueue_dma source(%dma_start3A_156 : memref<10000xf32, #tpu.memory_space<hbm>>) target(%arg9 : memref<10000xf32, #tpu.memory_space<vmem>>) target_semaphore(%arg21 : memref<!tpu.dma_semaphore, #tpu.memory_space<semaphore_mem>>)
    %parallel_loop3A_157 = arith.constant 0 : i32
    %parallel_loop3A_158 = arith.constant 625 : i32
    %parallel_loop3A_159 = arith.constant 1 : i32
    scf.for %parallel_loop3A_910 = %parallel_loop3A_157 to %parallel_loop3A_158 step %parallel_loop3A_159  : i32 {
      %parallel_loop3A_911 = arith.constant 16 : i32
      %parallel_loop3A_912 = arith.muli %parallel_loop3A_910, %parallel_loop3A_911 : i32
      %parallel_loop3A_913 = arith.index_cast %parallel_loop3A_912 : i32 to index
      %parallel_loop3A_914 = tpu.vector_load %arg10[%parallel_loop3A_913] {strides = array<i32>} : memref<10000xf32, #tpu.memory_space<vmem>>, vector<16xf32>,
      %parallel_loop3A_915 = vector.bitcast %parallel_loop3A_914 : vector<16xf32> to vector<16xi32>
      %parallel_loop3A_916 = arith.constant 32768 : i32
      %parallel_loop3A_917 = vector.broadcast %parallel_loop3A_916 : i32 to vector<16xi32>
      %parallel_loop3A_918 = arith.addi %parallel_loop3A_915, %parallel_loop3A_917 : vector<16xi32>
      %parallel_loop3A_919 = arith.constant 16 : i32
      %parallel_loop3A_920 = vector.broadcast %parallel_loop3A_919 : i32 to vector<16xi32>
      %parallel_loop3A_921 = arith.shrui %parallel_loop3A_918, %parallel_loop3A_920 : vector<16xi32>
      %parallel_loop3A_922 = arith.constant 30000 : i32
      %parallel_loop3A_923 = arith.addi %parallel_loop3A_922, %parallel_loop3A_912 : i32
      %parallel_loop3A_924 = arith.index_cast %parallel_loop3A_923 : i32 to index
      %parallel_loop3A_925 = tpu.vector_load %arg8[%parallel_loop3A_924] {strides = array<i32>} : memref<80000xi32, #tpu.memory_space<vmem>>, vector<16xi32>,
      %parallel_loop3A_926 = arith.ori %parallel_loop3A_925, %parallel_loop3A_921 : vector<16xi32>
      %parallel_loop3A_927 = arith.index_cast %parallel_loop3A_923 : i32 to index
      %parallel_loop3A_928 = tpu.vector_load %arg8[%parallel_loop3A_927] {strides = array<i32>} : memref<80000xi32, #tpu.memory_space<vmem>>, vector<16xi32>,
      tpu.vector_store %arg8[%parallel_loop3A_927], %parallel_loop3A_926 {strides = array<i32>} : memref<80000xi32, #tpu.memory_space<vmem>>, vector<16xi32>,
    } {sc.loop_unroll_factor = 4 : i64, sc.parallel_access}
    %add3A_160 = arith.constant 4 : i32
    %add3A_161 = arith.addi %add3A_4, %add3A_160 : i32
    %dma_wait3A_162 = arith.constant 0 : i32
    %dma_wait3A_163 = tpu.memref_slice %arg2[%dma_wait3A_162] : memref<10240000xf32, #tpu.memory_space<hbm>> -> memref<10000xf32, #tpu.memory_space<hbm>>
    %dma_wait3A_164 = arith.constant 0 : i32
    %dma_wait3A_165 = tpu.memref_slice %arg2[%dma_wait3A_164] : memref<10240000xf32, #tpu.memory_space<hbm>> -> memref<10000xf32, #tpu.memory_space<hbm>>
    tpu.wait_dma2 semaphore(%arg21 : memref<!tpu.dma_semaphore, #tpu.memory_space<semaphore_mem>>) src(%dma_wait3A_165 : memref<10000xf32, #tpu.memory_space<hbm>>) dst(%arg9 : memref<10000xf32, #tpu.memory_space<vmem>>)
    %mul3A_166 = arith.constant 2 : i32
    %mul3A_167 = arith.muli %mul3A_166, %add3A_161 : i32
    %add3A_168 = arith.constant 1 : i32
    %add3A_169 = arith.addi %mul3A_167, %add3A_168 : i32
    %mul3A_170 = arith.constant 10000 : i32
    %mul3A_171 = arith.muli %add3A_169, %mul3A_170 : i32
    %dma_start3A_172 = tpu.memref_slice %arg2[%mul3A_171] : memref<10240000xf32, #tpu.memory_space<hbm>> -> memref<10000xf32, #tpu.memory_space<hbm>>
    %dma_start3A_173 = tpu.memref_slice %arg2[%mul3A_171] : memref<10240000xf32, #tpu.memory_space<hbm>> -> memref<10000xf32, #tpu.memory_space<hbm>>
    tpu.enqueue_dma source(%dma_start3A_173 : memref<10000xf32, #tpu.memory_space<hbm>>) target(%arg10 : memref<10000xf32, #tpu.memory_space<vmem>>) target_semaphore(%arg21 : memref<!tpu.dma_semaphore, #tpu.memory_space<semaphore_mem>>)
    %parallel_loop3A_174 = arith.constant 0 : i32
    %parallel_loop3A_175 = arith.constant 625 : i32
    %parallel_loop3A_176 = arith.constant 1 : i32
    scf.for %parallel_loop3A_910 = %parallel_loop3A_174 to %parallel_loop3A_175 step %parallel_loop3A_176  : i32 {
      %parallel_loop3A_911 = arith.constant 16 : i32
      %parallel_loop3A_912 = arith.muli %parallel_loop3A_910, %parallel_loop3A_911 : i32
      %parallel_loop3A_913 = arith.index_cast %parallel_loop3A_912 : i32 to index
      %parallel_loop3A_914 = tpu.vector_load %arg9[%parallel_loop3A_913] {strides = array<i32>} : memref<10000xf32, #tpu.memory_space<vmem>>, vector<16xf32>,
      %parallel_loop3A_915 = vector.bitcast %parallel_loop3A_914 : vector<16xf32> to vector<16xi32>
      %parallel_loop3A_916 = arith.constant 32768 : i32
      %parallel_loop3A_917 = vector.broadcast %parallel_loop3A_916 : i32 to vector<16xi32>
      %parallel_loop3A_918 = arith.addi %parallel_loop3A_915, %parallel_loop3A_917 : vector<16xi32>
      %parallel_loop3A_919 = arith.constant -65536 : i32
      %parallel_loop3A_920 = vector.broadcast %parallel_loop3A_919 : i32 to vector<16xi32>
      %parallel_loop3A_921 = arith.andi %parallel_loop3A_918, %parallel_loop3A_920 : vector<16xi32>
      %parallel_loop3A_922 = arith.constant 40000 : i32
      %parallel_loop3A_923 = arith.addi %parallel_loop3A_922, %parallel_loop3A_912 : i32
      %parallel_loop3A_924 = arith.index_cast %parallel_loop3A_923 : i32 to index
      %parallel_loop3A_925 = tpu.vector_load %arg8[%parallel_loop3A_924] {strides = array<i32>} : memref<80000xi32, #tpu.memory_space<vmem>>, vector<16xi32>,
      tpu.vector_store %arg8[%parallel_loop3A_924], %parallel_loop3A_921 {strides = array<i32>} : memref<80000xi32, #tpu.memory_space<vmem>>, vector<16xi32>,
    } {sc.loop_unroll_factor = 4 : i64, sc.parallel_access}
    %dma_wait3A_177 = arith.constant 0 : i32
    %dma_wait3A_178 = tpu.memref_slice %arg2[%dma_wait3A_177] : memref<10240000xf32, #tpu.memory_space<hbm>> -> memref<10000xf32, #tpu.memory_space<hbm>>
    %dma_wait3A_179 = arith.constant 0 : i32
    %dma_wait3A_180 = tpu.memref_slice %arg2[%dma_wait3A_179] : memref<10240000xf32, #tpu.memory_space<hbm>> -> memref<10000xf32, #tpu.memory_space<hbm>>
    tpu.wait_dma2 semaphore(%arg21 : memref<!tpu.dma_semaphore, #tpu.memory_space<semaphore_mem>>) src(%dma_wait3A_180 : memref<10000xf32, #tpu.memory_space<hbm>>) dst(%arg10 : memref<10000xf32, #tpu.memory_space<vmem>>)
    %mul3A_181 = arith.constant 2 : i32
    %mul3A_182 = arith.muli %mul3A_181, %add3A_161 : i32
    %add3A_183 = arith.constant 2 : i32
    %add3A_184 = arith.addi %mul3A_182, %add3A_183 : i32
    %mul3A_185 = arith.constant 10000 : i32
    %mul3A_186 = arith.muli %add3A_184, %mul3A_185 : i32
    %dma_start3A_187 = tpu.memref_slice %arg2[%mul3A_186] : memref<10240000xf32, #tpu.memory_space<hbm>> -> memref<10000xf32, #tpu.memory_space<hbm>>
    %dma_start3A_188 = tpu.memref_slice %arg2[%mul3A_186] : memref<10240000xf32, #tpu.memory_space<hbm>> -> memref<10000xf32, #tpu.memory_space<hbm>>
    tpu.enqueue_dma source(%dma_start3A_188 : memref<10000xf32, #tpu.memory_space<hbm>>) target(%arg9 : memref<10000xf32, #tpu.memory_space<vmem>>) target_semaphore(%arg21 : memref<!tpu.dma_semaphore, #tpu.memory_space<semaphore_mem>>)
    %parallel_loop3A_189 = arith.constant 0 : i32
    %parallel_loop3A_190 = arith.constant 625 : i32
    %parallel_loop3A_191 = arith.constant 1 : i32
    scf.for %parallel_loop3A_910 = %parallel_loop3A_189 to %parallel_loop3A_190 step %parallel_loop3A_191  : i32 {
      %parallel_loop3A_911 = arith.constant 16 : i32
      %parallel_loop3A_912 = arith.muli %parallel_loop3A_910, %parallel_loop3A_911 : i32
      %parallel_loop3A_913 = arith.index_cast %parallel_loop3A_912 : i32 to index
      %parallel_loop3A_914 = tpu.vector_load %arg10[%parallel_loop3A_913] {strides = array<i32>} : memref<10000xf32, #tpu.memory_space<vmem>>, vector<16xf32>,
      %parallel_loop3A_915 = vector.bitcast %parallel_loop3A_914 : vector<16xf32> to vector<16xi32>
      %parallel_loop3A_916 = arith.constant 32768 : i32
      %parallel_loop3A_917 = vector.broadcast %parallel_loop3A_916 : i32 to vector<16xi32>
      %parallel_loop3A_918 = arith.addi %parallel_loop3A_915, %parallel_loop3A_917 : vector<16xi32>
      %parallel_loop3A_919 = arith.constant 16 : i32
      %parallel_loop3A_920 = vector.broadcast %parallel_loop3A_919 : i32 to vector<16xi32>
      %parallel_loop3A_921 = arith.shrui %parallel_loop3A_918, %parallel_loop3A_920 : vector<16xi32>
      %parallel_loop3A_922 = arith.constant 40000 : i32
      %parallel_loop3A_923 = arith.addi %parallel_loop3A_922, %parallel_loop3A_912 : i32
      %parallel_loop3A_924 = arith.index_cast %parallel_loop3A_923 : i32 to index
      %parallel_loop3A_925 = tpu.vector_load %arg8[%parallel_loop3A_924] {strides = array<i32>} : memref<80000xi32, #tpu.memory_space<vmem>>, vector<16xi32>,
      %parallel_loop3A_926 = arith.ori %parallel_loop3A_925, %parallel_loop3A_921 : vector<16xi32>
      %parallel_loop3A_927 = arith.index_cast %parallel_loop3A_923 : i32 to index
      %parallel_loop3A_928 = tpu.vector_load %arg8[%parallel_loop3A_927] {strides = array<i32>} : memref<80000xi32, #tpu.memory_space<vmem>>, vector<16xi32>,
      tpu.vector_store %arg8[%parallel_loop3A_927], %parallel_loop3A_926 {strides = array<i32>} : memref<80000xi32, #tpu.memory_space<vmem>>, vector<16xi32>,
    } {sc.loop_unroll_factor = 4 : i64, sc.parallel_access}
    %add3A_192 = arith.constant 5 : i32
    %add3A_193 = arith.addi %add3A_4, %add3A_192 : i32
    %dma_wait3A_194 = arith.constant 0 : i32
    %dma_wait3A_195 = tpu.memref_slice %arg2[%dma_wait3A_194] : memref<10240000xf32, #tpu.memory_space<hbm>> -> memref<10000xf32, #tpu.memory_space<hbm>>
    %dma_wait3A_196 = arith.constant 0 : i32
    %dma_wait3A_197 = tpu.memref_slice %arg2[%dma_wait3A_196] : memref<10240000xf32, #tpu.memory_space<hbm>> -> memref<10000xf32, #tpu.memory_space<hbm>>
    tpu.wait_dma2 semaphore(%arg21 : memref<!tpu.dma_semaphore, #tpu.memory_space<semaphore_mem>>) src(%dma_wait3A_197 : memref<10000xf32, #tpu.memory_space<hbm>>) dst(%arg9 : memref<10000xf32, #tpu.memory_space<vmem>>)
    %mul3A_198 = arith.constant 2 : i32
    %mul3A_199 = arith.muli %mul3A_198, %add3A_193 : i32
    %add3A_200 = arith.constant 1 : i32
    %add3A_201 = arith.addi %mul3A_199, %add3A_200 : i32
    %mul3A_202 = arith.constant 10000 : i32
    %mul3A_203 = arith.muli %add3A_201, %mul3A_202 : i32
    %dma_start3A_204 = tpu.memref_slice %arg2[%mul3A_203] : memref<10240000xf32, #tpu.memory_space<hbm>> -> memref<10000xf32, #tpu.memory_space<hbm>>
    %dma_start3A_205 = tpu.memref_slice %arg2[%mul3A_203] : memref<10240000xf32, #tpu.memory_space<hbm>> -> memref<10000xf32, #tpu.memory_space<hbm>>
    tpu.enqueue_dma source(%dma_start3A_205 : memref<10000xf32, #tpu.memory_space<hbm>>) target(%arg10 : memref<10000xf32, #tpu.memory_space<vmem>>) target_semaphore(%arg21 : memref<!tpu.dma_semaphore, #tpu.memory_space<semaphore_mem>>)
    %parallel_loop3A_206 = arith.constant 0 : i32
    %parallel_loop3A_207 = arith.constant 625 : i32
    %parallel_loop3A_208 = arith.constant 1 : i32
    scf.for %parallel_loop3A_910 = %parallel_loop3A_206 to %parallel_loop3A_207 step %parallel_loop3A_208  : i32 {
      %parallel_loop3A_911 = arith.constant 16 : i32
      %parallel_loop3A_912 = arith.muli %parallel_loop3A_910, %parallel_loop3A_911 : i32
      %parallel_loop3A_913 = arith.index_cast %parallel_loop3A_912 : i32 to index
      %parallel_loop3A_914 = tpu.vector_load %arg9[%parallel_loop3A_913] {strides = array<i32>} : memref<10000xf32, #tpu.memory_space<vmem>>, vector<16xf32>,
      %parallel_loop3A_915 = vector.bitcast %parallel_loop3A_914 : vector<16xf32> to vector<16xi32>
      %parallel_loop3A_916 = arith.constant 32768 : i32
      %parallel_loop3A_917 = vector.broadcast %parallel_loop3A_916 : i32 to vector<16xi32>
      %parallel_loop3A_918 = arith.addi %parallel_loop3A_915, %parallel_loop3A_917 : vector<16xi32>
      %parallel_loop3A_919 = arith.constant -65536 : i32
      %parallel_loop3A_920 = vector.broadcast %parallel_loop3A_919 : i32 to vector<16xi32>
      %parallel_loop3A_921 = arith.andi %parallel_loop3A_918, %parallel_loop3A_920 : vector<16xi32>
      %parallel_loop3A_922 = arith.constant 50000 : i32
      %parallel_loop3A_923 = arith.addi %parallel_loop3A_922, %parallel_loop3A_912 : i32
      %parallel_loop3A_924 = arith.index_cast %parallel_loop3A_923 : i32 to index
      %parallel_loop3A_925 = tpu.vector_load %arg8[%parallel_loop3A_924] {strides = array<i32>} : memref<80000xi32, #tpu.memory_space<vmem>>, vector<16xi32>,
      tpu.vector_store %arg8[%parallel_loop3A_924], %parallel_loop3A_921 {strides = array<i32>} : memref<80000xi32, #tpu.memory_space<vmem>>, vector<16xi32>,
    } {sc.loop_unroll_factor = 4 : i64, sc.parallel_access}
    %dma_wait3A_209 = arith.constant 0 : i32
    %dma_wait3A_210 = tpu.memref_slice %arg2[%dma_wait3A_209] : memref<10240000xf32, #tpu.memory_space<hbm>> -> memref<10000xf32, #tpu.memory_space<hbm>>
    %dma_wait3A_211 = arith.constant 0 : i32
    %dma_wait3A_212 = tpu.memref_slice %arg2[%dma_wait3A_211] : memref<10240000xf32, #tpu.memory_space<hbm>> -> memref<10000xf32, #tpu.memory_space<hbm>>
    tpu.wait_dma2 semaphore(%arg21 : memref<!tpu.dma_semaphore, #tpu.memory_space<semaphore_mem>>) src(%dma_wait3A_212 : memref<10000xf32, #tpu.memory_space<hbm>>) dst(%arg10 : memref<10000xf32, #tpu.memory_space<vmem>>)
    %mul3A_213 = arith.constant 2 : i32
    %mul3A_214 = arith.muli %mul3A_213, %add3A_193 : i32
    %add3A_215 = arith.constant 2 : i32
    %add3A_216 = arith.addi %mul3A_214, %add3A_215 : i32
    %mul3A_217 = arith.constant 10000 : i32
    %mul3A_218 = arith.muli %add3A_216, %mul3A_217 : i32
    %dma_start3A_219 = tpu.memref_slice %arg2[%mul3A_218] : memref<10240000xf32, #tpu.memory_space<hbm>> -> memref<10000xf32, #tpu.memory_space<hbm>>
    %dma_start3A_220 = tpu.memref_slice %arg2[%mul3A_218] : memref<10240000xf32, #tpu.memory_space<hbm>> -> memref<10000xf32, #tpu.memory_space<hbm>>
    tpu.enqueue_dma source(%dma_start3A_220 : memref<10000xf32, #tpu.memory_space<hbm>>) target(%arg9 : memref<10000xf32, #tpu.memory_space<vmem>>) target_semaphore(%arg21 : memref<!tpu.dma_semaphore, #tpu.memory_space<semaphore_mem>>)
    %parallel_loop3A_221 = arith.constant 0 : i32
    %parallel_loop3A_222 = arith.constant 625 : i32
    %parallel_loop3A_223 = arith.constant 1 : i32
    scf.for %parallel_loop3A_910 = %parallel_loop3A_221 to %parallel_loop3A_222 step %parallel_loop3A_223  : i32 {
      %parallel_loop3A_911 = arith.constant 16 : i32
      %parallel_loop3A_912 = arith.muli %parallel_loop3A_910, %parallel_loop3A_911 : i32
      %parallel_loop3A_913 = arith.index_cast %parallel_loop3A_912 : i32 to index
      %parallel_loop3A_914 = tpu.vector_load %arg10[%parallel_loop3A_913] {strides = array<i32>} : memref<10000xf32, #tpu.memory_space<vmem>>, vector<16xf32>,
      %parallel_loop3A_915 = vector.bitcast %parallel_loop3A_914 : vector<16xf32> to vector<16xi32>
      %parallel_loop3A_916 = arith.constant 32768 : i32
      %parallel_loop3A_917 = vector.broadcast %parallel_loop3A_916 : i32 to vector<16xi32>
      %parallel_loop3A_918 = arith.addi %parallel_loop3A_915, %parallel_loop3A_917 : vector<16xi32>
      %parallel_loop3A_919 = arith.constant 16 : i32
      %parallel_loop3A_920 = vector.broadcast %parallel_loop3A_919 : i32 to vector<16xi32>
      %parallel_loop3A_921 = arith.shrui %parallel_loop3A_918, %parallel_loop3A_920 : vector<16xi32>
      %parallel_loop3A_922 = arith.constant 50000 : i32
      %parallel_loop3A_923 = arith.addi %parallel_loop3A_922, %parallel_loop3A_912 : i32
      %parallel_loop3A_924 = arith.index_cast %parallel_loop3A_923 : i32 to index
      %parallel_loop3A_925 = tpu.vector_load %arg8[%parallel_loop3A_924] {strides = array<i32>} : memref<80000xi32, #tpu.memory_space<vmem>>, vector<16xi32>,
      %parallel_loop3A_926 = arith.ori %parallel_loop3A_925, %parallel_loop3A_921 : vector<16xi32>
      %parallel_loop3A_927 = arith.index_cast %parallel_loop3A_923 : i32 to index
      %parallel_loop3A_928 = tpu.vector_load %arg8[%parallel_loop3A_927] {strides = array<i32>} : memref<80000xi32, #tpu.memory_space<vmem>>, vector<16xi32>,
      tpu.vector_store %arg8[%parallel_loop3A_927], %parallel_loop3A_926 {strides = array<i32>} : memref<80000xi32, #tpu.memory_space<vmem>>, vector<16xi32>,
    } {sc.loop_unroll_factor = 4 : i64, sc.parallel_access}
    %add3A_224 = arith.constant 6 : i32
    %add3A_225 = arith.addi %add3A_4, %add3A_224 : i32
    %dma_wait3A_226 = arith.constant 0 : i32
    %dma_wait3A_227 = tpu.memref_slice %arg2[%dma_wait3A_226] : memref<10240000xf32, #tpu.memory_space<hbm>> -> memref<10000xf32, #tpu.memory_space<hbm>>
    %dma_wait3A_228 = arith.constant 0 : i32
    %dma_wait3A_229 = tpu.memref_slice %arg2[%dma_wait3A_228] : memref<10240000xf32, #tpu.memory_space<hbm>> -> memref<10000xf32, #tpu.memory_space<hbm>>
    tpu.wait_dma2 semaphore(%arg21 : memref<!tpu.dma_semaphore, #tpu.memory_space<semaphore_mem>>) src(%dma_wait3A_229 : memref<10000xf32, #tpu.memory_space<hbm>>) dst(%arg9 : memref<10000xf32, #tpu.memory_space<vmem>>)
    %mul3A_230 = arith.constant 2 : i32
    %mul3A_231 = arith.muli %mul3A_230, %add3A_225 : i32
    %add3A_232 = arith.constant 1 : i32
    %add3A_233 = arith.addi %mul3A_231, %add3A_232 : i32
    %mul3A_234 = arith.constant 10000 : i32
    %mul3A_235 = arith.muli %add3A_233, %mul3A_234 : i32
    %dma_start3A_236 = tpu.memref_slice %arg2[%mul3A_235] : memref<10240000xf32, #tpu.memory_space<hbm>> -> memref<10000xf32, #tpu.memory_space<hbm>>
    %dma_start3A_237 = tpu.memref_slice %arg2[%mul3A_235] : memref<10240000xf32, #tpu.memory_space<hbm>> -> memref<10000xf32, #tpu.memory_space<hbm>>
    tpu.enqueue_dma source(%dma_start3A_237 : memref<10000xf32, #tpu.memory_space<hbm>>) target(%arg10 : memref<10000xf32, #tpu.memory_space<vmem>>) target_semaphore(%arg21 : memref<!tpu.dma_semaphore, #tpu.memory_space<semaphore_mem>>)
    %parallel_loop3A_238 = arith.constant 0 : i32
    %parallel_loop3A_239 = arith.constant 625 : i32
    %parallel_loop3A_240 = arith.constant 1 : i32
    scf.for %parallel_loop3A_910 = %parallel_loop3A_238 to %parallel_loop3A_239 step %parallel_loop3A_240  : i32 {
      %parallel_loop3A_911 = arith.constant 16 : i32
      %parallel_loop3A_912 = arith.muli %parallel_loop3A_910, %parallel_loop3A_911 : i32
      %parallel_loop3A_913 = arith.index_cast %parallel_loop3A_912 : i32 to index
      %parallel_loop3A_914 = tpu.vector_load %arg9[%parallel_loop3A_913] {strides = array<i32>} : memref<10000xf32, #tpu.memory_space<vmem>>, vector<16xf32>,
      %parallel_loop3A_915 = vector.bitcast %parallel_loop3A_914 : vector<16xf32> to vector<16xi32>
      %parallel_loop3A_916 = arith.constant 32768 : i32
      %parallel_loop3A_917 = vector.broadcast %parallel_loop3A_916 : i32 to vector<16xi32>
      %parallel_loop3A_918 = arith.addi %parallel_loop3A_915, %parallel_loop3A_917 : vector<16xi32>
      %parallel_loop3A_919 = arith.constant -65536 : i32
      %parallel_loop3A_920 = vector.broadcast %parallel_loop3A_919 : i32 to vector<16xi32>
      %parallel_loop3A_921 = arith.andi %parallel_loop3A_918, %parallel_loop3A_920 : vector<16xi32>
      %parallel_loop3A_922 = arith.constant 60000 : i32
      %parallel_loop3A_923 = arith.addi %parallel_loop3A_922, %parallel_loop3A_912 : i32
      %parallel_loop3A_924 = arith.index_cast %parallel_loop3A_923 : i32 to index
      %parallel_loop3A_925 = tpu.vector_load %arg8[%parallel_loop3A_924] {strides = array<i32>} : memref<80000xi32, #tpu.memory_space<vmem>>, vector<16xi32>,
      tpu.vector_store %arg8[%parallel_loop3A_924], %parallel_loop3A_921 {strides = array<i32>} : memref<80000xi32, #tpu.memory_space<vmem>>, vector<16xi32>,
    } {sc.loop_unroll_factor = 4 : i64, sc.parallel_access}
    %dma_wait3A_241 = arith.constant 0 : i32
    %dma_wait3A_242 = tpu.memref_slice %arg2[%dma_wait3A_241] : memref<10240000xf32, #tpu.memory_space<hbm>> -> memref<10000xf32, #tpu.memory_space<hbm>>
    %dma_wait3A_243 = arith.constant 0 : i32
    %dma_wait3A_244 = tpu.memref_slice %arg2[%dma_wait3A_243] : memref<10240000xf32, #tpu.memory_space<hbm>> -> memref<10000xf32, #tpu.memory_space<hbm>>
    tpu.wait_dma2 semaphore(%arg21 : memref<!tpu.dma_semaphore, #tpu.memory_space<semaphore_mem>>) src(%dma_wait3A_244 : memref<10000xf32, #tpu.memory_space<hbm>>) dst(%arg10 : memref<10000xf32, #tpu.memory_space<vmem>>)
    %mul3A_245 = arith.constant 2 : i32
    %mul3A_246 = arith.muli %mul3A_245, %add3A_225 : i32
    %add3A_247 = arith.constant 2 : i32
    %add3A_248 = arith.addi %mul3A_246, %add3A_247 : i32
    %mul3A_249 = arith.constant 10000 : i32
    %mul3A_250 = arith.muli %add3A_248, %mul3A_249 : i32
    %dma_start3A_251 = tpu.memref_slice %arg2[%mul3A_250] : memref<10240000xf32, #tpu.memory_space<hbm>> -> memref<10000xf32, #tpu.memory_space<hbm>>
    %dma_start3A_252 = tpu.memref_slice %arg2[%mul3A_250] : memref<10240000xf32, #tpu.memory_space<hbm>> -> memref<10000xf32, #tpu.memory_space<hbm>>
    tpu.enqueue_dma source(%dma_start3A_252 : memref<10000xf32, #tpu.memory_space<hbm>>) target(%arg9 : memref<10000xf32, #tpu.memory_space<vmem>>) target_semaphore(%arg21 : memref<!tpu.dma_semaphore, #tpu.memory_space<semaphore_mem>>)
    %parallel_loop3A_253 = arith.constant 0 : i32
    %parallel_loop3A_254 = arith.constant 625 : i32
    %parallel_loop3A_255 = arith.constant 1 : i32
    scf.for %parallel_loop3A_910 = %parallel_loop3A_253 to %parallel_loop3A_254 step %parallel_loop3A_255  : i32 {
      %parallel_loop3A_911 = arith.constant 16 : i32
      %parallel_loop3A_912 = arith.muli %parallel_loop3A_910, %parallel_loop3A_911 : i32
      %parallel_loop3A_913 = arith.index_cast %parallel_loop3A_912 : i32 to index
      %parallel_loop3A_914 = tpu.vector_load %arg10[%parallel_loop3A_913] {strides = array<i32>} : memref<10000xf32, #tpu.memory_space<vmem>>, vector<16xf32>,
      %parallel_loop3A_915 = vector.bitcast %parallel_loop3A_914 : vector<16xf32> to vector<16xi32>
      %parallel_loop3A_916 = arith.constant 32768 : i32
      %parallel_loop3A_917 = vector.broadcast %parallel_loop3A_916 : i32 to vector<16xi32>
      %parallel_loop3A_918 = arith.addi %parallel_loop3A_915, %parallel_loop3A_917 : vector<16xi32>
      %parallel_loop3A_919 = arith.constant 16 : i32
      %parallel_loop3A_920 = vector.broadcast %parallel_loop3A_919 : i32 to vector<16xi32>
      %parallel_loop3A_921 = arith.shrui %parallel_loop3A_918, %parallel_loop3A_920 : vector<16xi32>
      %parallel_loop3A_922 = arith.constant 60000 : i32
      %parallel_loop3A_923 = arith.addi %parallel_loop3A_922, %parallel_loop3A_912 : i32
      %parallel_loop3A_924 = arith.index_cast %parallel_loop3A_923 : i32 to index
      %parallel_loop3A_925 = tpu.vector_load %arg8[%parallel_loop3A_924] {strides = array<i32>} : memref<80000xi32, #tpu.memory_space<vmem>>, vector<16xi32>,
      %parallel_loop3A_926 = arith.ori %parallel_loop3A_925, %parallel_loop3A_921 : vector<16xi32>
      %parallel_loop3A_927 = arith.index_cast %parallel_loop3A_923 : i32 to index
      %parallel_loop3A_928 = tpu.vector_load %arg8[%parallel_loop3A_927] {strides = array<i32>} : memref<80000xi32, #tpu.memory_space<vmem>>, vector<16xi32>,
      tpu.vector_store %arg8[%parallel_loop3A_927], %parallel_loop3A_926 {strides = array<i32>} : memref<80000xi32, #tpu.memory_space<vmem>>, vector<16xi32>,
    } {sc.loop_unroll_factor = 4 : i64, sc.parallel_access}
    %add3A_256 = arith.constant 7 : i32
    %add3A_257 = arith.addi %add3A_4, %add3A_256 : i32
    %dma_wait3A_258 = arith.constant 0 : i32
    %dma_wait3A_259 = tpu.memref_slice %arg2[%dma_wait3A_258] : memref<10240000xf32, #tpu.memory_space<hbm>> -> memref<10000xf32, #tpu.memory_space<hbm>>
    %dma_wait3A_260 = arith.constant 0 : i32
    %dma_wait3A_261 = tpu.memref_slice %arg2[%dma_wait3A_260] : memref<10240000xf32, #tpu.memory_space<hbm>> -> memref<10000xf32, #tpu.memory_space<hbm>>
    tpu.wait_dma2 semaphore(%arg21 : memref<!tpu.dma_semaphore, #tpu.memory_space<semaphore_mem>>) src(%dma_wait3A_261 : memref<10000xf32, #tpu.memory_space<hbm>>) dst(%arg9 : memref<10000xf32, #tpu.memory_space<vmem>>)
    %mul3A_262 = arith.constant 2 : i32
    %mul3A_263 = arith.muli %mul3A_262, %add3A_257 : i32
    %add3A_264 = arith.constant 1 : i32
    %add3A_265 = arith.addi %mul3A_263, %add3A_264 : i32
    %mul3A_266 = arith.constant 10000 : i32
    %mul3A_267 = arith.muli %add3A_265, %mul3A_266 : i32
    %dma_start3A_268 = tpu.memref_slice %arg2[%mul3A_267] : memref<10240000xf32, #tpu.memory_space<hbm>> -> memref<10000xf32, #tpu.memory_space<hbm>>
    %dma_start3A_269 = tpu.memref_slice %arg2[%mul3A_267] : memref<10240000xf32, #tpu.memory_space<hbm>> -> memref<10000xf32, #tpu.memory_space<hbm>>
    tpu.enqueue_dma source(%dma_start3A_269 : memref<10000xf32, #tpu.memory_space<hbm>>) target(%arg10 : memref<10000xf32, #tpu.memory_space<vmem>>) target_semaphore(%arg21 : memref<!tpu.dma_semaphore, #tpu.memory_space<semaphore_mem>>)
    %parallel_loop3A_270 = arith.constant 0 : i32
    %parallel_loop3A_271 = arith.constant 625 : i32
    %parallel_loop3A_272 = arith.constant 1 : i32
    scf.for %parallel_loop3A_910 = %parallel_loop3A_270 to %parallel_loop3A_271 step %parallel_loop3A_272  : i32 {
      %parallel_loop3A_911 = arith.constant 16 : i32
      %parallel_loop3A_912 = arith.muli %parallel_loop3A_910, %parallel_loop3A_911 : i32
      %parallel_loop3A_913 = arith.index_cast %parallel_loop3A_912 : i32 to index
      %parallel_loop3A_914 = tpu.vector_load %arg9[%parallel_loop3A_913] {strides = array<i32>} : memref<10000xf32, #tpu.memory_space<vmem>>, vector<16xf32>,
      %parallel_loop3A_915 = vector.bitcast %parallel_loop3A_914 : vector<16xf32> to vector<16xi32>
      %parallel_loop3A_916 = arith.constant 32768 : i32
      %parallel_loop3A_917 = vector.broadcast %parallel_loop3A_916 : i32 to vector<16xi32>
      %parallel_loop3A_918 = arith.addi %parallel_loop3A_915, %parallel_loop3A_917 : vector<16xi32>
      %parallel_loop3A_919 = arith.constant -65536 : i32
      %parallel_loop3A_920 = vector.broadcast %parallel_loop3A_919 : i32 to vector<16xi32>
      %parallel_loop3A_921 = arith.andi %parallel_loop3A_918, %parallel_loop3A_920 : vector<16xi32>
      %parallel_loop3A_922 = arith.constant 70000 : i32
      %parallel_loop3A_923 = arith.addi %parallel_loop3A_922, %parallel_loop3A_912 : i32
      %parallel_loop3A_924 = arith.index_cast %parallel_loop3A_923 : i32 to index
      %parallel_loop3A_925 = tpu.vector_load %arg8[%parallel_loop3A_924] {strides = array<i32>} : memref<80000xi32, #tpu.memory_space<vmem>>, vector<16xi32>,
      tpu.vector_store %arg8[%parallel_loop3A_924], %parallel_loop3A_921 {strides = array<i32>} : memref<80000xi32, #tpu.memory_space<vmem>>, vector<16xi32>,
    } {sc.loop_unroll_factor = 4 : i64, sc.parallel_access}
    %dma_wait3A_273 = arith.constant 0 : i32
    %dma_wait3A_274 = tpu.memref_slice %arg2[%dma_wait3A_273] : memref<10240000xf32, #tpu.memory_space<hbm>> -> memref<10000xf32, #tpu.memory_space<hbm>>
    %dma_wait3A_275 = arith.constant 0 : i32
    %dma_wait3A_276 = tpu.memref_slice %arg2[%dma_wait3A_275] : memref<10240000xf32, #tpu.memory_space<hbm>> -> memref<10000xf32, #tpu.memory_space<hbm>>
    tpu.wait_dma2 semaphore(%arg21 : memref<!tpu.dma_semaphore, #tpu.memory_space<semaphore_mem>>) src(%dma_wait3A_276 : memref<10000xf32, #tpu.memory_space<hbm>>) dst(%arg10 : memref<10000xf32, #tpu.memory_space<vmem>>)
    %parallel_loop3A_277 = arith.constant 0 : i32
    %parallel_loop3A_278 = arith.constant 625 : i32
    %parallel_loop3A_279 = arith.constant 1 : i32
    scf.for %parallel_loop3A_910 = %parallel_loop3A_277 to %parallel_loop3A_278 step %parallel_loop3A_279  : i32 {
      %parallel_loop3A_911 = arith.constant 16 : i32
      %parallel_loop3A_912 = arith.muli %parallel_loop3A_910, %parallel_loop3A_911 : i32
      %parallel_loop3A_913 = arith.index_cast %parallel_loop3A_912 : i32 to index
      %parallel_loop3A_914 = tpu.vector_load %arg10[%parallel_loop3A_913] {strides = array<i32>} : memref<10000xf32, #tpu.memory_space<vmem>>, vector<16xf32>,
      %parallel_loop3A_915 = vector.bitcast %parallel_loop3A_914 : vector<16xf32> to vector<16xi32>
      %parallel_loop3A_916 = arith.constant 32768 : i32
      %parallel_loop3A_917 = vector.broadcast %parallel_loop3A_916 : i32 to vector<16xi32>
      %parallel_loop3A_918 = arith.addi %parallel_loop3A_915, %parallel_loop3A_917 : vector<16xi32>
      %parallel_loop3A_919 = arith.constant 16 : i32
      %parallel_loop3A_920 = vector.broadcast %parallel_loop3A_919 : i32 to vector<16xi32>
      %parallel_loop3A_921 = arith.shrui %parallel_loop3A_918, %parallel_loop3A_920 : vector<16xi32>
      %parallel_loop3A_922 = arith.constant 70000 : i32
      %parallel_loop3A_923 = arith.addi %parallel_loop3A_922, %parallel_loop3A_912 : i32
      %parallel_loop3A_924 = arith.index_cast %parallel_loop3A_923 : i32 to index
      %parallel_loop3A_925 = tpu.vector_load %arg8[%parallel_loop3A_924] {strides = array<i32>} : memref<80000xi32, #tpu.memory_space<vmem>>, vector<16xi32>,
      %parallel_loop3A_926 = arith.ori %parallel_loop3A_925, %parallel_loop3A_921 : vector<16xi32>
      %parallel_loop3A_927 = arith.index_cast %parallel_loop3A_923 : i32 to index
      %parallel_loop3A_928 = tpu.vector_load %arg8[%parallel_loop3A_927] {strides = array<i32>} : memref<80000xi32, #tpu.memory_space<vmem>>, vector<16xi32>,
      tpu.vector_store %arg8[%parallel_loop3A_927], %parallel_loop3A_926 {strides = array<i32>} : memref<80000xi32, #tpu.memory_space<vmem>>, vector<16xi32>,
    } {sc.loop_unroll_factor = 4 : i64, sc.parallel_access}
    %broadcast_in_dim3A = arith.constant 0.000000e+00 : f32
    %broadcast_in_dim3A_280 = vector.broadcast %broadcast_in_dim3A : f32 to vector<16xf32>
    %broadcast_in_dim3A_281 = arith.constant 0.000000e+00 : f32
    %broadcast_in_dim3A_282 = vector.broadcast %broadcast_in_dim3A_281 : f32 to vector<16xf32>
    %broadcast_in_dim3A_283 = arith.constant 0.000000e+00 : f32
    %broadcast_in_dim3A_284 = vector.broadcast %broadcast_in_dim3A_283 : f32 to vector<16xf32>
    %broadcast_in_dim3A_285 = arith.constant 0.000000e+00 : f32
    %broadcast_in_dim3A_286 = vector.broadcast %broadcast_in_dim3A_285 : f32 to vector<16xf32>
    %broadcast_in_dim3A_287 = arith.constant 0.000000e+00 : f32
    %broadcast_in_dim3A_288 = vector.broadcast %broadcast_in_dim3A_287 : f32 to vector<16xf32>
    %broadcast_in_dim3A_289 = arith.constant 0.000000e+00 : f32
    %broadcast_in_dim3A_290 = vector.broadcast %broadcast_in_dim3A_289 : f32 to vector<16xf32>
    %broadcast_in_dim3A_291 = arith.constant 0.000000e+00 : f32
    %broadcast_in_dim3A_292 = vector.broadcast %broadcast_in_dim3A_291 : f32 to vector<16xf32>
    %broadcast_in_dim3A_293 = arith.constant 0.000000e+00 : f32
    %broadcast_in_dim3A_294 = vector.broadcast %broadcast_in_dim3A_293 : f32 to vector<16xf32>
    %scan3A = arith.constant 0 : i32
    %scan3A_295 = arith.constant 625 : i32
    %scan3A_296 = arith.addi %scan3A, %scan3A_295 : i32
    %scan3A_297 = arith.constant 1 : i32
    %scan3A_298:16 = scf.for %scan3A_910 = %scan3A to %scan3A_296 step %scan3A_297 iter_args(%scan3A_911 = %broadcast_in_dim3A_280, %scan3A_912 = %broadcast_in_dim3A_282, %scan3A_913 = %broadcast_in_dim3A_284, %scan3A_914 = %broadcast_in_dim3A_286, %scan3A_915 = %broadcast_in_dim3A_288, %scan3A_916 = %broadcast_in_dim3A_290, %scan3A_917 = %broadcast_in_dim3A_292, %scan3A_918 = %broadcast_in_dim3A_294, %scan3A_919 = %broadcast_in_dim3A_280, %scan3A_920 = %broadcast_in_dim3A_282, %scan3A_921 = %broadcast_in_dim3A_284, %scan3A_922 = %broadcast_in_dim3A_286, %scan3A_923 = %broadcast_in_dim3A_288, %scan3A_924 = %broadcast_in_dim3A_290, %scan3A_925 = %broadcast_in_dim3A_292, %scan3A_926 = %broadcast_in_dim3A_294) -> (vector<16xf32>, vector<16xf32>, vector<16xf32>, vector<16xf32>, vector<16xf32>, vector<16xf32>, vector<16xf32>, vector<16xf32>, vector<16xf32>, vector<16xf32>, vector<16xf32>, vector<16xf32>, vector<16xf32>, vector<16xf32>, vector<16xf32>, vector<16xf32>)  : i32 {
      %mul3A_927 = arith.constant 16 : i32
      %mul3A_928 = arith.muli %scan3A_910, %mul3A_927 : i32
      %get3A = arith.index_cast %mul3A_928 : i32 to index
      %get3A_929 = tpu.vector_load %arg11[%get3A] {strides = array<i32>} : memref<10000xf32, #tpu.memory_space<vmem>>, vector<16xf32>,
      %add3A_930 = arith.constant 0 : i32
      %add3A_931 = arith.addi %add3A_930, %mul3A_928 : i32
      %get3A_932 = arith.index_cast %add3A_931 : i32 to index
      %get3A_933 = tpu.vector_load %arg8[%get3A_932] {strides = array<i32>} : memref<80000xi32, #tpu.memory_space<vmem>>, vector<16xi32>,
      %and3A = arith.constant -65536 : i32
      %and3A_934 = vector.broadcast %and3A : i32 to vector<16xi32>
      %and3A_935 = arith.andi %get3A_933, %and3A_934 : vector<16xi32>
      %bitcast3A = vector.bitcast %and3A_935 : vector<16xi32> to vector<16xf32>
      %shift_left3A = arith.constant 16 : i32
      %shift_left3A_936 = vector.broadcast %shift_left3A : i32 to vector<16xi32>
      %shift_left3A_937 = arith.shli %get3A_933, %shift_left3A_936 : vector<16xi32>
      %bitcast3A_938 = vector.bitcast %shift_left3A_937 : vector<16xi32> to vector<16xf32>
      %mul3A_939 = arith.mulf %bitcast3A, %get3A_929 : vector<16xf32>
      %add3A_940 = arith.addf %scan3A_911, %mul3A_939 : vector<16xf32>
      %mul3A_941 = arith.mulf %bitcast3A_938, %get3A_929 : vector<16xf32>
      %add3A_942 = arith.addf %scan3A_919, %mul3A_941 : vector<16xf32>
      %add3A_943 = arith.constant 10000 : i32
      %add3A_944 = arith.addi %add3A_943, %mul3A_928 : i32
      %get3A_945 = arith.index_cast %add3A_944 : i32 to index
      %get3A_946 = tpu.vector_load %arg8[%get3A_945] {strides = array<i32>} : memref<80000xi32, #tpu.memory_space<vmem>>, vector<16xi32>,
      %and3A_947 = arith.constant -65536 : i32
      %and3A_948 = vector.broadcast %and3A_947 : i32 to vector<16xi32>
      %and3A_949 = arith.andi %get3A_946, %and3A_948 : vector<16xi32>
      %bitcast3A_950 = vector.bitcast %and3A_949 : vector<16xi32> to vector<16xf32>
      %shift_left3A_951 = arith.constant 16 : i32
      %shift_left3A_952 = vector.broadcast %shift_left3A_951 : i32 to vector<16xi32>
      %shift_left3A_953 = arith.shli %get3A_946, %shift_left3A_952 : vector<16xi32>
      %bitcast3A_954 = vector.bitcast %shift_left3A_953 : vector<16xi32> to vector<16xf32>
      %mul3A_955 = arith.mulf %bitcast3A_950, %get3A_929 : vector<16xf32>
      %add3A_956 = arith.addf %scan3A_912, %mul3A_955 : vector<16xf32>
      %mul3A_957 = arith.mulf %bitcast3A_954, %get3A_929 : vector<16xf32>
      %add3A_958 = arith.addf %scan3A_920, %mul3A_957 : vector<16xf32>
      %add3A_959 = arith.constant 20000 : i32
      %add3A_960 = arith.addi %add3A_959, %mul3A_928 : i32
      %get3A_961 = arith.index_cast %add3A_960 : i32 to index
      %get3A_962 = tpu.vector_load %arg8[%get3A_961] {strides = array<i32>} : memref<80000xi32, #tpu.memory_space<vmem>>, vector<16xi32>,
      %and3A_963 = arith.constant -65536 : i32
      %and3A_964 = vector.broadcast %and3A_963 : i32 to vector<16xi32>
      %and3A_965 = arith.andi %get3A_962, %and3A_964 : vector<16xi32>
      %bitcast3A_966 = vector.bitcast %and3A_965 : vector<16xi32> to vector<16xf32>
      %shift_left3A_967 = arith.constant 16 : i32
      %shift_left3A_968 = vector.broadcast %shift_left3A_967 : i32 to vector<16xi32>
      %shift_left3A_969 = arith.shli %get3A_962, %shift_left3A_968 : vector<16xi32>
      %bitcast3A_970 = vector.bitcast %shift_left3A_969 : vector<16xi32> to vector<16xf32>
      %mul3A_971 = arith.mulf %bitcast3A_966, %get3A_929 : vector<16xf32>
      %add3A_972 = arith.addf %scan3A_913, %mul3A_971 : vector<16xf32>
      %mul3A_973 = arith.mulf %bitcast3A_970, %get3A_929 : vector<16xf32>
      %add3A_974 = arith.addf %scan3A_921, %mul3A_973 : vector<16xf32>
      %add3A_975 = arith.constant 30000 : i32
      %add3A_976 = arith.addi %add3A_975, %mul3A_928 : i32
      %get3A_977 = arith.index_cast %add3A_976 : i32 to index
      %get3A_978 = tpu.vector_load %arg8[%get3A_977] {strides = array<i32>} : memref<80000xi32, #tpu.memory_space<vmem>>, vector<16xi32>,
      %and3A_979 = arith.constant -65536 : i32
      %and3A_980 = vector.broadcast %and3A_979 : i32 to vector<16xi32>
      %and3A_981 = arith.andi %get3A_978, %and3A_980 : vector<16xi32>
      %bitcast3A_982 = vector.bitcast %and3A_981 : vector<16xi32> to vector<16xf32>
      %shift_left3A_983 = arith.constant 16 : i32
      %shift_left3A_984 = vector.broadcast %shift_left3A_983 : i32 to vector<16xi32>
      %shift_left3A_985 = arith.shli %get3A_978, %shift_left3A_984 : vector<16xi32>
      %bitcast3A_986 = vector.bitcast %shift_left3A_985 : vector<16xi32> to vector<16xf32>
      %mul3A_987 = arith.mulf %bitcast3A_982, %get3A_929 : vector<16xf32>
      %add3A_988 = arith.addf %scan3A_914, %mul3A_987 : vector<16xf32>
      %mul3A_989 = arith.mulf %bitcast3A_986, %get3A_929 : vector<16xf32>
      %add3A_990 = arith.addf %scan3A_922, %mul3A_989 : vector<16xf32>
      %add3A_991 = arith.constant 40000 : i32
      %add3A_992 = arith.addi %add3A_991, %mul3A_928 : i32
      %get3A_993 = arith.index_cast %add3A_992 : i32 to index
      %get3A_994 = tpu.vector_load %arg8[%get3A_993] {strides = array<i32>} : memref<80000xi32, #tpu.memory_space<vmem>>, vector<16xi32>,
      %and3A_995 = arith.constant -65536 : i32
      %and3A_996 = vector.broadcast %and3A_995 : i32 to vector<16xi32>
      %and3A_997 = arith.andi %get3A_994, %and3A_996 : vector<16xi32>
      %bitcast3A_998 = vector.bitcast %and3A_997 : vector<16xi32> to vector<16xf32>
      %shift_left3A_999 = arith.constant 16 : i32
      %shift_left3A_1000 = vector.broadcast %shift_left3A_999 : i32 to vector<16xi32>
      %shift_left3A_1001 = arith.shli %get3A_994, %shift_left3A_1000 : vector<16xi32>
      %bitcast3A_1002 = vector.bitcast %shift_left3A_1001 : vector<16xi32> to vector<16xf32>
      %mul3A_1003 = arith.mulf %bitcast3A_998, %get3A_929 : vector<16xf32>
      %add3A_1004 = arith.addf %scan3A_915, %mul3A_1003 : vector<16xf32>
      %mul3A_1005 = arith.mulf %bitcast3A_1002, %get3A_929 : vector<16xf32>
      %add3A_1006 = arith.addf %scan3A_923, %mul3A_1005 : vector<16xf32>
      %add3A_1007 = arith.constant 50000 : i32
      %add3A_1008 = arith.addi %add3A_1007, %mul3A_928 : i32
      %get3A_1009 = arith.index_cast %add3A_1008 : i32 to index
      %get3A_1010 = tpu.vector_load %arg8[%get3A_1009] {strides = array<i32>} : memref<80000xi32, #tpu.memory_space<vmem>>, vector<16xi32>,
      %and3A_1011 = arith.constant -65536 : i32
      %and3A_1012 = vector.broadcast %and3A_1011 : i32 to vector<16xi32>
      %and3A_1013 = arith.andi %get3A_1010, %and3A_1012 : vector<16xi32>
      %bitcast3A_1014 = vector.bitcast %and3A_1013 : vector<16xi32> to vector<16xf32>
      %shift_left3A_1015 = arith.constant 16 : i32
      %shift_left3A_1016 = vector.broadcast %shift_left3A_1015 : i32 to vector<16xi32>
      %shift_left3A_1017 = arith.shli %get3A_1010, %shift_left3A_1016 : vector<16xi32>
      %bitcast3A_1018 = vector.bitcast %shift_left3A_1017 : vector<16xi32> to vector<16xf32>
      %mul3A_1019 = arith.mulf %bitcast3A_1014, %get3A_929 : vector<16xf32>
      %add3A_1020 = arith.addf %scan3A_916, %mul3A_1019 : vector<16xf32>
      %mul3A_1021 = arith.mulf %bitcast3A_1018, %get3A_929 : vector<16xf32>
      %add3A_1022 = arith.addf %scan3A_924, %mul3A_1021 : vector<16xf32>
      %add3A_1023 = arith.constant 60000 : i32
      %add3A_1024 = arith.addi %add3A_1023, %mul3A_928 : i32
      %get3A_1025 = arith.index_cast %add3A_1024 : i32 to index
      %get3A_1026 = tpu.vector_load %arg8[%get3A_1025] {strides = array<i32>} : memref<80000xi32, #tpu.memory_space<vmem>>, vector<16xi32>,
      %and3A_1027 = arith.constant -65536 : i32
      %and3A_1028 = vector.broadcast %and3A_1027 : i32 to vector<16xi32>
      %and3A_1029 = arith.andi %get3A_1026, %and3A_1028 : vector<16xi32>
      %bitcast3A_1030 = vector.bitcast %and3A_1029 : vector<16xi32> to vector<16xf32>
      %shift_left3A_1031 = arith.constant 16 : i32
      %shift_left3A_1032 = vector.broadcast %shift_left3A_1031 : i32 to vector<16xi32>
      %shift_left3A_1033 = arith.shli %get3A_1026, %shift_left3A_1032 : vector<16xi32>
      %bitcast3A_1034 = vector.bitcast %shift_left3A_1033 : vector<16xi32> to vector<16xf32>
      %mul3A_1035 = arith.mulf %bitcast3A_1030, %get3A_929 : vector<16xf32>
      %add3A_1036 = arith.addf %scan3A_917, %mul3A_1035 : vector<16xf32>
      %mul3A_1037 = arith.mulf %bitcast3A_1034, %get3A_929 : vector<16xf32>
      %add3A_1038 = arith.addf %scan3A_925, %mul3A_1037 : vector<16xf32>
      %add3A_1039 = arith.constant 70000 : i32
      %add3A_1040 = arith.addi %add3A_1039, %mul3A_928 : i32
      %get3A_1041 = arith.index_cast %add3A_1040 : i32 to index
      %get3A_1042 = tpu.vector_load %arg8[%get3A_1041] {strides = array<i32>} : memref<80000xi32, #tpu.memory_space<vmem>>, vector<16xi32>,
      %and3A_1043 = arith.constant -65536 : i32
      %and3A_1044 = vector.broadcast %and3A_1043 : i32 to vector<16xi32>
      %and3A_1045 = arith.andi %get3A_1042, %and3A_1044 : vector<16xi32>
      %bitcast3A_1046 = vector.bitcast %and3A_1045 : vector<16xi32> to vector<16xf32>
      %shift_left3A_1047 = arith.constant 16 : i32
      %shift_left3A_1048 = vector.broadcast %shift_left3A_1047 : i32 to vector<16xi32>
      %shift_left3A_1049 = arith.shli %get3A_1042, %shift_left3A_1048 : vector<16xi32>
      %bitcast3A_1050 = vector.bitcast %shift_left3A_1049 : vector<16xi32> to vector<16xf32>
      %mul3A_1051 = arith.mulf %bitcast3A_1046, %get3A_929 : vector<16xf32>
      %add3A_1052 = arith.addf %scan3A_918, %mul3A_1051 : vector<16xf32>
      %mul3A_1053 = arith.mulf %bitcast3A_1050, %get3A_929 : vector<16xf32>
      %add3A_1054 = arith.addf %scan3A_926, %mul3A_1053 : vector<16xf32>
      scf.yield %add3A_940, %add3A_956, %add3A_972, %add3A_988, %add3A_1004, %add3A_1020, %add3A_1036, %add3A_1052, %add3A_942, %add3A_958, %add3A_974, %add3A_990, %add3A_1006, %add3A_1022, %add3A_1038, %add3A_1054 : vector<16xf32>, vector<16xf32>, vector<16xf32>, vector<16xf32>, vector<16xf32>, vector<16xf32>, vector<16xf32>, vector<16xf32>, vector<16xf32>, vector<16xf32>, vector<16xf32>, vector<16xf32>, vector<16xf32>, vector<16xf32>, vector<16xf32>, vector<16xf32>
    }
    %scan3A_299 = arith.constant 625 : i32
    %scan3A_300 = arith.constant 0 : i32
    %scan3A_301 = arith.constant 25 : i32
    %scan3A_302 = arith.addi %scan3A_300, %scan3A_301 : i32
    %scan3A_303 = arith.constant 1 : i32
    %scan3A_304:16 = scf.for %scan3A_910 = %scan3A_300 to %scan3A_302 step %scan3A_303 iter_args(%scan3A_911 = %scan3A_298#0, %scan3A_912 = %scan3A_298#1, %scan3A_913 = %scan3A_298#2, %scan3A_914 = %scan3A_298#3, %scan3A_915 = %scan3A_298#4, %scan3A_916 = %scan3A_298#5, %scan3A_917 = %scan3A_298#6, %scan3A_918 = %scan3A_298#7, %scan3A_919 = %scan3A_298#8, %scan3A_920 = %scan3A_298#9, %scan3A_921 = %scan3A_298#10, %scan3A_922 = %scan3A_298#11, %scan3A_923 = %scan3A_298#12, %scan3A_924 = %scan3A_298#13, %scan3A_925 = %scan3A_298#14, %scan3A_926 = %scan3A_298#15) -> (vector<16xf32>, vector<16xf32>, vector<16xf32>, vector<16xf32>, vector<16xf32>, vector<16xf32>, vector<16xf32>, vector<16xf32>, vector<16xf32>, vector<16xf32>, vector<16xf32>, vector<16xf32>, vector<16xf32>, vector<16xf32>, vector<16xf32>, vector<16xf32>)  : i32 {
      %dma_wait3A_927 = arith.constant 0 : i32
      %dma_wait3A_928 = tpu.memref_slice %arg5[%dma_wait3A_927] : memref<160000xi32, #tpu.memory_space<hbm>> -> memref<3200xi32, #tpu.memory_space<hbm>>
      %dma_wait3A_929 = arith.constant 0 : i32
      %dma_wait3A_930 = tpu.memref_slice %arg5[%dma_wait3A_929] : memref<160000xi32, #tpu.memory_space<hbm>> -> memref<3200xi32, #tpu.memory_space<hbm>>
      tpu.wait_dma2 semaphore(%arg19 : memref<!tpu.dma_semaphore, #tpu.memory_space<semaphore_mem>>) src(%dma_wait3A_930 : memref<3200xi32, #tpu.memory_space<hbm>>) dst(%arg12 : memref<3200xi32, #tpu.memory_space<vmem>>)
      %dma_wait3A_931 = arith.constant 0 : i32
      %dma_wait3A_932 = tpu.memref_slice %arg6[%dma_wait3A_931] : memref<160000xi32, #tpu.memory_space<hbm>> -> memref<3200xi32, #tpu.memory_space<hbm>>
      %dma_wait3A_933 = arith.constant 0 : i32
      %dma_wait3A_934 = tpu.memref_slice %arg6[%dma_wait3A_933] : memref<160000xi32, #tpu.memory_space<hbm>> -> memref<3200xi32, #tpu.memory_space<hbm>>
      tpu.wait_dma2 semaphore(%arg19 : memref<!tpu.dma_semaphore, #tpu.memory_space<semaphore_mem>>) src(%dma_wait3A_934 : memref<3200xi32, #tpu.memory_space<hbm>>) dst(%arg13 : memref<3200xi32, #tpu.memory_space<vmem>>)
      %dma_wait3A_935 = arith.constant 0 : i32
      %dma_wait3A_936 = tpu.memref_slice %arg4[%dma_wait3A_935] : memref<160000xf32, #tpu.memory_space<hbm>> -> memref<3200xf32, #tpu.memory_space<hbm>>
      %dma_wait3A_937 = arith.constant 0 : i32
      %dma_wait3A_938 = tpu.memref_slice %arg4[%dma_wait3A_937] : memref<160000xf32, #tpu.memory_space<hbm>> -> memref<3200xf32, #tpu.memory_space<hbm>>
      tpu.wait_dma2 semaphore(%arg19 : memref<!tpu.dma_semaphore, #tpu.memory_space<semaphore_mem>>) src(%dma_wait3A_938 : memref<3200xf32, #tpu.memory_space<hbm>>) dst(%arg14 : memref<3200xf32, #tpu.memory_space<vmem>>)
      %parallel_loop3A_939 = arith.constant 0 : i32
      %parallel_loop3A_940 = arith.constant 200 : i32
      %parallel_loop3A_941 = arith.constant 1 : i32
      %parallel_loop3A_942:16 = scf.for %parallel_loop3A_966 = %parallel_loop3A_939 to %parallel_loop3A_940 step %parallel_loop3A_941 iter_args(%parallel_loop3A_967 = %scan3A_911, %parallel_loop3A_968 = %scan3A_912, %parallel_loop3A_969 = %scan3A_913, %parallel_loop3A_970 = %scan3A_914, %parallel_loop3A_971 = %scan3A_915, %parallel_loop3A_972 = %scan3A_916, %parallel_loop3A_973 = %scan3A_917, %parallel_loop3A_974 = %scan3A_918, %parallel_loop3A_975 = %scan3A_919, %parallel_loop3A_976 = %scan3A_920, %parallel_loop3A_977 = %scan3A_921, %parallel_loop3A_978 = %scan3A_922, %parallel_loop3A_979 = %scan3A_923, %parallel_loop3A_980 = %scan3A_924, %parallel_loop3A_981 = %scan3A_925, %parallel_loop3A_982 = %scan3A_926) -> (vector<16xf32>, vector<16xf32>, vector<16xf32>, vector<16xf32>, vector<16xf32>, vector<16xf32>, vector<16xf32>, vector<16xf32>, vector<16xf32>, vector<16xf32>, vector<16xf32>, vector<16xf32>, vector<16xf32>, vector<16xf32>, vector<16xf32>, vector<16xf32>)  : i32 {
        %parallel_loop3A_983 = arith.constant 16 : i32
        %parallel_loop3A_984 = arith.muli %parallel_loop3A_966, %parallel_loop3A_983 : i32
        %parallel_loop3A_985 = arith.index_cast %parallel_loop3A_984 : i32 to index
        %parallel_loop3A_986 = tpu.vector_load %arg12[%parallel_loop3A_985] {strides = array<i32>} : memref<3200xi32, #tpu.memory_space<vmem>>, vector<16xi32>,
        %parallel_loop3A_987 = arith.index_cast %parallel_loop3A_984 : i32 to index
        %parallel_loop3A_988 = tpu.vector_load %arg13[%parallel_loop3A_987] {strides = array<i32>} : memref<3200xi32, #tpu.memory_space<vmem>>, vector<16xi32>,
        %parallel_loop3A_989 = arith.index_cast %parallel_loop3A_984 : i32 to index
        %parallel_loop3A_990 = tpu.vector_load %arg14[%parallel_loop3A_989] {strides = array<i32>} : memref<3200xf32, #tpu.memory_space<vmem>>, vector<16xf32>,
        %parallel_loop3A_991 = arith.constant 0 : i32
        %parallel_loop3A_992 = tpu.memref_slice %arg8[%parallel_loop3A_991] : memref<80000xi32, #tpu.memory_space<vmem>> -> memref<10000xi32, #tpu.memory_space<vmem>>
        %parallel_loop3A_993 = tpu.vector_load_idx %parallel_loop3A_992[%parallel_loop3A_986] : memref<10000xi32, #tpu.memory_space<vmem>>[vector<16xi32>], vector<16xi32>,
        %parallel_loop3A_994 = arith.constant 0 : i32
        %parallel_loop3A_995 = tpu.memref_slice %arg8[%parallel_loop3A_994] : memref<80000xi32, #tpu.memory_space<vmem>> -> memref<10000xi32, #tpu.memory_space<vmem>>
        %parallel_loop3A_996 = tpu.vector_load_idx %parallel_loop3A_995[%parallel_loop3A_988] : memref<10000xi32, #tpu.memory_space<vmem>>[vector<16xi32>], vector<16xi32>,
        %parallel_loop3A_997 = arith.constant -65536 : i32
        %parallel_loop3A_998 = vector.broadcast %parallel_loop3A_997 : i32 to vector<16xi32>
        %parallel_loop3A_999 = arith.andi %parallel_loop3A_993, %parallel_loop3A_998 : vector<16xi32>
        %parallel_loop3A_1000 = vector.bitcast %parallel_loop3A_999 : vector<16xi32> to vector<16xf32>
        %parallel_loop3A_1001 = arith.constant -65536 : i32
        %parallel_loop3A_1002 = vector.broadcast %parallel_loop3A_1001 : i32 to vector<16xi32>
        %parallel_loop3A_1003 = arith.andi %parallel_loop3A_996, %parallel_loop3A_1002 : vector<16xi32>
        %parallel_loop3A_1004 = vector.bitcast %parallel_loop3A_1003 : vector<16xi32> to vector<16xf32>
        %parallel_loop3A_1005 = arith.constant 16 : i32
        %parallel_loop3A_1006 = vector.broadcast %parallel_loop3A_1005 : i32 to vector<16xi32>
        %parallel_loop3A_1007 = arith.shli %parallel_loop3A_993, %parallel_loop3A_1006 : vector<16xi32>
        %parallel_loop3A_1008 = vector.bitcast %parallel_loop3A_1007 : vector<16xi32> to vector<16xf32>
        %parallel_loop3A_1009 = arith.constant 16 : i32
        %parallel_loop3A_1010 = vector.broadcast %parallel_loop3A_1009 : i32 to vector<16xi32>
        %parallel_loop3A_1011 = arith.shli %parallel_loop3A_996, %parallel_loop3A_1010 : vector<16xi32>
        %parallel_loop3A_1012 = vector.bitcast %parallel_loop3A_1011 : vector<16xi32> to vector<16xf32>
        %parallel_loop3A_1013 = arith.mulf %parallel_loop3A_1000, %parallel_loop3A_1004 : vector<16xf32>
        %parallel_loop3A_1014 = arith.mulf %parallel_loop3A_1013, %parallel_loop3A_990 : vector<16xf32>
        %parallel_loop3A_1015 = arith.addf %parallel_loop3A_967, %parallel_loop3A_1014 : vector<16xf32>
        %parallel_loop3A_1016 = arith.mulf %parallel_loop3A_1008, %parallel_loop3A_1012 : vector<16xf32>
        %parallel_loop3A_1017 = arith.mulf %parallel_loop3A_1016, %parallel_loop3A_990 : vector<16xf32>
        %parallel_loop3A_1018 = arith.addf %parallel_loop3A_975, %parallel_loop3A_1017 : vector<16xf32>
        %parallel_loop3A_1019 = arith.constant 10000 : i32
        %parallel_loop3A_1020 = tpu.memref_slice %arg8[%parallel_loop3A_1019] : memref<80000xi32, #tpu.memory_space<vmem>> -> memref<10000xi32, #tpu.memory_space<vmem>>
        %parallel_loop3A_1021 = tpu.vector_load_idx %parallel_loop3A_1020[%parallel_loop3A_986] : memref<10000xi32, #tpu.memory_space<vmem>>[vector<16xi32>], vector<16xi32>,
        %parallel_loop3A_1022 = arith.constant 10000 : i32
        %parallel_loop3A_1023 = tpu.memref_slice %arg8[%parallel_loop3A_1022] : memref<80000xi32, #tpu.memory_space<vmem>> -> memref<10000xi32, #tpu.memory_space<vmem>>
        %parallel_loop3A_1024 = tpu.vector_load_idx %parallel_loop3A_1023[%parallel_loop3A_988] : memref<10000xi32, #tpu.memory_space<vmem>>[vector<16xi32>], vector<16xi32>,
        %parallel_loop3A_1025 = arith.constant -65536 : i32
        %parallel_loop3A_1026 = vector.broadcast %parallel_loop3A_1025 : i32 to vector<16xi32>
        %parallel_loop3A_1027 = arith.andi %parallel_loop3A_1021, %parallel_loop3A_1026 : vector<16xi32>
        %parallel_loop3A_1028 = vector.bitcast %parallel_loop3A_1027 : vector<16xi32> to vector<16xf32>
        %parallel_loop3A_1029 = arith.constant -65536 : i32
        %parallel_loop3A_1030 = vector.broadcast %parallel_loop3A_1029 : i32 to vector<16xi32>
        %parallel_loop3A_1031 = arith.andi %parallel_loop3A_1024, %parallel_loop3A_1030 : vector<16xi32>
        %parallel_loop3A_1032 = vector.bitcast %parallel_loop3A_1031 : vector<16xi32> to vector<16xf32>
        %parallel_loop3A_1033 = arith.constant 16 : i32
        %parallel_loop3A_1034 = vector.broadcast %parallel_loop3A_1033 : i32 to vector<16xi32>
        %parallel_loop3A_1035 = arith.shli %parallel_loop3A_1021, %parallel_loop3A_1034 : vector<16xi32>
        %parallel_loop3A_1036 = vector.bitcast %parallel_loop3A_1035 : vector<16xi32> to vector<16xf32>
        %parallel_loop3A_1037 = arith.constant 16 : i32
        %parallel_loop3A_1038 = vector.broadcast %parallel_loop3A_1037 : i32 to vector<16xi32>
        %parallel_loop3A_1039 = arith.shli %parallel_loop3A_1024, %parallel_loop3A_1038 : vector<16xi32>
        %parallel_loop3A_1040 = vector.bitcast %parallel_loop3A_1039 : vector<16xi32> to vector<16xf32>
        %parallel_loop3A_1041 = arith.mulf %parallel_loop3A_1028, %parallel_loop3A_1032 : vector<16xf32>
        %parallel_loop3A_1042 = arith.mulf %parallel_loop3A_1041, %parallel_loop3A_990 : vector<16xf32>
        %parallel_loop3A_1043 = arith.addf %parallel_loop3A_968, %parallel_loop3A_1042 : vector<16xf32>
        %parallel_loop3A_1044 = arith.mulf %parallel_loop3A_1036, %parallel_loop3A_1040 : vector<16xf32>
        %parallel_loop3A_1045 = arith.mulf %parallel_loop3A_1044, %parallel_loop3A_990 : vector<16xf32>
        %parallel_loop3A_1046 = arith.addf %parallel_loop3A_976, %parallel_loop3A_1045 : vector<16xf32>
        %parallel_loop3A_1047 = arith.constant 20000 : i32
        %parallel_loop3A_1048 = tpu.memref_slice %arg8[%parallel_loop3A_1047] : memref<80000xi32, #tpu.memory_space<vmem>> -> memref<10000xi32, #tpu.memory_space<vmem>>
        %parallel_loop3A_1049 = tpu.vector_load_idx %parallel_loop3A_1048[%parallel_loop3A_986] : memref<10000xi32, #tpu.memory_space<vmem>>[vector<16xi32>], vector<16xi32>,
        %parallel_loop3A_1050 = arith.constant 20000 : i32
        %parallel_loop3A_1051 = tpu.memref_slice %arg8[%parallel_loop3A_1050] : memref<80000xi32, #tpu.memory_space<vmem>> -> memref<10000xi32, #tpu.memory_space<vmem>>
        %parallel_loop3A_1052 = tpu.vector_load_idx %parallel_loop3A_1051[%parallel_loop3A_988] : memref<10000xi32, #tpu.memory_space<vmem>>[vector<16xi32>], vector<16xi32>,
        %parallel_loop3A_1053 = arith.constant -65536 : i32
        %parallel_loop3A_1054 = vector.broadcast %parallel_loop3A_1053 : i32 to vector<16xi32>
        %parallel_loop3A_1055 = arith.andi %parallel_loop3A_1049, %parallel_loop3A_1054 : vector<16xi32>
        %parallel_loop3A_1056 = vector.bitcast %parallel_loop3A_1055 : vector<16xi32> to vector<16xf32>
        %parallel_loop3A_1057 = arith.constant -65536 : i32
        %parallel_loop3A_1058 = vector.broadcast %parallel_loop3A_1057 : i32 to vector<16xi32>
        %parallel_loop3A_1059 = arith.andi %parallel_loop3A_1052, %parallel_loop3A_1058 : vector<16xi32>
        %parallel_loop3A_1060 = vector.bitcast %parallel_loop3A_1059 : vector<16xi32> to vector<16xf32>
        %parallel_loop3A_1061 = arith.constant 16 : i32
        %parallel_loop3A_1062 = vector.broadcast %parallel_loop3A_1061 : i32 to vector<16xi32>
        %parallel_loop3A_1063 = arith.shli %parallel_loop3A_1049, %parallel_loop3A_1062 : vector<16xi32>
        %parallel_loop3A_1064 = vector.bitcast %parallel_loop3A_1063 : vector<16xi32> to vector<16xf32>
        %parallel_loop3A_1065 = arith.constant 16 : i32
        %parallel_loop3A_1066 = vector.broadcast %parallel_loop3A_1065 : i32 to vector<16xi32>
        %parallel_loop3A_1067 = arith.shli %parallel_loop3A_1052, %parallel_loop3A_1066 : vector<16xi32>
        %parallel_loop3A_1068 = vector.bitcast %parallel_loop3A_1067 : vector<16xi32> to vector<16xf32>
        %parallel_loop3A_1069 = arith.mulf %parallel_loop3A_1056, %parallel_loop3A_1060 : vector<16xf32>
        %parallel_loop3A_1070 = arith.mulf %parallel_loop3A_1069, %parallel_loop3A_990 : vector<16xf32>
        %parallel_loop3A_1071 = arith.addf %parallel_loop3A_969, %parallel_loop3A_1070 : vector<16xf32>
        %parallel_loop3A_1072 = arith.mulf %parallel_loop3A_1064, %parallel_loop3A_1068 : vector<16xf32>
        %parallel_loop3A_1073 = arith.mulf %parallel_loop3A_1072, %parallel_loop3A_990 : vector<16xf32>
        %parallel_loop3A_1074 = arith.addf %parallel_loop3A_977, %parallel_loop3A_1073 : vector<16xf32>
        %parallel_loop3A_1075 = arith.constant 30000 : i32
        %parallel_loop3A_1076 = tpu.memref_slice %arg8[%parallel_loop3A_1075] : memref<80000xi32, #tpu.memory_space<vmem>> -> memref<10000xi32, #tpu.memory_space<vmem>>
        %parallel_loop3A_1077 = tpu.vector_load_idx %parallel_loop3A_1076[%parallel_loop3A_986] : memref<10000xi32, #tpu.memory_space<vmem>>[vector<16xi32>], vector<16xi32>,
        %parallel_loop3A_1078 = arith.constant 30000 : i32
        %parallel_loop3A_1079 = tpu.memref_slice %arg8[%parallel_loop3A_1078] : memref<80000xi32, #tpu.memory_space<vmem>> -> memref<10000xi32, #tpu.memory_space<vmem>>
        %parallel_loop3A_1080 = tpu.vector_load_idx %parallel_loop3A_1079[%parallel_loop3A_988] : memref<10000xi32, #tpu.memory_space<vmem>>[vector<16xi32>], vector<16xi32>,
        %parallel_loop3A_1081 = arith.constant -65536 : i32
        %parallel_loop3A_1082 = vector.broadcast %parallel_loop3A_1081 : i32 to vector<16xi32>
        %parallel_loop3A_1083 = arith.andi %parallel_loop3A_1077, %parallel_loop3A_1082 : vector<16xi32>
        %parallel_loop3A_1084 = vector.bitcast %parallel_loop3A_1083 : vector<16xi32> to vector<16xf32>
        %parallel_loop3A_1085 = arith.constant -65536 : i32
        %parallel_loop3A_1086 = vector.broadcast %parallel_loop3A_1085 : i32 to vector<16xi32>
        %parallel_loop3A_1087 = arith.andi %parallel_loop3A_1080, %parallel_loop3A_1086 : vector<16xi32>
        %parallel_loop3A_1088 = vector.bitcast %parallel_loop3A_1087 : vector<16xi32> to vector<16xf32>
        %parallel_loop3A_1089 = arith.constant 16 : i32
        %parallel_loop3A_1090 = vector.broadcast %parallel_loop3A_1089 : i32 to vector<16xi32>
        %parallel_loop3A_1091 = arith.shli %parallel_loop3A_1077, %parallel_loop3A_1090 : vector<16xi32>
        %parallel_loop3A_1092 = vector.bitcast %parallel_loop3A_1091 : vector<16xi32> to vector<16xf32>
        %parallel_loop3A_1093 = arith.constant 16 : i32
        %parallel_loop3A_1094 = vector.broadcast %parallel_loop3A_1093 : i32 to vector<16xi32>
        %parallel_loop3A_1095 = arith.shli %parallel_loop3A_1080, %parallel_loop3A_1094 : vector<16xi32>
        %parallel_loop3A_1096 = vector.bitcast %parallel_loop3A_1095 : vector<16xi32> to vector<16xf32>
        %parallel_loop3A_1097 = arith.mulf %parallel_loop3A_1084, %parallel_loop3A_1088 : vector<16xf32>
        %parallel_loop3A_1098 = arith.mulf %parallel_loop3A_1097, %parallel_loop3A_990 : vector<16xf32>
        %parallel_loop3A_1099 = arith.addf %parallel_loop3A_970, %parallel_loop3A_1098 : vector<16xf32>
        %parallel_loop3A_1100 = arith.mulf %parallel_loop3A_1092, %parallel_loop3A_1096 : vector<16xf32>
        %parallel_loop3A_1101 = arith.mulf %parallel_loop3A_1100, %parallel_loop3A_990 : vector<16xf32>
        %parallel_loop3A_1102 = arith.addf %parallel_loop3A_978, %parallel_loop3A_1101 : vector<16xf32>
        %parallel_loop3A_1103 = arith.constant 40000 : i32
        %parallel_loop3A_1104 = tpu.memref_slice %arg8[%parallel_loop3A_1103] : memref<80000xi32, #tpu.memory_space<vmem>> -> memref<10000xi32, #tpu.memory_space<vmem>>
        %parallel_loop3A_1105 = tpu.vector_load_idx %parallel_loop3A_1104[%parallel_loop3A_986] : memref<10000xi32, #tpu.memory_space<vmem>>[vector<16xi32>], vector<16xi32>,
        %parallel_loop3A_1106 = arith.constant 40000 : i32
        %parallel_loop3A_1107 = tpu.memref_slice %arg8[%parallel_loop3A_1106] : memref<80000xi32, #tpu.memory_space<vmem>> -> memref<10000xi32, #tpu.memory_space<vmem>>
        %parallel_loop3A_1108 = tpu.vector_load_idx %parallel_loop3A_1107[%parallel_loop3A_988] : memref<10000xi32, #tpu.memory_space<vmem>>[vector<16xi32>], vector<16xi32>,
        %parallel_loop3A_1109 = arith.constant -65536 : i32
        %parallel_loop3A_1110 = vector.broadcast %parallel_loop3A_1109 : i32 to vector<16xi32>
        %parallel_loop3A_1111 = arith.andi %parallel_loop3A_1105, %parallel_loop3A_1110 : vector<16xi32>
        %parallel_loop3A_1112 = vector.bitcast %parallel_loop3A_1111 : vector<16xi32> to vector<16xf32>
        %parallel_loop3A_1113 = arith.constant -65536 : i32
        %parallel_loop3A_1114 = vector.broadcast %parallel_loop3A_1113 : i32 to vector<16xi32>
        %parallel_loop3A_1115 = arith.andi %parallel_loop3A_1108, %parallel_loop3A_1114 : vector<16xi32>
        %parallel_loop3A_1116 = vector.bitcast %parallel_loop3A_1115 : vector<16xi32> to vector<16xf32>
        %parallel_loop3A_1117 = arith.constant 16 : i32
        %parallel_loop3A_1118 = vector.broadcast %parallel_loop3A_1117 : i32 to vector<16xi32>
        %parallel_loop3A_1119 = arith.shli %parallel_loop3A_1105, %parallel_loop3A_1118 : vector<16xi32>
        %parallel_loop3A_1120 = vector.bitcast %parallel_loop3A_1119 : vector<16xi32> to vector<16xf32>
        %parallel_loop3A_1121 = arith.constant 16 : i32
        %parallel_loop3A_1122 = vector.broadcast %parallel_loop3A_1121 : i32 to vector<16xi32>
        %parallel_loop3A_1123 = arith.shli %parallel_loop3A_1108, %parallel_loop3A_1122 : vector<16xi32>
        %parallel_loop3A_1124 = vector.bitcast %parallel_loop3A_1123 : vector<16xi32> to vector<16xf32>
        %parallel_loop3A_1125 = arith.mulf %parallel_loop3A_1112, %parallel_loop3A_1116 : vector<16xf32>
        %parallel_loop3A_1126 = arith.mulf %parallel_loop3A_1125, %parallel_loop3A_990 : vector<16xf32>
        %parallel_loop3A_1127 = arith.addf %parallel_loop3A_971, %parallel_loop3A_1126 : vector<16xf32>
        %parallel_loop3A_1128 = arith.mulf %parallel_loop3A_1120, %parallel_loop3A_1124 : vector<16xf32>
        %parallel_loop3A_1129 = arith.mulf %parallel_loop3A_1128, %parallel_loop3A_990 : vector<16xf32>
        %parallel_loop3A_1130 = arith.addf %parallel_loop3A_979, %parallel_loop3A_1129 : vector<16xf32>
        %parallel_loop3A_1131 = arith.constant 50000 : i32
        %parallel_loop3A_1132 = tpu.memref_slice %arg8[%parallel_loop3A_1131] : memref<80000xi32, #tpu.memory_space<vmem>> -> memref<10000xi32, #tpu.memory_space<vmem>>
        %parallel_loop3A_1133 = tpu.vector_load_idx %parallel_loop3A_1132[%parallel_loop3A_986] : memref<10000xi32, #tpu.memory_space<vmem>>[vector<16xi32>], vector<16xi32>,
        %parallel_loop3A_1134 = arith.constant 50000 : i32
        %parallel_loop3A_1135 = tpu.memref_slice %arg8[%parallel_loop3A_1134] : memref<80000xi32, #tpu.memory_space<vmem>> -> memref<10000xi32, #tpu.memory_space<vmem>>
        %parallel_loop3A_1136 = tpu.vector_load_idx %parallel_loop3A_1135[%parallel_loop3A_988] : memref<10000xi32, #tpu.memory_space<vmem>>[vector<16xi32>], vector<16xi32>,
        %parallel_loop3A_1137 = arith.constant -65536 : i32
        %parallel_loop3A_1138 = vector.broadcast %parallel_loop3A_1137 : i32 to vector<16xi32>
        %parallel_loop3A_1139 = arith.andi %parallel_loop3A_1133, %parallel_loop3A_1138 : vector<16xi32>
        %parallel_loop3A_1140 = vector.bitcast %parallel_loop3A_1139 : vector<16xi32> to vector<16xf32>
        %parallel_loop3A_1141 = arith.constant -65536 : i32
        %parallel_loop3A_1142 = vector.broadcast %parallel_loop3A_1141 : i32 to vector<16xi32>
        %parallel_loop3A_1143 = arith.andi %parallel_loop3A_1136, %parallel_loop3A_1142 : vector<16xi32>
        %parallel_loop3A_1144 = vector.bitcast %parallel_loop3A_1143 : vector<16xi32> to vector<16xf32>
        %parallel_loop3A_1145 = arith.constant 16 : i32
        %parallel_loop3A_1146 = vector.broadcast %parallel_loop3A_1145 : i32 to vector<16xi32>
        %parallel_loop3A_1147 = arith.shli %parallel_loop3A_1133, %parallel_loop3A_1146 : vector<16xi32>
        %parallel_loop3A_1148 = vector.bitcast %parallel_loop3A_1147 : vector<16xi32> to vector<16xf32>
        %parallel_loop3A_1149 = arith.constant 16 : i32
        %parallel_loop3A_1150 = vector.broadcast %parallel_loop3A_1149 : i32 to vector<16xi32>
        %parallel_loop3A_1151 = arith.shli %parallel_loop3A_1136, %parallel_loop3A_1150 : vector<16xi32>
        %parallel_loop3A_1152 = vector.bitcast %parallel_loop3A_1151 : vector<16xi32> to vector<16xf32>
        %parallel_loop3A_1153 = arith.mulf %parallel_loop3A_1140, %parallel_loop3A_1144 : vector<16xf32>
        %parallel_loop3A_1154 = arith.mulf %parallel_loop3A_1153, %parallel_loop3A_990 : vector<16xf32>
        %parallel_loop3A_1155 = arith.addf %parallel_loop3A_972, %parallel_loop3A_1154 : vector<16xf32>
        %parallel_loop3A_1156 = arith.mulf %parallel_loop3A_1148, %parallel_loop3A_1152 : vector<16xf32>
        %parallel_loop3A_1157 = arith.mulf %parallel_loop3A_1156, %parallel_loop3A_990 : vector<16xf32>
        %parallel_loop3A_1158 = arith.addf %parallel_loop3A_980, %parallel_loop3A_1157 : vector<16xf32>
        %parallel_loop3A_1159 = arith.constant 60000 : i32
        %parallel_loop3A_1160 = tpu.memref_slice %arg8[%parallel_loop3A_1159] : memref<80000xi32, #tpu.memory_space<vmem>> -> memref<10000xi32, #tpu.memory_space<vmem>>
        %parallel_loop3A_1161 = tpu.vector_load_idx %parallel_loop3A_1160[%parallel_loop3A_986] : memref<10000xi32, #tpu.memory_space<vmem>>[vector<16xi32>], vector<16xi32>,
        %parallel_loop3A_1162 = arith.constant 60000 : i32
        %parallel_loop3A_1163 = tpu.memref_slice %arg8[%parallel_loop3A_1162] : memref<80000xi32, #tpu.memory_space<vmem>> -> memref<10000xi32, #tpu.memory_space<vmem>>
        %parallel_loop3A_1164 = tpu.vector_load_idx %parallel_loop3A_1163[%parallel_loop3A_988] : memref<10000xi32, #tpu.memory_space<vmem>>[vector<16xi32>], vector<16xi32>,
        %parallel_loop3A_1165 = arith.constant -65536 : i32
        %parallel_loop3A_1166 = vector.broadcast %parallel_loop3A_1165 : i32 to vector<16xi32>
        %parallel_loop3A_1167 = arith.andi %parallel_loop3A_1161, %parallel_loop3A_1166 : vector<16xi32>
        %parallel_loop3A_1168 = vector.bitcast %parallel_loop3A_1167 : vector<16xi32> to vector<16xf32>
        %parallel_loop3A_1169 = arith.constant -65536 : i32
        %parallel_loop3A_1170 = vector.broadcast %parallel_loop3A_1169 : i32 to vector<16xi32>
        %parallel_loop3A_1171 = arith.andi %parallel_loop3A_1164, %parallel_loop3A_1170 : vector<16xi32>
        %parallel_loop3A_1172 = vector.bitcast %parallel_loop3A_1171 : vector<16xi32> to vector<16xf32>
        %parallel_loop3A_1173 = arith.constant 16 : i32
        %parallel_loop3A_1174 = vector.broadcast %parallel_loop3A_1173 : i32 to vector<16xi32>
        %parallel_loop3A_1175 = arith.shli %parallel_loop3A_1161, %parallel_loop3A_1174 : vector<16xi32>
        %parallel_loop3A_1176 = vector.bitcast %parallel_loop3A_1175 : vector<16xi32> to vector<16xf32>
        %parallel_loop3A_1177 = arith.constant 16 : i32
        %parallel_loop3A_1178 = vector.broadcast %parallel_loop3A_1177 : i32 to vector<16xi32>
        %parallel_loop3A_1179 = arith.shli %parallel_loop3A_1164, %parallel_loop3A_1178 : vector<16xi32>
        %parallel_loop3A_1180 = vector.bitcast %parallel_loop3A_1179 : vector<16xi32> to vector<16xf32>
        %parallel_loop3A_1181 = arith.mulf %parallel_loop3A_1168, %parallel_loop3A_1172 : vector<16xf32>
        %parallel_loop3A_1182 = arith.mulf %parallel_loop3A_1181, %parallel_loop3A_990 : vector<16xf32>
        %parallel_loop3A_1183 = arith.addf %parallel_loop3A_973, %parallel_loop3A_1182 : vector<16xf32>
        %parallel_loop3A_1184 = arith.mulf %parallel_loop3A_1176, %parallel_loop3A_1180 : vector<16xf32>
        %parallel_loop3A_1185 = arith.mulf %parallel_loop3A_1184, %parallel_loop3A_990 : vector<16xf32>
        %parallel_loop3A_1186 = arith.addf %parallel_loop3A_981, %parallel_loop3A_1185 : vector<16xf32>
        %parallel_loop3A_1187 = arith.constant 70000 : i32
        %parallel_loop3A_1188 = tpu.memref_slice %arg8[%parallel_loop3A_1187] : memref<80000xi32, #tpu.memory_space<vmem>> -> memref<10000xi32, #tpu.memory_space<vmem>>
        %parallel_loop3A_1189 = tpu.vector_load_idx %parallel_loop3A_1188[%parallel_loop3A_986] : memref<10000xi32, #tpu.memory_space<vmem>>[vector<16xi32>], vector<16xi32>,
        %parallel_loop3A_1190 = arith.constant 70000 : i32
        %parallel_loop3A_1191 = tpu.memref_slice %arg8[%parallel_loop3A_1190] : memref<80000xi32, #tpu.memory_space<vmem>> -> memref<10000xi32, #tpu.memory_space<vmem>>
        %parallel_loop3A_1192 = tpu.vector_load_idx %parallel_loop3A_1191[%parallel_loop3A_988] : memref<10000xi32, #tpu.memory_space<vmem>>[vector<16xi32>], vector<16xi32>,
        %parallel_loop3A_1193 = arith.constant -65536 : i32
        %parallel_loop3A_1194 = vector.broadcast %parallel_loop3A_1193 : i32 to vector<16xi32>
        %parallel_loop3A_1195 = arith.andi %parallel_loop3A_1189, %parallel_loop3A_1194 : vector<16xi32>
        %parallel_loop3A_1196 = vector.bitcast %parallel_loop3A_1195 : vector<16xi32> to vector<16xf32>
        %parallel_loop3A_1197 = arith.constant -65536 : i32
        %parallel_loop3A_1198 = vector.broadcast %parallel_loop3A_1197 : i32 to vector<16xi32>
        %parallel_loop3A_1199 = arith.andi %parallel_loop3A_1192, %parallel_loop3A_1198 : vector<16xi32>
        %parallel_loop3A_1200 = vector.bitcast %parallel_loop3A_1199 : vector<16xi32> to vector<16xf32>
        %parallel_loop3A_1201 = arith.constant 16 : i32
        %parallel_loop3A_1202 = vector.broadcast %parallel_loop3A_1201 : i32 to vector<16xi32>
        %parallel_loop3A_1203 = arith.shli %parallel_loop3A_1189, %parallel_loop3A_1202 : vector<16xi32>
        %parallel_loop3A_1204 = vector.bitcast %parallel_loop3A_1203 : vector<16xi32> to vector<16xf32>
        %parallel_loop3A_1205 = arith.constant 16 : i32
        %parallel_loop3A_1206 = vector.broadcast %parallel_loop3A_1205 : i32 to vector<16xi32>
        %parallel_loop3A_1207 = arith.shli %parallel_loop3A_1192, %parallel_loop3A_1206 : vector<16xi32>
        %parallel_loop3A_1208 = vector.bitcast %parallel_loop3A_1207 : vector<16xi32> to vector<16xf32>
        %parallel_loop3A_1209 = arith.mulf %parallel_loop3A_1196, %parallel_loop3A_1200 : vector<16xf32>
        %parallel_loop3A_1210 = arith.mulf %parallel_loop3A_1209, %parallel_loop3A_990 : vector<16xf32>
        %parallel_loop3A_1211 = arith.addf %parallel_loop3A_974, %parallel_loop3A_1210 : vector<16xf32>
        %parallel_loop3A_1212 = arith.mulf %parallel_loop3A_1204, %parallel_loop3A_1208 : vector<16xf32>
        %parallel_loop3A_1213 = arith.mulf %parallel_loop3A_1212, %parallel_loop3A_990 : vector<16xf32>
        %parallel_loop3A_1214 = arith.addf %parallel_loop3A_982, %parallel_loop3A_1213 : vector<16xf32>
        scf.yield %parallel_loop3A_1015, %parallel_loop3A_1043, %parallel_loop3A_1071, %parallel_loop3A_1099, %parallel_loop3A_1127, %parallel_loop3A_1155, %parallel_loop3A_1183, %parallel_loop3A_1211, %parallel_loop3A_1018, %parallel_loop3A_1046, %parallel_loop3A_1074, %parallel_loop3A_1102, %parallel_loop3A_1130, %parallel_loop3A_1158, %parallel_loop3A_1186, %parallel_loop3A_1214 : vector<16xf32>, vector<16xf32>, vector<16xf32>, vector<16xf32>, vector<16xf32>, vector<16xf32>, vector<16xf32>, vector<16xf32>, vector<16xf32>, vector<16xf32>, vector<16xf32>, vector<16xf32>, vector<16xf32>, vector<16xf32>, vector<16xf32>, vector<16xf32>
      } {sc.loop_unroll_factor = 2 : i64, sc.parallel_access}
      %lt3A = arith.constant 24 : i32
      %lt3A_943 = arith.cmpi slt, %scan3A_910, %lt3A : i32
      %convert_element_type3A = arith.extui %lt3A_943 : i1 to i32
      %cond3A = arith.constant 0 : i32
      %cond3A_944 = arith.cmpi ne, %convert_element_type3A, %cond3A : i32
      scf.if %cond3A_944 {
        %mul3A_966 = arith.constant 2 : i32
        %mul3A_967 = arith.muli %mul3A_966, %scan3A_910 : i32
        %add3A_968 = arith.constant 2 : i32
        %add3A_969 = arith.addi %mul3A_967, %add3A_968 : i32
        %mul3A_970 = arith.constant 3200 : i32
        %mul3A_971 = arith.muli %add3A_969, %mul3A_970 : i32
        %dma_start3A_972 = tpu.memref_slice %arg5[%mul3A_971] : memref<160000xi32, #tpu.memory_space<hbm>> -> memref<3200xi32, #tpu.memory_space<hbm>>
        %dma_start3A_973 = tpu.memref_slice %arg5[%mul3A_971] : memref<160000xi32, #tpu.memory_space<hbm>> -> memref<3200xi32, #tpu.memory_space<hbm>>
        tpu.enqueue_dma source(%dma_start3A_973 : memref<3200xi32, #tpu.memory_space<hbm>>) target(%arg12 : memref<3200xi32, #tpu.memory_space<vmem>>) target_semaphore(%arg19 : memref<!tpu.dma_semaphore, #tpu.memory_space<semaphore_mem>>)
        %dma_start3A_974 = tpu.memref_slice %arg6[%mul3A_971] : memref<160000xi32, #tpu.memory_space<hbm>> -> memref<3200xi32, #tpu.memory_space<hbm>>
        %dma_start3A_975 = tpu.memref_slice %arg6[%mul3A_971] : memref<160000xi32, #tpu.memory_space<hbm>> -> memref<3200xi32, #tpu.memory_space<hbm>>
        tpu.enqueue_dma source(%dma_start3A_975 : memref<3200xi32, #tpu.memory_space<hbm>>) target(%arg13 : memref<3200xi32, #tpu.memory_space<vmem>>) target_semaphore(%arg19 : memref<!tpu.dma_semaphore, #tpu.memory_space<semaphore_mem>>)
        %dma_start3A_976 = tpu.memref_slice %arg4[%mul3A_971] : memref<160000xf32, #tpu.memory_space<hbm>> -> memref<3200xf32, #tpu.memory_space<hbm>>
        %dma_start3A_977 = tpu.memref_slice %arg4[%mul3A_971] : memref<160000xf32, #tpu.memory_space<hbm>> -> memref<3200xf32, #tpu.memory_space<hbm>>
        tpu.enqueue_dma source(%dma_start3A_977 : memref<3200xf32, #tpu.memory_space<hbm>>) target(%arg14 : memref<3200xf32, #tpu.memory_space<vmem>>) target_semaphore(%arg19 : memref<!tpu.dma_semaphore, #tpu.memory_space<semaphore_mem>>)
      } else {
      }
      %dma_wait3A_945 = arith.constant 0 : i32
      %dma_wait3A_946 = tpu.memref_slice %arg5[%dma_wait3A_945] : memref<160000xi32, #tpu.memory_space<hbm>> -> memref<3200xi32, #tpu.memory_space<hbm>>
      %dma_wait3A_947 = arith.constant 0 : i32
      %dma_wait3A_948 = tpu.memref_slice %arg5[%dma_wait3A_947] : memref<160000xi32, #tpu.memory_space<hbm>> -> memref<3200xi32, #tpu.memory_space<hbm>>
      tpu.wait_dma2 semaphore(%arg20 : memref<!tpu.dma_semaphore, #tpu.memory_space<semaphore_mem>>) src(%dma_wait3A_948 : memref<3200xi32, #tpu.memory_space<hbm>>) dst(%arg15 : memref<3200xi32, #tpu.memory_space<vmem>>)
      %dma_wait3A_949 = arith.constant 0 : i32
      %dma_wait3A_950 = tpu.memref_slice %arg6[%dma_wait3A_949] : memref<160000xi32, #tpu.memory_space<hbm>> -> memref<3200xi32, #tpu.memory_space<hbm>>
      %dma_wait3A_951 = arith.constant 0 : i32
      %dma_wait3A_952 = tpu.memref_slice %arg6[%dma_wait3A_951] : memref<160000xi32, #tpu.memory_space<hbm>> -> memref<3200xi32, #tpu.memory_space<hbm>>
      tpu.wait_dma2 semaphore(%arg20 : memref<!tpu.dma_semaphore, #tpu.memory_space<semaphore_mem>>) src(%dma_wait3A_952 : memref<3200xi32, #tpu.memory_space<hbm>>) dst(%arg16 : memref<3200xi32, #tpu.memory_space<vmem>>)
      %dma_wait3A_953 = arith.constant 0 : i32
      %dma_wait3A_954 = tpu.memref_slice %arg4[%dma_wait3A_953] : memref<160000xf32, #tpu.memory_space<hbm>> -> memref<3200xf32, #tpu.memory_space<hbm>>
      %dma_wait3A_955 = arith.constant 0 : i32
      %dma_wait3A_956 = tpu.memref_slice %arg4[%dma_wait3A_955] : memref<160000xf32, #tpu.memory_space<hbm>> -> memref<3200xf32, #tpu.memory_space<hbm>>
      tpu.wait_dma2 semaphore(%arg20 : memref<!tpu.dma_semaphore, #tpu.memory_space<semaphore_mem>>) src(%dma_wait3A_956 : memref<3200xf32, #tpu.memory_space<hbm>>) dst(%arg17 : memref<3200xf32, #tpu.memory_space<vmem>>)
      %parallel_loop3A_957 = arith.constant 0 : i32
      %parallel_loop3A_958 = arith.constant 200 : i32
      %parallel_loop3A_959 = arith.constant 1 : i32
      %parallel_loop3A_960:16 = scf.for %parallel_loop3A_966 = %parallel_loop3A_957 to %parallel_loop3A_958 step %parallel_loop3A_959 iter_args(%parallel_loop3A_967 = %parallel_loop3A_942#0, %parallel_loop3A_968 = %parallel_loop3A_942#1, %parallel_loop3A_969 = %parallel_loop3A_942#2, %parallel_loop3A_970 = %parallel_loop3A_942#3, %parallel_loop3A_971 = %parallel_loop3A_942#4, %parallel_loop3A_972 = %parallel_loop3A_942#5, %parallel_loop3A_973 = %parallel_loop3A_942#6, %parallel_loop3A_974 = %parallel_loop3A_942#7, %parallel_loop3A_975 = %parallel_loop3A_942#8, %parallel_loop3A_976 = %parallel_loop3A_942#9, %parallel_loop3A_977 = %parallel_loop3A_942#10, %parallel_loop3A_978 = %parallel_loop3A_942#11, %parallel_loop3A_979 = %parallel_loop3A_942#12, %parallel_loop3A_980 = %parallel_loop3A_942#13, %parallel_loop3A_981 = %parallel_loop3A_942#14, %parallel_loop3A_982 = %parallel_loop3A_942#15) -> (vector<16xf32>, vector<16xf32>, vector<16xf32>, vector<16xf32>, vector<16xf32>, vector<16xf32>, vector<16xf32>, vector<16xf32>, vector<16xf32>, vector<16xf32>, vector<16xf32>, vector<16xf32>, vector<16xf32>, vector<16xf32>, vector<16xf32>, vector<16xf32>)  : i32 {
        %parallel_loop3A_983 = arith.constant 16 : i32
        %parallel_loop3A_984 = arith.muli %parallel_loop3A_966, %parallel_loop3A_983 : i32
        %parallel_loop3A_985 = arith.index_cast %parallel_loop3A_984 : i32 to index
        %parallel_loop3A_986 = tpu.vector_load %arg15[%parallel_loop3A_985] {strides = array<i32>} : memref<3200xi32, #tpu.memory_space<vmem>>, vector<16xi32>,
        %parallel_loop3A_987 = arith.index_cast %parallel_loop3A_984 : i32 to index
        %parallel_loop3A_988 = tpu.vector_load %arg16[%parallel_loop3A_987] {strides = array<i32>} : memref<3200xi32, #tpu.memory_space<vmem>>, vector<16xi32>,
        %parallel_loop3A_989 = arith.index_cast %parallel_loop3A_984 : i32 to index
        %parallel_loop3A_990 = tpu.vector_load %arg17[%parallel_loop3A_989] {strides = array<i32>} : memref<3200xf32, #tpu.memory_space<vmem>>, vector<16xf32>,
        %parallel_loop3A_991 = arith.constant 0 : i32
        %parallel_loop3A_992 = tpu.memref_slice %arg8[%parallel_loop3A_991] : memref<80000xi32, #tpu.memory_space<vmem>> -> memref<10000xi32, #tpu.memory_space<vmem>>
        %parallel_loop3A_993 = tpu.vector_load_idx %parallel_loop3A_992[%parallel_loop3A_986] : memref<10000xi32, #tpu.memory_space<vmem>>[vector<16xi32>], vector<16xi32>,
        %parallel_loop3A_994 = arith.constant 0 : i32
        %parallel_loop3A_995 = tpu.memref_slice %arg8[%parallel_loop3A_994] : memref<80000xi32, #tpu.memory_space<vmem>> -> memref<10000xi32, #tpu.memory_space<vmem>>
        %parallel_loop3A_996 = tpu.vector_load_idx %parallel_loop3A_995[%parallel_loop3A_988] : memref<10000xi32, #tpu.memory_space<vmem>>[vector<16xi32>], vector<16xi32>,
        %parallel_loop3A_997 = arith.constant -65536 : i32
        %parallel_loop3A_998 = vector.broadcast %parallel_loop3A_997 : i32 to vector<16xi32>
        %parallel_loop3A_999 = arith.andi %parallel_loop3A_993, %parallel_loop3A_998 : vector<16xi32>
        %parallel_loop3A_1000 = vector.bitcast %parallel_loop3A_999 : vector<16xi32> to vector<16xf32>
        %parallel_loop3A_1001 = arith.constant -65536 : i32
        %parallel_loop3A_1002 = vector.broadcast %parallel_loop3A_1001 : i32 to vector<16xi32>
        %parallel_loop3A_1003 = arith.andi %parallel_loop3A_996, %parallel_loop3A_1002 : vector<16xi32>
        %parallel_loop3A_1004 = vector.bitcast %parallel_loop3A_1003 : vector<16xi32> to vector<16xf32>
        %parallel_loop3A_1005 = arith.constant 16 : i32
        %parallel_loop3A_1006 = vector.broadcast %parallel_loop3A_1005 : i32 to vector<16xi32>
        %parallel_loop3A_1007 = arith.shli %parallel_loop3A_993, %parallel_loop3A_1006 : vector<16xi32>
        %parallel_loop3A_1008 = vector.bitcast %parallel_loop3A_1007 : vector<16xi32> to vector<16xf32>
        %parallel_loop3A_1009 = arith.constant 16 : i32
        %parallel_loop3A_1010 = vector.broadcast %parallel_loop3A_1009 : i32 to vector<16xi32>
        %parallel_loop3A_1011 = arith.shli %parallel_loop3A_996, %parallel_loop3A_1010 : vector<16xi32>
        %parallel_loop3A_1012 = vector.bitcast %parallel_loop3A_1011 : vector<16xi32> to vector<16xf32>
        %parallel_loop3A_1013 = arith.mulf %parallel_loop3A_1000, %parallel_loop3A_1004 : vector<16xf32>
        %parallel_loop3A_1014 = arith.mulf %parallel_loop3A_1013, %parallel_loop3A_990 : vector<16xf32>
        %parallel_loop3A_1015 = arith.addf %parallel_loop3A_967, %parallel_loop3A_1014 : vector<16xf32>
        %parallel_loop3A_1016 = arith.mulf %parallel_loop3A_1008, %parallel_loop3A_1012 : vector<16xf32>
        %parallel_loop3A_1017 = arith.mulf %parallel_loop3A_1016, %parallel_loop3A_990 : vector<16xf32>
        %parallel_loop3A_1018 = arith.addf %parallel_loop3A_975, %parallel_loop3A_1017 : vector<16xf32>
        %parallel_loop3A_1019 = arith.constant 10000 : i32
        %parallel_loop3A_1020 = tpu.memref_slice %arg8[%parallel_loop3A_1019] : memref<80000xi32, #tpu.memory_space<vmem>> -> memref<10000xi32, #tpu.memory_space<vmem>>
        %parallel_loop3A_1021 = tpu.vector_load_idx %parallel_loop3A_1020[%parallel_loop3A_986] : memref<10000xi32, #tpu.memory_space<vmem>>[vector<16xi32>], vector<16xi32>,
        %parallel_loop3A_1022 = arith.constant 10000 : i32
        %parallel_loop3A_1023 = tpu.memref_slice %arg8[%parallel_loop3A_1022] : memref<80000xi32, #tpu.memory_space<vmem>> -> memref<10000xi32, #tpu.memory_space<vmem>>
        %parallel_loop3A_1024 = tpu.vector_load_idx %parallel_loop3A_1023[%parallel_loop3A_988] : memref<10000xi32, #tpu.memory_space<vmem>>[vector<16xi32>], vector<16xi32>,
        %parallel_loop3A_1025 = arith.constant -65536 : i32
        %parallel_loop3A_1026 = vector.broadcast %parallel_loop3A_1025 : i32 to vector<16xi32>
        %parallel_loop3A_1027 = arith.andi %parallel_loop3A_1021, %parallel_loop3A_1026 : vector<16xi32>
        %parallel_loop3A_1028 = vector.bitcast %parallel_loop3A_1027 : vector<16xi32> to vector<16xf32>
        %parallel_loop3A_1029 = arith.constant -65536 : i32
        %parallel_loop3A_1030 = vector.broadcast %parallel_loop3A_1029 : i32 to vector<16xi32>
        %parallel_loop3A_1031 = arith.andi %parallel_loop3A_1024, %parallel_loop3A_1030 : vector<16xi32>
        %parallel_loop3A_1032 = vector.bitcast %parallel_loop3A_1031 : vector<16xi32> to vector<16xf32>
        %parallel_loop3A_1033 = arith.constant 16 : i32
        %parallel_loop3A_1034 = vector.broadcast %parallel_loop3A_1033 : i32 to vector<16xi32>
        %parallel_loop3A_1035 = arith.shli %parallel_loop3A_1021, %parallel_loop3A_1034 : vector<16xi32>
        %parallel_loop3A_1036 = vector.bitcast %parallel_loop3A_1035 : vector<16xi32> to vector<16xf32>
        %parallel_loop3A_1037 = arith.constant 16 : i32
        %parallel_loop3A_1038 = vector.broadcast %parallel_loop3A_1037 : i32 to vector<16xi32>
        %parallel_loop3A_1039 = arith.shli %parallel_loop3A_1024, %parallel_loop3A_1038 : vector<16xi32>
        %parallel_loop3A_1040 = vector.bitcast %parallel_loop3A_1039 : vector<16xi32> to vector<16xf32>
        %parallel_loop3A_1041 = arith.mulf %parallel_loop3A_1028, %parallel_loop3A_1032 : vector<16xf32>
        %parallel_loop3A_1042 = arith.mulf %parallel_loop3A_1041, %parallel_loop3A_990 : vector<16xf32>
        %parallel_loop3A_1043 = arith.addf %parallel_loop3A_968, %parallel_loop3A_1042 : vector<16xf32>
        %parallel_loop3A_1044 = arith.mulf %parallel_loop3A_1036, %parallel_loop3A_1040 : vector<16xf32>
        %parallel_loop3A_1045 = arith.mulf %parallel_loop3A_1044, %parallel_loop3A_990 : vector<16xf32>
        %parallel_loop3A_1046 = arith.addf %parallel_loop3A_976, %parallel_loop3A_1045 : vector<16xf32>
        %parallel_loop3A_1047 = arith.constant 20000 : i32
        %parallel_loop3A_1048 = tpu.memref_slice %arg8[%parallel_loop3A_1047] : memref<80000xi32, #tpu.memory_space<vmem>> -> memref<10000xi32, #tpu.memory_space<vmem>>
        %parallel_loop3A_1049 = tpu.vector_load_idx %parallel_loop3A_1048[%parallel_loop3A_986] : memref<10000xi32, #tpu.memory_space<vmem>>[vector<16xi32>], vector<16xi32>,
        %parallel_loop3A_1050 = arith.constant 20000 : i32
        %parallel_loop3A_1051 = tpu.memref_slice %arg8[%parallel_loop3A_1050] : memref<80000xi32, #tpu.memory_space<vmem>> -> memref<10000xi32, #tpu.memory_space<vmem>>
        %parallel_loop3A_1052 = tpu.vector_load_idx %parallel_loop3A_1051[%parallel_loop3A_988] : memref<10000xi32, #tpu.memory_space<vmem>>[vector<16xi32>], vector<16xi32>,
        %parallel_loop3A_1053 = arith.constant -65536 : i32
        %parallel_loop3A_1054 = vector.broadcast %parallel_loop3A_1053 : i32 to vector<16xi32>
        %parallel_loop3A_1055 = arith.andi %parallel_loop3A_1049, %parallel_loop3A_1054 : vector<16xi32>
        %parallel_loop3A_1056 = vector.bitcast %parallel_loop3A_1055 : vector<16xi32> to vector<16xf32>
        %parallel_loop3A_1057 = arith.constant -65536 : i32
        %parallel_loop3A_1058 = vector.broadcast %parallel_loop3A_1057 : i32 to vector<16xi32>
        %parallel_loop3A_1059 = arith.andi %parallel_loop3A_1052, %parallel_loop3A_1058 : vector<16xi32>
        %parallel_loop3A_1060 = vector.bitcast %parallel_loop3A_1059 : vector<16xi32> to vector<16xf32>
        %parallel_loop3A_1061 = arith.constant 16 : i32
        %parallel_loop3A_1062 = vector.broadcast %parallel_loop3A_1061 : i32 to vector<16xi32>
        %parallel_loop3A_1063 = arith.shli %parallel_loop3A_1049, %parallel_loop3A_1062 : vector<16xi32>
        %parallel_loop3A_1064 = vector.bitcast %parallel_loop3A_1063 : vector<16xi32> to vector<16xf32>
        %parallel_loop3A_1065 = arith.constant 16 : i32
        %parallel_loop3A_1066 = vector.broadcast %parallel_loop3A_1065 : i32 to vector<16xi32>
        %parallel_loop3A_1067 = arith.shli %parallel_loop3A_1052, %parallel_loop3A_1066 : vector<16xi32>
        %parallel_loop3A_1068 = vector.bitcast %parallel_loop3A_1067 : vector<16xi32> to vector<16xf32>
        %parallel_loop3A_1069 = arith.mulf %parallel_loop3A_1056, %parallel_loop3A_1060 : vector<16xf32>
        %parallel_loop3A_1070 = arith.mulf %parallel_loop3A_1069, %parallel_loop3A_990 : vector<16xf32>
        %parallel_loop3A_1071 = arith.addf %parallel_loop3A_969, %parallel_loop3A_1070 : vector<16xf32>
        %parallel_loop3A_1072 = arith.mulf %parallel_loop3A_1064, %parallel_loop3A_1068 : vector<16xf32>
        %parallel_loop3A_1073 = arith.mulf %parallel_loop3A_1072, %parallel_loop3A_990 : vector<16xf32>
        %parallel_loop3A_1074 = arith.addf %parallel_loop3A_977, %parallel_loop3A_1073 : vector<16xf32>
        %parallel_loop3A_1075 = arith.constant 30000 : i32
        %parallel_loop3A_1076 = tpu.memref_slice %arg8[%parallel_loop3A_1075] : memref<80000xi32, #tpu.memory_space<vmem>> -> memref<10000xi32, #tpu.memory_space<vmem>>
        %parallel_loop3A_1077 = tpu.vector_load_idx %parallel_loop3A_1076[%parallel_loop3A_986] : memref<10000xi32, #tpu.memory_space<vmem>>[vector<16xi32>], vector<16xi32>,
        %parallel_loop3A_1078 = arith.constant 30000 : i32
        %parallel_loop3A_1079 = tpu.memref_slice %arg8[%parallel_loop3A_1078] : memref<80000xi32, #tpu.memory_space<vmem>> -> memref<10000xi32, #tpu.memory_space<vmem>>
        %parallel_loop3A_1080 = tpu.vector_load_idx %parallel_loop3A_1079[%parallel_loop3A_988] : memref<10000xi32, #tpu.memory_space<vmem>>[vector<16xi32>], vector<16xi32>,
        %parallel_loop3A_1081 = arith.constant -65536 : i32
        %parallel_loop3A_1082 = vector.broadcast %parallel_loop3A_1081 : i32 to vector<16xi32>
        %parallel_loop3A_1083 = arith.andi %parallel_loop3A_1077, %parallel_loop3A_1082 : vector<16xi32>
        %parallel_loop3A_1084 = vector.bitcast %parallel_loop3A_1083 : vector<16xi32> to vector<16xf32>
        %parallel_loop3A_1085 = arith.constant -65536 : i32
        %parallel_loop3A_1086 = vector.broadcast %parallel_loop3A_1085 : i32 to vector<16xi32>
        %parallel_loop3A_1087 = arith.andi %parallel_loop3A_1080, %parallel_loop3A_1086 : vector<16xi32>
        %parallel_loop3A_1088 = vector.bitcast %parallel_loop3A_1087 : vector<16xi32> to vector<16xf32>
        %parallel_loop3A_1089 = arith.constant 16 : i32
        %parallel_loop3A_1090 = vector.broadcast %parallel_loop3A_1089 : i32 to vector<16xi32>
        %parallel_loop3A_1091 = arith.shli %parallel_loop3A_1077, %parallel_loop3A_1090 : vector<16xi32>
        %parallel_loop3A_1092 = vector.bitcast %parallel_loop3A_1091 : vector<16xi32> to vector<16xf32>
        %parallel_loop3A_1093 = arith.constant 16 : i32
        %parallel_loop3A_1094 = vector.broadcast %parallel_loop3A_1093 : i32 to vector<16xi32>
        %parallel_loop3A_1095 = arith.shli %parallel_loop3A_1080, %parallel_loop3A_1094 : vector<16xi32>
        %parallel_loop3A_1096 = vector.bitcast %parallel_loop3A_1095 : vector<16xi32> to vector<16xf32>
        %parallel_loop3A_1097 = arith.mulf %parallel_loop3A_1084, %parallel_loop3A_1088 : vector<16xf32>
        %parallel_loop3A_1098 = arith.mulf %parallel_loop3A_1097, %parallel_loop3A_990 : vector<16xf32>
        %parallel_loop3A_1099 = arith.addf %parallel_loop3A_970, %parallel_loop3A_1098 : vector<16xf32>
        %parallel_loop3A_1100 = arith.mulf %parallel_loop3A_1092, %parallel_loop3A_1096 : vector<16xf32>
        %parallel_loop3A_1101 = arith.mulf %parallel_loop3A_1100, %parallel_loop3A_990 : vector<16xf32>
        %parallel_loop3A_1102 = arith.addf %parallel_loop3A_978, %parallel_loop3A_1101 : vector<16xf32>
        %parallel_loop3A_1103 = arith.constant 40000 : i32
        %parallel_loop3A_1104 = tpu.memref_slice %arg8[%parallel_loop3A_1103] : memref<80000xi32, #tpu.memory_space<vmem>> -> memref<10000xi32, #tpu.memory_space<vmem>>
        %parallel_loop3A_1105 = tpu.vector_load_idx %parallel_loop3A_1104[%parallel_loop3A_986] : memref<10000xi32, #tpu.memory_space<vmem>>[vector<16xi32>], vector<16xi32>,
        %parallel_loop3A_1106 = arith.constant 40000 : i32
        %parallel_loop3A_1107 = tpu.memref_slice %arg8[%parallel_loop3A_1106] : memref<80000xi32, #tpu.memory_space<vmem>> -> memref<10000xi32, #tpu.memory_space<vmem>>
        %parallel_loop3A_1108 = tpu.vector_load_idx %parallel_loop3A_1107[%parallel_loop3A_988] : memref<10000xi32, #tpu.memory_space<vmem>>[vector<16xi32>], vector<16xi32>,
        %parallel_loop3A_1109 = arith.constant -65536 : i32
        %parallel_loop3A_1110 = vector.broadcast %parallel_loop3A_1109 : i32 to vector<16xi32>
        %parallel_loop3A_1111 = arith.andi %parallel_loop3A_1105, %parallel_loop3A_1110 : vector<16xi32>
        %parallel_loop3A_1112 = vector.bitcast %parallel_loop3A_1111 : vector<16xi32> to vector<16xf32>
        %parallel_loop3A_1113 = arith.constant -65536 : i32
        %parallel_loop3A_1114 = vector.broadcast %parallel_loop3A_1113 : i32 to vector<16xi32>
        %parallel_loop3A_1115 = arith.andi %parallel_loop3A_1108, %parallel_loop3A_1114 : vector<16xi32>
        %parallel_loop3A_1116 = vector.bitcast %parallel_loop3A_1115 : vector<16xi32> to vector<16xf32>
        %parallel_loop3A_1117 = arith.constant 16 : i32
        %parallel_loop3A_1118 = vector.broadcast %parallel_loop3A_1117 : i32 to vector<16xi32>
        %parallel_loop3A_1119 = arith.shli %parallel_loop3A_1105, %parallel_loop3A_1118 : vector<16xi32>
        %parallel_loop3A_1120 = vector.bitcast %parallel_loop3A_1119 : vector<16xi32> to vector<16xf32>
        %parallel_loop3A_1121 = arith.constant 16 : i32
        %parallel_loop3A_1122 = vector.broadcast %parallel_loop3A_1121 : i32 to vector<16xi32>
        %parallel_loop3A_1123 = arith.shli %parallel_loop3A_1108, %parallel_loop3A_1122 : vector<16xi32>
        %parallel_loop3A_1124 = vector.bitcast %parallel_loop3A_1123 : vector<16xi32> to vector<16xf32>
        %parallel_loop3A_1125 = arith.mulf %parallel_loop3A_1112, %parallel_loop3A_1116 : vector<16xf32>
        %parallel_loop3A_1126 = arith.mulf %parallel_loop3A_1125, %parallel_loop3A_990 : vector<16xf32>
        %parallel_loop3A_1127 = arith.addf %parallel_loop3A_971, %parallel_loop3A_1126 : vector<16xf32>
        %parallel_loop3A_1128 = arith.mulf %parallel_loop3A_1120, %parallel_loop3A_1124 : vector<16xf32>
        %parallel_loop3A_1129 = arith.mulf %parallel_loop3A_1128, %parallel_loop3A_990 : vector<16xf32>
        %parallel_loop3A_1130 = arith.addf %parallel_loop3A_979, %parallel_loop3A_1129 : vector<16xf32>
        %parallel_loop3A_1131 = arith.constant 50000 : i32
        %parallel_loop3A_1132 = tpu.memref_slice %arg8[%parallel_loop3A_1131] : memref<80000xi32, #tpu.memory_space<vmem>> -> memref<10000xi32, #tpu.memory_space<vmem>>
        %parallel_loop3A_1133 = tpu.vector_load_idx %parallel_loop3A_1132[%parallel_loop3A_986] : memref<10000xi32, #tpu.memory_space<vmem>>[vector<16xi32>], vector<16xi32>,
        %parallel_loop3A_1134 = arith.constant 50000 : i32
        %parallel_loop3A_1135 = tpu.memref_slice %arg8[%parallel_loop3A_1134] : memref<80000xi32, #tpu.memory_space<vmem>> -> memref<10000xi32, #tpu.memory_space<vmem>>
        %parallel_loop3A_1136 = tpu.vector_load_idx %parallel_loop3A_1135[%parallel_loop3A_988] : memref<10000xi32, #tpu.memory_space<vmem>>[vector<16xi32>], vector<16xi32>,
        %parallel_loop3A_1137 = arith.constant -65536 : i32
        %parallel_loop3A_1138 = vector.broadcast %parallel_loop3A_1137 : i32 to vector<16xi32>
        %parallel_loop3A_1139 = arith.andi %parallel_loop3A_1133, %parallel_loop3A_1138 : vector<16xi32>
        %parallel_loop3A_1140 = vector.bitcast %parallel_loop3A_1139 : vector<16xi32> to vector<16xf32>
        %parallel_loop3A_1141 = arith.constant -65536 : i32
        %parallel_loop3A_1142 = vector.broadcast %parallel_loop3A_1141 : i32 to vector<16xi32>
        %parallel_loop3A_1143 = arith.andi %parallel_loop3A_1136, %parallel_loop3A_1142 : vector<16xi32>
        %parallel_loop3A_1144 = vector.bitcast %parallel_loop3A_1143 : vector<16xi32> to vector<16xf32>
        %parallel_loop3A_1145 = arith.constant 16 : i32
        %parallel_loop3A_1146 = vector.broadcast %parallel_loop3A_1145 : i32 to vector<16xi32>
        %parallel_loop3A_1147 = arith.shli %parallel_loop3A_1133, %parallel_loop3A_1146 : vector<16xi32>
        %parallel_loop3A_1148 = vector.bitcast %parallel_loop3A_1147 : vector<16xi32> to vector<16xf32>
        %parallel_loop3A_1149 = arith.constant 16 : i32
        %parallel_loop3A_1150 = vector.broadcast %parallel_loop3A_1149 : i32 to vector<16xi32>
        %parallel_loop3A_1151 = arith.shli %parallel_loop3A_1136, %parallel_loop3A_1150 : vector<16xi32>
        %parallel_loop3A_1152 = vector.bitcast %parallel_loop3A_1151 : vector<16xi32> to vector<16xf32>
        %parallel_loop3A_1153 = arith.mulf %parallel_loop3A_1140, %parallel_loop3A_1144 : vector<16xf32>
        %parallel_loop3A_1154 = arith.mulf %parallel_loop3A_1153, %parallel_loop3A_990 : vector<16xf32>
        %parallel_loop3A_1155 = arith.addf %parallel_loop3A_972, %parallel_loop3A_1154 : vector<16xf32>
        %parallel_loop3A_1156 = arith.mulf %parallel_loop3A_1148, %parallel_loop3A_1152 : vector<16xf32>
        %parallel_loop3A_1157 = arith.mulf %parallel_loop3A_1156, %parallel_loop3A_990 : vector<16xf32>
        %parallel_loop3A_1158 = arith.addf %parallel_loop3A_980, %parallel_loop3A_1157 : vector<16xf32>
        %parallel_loop3A_1159 = arith.constant 60000 : i32
        %parallel_loop3A_1160 = tpu.memref_slice %arg8[%parallel_loop3A_1159] : memref<80000xi32, #tpu.memory_space<vmem>> -> memref<10000xi32, #tpu.memory_space<vmem>>
        %parallel_loop3A_1161 = tpu.vector_load_idx %parallel_loop3A_1160[%parallel_loop3A_986] : memref<10000xi32, #tpu.memory_space<vmem>>[vector<16xi32>], vector<16xi32>,
        %parallel_loop3A_1162 = arith.constant 60000 : i32
        %parallel_loop3A_1163 = tpu.memref_slice %arg8[%parallel_loop3A_1162] : memref<80000xi32, #tpu.memory_space<vmem>> -> memref<10000xi32, #tpu.memory_space<vmem>>
        %parallel_loop3A_1164 = tpu.vector_load_idx %parallel_loop3A_1163[%parallel_loop3A_988] : memref<10000xi32, #tpu.memory_space<vmem>>[vector<16xi32>], vector<16xi32>,
        %parallel_loop3A_1165 = arith.constant -65536 : i32
        %parallel_loop3A_1166 = vector.broadcast %parallel_loop3A_1165 : i32 to vector<16xi32>
        %parallel_loop3A_1167 = arith.andi %parallel_loop3A_1161, %parallel_loop3A_1166 : vector<16xi32>
        %parallel_loop3A_1168 = vector.bitcast %parallel_loop3A_1167 : vector<16xi32> to vector<16xf32>
        %parallel_loop3A_1169 = arith.constant -65536 : i32
        %parallel_loop3A_1170 = vector.broadcast %parallel_loop3A_1169 : i32 to vector<16xi32>
        %parallel_loop3A_1171 = arith.andi %parallel_loop3A_1164, %parallel_loop3A_1170 : vector<16xi32>
        %parallel_loop3A_1172 = vector.bitcast %parallel_loop3A_1171 : vector<16xi32> to vector<16xf32>
        %parallel_loop3A_1173 = arith.constant 16 : i32
        %parallel_loop3A_1174 = vector.broadcast %parallel_loop3A_1173 : i32 to vector<16xi32>
        %parallel_loop3A_1175 = arith.shli %parallel_loop3A_1161, %parallel_loop3A_1174 : vector<16xi32>
        %parallel_loop3A_1176 = vector.bitcast %parallel_loop3A_1175 : vector<16xi32> to vector<16xf32>
        %parallel_loop3A_1177 = arith.constant 16 : i32
        %parallel_loop3A_1178 = vector.broadcast %parallel_loop3A_1177 : i32 to vector<16xi32>
        %parallel_loop3A_1179 = arith.shli %parallel_loop3A_1164, %parallel_loop3A_1178 : vector<16xi32>
        %parallel_loop3A_1180 = vector.bitcast %parallel_loop3A_1179 : vector<16xi32> to vector<16xf32>
        %parallel_loop3A_1181 = arith.mulf %parallel_loop3A_1168, %parallel_loop3A_1172 : vector<16xf32>
        %parallel_loop3A_1182 = arith.mulf %parallel_loop3A_1181, %parallel_loop3A_990 : vector<16xf32>
        %parallel_loop3A_1183 = arith.addf %parallel_loop3A_973, %parallel_loop3A_1182 : vector<16xf32>
        %parallel_loop3A_1184 = arith.mulf %parallel_loop3A_1176, %parallel_loop3A_1180 : vector<16xf32>
        %parallel_loop3A_1185 = arith.mulf %parallel_loop3A_1184, %parallel_loop3A_990 : vector<16xf32>
        %parallel_loop3A_1186 = arith.addf %parallel_loop3A_981, %parallel_loop3A_1185 : vector<16xf32>
        %parallel_loop3A_1187 = arith.constant 70000 : i32
        %parallel_loop3A_1188 = tpu.memref_slice %arg8[%parallel_loop3A_1187] : memref<80000xi32, #tpu.memory_space<vmem>> -> memref<10000xi32, #tpu.memory_space<vmem>>
        %parallel_loop3A_1189 = tpu.vector_load_idx %parallel_loop3A_1188[%parallel_loop3A_986] : memref<10000xi32, #tpu.memory_space<vmem>>[vector<16xi32>], vector<16xi32>,
        %parallel_loop3A_1190 = arith.constant 70000 : i32
        %parallel_loop3A_1191 = tpu.memref_slice %arg8[%parallel_loop3A_1190] : memref<80000xi32, #tpu.memory_space<vmem>> -> memref<10000xi32, #tpu.memory_space<vmem>>
        %parallel_loop3A_1192 = tpu.vector_load_idx %parallel_loop3A_1191[%parallel_loop3A_988] : memref<10000xi32, #tpu.memory_space<vmem>>[vector<16xi32>], vector<16xi32>,
        %parallel_loop3A_1193 = arith.constant -65536 : i32
        %parallel_loop3A_1194 = vector.broadcast %parallel_loop3A_1193 : i32 to vector<16xi32>
        %parallel_loop3A_1195 = arith.andi %parallel_loop3A_1189, %parallel_loop3A_1194 : vector<16xi32>
        %parallel_loop3A_1196 = vector.bitcast %parallel_loop3A_1195 : vector<16xi32> to vector<16xf32>
        %parallel_loop3A_1197 = arith.constant -65536 : i32
        %parallel_loop3A_1198 = vector.broadcast %parallel_loop3A_1197 : i32 to vector<16xi32>
        %parallel_loop3A_1199 = arith.andi %parallel_loop3A_1192, %parallel_loop3A_1198 : vector<16xi32>
        %parallel_loop3A_1200 = vector.bitcast %parallel_loop3A_1199 : vector<16xi32> to vector<16xf32>
        %parallel_loop3A_1201 = arith.constant 16 : i32
        %parallel_loop3A_1202 = vector.broadcast %parallel_loop3A_1201 : i32 to vector<16xi32>
        %parallel_loop3A_1203 = arith.shli %parallel_loop3A_1189, %parallel_loop3A_1202 : vector<16xi32>
        %parallel_loop3A_1204 = vector.bitcast %parallel_loop3A_1203 : vector<16xi32> to vector<16xf32>
        %parallel_loop3A_1205 = arith.constant 16 : i32
        %parallel_loop3A_1206 = vector.broadcast %parallel_loop3A_1205 : i32 to vector<16xi32>
        %parallel_loop3A_1207 = arith.shli %parallel_loop3A_1192, %parallel_loop3A_1206 : vector<16xi32>
        %parallel_loop3A_1208 = vector.bitcast %parallel_loop3A_1207 : vector<16xi32> to vector<16xf32>
        %parallel_loop3A_1209 = arith.mulf %parallel_loop3A_1196, %parallel_loop3A_1200 : vector<16xf32>
        %parallel_loop3A_1210 = arith.mulf %parallel_loop3A_1209, %parallel_loop3A_990 : vector<16xf32>
        %parallel_loop3A_1211 = arith.addf %parallel_loop3A_974, %parallel_loop3A_1210 : vector<16xf32>
        %parallel_loop3A_1212 = arith.mulf %parallel_loop3A_1204, %parallel_loop3A_1208 : vector<16xf32>
        %parallel_loop3A_1213 = arith.mulf %parallel_loop3A_1212, %parallel_loop3A_990 : vector<16xf32>
        %parallel_loop3A_1214 = arith.addf %parallel_loop3A_982, %parallel_loop3A_1213 : vector<16xf32>
        scf.yield %parallel_loop3A_1015, %parallel_loop3A_1043, %parallel_loop3A_1071, %parallel_loop3A_1099, %parallel_loop3A_1127, %parallel_loop3A_1155, %parallel_loop3A_1183, %parallel_loop3A_1211, %parallel_loop3A_1018, %parallel_loop3A_1046, %parallel_loop3A_1074, %parallel_loop3A_1102, %parallel_loop3A_1130, %parallel_loop3A_1158, %parallel_loop3A_1186, %parallel_loop3A_1214 : vector<16xf32>, vector<16xf32>, vector<16xf32>, vector<16xf32>, vector<16xf32>, vector<16xf32>, vector<16xf32>, vector<16xf32>, vector<16xf32>, vector<16xf32>, vector<16xf32>, vector<16xf32>, vector<16xf32>, vector<16xf32>, vector<16xf32>, vector<16xf32>
      } {sc.loop_unroll_factor = 2 : i64, sc.parallel_access}
      %lt3A_961 = arith.constant 24 : i32
      %lt3A_962 = arith.cmpi slt, %scan3A_910, %lt3A_961 : i32
      %convert_element_type3A_963 = arith.extui %lt3A_962 : i1 to i32
      %cond3A_964 = arith.constant 0 : i32
      %cond3A_965 = arith.cmpi ne, %convert_element_type3A_963, %cond3A_964 : i32
      scf.if %cond3A_965 {
        %mul3A_966 = arith.constant 2 : i32
        %mul3A_967 = arith.muli %mul3A_966, %scan3A_910 : i32
        %add3A_968 = arith.constant 3 : i32
        %add3A_969 = arith.addi %mul3A_967, %add3A_968 : i32
        %mul3A_970 = arith.constant 3200 : i32
        %mul3A_971 = arith.muli %add3A_969, %mul3A_970 : i32
        %dma_start3A_972 = tpu.memref_slice %arg5[%mul3A_971] : memref<160000xi32, #tpu.memory_space<hbm>> -> memref<3200xi32, #tpu.memory_space<hbm>>
        %dma_start3A_973 = tpu.memref_slice %arg5[%mul3A_971] : memref<160000xi32, #tpu.memory_space<hbm>> -> memref<3200xi32, #tpu.memory_space<hbm>>
        tpu.enqueue_dma source(%dma_start3A_973 : memref<3200xi32, #tpu.memory_space<hbm>>) target(%arg15 : memref<3200xi32, #tpu.memory_space<vmem>>) target_semaphore(%arg20 : memref<!tpu.dma_semaphore, #tpu.memory_space<semaphore_mem>>)
        %dma_start3A_974 = tpu.memref_slice %arg6[%mul3A_971] : memref<160000xi32, #tpu.memory_space<hbm>> -> memref<3200xi32, #tpu.memory_space<hbm>>
        %dma_start3A_975 = tpu.memref_slice %arg6[%mul3A_971] : memref<160000xi32, #tpu.memory_space<hbm>> -> memref<3200xi32, #tpu.memory_space<hbm>>
        tpu.enqueue_dma source(%dma_start3A_975 : memref<3200xi32, #tpu.memory_space<hbm>>) target(%arg16 : memref<3200xi32, #tpu.memory_space<vmem>>) target_semaphore(%arg20 : memref<!tpu.dma_semaphore, #tpu.memory_space<semaphore_mem>>)
        %dma_start3A_976 = tpu.memref_slice %arg4[%mul3A_971] : memref<160000xf32, #tpu.memory_space<hbm>> -> memref<3200xf32, #tpu.memory_space<hbm>>
        %dma_start3A_977 = tpu.memref_slice %arg4[%mul3A_971] : memref<160000xf32, #tpu.memory_space<hbm>> -> memref<3200xf32, #tpu.memory_space<hbm>>
        tpu.enqueue_dma source(%dma_start3A_977 : memref<3200xf32, #tpu.memory_space<hbm>>) target(%arg17 : memref<3200xf32, #tpu.memory_space<vmem>>) target_semaphore(%arg20 : memref<!tpu.dma_semaphore, #tpu.memory_space<semaphore_mem>>)
      } else {
      }
      scf.yield %parallel_loop3A_960#0, %parallel_loop3A_960#1, %parallel_loop3A_960#2, %parallel_loop3A_960#3, %parallel_loop3A_960#4, %parallel_loop3A_960#5, %parallel_loop3A_960#6, %parallel_loop3A_960#7, %parallel_loop3A_960#8, %parallel_loop3A_960#9, %parallel_loop3A_960#10, %parallel_loop3A_960#11, %parallel_loop3A_960#12, %parallel_loop3A_960#13, %parallel_loop3A_960#14, %parallel_loop3A_960#15 : vector<16xf32>, vector<16xf32>, vector<16xf32>, vector<16xf32>, vector<16xf32>, vector<16xf32>, vector<16xf32>, vector<16xf32>, vector<16xf32>, vector<16xf32>, vector<16xf32>, vector<16xf32>, vector<16xf32>, vector<16xf32>, vector<16xf32>, vector<16xf32>
    }
    %scan3A_305 = arith.constant 25 : i32
    %reduce_sum3A = arith.constant true
    %reduce_sum3A_306 = vector.broadcast %reduce_sum3A : i1 to vector<16xi1>
    %reduce_sum3A_307 = tpu.scan <sum>, %scan3A_304#0 masked %reduce_sum3A_306 : vector<16xf32>, vector<16xi1> -> vector<16xf32>
    %reduce_sum3A_308 = vector.extract %reduce_sum3A_307[15] : f32 from vector<16xf32>
    %reduce_sum3A_309 = arith.constant true
    %reduce_sum3A_310 = vector.broadcast %reduce_sum3A_309 : i1 to vector<16xi1>
    %reduce_sum3A_311 = tpu.scan <sum>, %scan3A_304#8 masked %reduce_sum3A_310 : vector<16xf32>, vector<16xi1> -> vector<16xf32>
    %reduce_sum3A_312 = vector.extract %reduce_sum3A_311[15] : f32 from vector<16xf32>
    %reduce_sum3A_313 = arith.constant true
    %reduce_sum3A_314 = vector.broadcast %reduce_sum3A_313 : i1 to vector<16xi1>
    %reduce_sum3A_315 = tpu.scan <sum>, %scan3A_304#1 masked %reduce_sum3A_314 : vector<16xf32>, vector<16xi1> -> vector<16xf32>
    %reduce_sum3A_316 = vector.extract %reduce_sum3A_315[15] : f32 from vector<16xf32>
    %reduce_sum3A_317 = arith.constant true
    %reduce_sum3A_318 = vector.broadcast %reduce_sum3A_317 : i1 to vector<16xi1>
    %reduce_sum3A_319 = tpu.scan <sum>, %scan3A_304#9 masked %reduce_sum3A_318 : vector<16xf32>, vector<16xi1> -> vector<16xf32>
    %reduce_sum3A_320 = vector.extract %reduce_sum3A_319[15] : f32 from vector<16xf32>
    %reduce_sum3A_321 = arith.constant true
    %reduce_sum3A_322 = vector.broadcast %reduce_sum3A_321 : i1 to vector<16xi1>
    %reduce_sum3A_323 = tpu.scan <sum>, %scan3A_304#2 masked %reduce_sum3A_322 : vector<16xf32>, vector<16xi1> -> vector<16xf32>
    %reduce_sum3A_324 = vector.extract %reduce_sum3A_323[15] : f32 from vector<16xf32>
    %reduce_sum3A_325 = arith.constant true
    %reduce_sum3A_326 = vector.broadcast %reduce_sum3A_325 : i1 to vector<16xi1>
    %reduce_sum3A_327 = tpu.scan <sum>, %scan3A_304#10 masked %reduce_sum3A_326 : vector<16xf32>, vector<16xi1> -> vector<16xf32>
    %reduce_sum3A_328 = vector.extract %reduce_sum3A_327[15] : f32 from vector<16xf32>
    %reduce_sum3A_329 = arith.constant true
    %reduce_sum3A_330 = vector.broadcast %reduce_sum3A_329 : i1 to vector<16xi1>
    %reduce_sum3A_331 = tpu.scan <sum>, %scan3A_304#3 masked %reduce_sum3A_330 : vector<16xf32>, vector<16xi1> -> vector<16xf32>
    %reduce_sum3A_332 = vector.extract %reduce_sum3A_331[15] : f32 from vector<16xf32>
    %reduce_sum3A_333 = arith.constant true
    %reduce_sum3A_334 = vector.broadcast %reduce_sum3A_333 : i1 to vector<16xi1>
    %reduce_sum3A_335 = tpu.scan <sum>, %scan3A_304#11 masked %reduce_sum3A_334 : vector<16xf32>, vector<16xi1> -> vector<16xf32>
    %reduce_sum3A_336 = vector.extract %reduce_sum3A_335[15] : f32 from vector<16xf32>
    %reduce_sum3A_337 = arith.constant true
    %reduce_sum3A_338 = vector.broadcast %reduce_sum3A_337 : i1 to vector<16xi1>
    %reduce_sum3A_339 = tpu.scan <sum>, %scan3A_304#4 masked %reduce_sum3A_338 : vector<16xf32>, vector<16xi1> -> vector<16xf32>
    %reduce_sum3A_340 = vector.extract %reduce_sum3A_339[15] : f32 from vector<16xf32>
    %reduce_sum3A_341 = arith.constant true
    %reduce_sum3A_342 = vector.broadcast %reduce_sum3A_341 : i1 to vector<16xi1>
    %reduce_sum3A_343 = tpu.scan <sum>, %scan3A_304#12 masked %reduce_sum3A_342 : vector<16xf32>, vector<16xi1> -> vector<16xf32>
    %reduce_sum3A_344 = vector.extract %reduce_sum3A_343[15] : f32 from vector<16xf32>
    %reduce_sum3A_345 = arith.constant true
    %reduce_sum3A_346 = vector.broadcast %reduce_sum3A_345 : i1 to vector<16xi1>
    %reduce_sum3A_347 = tpu.scan <sum>, %scan3A_304#5 masked %reduce_sum3A_346 : vector<16xf32>, vector<16xi1> -> vector<16xf32>
    %reduce_sum3A_348 = vector.extract %reduce_sum3A_347[15] : f32 from vector<16xf32>
    %reduce_sum3A_349 = arith.constant true
    %reduce_sum3A_350 = vector.broadcast %reduce_sum3A_349 : i1 to vector<16xi1>
    %reduce_sum3A_351 = tpu.scan <sum>, %scan3A_304#13 masked %reduce_sum3A_350 : vector<16xf32>, vector<16xi1> -> vector<16xf32>
    %reduce_sum3A_352 = vector.extract %reduce_sum3A_351[15] : f32 from vector<16xf32>
    %reduce_sum3A_353 = arith.constant true
    %reduce_sum3A_354 = vector.broadcast %reduce_sum3A_353 : i1 to vector<16xi1>
    %reduce_sum3A_355 = tpu.scan <sum>, %scan3A_304#6 masked %reduce_sum3A_354 : vector<16xf32>, vector<16xi1> -> vector<16xf32>
    %reduce_sum3A_356 = vector.extract %reduce_sum3A_355[15] : f32 from vector<16xf32>
    %reduce_sum3A_357 = arith.constant true
    %reduce_sum3A_358 = vector.broadcast %reduce_sum3A_357 : i1 to vector<16xi1>
    %reduce_sum3A_359 = tpu.scan <sum>, %scan3A_304#14 masked %reduce_sum3A_358 : vector<16xf32>, vector<16xi1> -> vector<16xf32>
    %reduce_sum3A_360 = vector.extract %reduce_sum3A_359[15] : f32 from vector<16xf32>
    %reduce_sum3A_361 = arith.constant true
    %reduce_sum3A_362 = vector.broadcast %reduce_sum3A_361 : i1 to vector<16xi1>
    %reduce_sum3A_363 = tpu.scan <sum>, %scan3A_304#7 masked %reduce_sum3A_362 : vector<16xf32>, vector<16xi1> -> vector<16xf32>
    %reduce_sum3A_364 = vector.extract %reduce_sum3A_363[15] : f32 from vector<16xf32>
    %reduce_sum3A_365 = arith.constant true
    %reduce_sum3A_366 = vector.broadcast %reduce_sum3A_365 : i1 to vector<16xi1>
    %reduce_sum3A_367 = tpu.scan <sum>, %scan3A_304#15 masked %reduce_sum3A_366 : vector<16xf32>, vector<16xi1> -> vector<16xf32>
    %reduce_sum3A_368 = vector.extract %reduce_sum3A_367[15] : f32 from vector<16xf32>
    %mul3A_369 = arith.constant 16 : i32
    %mul3A_370 = arith.muli %add3A, %mul3A_369 : i32
    %add3A_371 = arith.constant 8 : i32
    %add3A_372 = arith.addi %mul3A_370, %add3A_371 : i32
    %dma_start3A_373 = arith.constant 0 : i32
    %dma_start3A_374 = tpu.memref_slice %arg5[%dma_start3A_373] : memref<160000xi32, #tpu.memory_space<hbm>> -> memref<3200xi32, #tpu.memory_space<hbm>>
    %dma_start3A_375 = arith.constant 0 : i32
    %dma_start3A_376 = tpu.memref_slice %arg5[%dma_start3A_375] : memref<160000xi32, #tpu.memory_space<hbm>> -> memref<3200xi32, #tpu.memory_space<hbm>>
    tpu.enqueue_dma source(%dma_start3A_376 : memref<3200xi32, #tpu.memory_space<hbm>>) target(%arg12 : memref<3200xi32, #tpu.memory_space<vmem>>) target_semaphore(%arg19 : memref<!tpu.dma_semaphore, #tpu.memory_space<semaphore_mem>>)
    %dma_start3A_377 = arith.constant 0 : i32
    %dma_start3A_378 = tpu.memref_slice %arg6[%dma_start3A_377] : memref<160000xi32, #tpu.memory_space<hbm>> -> memref<3200xi32, #tpu.memory_space<hbm>>
    %dma_start3A_379 = arith.constant 0 : i32
    %dma_start3A_380 = tpu.memref_slice %arg6[%dma_start3A_379] : memref<160000xi32, #tpu.memory_space<hbm>> -> memref<3200xi32, #tpu.memory_space<hbm>>
    tpu.enqueue_dma source(%dma_start3A_380 : memref<3200xi32, #tpu.memory_space<hbm>>) target(%arg13 : memref<3200xi32, #tpu.memory_space<vmem>>) target_semaphore(%arg19 : memref<!tpu.dma_semaphore, #tpu.memory_space<semaphore_mem>>)
    %dma_start3A_381 = arith.constant 0 : i32
    %dma_start3A_382 = tpu.memref_slice %arg4[%dma_start3A_381] : memref<160000xf32, #tpu.memory_space<hbm>> -> memref<3200xf32, #tpu.memory_space<hbm>>
    %dma_start3A_383 = arith.constant 0 : i32
    %dma_start3A_384 = tpu.memref_slice %arg4[%dma_start3A_383] : memref<160000xf32, #tpu.memory_space<hbm>> -> memref<3200xf32, #tpu.memory_space<hbm>>
    tpu.enqueue_dma source(%dma_start3A_384 : memref<3200xf32, #tpu.memory_space<hbm>>) target(%arg14 : memref<3200xf32, #tpu.memory_space<vmem>>) target_semaphore(%arg19 : memref<!tpu.dma_semaphore, #tpu.memory_space<semaphore_mem>>)
    %dma_start3A_385 = arith.constant 3200 : i32
    %dma_start3A_386 = tpu.memref_slice %arg5[%dma_start3A_385] : memref<160000xi32, #tpu.memory_space<hbm>> -> memref<3200xi32, #tpu.memory_space<hbm>>
    %dma_start3A_387 = arith.constant 3200 : i32
    %dma_start3A_388 = tpu.memref_slice %arg5[%dma_start3A_387] : memref<160000xi32, #tpu.memory_space<hbm>> -> memref<3200xi32, #tpu.memory_space<hbm>>
    tpu.enqueue_dma source(%dma_start3A_388 : memref<3200xi32, #tpu.memory_space<hbm>>) target(%arg15 : memref<3200xi32, #tpu.memory_space<vmem>>) target_semaphore(%arg20 : memref<!tpu.dma_semaphore, #tpu.memory_space<semaphore_mem>>)
    %dma_start3A_389 = arith.constant 3200 : i32
    %dma_start3A_390 = tpu.memref_slice %arg6[%dma_start3A_389] : memref<160000xi32, #tpu.memory_space<hbm>> -> memref<3200xi32, #tpu.memory_space<hbm>>
    %dma_start3A_391 = arith.constant 3200 : i32
    %dma_start3A_392 = tpu.memref_slice %arg6[%dma_start3A_391] : memref<160000xi32, #tpu.memory_space<hbm>> -> memref<3200xi32, #tpu.memory_space<hbm>>
    tpu.enqueue_dma source(%dma_start3A_392 : memref<3200xi32, #tpu.memory_space<hbm>>) target(%arg16 : memref<3200xi32, #tpu.memory_space<vmem>>) target_semaphore(%arg20 : memref<!tpu.dma_semaphore, #tpu.memory_space<semaphore_mem>>)
    %dma_start3A_393 = arith.constant 3200 : i32
    %dma_start3A_394 = tpu.memref_slice %arg4[%dma_start3A_393] : memref<160000xf32, #tpu.memory_space<hbm>> -> memref<3200xf32, #tpu.memory_space<hbm>>
    %dma_start3A_395 = arith.constant 3200 : i32
    %dma_start3A_396 = tpu.memref_slice %arg4[%dma_start3A_395] : memref<160000xf32, #tpu.memory_space<hbm>> -> memref<3200xf32, #tpu.memory_space<hbm>>
    tpu.enqueue_dma source(%dma_start3A_396 : memref<3200xf32, #tpu.memory_space<hbm>>) target(%arg17 : memref<3200xf32, #tpu.memory_space<vmem>>) target_semaphore(%arg20 : memref<!tpu.dma_semaphore, #tpu.memory_space<semaphore_mem>>)
    %mul3A_397 = arith.constant 2 : i32
    %mul3A_398 = arith.muli %mul3A_397, %add3A_372 : i32
    %mul3A_399 = arith.constant 10000 : i32
    %mul3A_400 = arith.muli %mul3A_398, %mul3A_399 : i32
    %dma_start3A_401 = tpu.memref_slice %arg2[%mul3A_400] : memref<10240000xf32, #tpu.memory_space<hbm>> -> memref<10000xf32, #tpu.memory_space<hbm>>
    %dma_start3A_402 = tpu.memref_slice %arg2[%mul3A_400] : memref<10240000xf32, #tpu.memory_space<hbm>> -> memref<10000xf32, #tpu.memory_space<hbm>>
    tpu.enqueue_dma source(%dma_start3A_402 : memref<10000xf32, #tpu.memory_space<hbm>>) target(%arg9 : memref<10000xf32, #tpu.memory_space<vmem>>) target_semaphore(%arg21 : memref<!tpu.dma_semaphore, #tpu.memory_space<semaphore_mem>>)
    %add3A_403 = arith.constant 0 : i32
    %add3A_404 = arith.addi %add3A_372, %add3A_403 : i32
    %dma_wait3A_405 = arith.constant 0 : i32
    %dma_wait3A_406 = tpu.memref_slice %arg2[%dma_wait3A_405] : memref<10240000xf32, #tpu.memory_space<hbm>> -> memref<10000xf32, #tpu.memory_space<hbm>>
    %dma_wait3A_407 = arith.constant 0 : i32
    %dma_wait3A_408 = tpu.memref_slice %arg2[%dma_wait3A_407] : memref<10240000xf32, #tpu.memory_space<hbm>> -> memref<10000xf32, #tpu.memory_space<hbm>>
    tpu.wait_dma2 semaphore(%arg21 : memref<!tpu.dma_semaphore, #tpu.memory_space<semaphore_mem>>) src(%dma_wait3A_408 : memref<10000xf32, #tpu.memory_space<hbm>>) dst(%arg9 : memref<10000xf32, #tpu.memory_space<vmem>>)
    %mul3A_409 = arith.constant 2 : i32
    %mul3A_410 = arith.muli %mul3A_409, %add3A_404 : i32
    %add3A_411 = arith.constant 1 : i32
    %add3A_412 = arith.addi %mul3A_410, %add3A_411 : i32
    %mul3A_413 = arith.constant 10000 : i32
    %mul3A_414 = arith.muli %add3A_412, %mul3A_413 : i32
    %dma_start3A_415 = tpu.memref_slice %arg2[%mul3A_414] : memref<10240000xf32, #tpu.memory_space<hbm>> -> memref<10000xf32, #tpu.memory_space<hbm>>
    %dma_start3A_416 = tpu.memref_slice %arg2[%mul3A_414] : memref<10240000xf32, #tpu.memory_space<hbm>> -> memref<10000xf32, #tpu.memory_space<hbm>>
    tpu.enqueue_dma source(%dma_start3A_416 : memref<10000xf32, #tpu.memory_space<hbm>>) target(%arg10 : memref<10000xf32, #tpu.memory_space<vmem>>) target_semaphore(%arg21 : memref<!tpu.dma_semaphore, #tpu.memory_space<semaphore_mem>>)
    %parallel_loop3A_417 = arith.constant 0 : i32
    %parallel_loop3A_418 = arith.constant 625 : i32
    %parallel_loop3A_419 = arith.constant 1 : i32
    scf.for %parallel_loop3A_910 = %parallel_loop3A_417 to %parallel_loop3A_418 step %parallel_loop3A_419  : i32 {
      %parallel_loop3A_911 = arith.constant 16 : i32
      %parallel_loop3A_912 = arith.muli %parallel_loop3A_910, %parallel_loop3A_911 : i32
      %parallel_loop3A_913 = arith.index_cast %parallel_loop3A_912 : i32 to index
      %parallel_loop3A_914 = tpu.vector_load %arg9[%parallel_loop3A_913] {strides = array<i32>} : memref<10000xf32, #tpu.memory_space<vmem>>, vector<16xf32>,
      %parallel_loop3A_915 = vector.bitcast %parallel_loop3A_914 : vector<16xf32> to vector<16xi32>
      %parallel_loop3A_916 = arith.constant 32768 : i32
      %parallel_loop3A_917 = vector.broadcast %parallel_loop3A_916 : i32 to vector<16xi32>
      %parallel_loop3A_918 = arith.addi %parallel_loop3A_915, %parallel_loop3A_917 : vector<16xi32>
      %parallel_loop3A_919 = arith.constant -65536 : i32
      %parallel_loop3A_920 = vector.broadcast %parallel_loop3A_919 : i32 to vector<16xi32>
      %parallel_loop3A_921 = arith.andi %parallel_loop3A_918, %parallel_loop3A_920 : vector<16xi32>
      %parallel_loop3A_922 = arith.constant 0 : i32
      %parallel_loop3A_923 = arith.addi %parallel_loop3A_922, %parallel_loop3A_912 : i32
      %parallel_loop3A_924 = arith.index_cast %parallel_loop3A_923 : i32 to index
      %parallel_loop3A_925 = tpu.vector_load %arg8[%parallel_loop3A_924] {strides = array<i32>} : memref<80000xi32, #tpu.memory_space<vmem>>, vector<16xi32>,
      tpu.vector_store %arg8[%parallel_loop3A_924], %parallel_loop3A_921 {strides = array<i32>} : memref<80000xi32, #tpu.memory_space<vmem>>, vector<16xi32>,
    } {sc.loop_unroll_factor = 4 : i64, sc.parallel_access}
    %dma_wait3A_420 = arith.constant 0 : i32
    %dma_wait3A_421 = tpu.memref_slice %arg2[%dma_wait3A_420] : memref<10240000xf32, #tpu.memory_space<hbm>> -> memref<10000xf32, #tpu.memory_space<hbm>>
    %dma_wait3A_422 = arith.constant 0 : i32
    %dma_wait3A_423 = tpu.memref_slice %arg2[%dma_wait3A_422] : memref<10240000xf32, #tpu.memory_space<hbm>> -> memref<10000xf32, #tpu.memory_space<hbm>>
    tpu.wait_dma2 semaphore(%arg21 : memref<!tpu.dma_semaphore, #tpu.memory_space<semaphore_mem>>) src(%dma_wait3A_423 : memref<10000xf32, #tpu.memory_space<hbm>>) dst(%arg10 : memref<10000xf32, #tpu.memory_space<vmem>>)
    %mul3A_424 = arith.constant 2 : i32
    %mul3A_425 = arith.muli %mul3A_424, %add3A_404 : i32
    %add3A_426 = arith.constant 2 : i32
    %add3A_427 = arith.addi %mul3A_425, %add3A_426 : i32
    %mul3A_428 = arith.constant 10000 : i32
    %mul3A_429 = arith.muli %add3A_427, %mul3A_428 : i32
    %dma_start3A_430 = tpu.memref_slice %arg2[%mul3A_429] : memref<10240000xf32, #tpu.memory_space<hbm>> -> memref<10000xf32, #tpu.memory_space<hbm>>
    %dma_start3A_431 = tpu.memref_slice %arg2[%mul3A_429] : memref<10240000xf32, #tpu.memory_space<hbm>> -> memref<10000xf32, #tpu.memory_space<hbm>>
    tpu.enqueue_dma source(%dma_start3A_431 : memref<10000xf32, #tpu.memory_space<hbm>>) target(%arg9 : memref<10000xf32, #tpu.memory_space<vmem>>) target_semaphore(%arg21 : memref<!tpu.dma_semaphore, #tpu.memory_space<semaphore_mem>>)
    %parallel_loop3A_432 = arith.constant 0 : i32
    %parallel_loop3A_433 = arith.constant 625 : i32
    %parallel_loop3A_434 = arith.constant 1 : i32
    scf.for %parallel_loop3A_910 = %parallel_loop3A_432 to %parallel_loop3A_433 step %parallel_loop3A_434  : i32 {
      %parallel_loop3A_911 = arith.constant 16 : i32
      %parallel_loop3A_912 = arith.muli %parallel_loop3A_910, %parallel_loop3A_911 : i32
      %parallel_loop3A_913 = arith.index_cast %parallel_loop3A_912 : i32 to index
      %parallel_loop3A_914 = tpu.vector_load %arg10[%parallel_loop3A_913] {strides = array<i32>} : memref<10000xf32, #tpu.memory_space<vmem>>, vector<16xf32>,
      %parallel_loop3A_915 = vector.bitcast %parallel_loop3A_914 : vector<16xf32> to vector<16xi32>
      %parallel_loop3A_916 = arith.constant 32768 : i32
      %parallel_loop3A_917 = vector.broadcast %parallel_loop3A_916 : i32 to vector<16xi32>
      %parallel_loop3A_918 = arith.addi %parallel_loop3A_915, %parallel_loop3A_917 : vector<16xi32>
      %parallel_loop3A_919 = arith.constant 16 : i32
      %parallel_loop3A_920 = vector.broadcast %parallel_loop3A_919 : i32 to vector<16xi32>
      %parallel_loop3A_921 = arith.shrui %parallel_loop3A_918, %parallel_loop3A_920 : vector<16xi32>
      %parallel_loop3A_922 = arith.constant 0 : i32
      %parallel_loop3A_923 = arith.addi %parallel_loop3A_922, %parallel_loop3A_912 : i32
      %parallel_loop3A_924 = arith.index_cast %parallel_loop3A_923 : i32 to index
      %parallel_loop3A_925 = tpu.vector_load %arg8[%parallel_loop3A_924] {strides = array<i32>} : memref<80000xi32, #tpu.memory_space<vmem>>, vector<16xi32>,
      %parallel_loop3A_926 = arith.ori %parallel_loop3A_925, %parallel_loop3A_921 : vector<16xi32>
      %parallel_loop3A_927 = arith.index_cast %parallel_loop3A_923 : i32 to index
      %parallel_loop3A_928 = tpu.vector_load %arg8[%parallel_loop3A_927] {strides = array<i32>} : memref<80000xi32, #tpu.memory_space<vmem>>, vector<16xi32>,
      tpu.vector_store %arg8[%parallel_loop3A_927], %parallel_loop3A_926 {strides = array<i32>} : memref<80000xi32, #tpu.memory_space<vmem>>, vector<16xi32>,
    } {sc.loop_unroll_factor = 4 : i64, sc.parallel_access}
    %add3A_435 = arith.constant 1 : i32
    %add3A_436 = arith.addi %add3A_372, %add3A_435 : i32
    %dma_wait3A_437 = arith.constant 0 : i32
    %dma_wait3A_438 = tpu.memref_slice %arg2[%dma_wait3A_437] : memref<10240000xf32, #tpu.memory_space<hbm>> -> memref<10000xf32, #tpu.memory_space<hbm>>
    %dma_wait3A_439 = arith.constant 0 : i32
    %dma_wait3A_440 = tpu.memref_slice %arg2[%dma_wait3A_439] : memref<10240000xf32, #tpu.memory_space<hbm>> -> memref<10000xf32, #tpu.memory_space<hbm>>
    tpu.wait_dma2 semaphore(%arg21 : memref<!tpu.dma_semaphore, #tpu.memory_space<semaphore_mem>>) src(%dma_wait3A_440 : memref<10000xf32, #tpu.memory_space<hbm>>) dst(%arg9 : memref<10000xf32, #tpu.memory_space<vmem>>)
    %mul3A_441 = arith.constant 2 : i32
    %mul3A_442 = arith.muli %mul3A_441, %add3A_436 : i32
    %add3A_443 = arith.constant 1 : i32
    %add3A_444 = arith.addi %mul3A_442, %add3A_443 : i32
    %mul3A_445 = arith.constant 10000 : i32
    %mul3A_446 = arith.muli %add3A_444, %mul3A_445 : i32
    %dma_start3A_447 = tpu.memref_slice %arg2[%mul3A_446] : memref<10240000xf32, #tpu.memory_space<hbm>> -> memref<10000xf32, #tpu.memory_space<hbm>>
    %dma_start3A_448 = tpu.memref_slice %arg2[%mul3A_446] : memref<10240000xf32, #tpu.memory_space<hbm>> -> memref<10000xf32, #tpu.memory_space<hbm>>
    tpu.enqueue_dma source(%dma_start3A_448 : memref<10000xf32, #tpu.memory_space<hbm>>) target(%arg10 : memref<10000xf32, #tpu.memory_space<vmem>>) target_semaphore(%arg21 : memref<!tpu.dma_semaphore, #tpu.memory_space<semaphore_mem>>)
    %parallel_loop3A_449 = arith.constant 0 : i32
    %parallel_loop3A_450 = arith.constant 625 : i32
    %parallel_loop3A_451 = arith.constant 1 : i32
    scf.for %parallel_loop3A_910 = %parallel_loop3A_449 to %parallel_loop3A_450 step %parallel_loop3A_451  : i32 {
      %parallel_loop3A_911 = arith.constant 16 : i32
      %parallel_loop3A_912 = arith.muli %parallel_loop3A_910, %parallel_loop3A_911 : i32
      %parallel_loop3A_913 = arith.index_cast %parallel_loop3A_912 : i32 to index
      %parallel_loop3A_914 = tpu.vector_load %arg9[%parallel_loop3A_913] {strides = array<i32>} : memref<10000xf32, #tpu.memory_space<vmem>>, vector<16xf32>,
      %parallel_loop3A_915 = vector.bitcast %parallel_loop3A_914 : vector<16xf32> to vector<16xi32>
      %parallel_loop3A_916 = arith.constant 32768 : i32
      %parallel_loop3A_917 = vector.broadcast %parallel_loop3A_916 : i32 to vector<16xi32>
      %parallel_loop3A_918 = arith.addi %parallel_loop3A_915, %parallel_loop3A_917 : vector<16xi32>
      %parallel_loop3A_919 = arith.constant -65536 : i32
      %parallel_loop3A_920 = vector.broadcast %parallel_loop3A_919 : i32 to vector<16xi32>
      %parallel_loop3A_921 = arith.andi %parallel_loop3A_918, %parallel_loop3A_920 : vector<16xi32>
      %parallel_loop3A_922 = arith.constant 10000 : i32
      %parallel_loop3A_923 = arith.addi %parallel_loop3A_922, %parallel_loop3A_912 : i32
      %parallel_loop3A_924 = arith.index_cast %parallel_loop3A_923 : i32 to index
      %parallel_loop3A_925 = tpu.vector_load %arg8[%parallel_loop3A_924] {strides = array<i32>} : memref<80000xi32, #tpu.memory_space<vmem>>, vector<16xi32>,
      tpu.vector_store %arg8[%parallel_loop3A_924], %parallel_loop3A_921 {strides = array<i32>} : memref<80000xi32, #tpu.memory_space<vmem>>, vector<16xi32>,
    } {sc.loop_unroll_factor = 4 : i64, sc.parallel_access}
    %dma_wait3A_452 = arith.constant 0 : i32
    %dma_wait3A_453 = tpu.memref_slice %arg2[%dma_wait3A_452] : memref<10240000xf32, #tpu.memory_space<hbm>> -> memref<10000xf32, #tpu.memory_space<hbm>>
    %dma_wait3A_454 = arith.constant 0 : i32
    %dma_wait3A_455 = tpu.memref_slice %arg2[%dma_wait3A_454] : memref<10240000xf32, #tpu.memory_space<hbm>> -> memref<10000xf32, #tpu.memory_space<hbm>>
    tpu.wait_dma2 semaphore(%arg21 : memref<!tpu.dma_semaphore, #tpu.memory_space<semaphore_mem>>) src(%dma_wait3A_455 : memref<10000xf32, #tpu.memory_space<hbm>>) dst(%arg10 : memref<10000xf32, #tpu.memory_space<vmem>>)
    %mul3A_456 = arith.constant 2 : i32
    %mul3A_457 = arith.muli %mul3A_456, %add3A_436 : i32
    %add3A_458 = arith.constant 2 : i32
    %add3A_459 = arith.addi %mul3A_457, %add3A_458 : i32
    %mul3A_460 = arith.constant 10000 : i32
    %mul3A_461 = arith.muli %add3A_459, %mul3A_460 : i32
    %dma_start3A_462 = tpu.memref_slice %arg2[%mul3A_461] : memref<10240000xf32, #tpu.memory_space<hbm>> -> memref<10000xf32, #tpu.memory_space<hbm>>
    %dma_start3A_463 = tpu.memref_slice %arg2[%mul3A_461] : memref<10240000xf32, #tpu.memory_space<hbm>> -> memref<10000xf32, #tpu.memory_space<hbm>>
    tpu.enqueue_dma source(%dma_start3A_463 : memref<10000xf32, #tpu.memory_space<hbm>>) target(%arg9 : memref<10000xf32, #tpu.memory_space<vmem>>) target_semaphore(%arg21 : memref<!tpu.dma_semaphore, #tpu.memory_space<semaphore_mem>>)
    %parallel_loop3A_464 = arith.constant 0 : i32
    %parallel_loop3A_465 = arith.constant 625 : i32
    %parallel_loop3A_466 = arith.constant 1 : i32
    scf.for %parallel_loop3A_910 = %parallel_loop3A_464 to %parallel_loop3A_465 step %parallel_loop3A_466  : i32 {
      %parallel_loop3A_911 = arith.constant 16 : i32
      %parallel_loop3A_912 = arith.muli %parallel_loop3A_910, %parallel_loop3A_911 : i32
      %parallel_loop3A_913 = arith.index_cast %parallel_loop3A_912 : i32 to index
      %parallel_loop3A_914 = tpu.vector_load %arg10[%parallel_loop3A_913] {strides = array<i32>} : memref<10000xf32, #tpu.memory_space<vmem>>, vector<16xf32>,
      %parallel_loop3A_915 = vector.bitcast %parallel_loop3A_914 : vector<16xf32> to vector<16xi32>
      %parallel_loop3A_916 = arith.constant 32768 : i32
      %parallel_loop3A_917 = vector.broadcast %parallel_loop3A_916 : i32 to vector<16xi32>
      %parallel_loop3A_918 = arith.addi %parallel_loop3A_915, %parallel_loop3A_917 : vector<16xi32>
      %parallel_loop3A_919 = arith.constant 16 : i32
      %parallel_loop3A_920 = vector.broadcast %parallel_loop3A_919 : i32 to vector<16xi32>
      %parallel_loop3A_921 = arith.shrui %parallel_loop3A_918, %parallel_loop3A_920 : vector<16xi32>
      %parallel_loop3A_922 = arith.constant 10000 : i32
      %parallel_loop3A_923 = arith.addi %parallel_loop3A_922, %parallel_loop3A_912 : i32
      %parallel_loop3A_924 = arith.index_cast %parallel_loop3A_923 : i32 to index
      %parallel_loop3A_925 = tpu.vector_load %arg8[%parallel_loop3A_924] {strides = array<i32>} : memref<80000xi32, #tpu.memory_space<vmem>>, vector<16xi32>,
      %parallel_loop3A_926 = arith.ori %parallel_loop3A_925, %parallel_loop3A_921 : vector<16xi32>
      %parallel_loop3A_927 = arith.index_cast %parallel_loop3A_923 : i32 to index
      %parallel_loop3A_928 = tpu.vector_load %arg8[%parallel_loop3A_927] {strides = array<i32>} : memref<80000xi32, #tpu.memory_space<vmem>>, vector<16xi32>,
      tpu.vector_store %arg8[%parallel_loop3A_927], %parallel_loop3A_926 {strides = array<i32>} : memref<80000xi32, #tpu.memory_space<vmem>>, vector<16xi32>,
    } {sc.loop_unroll_factor = 4 : i64, sc.parallel_access}
    %add3A_467 = arith.constant 2 : i32
    %add3A_468 = arith.addi %add3A_372, %add3A_467 : i32
    %dma_wait3A_469 = arith.constant 0 : i32
    %dma_wait3A_470 = tpu.memref_slice %arg2[%dma_wait3A_469] : memref<10240000xf32, #tpu.memory_space<hbm>> -> memref<10000xf32, #tpu.memory_space<hbm>>
    %dma_wait3A_471 = arith.constant 0 : i32
    %dma_wait3A_472 = tpu.memref_slice %arg2[%dma_wait3A_471] : memref<10240000xf32, #tpu.memory_space<hbm>> -> memref<10000xf32, #tpu.memory_space<hbm>>
    tpu.wait_dma2 semaphore(%arg21 : memref<!tpu.dma_semaphore, #tpu.memory_space<semaphore_mem>>) src(%dma_wait3A_472 : memref<10000xf32, #tpu.memory_space<hbm>>) dst(%arg9 : memref<10000xf32, #tpu.memory_space<vmem>>)
    %mul3A_473 = arith.constant 2 : i32
    %mul3A_474 = arith.muli %mul3A_473, %add3A_468 : i32
    %add3A_475 = arith.constant 1 : i32
    %add3A_476 = arith.addi %mul3A_474, %add3A_475 : i32
    %mul3A_477 = arith.constant 10000 : i32
    %mul3A_478 = arith.muli %add3A_476, %mul3A_477 : i32
    %dma_start3A_479 = tpu.memref_slice %arg2[%mul3A_478] : memref<10240000xf32, #tpu.memory_space<hbm>> -> memref<10000xf32, #tpu.memory_space<hbm>>
    %dma_start3A_480 = tpu.memref_slice %arg2[%mul3A_478] : memref<10240000xf32, #tpu.memory_space<hbm>> -> memref<10000xf32, #tpu.memory_space<hbm>>
    tpu.enqueue_dma source(%dma_start3A_480 : memref<10000xf32, #tpu.memory_space<hbm>>) target(%arg10 : memref<10000xf32, #tpu.memory_space<vmem>>) target_semaphore(%arg21 : memref<!tpu.dma_semaphore, #tpu.memory_space<semaphore_mem>>)
    %parallel_loop3A_481 = arith.constant 0 : i32
    %parallel_loop3A_482 = arith.constant 625 : i32
    %parallel_loop3A_483 = arith.constant 1 : i32
    scf.for %parallel_loop3A_910 = %parallel_loop3A_481 to %parallel_loop3A_482 step %parallel_loop3A_483  : i32 {
      %parallel_loop3A_911 = arith.constant 16 : i32
      %parallel_loop3A_912 = arith.muli %parallel_loop3A_910, %parallel_loop3A_911 : i32
      %parallel_loop3A_913 = arith.index_cast %parallel_loop3A_912 : i32 to index
      %parallel_loop3A_914 = tpu.vector_load %arg9[%parallel_loop3A_913] {strides = array<i32>} : memref<10000xf32, #tpu.memory_space<vmem>>, vector<16xf32>,
      %parallel_loop3A_915 = vector.bitcast %parallel_loop3A_914 : vector<16xf32> to vector<16xi32>
      %parallel_loop3A_916 = arith.constant 32768 : i32
      %parallel_loop3A_917 = vector.broadcast %parallel_loop3A_916 : i32 to vector<16xi32>
      %parallel_loop3A_918 = arith.addi %parallel_loop3A_915, %parallel_loop3A_917 : vector<16xi32>
      %parallel_loop3A_919 = arith.constant -65536 : i32
      %parallel_loop3A_920 = vector.broadcast %parallel_loop3A_919 : i32 to vector<16xi32>
      %parallel_loop3A_921 = arith.andi %parallel_loop3A_918, %parallel_loop3A_920 : vector<16xi32>
      %parallel_loop3A_922 = arith.constant 20000 : i32
      %parallel_loop3A_923 = arith.addi %parallel_loop3A_922, %parallel_loop3A_912 : i32
      %parallel_loop3A_924 = arith.index_cast %parallel_loop3A_923 : i32 to index
      %parallel_loop3A_925 = tpu.vector_load %arg8[%parallel_loop3A_924] {strides = array<i32>} : memref<80000xi32, #tpu.memory_space<vmem>>, vector<16xi32>,
      tpu.vector_store %arg8[%parallel_loop3A_924], %parallel_loop3A_921 {strides = array<i32>} : memref<80000xi32, #tpu.memory_space<vmem>>, vector<16xi32>,
    } {sc.loop_unroll_factor = 4 : i64, sc.parallel_access}
    %dma_wait3A_484 = arith.constant 0 : i32
    %dma_wait3A_485 = tpu.memref_slice %arg2[%dma_wait3A_484] : memref<10240000xf32, #tpu.memory_space<hbm>> -> memref<10000xf32, #tpu.memory_space<hbm>>
    %dma_wait3A_486 = arith.constant 0 : i32
    %dma_wait3A_487 = tpu.memref_slice %arg2[%dma_wait3A_486] : memref<10240000xf32, #tpu.memory_space<hbm>> -> memref<10000xf32, #tpu.memory_space<hbm>>
    tpu.wait_dma2 semaphore(%arg21 : memref<!tpu.dma_semaphore, #tpu.memory_space<semaphore_mem>>) src(%dma_wait3A_487 : memref<10000xf32, #tpu.memory_space<hbm>>) dst(%arg10 : memref<10000xf32, #tpu.memory_space<vmem>>)
    %mul3A_488 = arith.constant 2 : i32
    %mul3A_489 = arith.muli %mul3A_488, %add3A_468 : i32
    %add3A_490 = arith.constant 2 : i32
    %add3A_491 = arith.addi %mul3A_489, %add3A_490 : i32
    %mul3A_492 = arith.constant 10000 : i32
    %mul3A_493 = arith.muli %add3A_491, %mul3A_492 : i32
    %dma_start3A_494 = tpu.memref_slice %arg2[%mul3A_493] : memref<10240000xf32, #tpu.memory_space<hbm>> -> memref<10000xf32, #tpu.memory_space<hbm>>
    %dma_start3A_495 = tpu.memref_slice %arg2[%mul3A_493] : memref<10240000xf32, #tpu.memory_space<hbm>> -> memref<10000xf32, #tpu.memory_space<hbm>>
    tpu.enqueue_dma source(%dma_start3A_495 : memref<10000xf32, #tpu.memory_space<hbm>>) target(%arg9 : memref<10000xf32, #tpu.memory_space<vmem>>) target_semaphore(%arg21 : memref<!tpu.dma_semaphore, #tpu.memory_space<semaphore_mem>>)
    %parallel_loop3A_496 = arith.constant 0 : i32
    %parallel_loop3A_497 = arith.constant 625 : i32
    %parallel_loop3A_498 = arith.constant 1 : i32
    scf.for %parallel_loop3A_910 = %parallel_loop3A_496 to %parallel_loop3A_497 step %parallel_loop3A_498  : i32 {
      %parallel_loop3A_911 = arith.constant 16 : i32
      %parallel_loop3A_912 = arith.muli %parallel_loop3A_910, %parallel_loop3A_911 : i32
      %parallel_loop3A_913 = arith.index_cast %parallel_loop3A_912 : i32 to index
      %parallel_loop3A_914 = tpu.vector_load %arg10[%parallel_loop3A_913] {strides = array<i32>} : memref<10000xf32, #tpu.memory_space<vmem>>, vector<16xf32>,
      %parallel_loop3A_915 = vector.bitcast %parallel_loop3A_914 : vector<16xf32> to vector<16xi32>
      %parallel_loop3A_916 = arith.constant 32768 : i32
      %parallel_loop3A_917 = vector.broadcast %parallel_loop3A_916 : i32 to vector<16xi32>
      %parallel_loop3A_918 = arith.addi %parallel_loop3A_915, %parallel_loop3A_917 : vector<16xi32>
      %parallel_loop3A_919 = arith.constant 16 : i32
      %parallel_loop3A_920 = vector.broadcast %parallel_loop3A_919 : i32 to vector<16xi32>
      %parallel_loop3A_921 = arith.shrui %parallel_loop3A_918, %parallel_loop3A_920 : vector<16xi32>
      %parallel_loop3A_922 = arith.constant 20000 : i32
      %parallel_loop3A_923 = arith.addi %parallel_loop3A_922, %parallel_loop3A_912 : i32
      %parallel_loop3A_924 = arith.index_cast %parallel_loop3A_923 : i32 to index
      %parallel_loop3A_925 = tpu.vector_load %arg8[%parallel_loop3A_924] {strides = array<i32>} : memref<80000xi32, #tpu.memory_space<vmem>>, vector<16xi32>,
      %parallel_loop3A_926 = arith.ori %parallel_loop3A_925, %parallel_loop3A_921 : vector<16xi32>
      %parallel_loop3A_927 = arith.index_cast %parallel_loop3A_923 : i32 to index
      %parallel_loop3A_928 = tpu.vector_load %arg8[%parallel_loop3A_927] {strides = array<i32>} : memref<80000xi32, #tpu.memory_space<vmem>>, vector<16xi32>,
      tpu.vector_store %arg8[%parallel_loop3A_927], %parallel_loop3A_926 {strides = array<i32>} : memref<80000xi32, #tpu.memory_space<vmem>>, vector<16xi32>,
    } {sc.loop_unroll_factor = 4 : i64, sc.parallel_access}
    %add3A_499 = arith.constant 3 : i32
    %add3A_500 = arith.addi %add3A_372, %add3A_499 : i32
    %dma_wait3A_501 = arith.constant 0 : i32
    %dma_wait3A_502 = tpu.memref_slice %arg2[%dma_wait3A_501] : memref<10240000xf32, #tpu.memory_space<hbm>> -> memref<10000xf32, #tpu.memory_space<hbm>>
    %dma_wait3A_503 = arith.constant 0 : i32
    %dma_wait3A_504 = tpu.memref_slice %arg2[%dma_wait3A_503] : memref<10240000xf32, #tpu.memory_space<hbm>> -> memref<10000xf32, #tpu.memory_space<hbm>>
    tpu.wait_dma2 semaphore(%arg21 : memref<!tpu.dma_semaphore, #tpu.memory_space<semaphore_mem>>) src(%dma_wait3A_504 : memref<10000xf32, #tpu.memory_space<hbm>>) dst(%arg9 : memref<10000xf32, #tpu.memory_space<vmem>>)
    %mul3A_505 = arith.constant 2 : i32
    %mul3A_506 = arith.muli %mul3A_505, %add3A_500 : i32
    %add3A_507 = arith.constant 1 : i32
    %add3A_508 = arith.addi %mul3A_506, %add3A_507 : i32
    %mul3A_509 = arith.constant 10000 : i32
    %mul3A_510 = arith.muli %add3A_508, %mul3A_509 : i32
    %dma_start3A_511 = tpu.memref_slice %arg2[%mul3A_510] : memref<10240000xf32, #tpu.memory_space<hbm>> -> memref<10000xf32, #tpu.memory_space<hbm>>
    %dma_start3A_512 = tpu.memref_slice %arg2[%mul3A_510] : memref<10240000xf32, #tpu.memory_space<hbm>> -> memref<10000xf32, #tpu.memory_space<hbm>>
    tpu.enqueue_dma source(%dma_start3A_512 : memref<10000xf32, #tpu.memory_space<hbm>>) target(%arg10 : memref<10000xf32, #tpu.memory_space<vmem>>) target_semaphore(%arg21 : memref<!tpu.dma_semaphore, #tpu.memory_space<semaphore_mem>>)
    %parallel_loop3A_513 = arith.constant 0 : i32
    %parallel_loop3A_514 = arith.constant 625 : i32
    %parallel_loop3A_515 = arith.constant 1 : i32
    scf.for %parallel_loop3A_910 = %parallel_loop3A_513 to %parallel_loop3A_514 step %parallel_loop3A_515  : i32 {
      %parallel_loop3A_911 = arith.constant 16 : i32
      %parallel_loop3A_912 = arith.muli %parallel_loop3A_910, %parallel_loop3A_911 : i32
      %parallel_loop3A_913 = arith.index_cast %parallel_loop3A_912 : i32 to index
      %parallel_loop3A_914 = tpu.vector_load %arg9[%parallel_loop3A_913] {strides = array<i32>} : memref<10000xf32, #tpu.memory_space<vmem>>, vector<16xf32>,
      %parallel_loop3A_915 = vector.bitcast %parallel_loop3A_914 : vector<16xf32> to vector<16xi32>
      %parallel_loop3A_916 = arith.constant 32768 : i32
      %parallel_loop3A_917 = vector.broadcast %parallel_loop3A_916 : i32 to vector<16xi32>
      %parallel_loop3A_918 = arith.addi %parallel_loop3A_915, %parallel_loop3A_917 : vector<16xi32>
      %parallel_loop3A_919 = arith.constant -65536 : i32
      %parallel_loop3A_920 = vector.broadcast %parallel_loop3A_919 : i32 to vector<16xi32>
      %parallel_loop3A_921 = arith.andi %parallel_loop3A_918, %parallel_loop3A_920 : vector<16xi32>
      %parallel_loop3A_922 = arith.constant 30000 : i32
      %parallel_loop3A_923 = arith.addi %parallel_loop3A_922, %parallel_loop3A_912 : i32
      %parallel_loop3A_924 = arith.index_cast %parallel_loop3A_923 : i32 to index
      %parallel_loop3A_925 = tpu.vector_load %arg8[%parallel_loop3A_924] {strides = array<i32>} : memref<80000xi32, #tpu.memory_space<vmem>>, vector<16xi32>,
      tpu.vector_store %arg8[%parallel_loop3A_924], %parallel_loop3A_921 {strides = array<i32>} : memref<80000xi32, #tpu.memory_space<vmem>>, vector<16xi32>,
    } {sc.loop_unroll_factor = 4 : i64, sc.parallel_access}
    %dma_wait3A_516 = arith.constant 0 : i32
    %dma_wait3A_517 = tpu.memref_slice %arg2[%dma_wait3A_516] : memref<10240000xf32, #tpu.memory_space<hbm>> -> memref<10000xf32, #tpu.memory_space<hbm>>
    %dma_wait3A_518 = arith.constant 0 : i32
    %dma_wait3A_519 = tpu.memref_slice %arg2[%dma_wait3A_518] : memref<10240000xf32, #tpu.memory_space<hbm>> -> memref<10000xf32, #tpu.memory_space<hbm>>
    tpu.wait_dma2 semaphore(%arg21 : memref<!tpu.dma_semaphore, #tpu.memory_space<semaphore_mem>>) src(%dma_wait3A_519 : memref<10000xf32, #tpu.memory_space<hbm>>) dst(%arg10 : memref<10000xf32, #tpu.memory_space<vmem>>)
    %mul3A_520 = arith.constant 2 : i32
    %mul3A_521 = arith.muli %mul3A_520, %add3A_500 : i32
    %add3A_522 = arith.constant 2 : i32
    %add3A_523 = arith.addi %mul3A_521, %add3A_522 : i32
    %mul3A_524 = arith.constant 10000 : i32
    %mul3A_525 = arith.muli %add3A_523, %mul3A_524 : i32
    %dma_start3A_526 = tpu.memref_slice %arg2[%mul3A_525] : memref<10240000xf32, #tpu.memory_space<hbm>> -> memref<10000xf32, #tpu.memory_space<hbm>>
    %dma_start3A_527 = tpu.memref_slice %arg2[%mul3A_525] : memref<10240000xf32, #tpu.memory_space<hbm>> -> memref<10000xf32, #tpu.memory_space<hbm>>
    tpu.enqueue_dma source(%dma_start3A_527 : memref<10000xf32, #tpu.memory_space<hbm>>) target(%arg9 : memref<10000xf32, #tpu.memory_space<vmem>>) target_semaphore(%arg21 : memref<!tpu.dma_semaphore, #tpu.memory_space<semaphore_mem>>)
    %parallel_loop3A_528 = arith.constant 0 : i32
    %parallel_loop3A_529 = arith.constant 625 : i32
    %parallel_loop3A_530 = arith.constant 1 : i32
    scf.for %parallel_loop3A_910 = %parallel_loop3A_528 to %parallel_loop3A_529 step %parallel_loop3A_530  : i32 {
      %parallel_loop3A_911 = arith.constant 16 : i32
      %parallel_loop3A_912 = arith.muli %parallel_loop3A_910, %parallel_loop3A_911 : i32
      %parallel_loop3A_913 = arith.index_cast %parallel_loop3A_912 : i32 to index
      %parallel_loop3A_914 = tpu.vector_load %arg10[%parallel_loop3A_913] {strides = array<i32>} : memref<10000xf32, #tpu.memory_space<vmem>>, vector<16xf32>,
      %parallel_loop3A_915 = vector.bitcast %parallel_loop3A_914 : vector<16xf32> to vector<16xi32>
      %parallel_loop3A_916 = arith.constant 32768 : i32
      %parallel_loop3A_917 = vector.broadcast %parallel_loop3A_916 : i32 to vector<16xi32>
      %parallel_loop3A_918 = arith.addi %parallel_loop3A_915, %parallel_loop3A_917 : vector<16xi32>
      %parallel_loop3A_919 = arith.constant 16 : i32
      %parallel_loop3A_920 = vector.broadcast %parallel_loop3A_919 : i32 to vector<16xi32>
      %parallel_loop3A_921 = arith.shrui %parallel_loop3A_918, %parallel_loop3A_920 : vector<16xi32>
      %parallel_loop3A_922 = arith.constant 30000 : i32
      %parallel_loop3A_923 = arith.addi %parallel_loop3A_922, %parallel_loop3A_912 : i32
      %parallel_loop3A_924 = arith.index_cast %parallel_loop3A_923 : i32 to index
      %parallel_loop3A_925 = tpu.vector_load %arg8[%parallel_loop3A_924] {strides = array<i32>} : memref<80000xi32, #tpu.memory_space<vmem>>, vector<16xi32>,
      %parallel_loop3A_926 = arith.ori %parallel_loop3A_925, %parallel_loop3A_921 : vector<16xi32>
      %parallel_loop3A_927 = arith.index_cast %parallel_loop3A_923 : i32 to index
      %parallel_loop3A_928 = tpu.vector_load %arg8[%parallel_loop3A_927] {strides = array<i32>} : memref<80000xi32, #tpu.memory_space<vmem>>, vector<16xi32>,
      tpu.vector_store %arg8[%parallel_loop3A_927], %parallel_loop3A_926 {strides = array<i32>} : memref<80000xi32, #tpu.memory_space<vmem>>, vector<16xi32>,
    } {sc.loop_unroll_factor = 4 : i64, sc.parallel_access}
    %add3A_531 = arith.constant 4 : i32
    %add3A_532 = arith.addi %add3A_372, %add3A_531 : i32
    %dma_wait3A_533 = arith.constant 0 : i32
    %dma_wait3A_534 = tpu.memref_slice %arg2[%dma_wait3A_533] : memref<10240000xf32, #tpu.memory_space<hbm>> -> memref<10000xf32, #tpu.memory_space<hbm>>
    %dma_wait3A_535 = arith.constant 0 : i32
    %dma_wait3A_536 = tpu.memref_slice %arg2[%dma_wait3A_535] : memref<10240000xf32, #tpu.memory_space<hbm>> -> memref<10000xf32, #tpu.memory_space<hbm>>
    tpu.wait_dma2 semaphore(%arg21 : memref<!tpu.dma_semaphore, #tpu.memory_space<semaphore_mem>>) src(%dma_wait3A_536 : memref<10000xf32, #tpu.memory_space<hbm>>) dst(%arg9 : memref<10000xf32, #tpu.memory_space<vmem>>)
    %mul3A_537 = arith.constant 2 : i32
    %mul3A_538 = arith.muli %mul3A_537, %add3A_532 : i32
    %add3A_539 = arith.constant 1 : i32
    %add3A_540 = arith.addi %mul3A_538, %add3A_539 : i32
    %mul3A_541 = arith.constant 10000 : i32
    %mul3A_542 = arith.muli %add3A_540, %mul3A_541 : i32
    %dma_start3A_543 = tpu.memref_slice %arg2[%mul3A_542] : memref<10240000xf32, #tpu.memory_space<hbm>> -> memref<10000xf32, #tpu.memory_space<hbm>>
    %dma_start3A_544 = tpu.memref_slice %arg2[%mul3A_542] : memref<10240000xf32, #tpu.memory_space<hbm>> -> memref<10000xf32, #tpu.memory_space<hbm>>
    tpu.enqueue_dma source(%dma_start3A_544 : memref<10000xf32, #tpu.memory_space<hbm>>) target(%arg10 : memref<10000xf32, #tpu.memory_space<vmem>>) target_semaphore(%arg21 : memref<!tpu.dma_semaphore, #tpu.memory_space<semaphore_mem>>)
    %parallel_loop3A_545 = arith.constant 0 : i32
    %parallel_loop3A_546 = arith.constant 625 : i32
    %parallel_loop3A_547 = arith.constant 1 : i32
    scf.for %parallel_loop3A_910 = %parallel_loop3A_545 to %parallel_loop3A_546 step %parallel_loop3A_547  : i32 {
      %parallel_loop3A_911 = arith.constant 16 : i32
      %parallel_loop3A_912 = arith.muli %parallel_loop3A_910, %parallel_loop3A_911 : i32
      %parallel_loop3A_913 = arith.index_cast %parallel_loop3A_912 : i32 to index
      %parallel_loop3A_914 = tpu.vector_load %arg9[%parallel_loop3A_913] {strides = array<i32>} : memref<10000xf32, #tpu.memory_space<vmem>>, vector<16xf32>,
      %parallel_loop3A_915 = vector.bitcast %parallel_loop3A_914 : vector<16xf32> to vector<16xi32>
      %parallel_loop3A_916 = arith.constant 32768 : i32
      %parallel_loop3A_917 = vector.broadcast %parallel_loop3A_916 : i32 to vector<16xi32>
      %parallel_loop3A_918 = arith.addi %parallel_loop3A_915, %parallel_loop3A_917 : vector<16xi32>
      %parallel_loop3A_919 = arith.constant -65536 : i32
      %parallel_loop3A_920 = vector.broadcast %parallel_loop3A_919 : i32 to vector<16xi32>
      %parallel_loop3A_921 = arith.andi %parallel_loop3A_918, %parallel_loop3A_920 : vector<16xi32>
      %parallel_loop3A_922 = arith.constant 40000 : i32
      %parallel_loop3A_923 = arith.addi %parallel_loop3A_922, %parallel_loop3A_912 : i32
      %parallel_loop3A_924 = arith.index_cast %parallel_loop3A_923 : i32 to index
      %parallel_loop3A_925 = tpu.vector_load %arg8[%parallel_loop3A_924] {strides = array<i32>} : memref<80000xi32, #tpu.memory_space<vmem>>, vector<16xi32>,
      tpu.vector_store %arg8[%parallel_loop3A_924], %parallel_loop3A_921 {strides = array<i32>} : memref<80000xi32, #tpu.memory_space<vmem>>, vector<16xi32>,
    } {sc.loop_unroll_factor = 4 : i64, sc.parallel_access}
    %dma_wait3A_548 = arith.constant 0 : i32
    %dma_wait3A_549 = tpu.memref_slice %arg2[%dma_wait3A_548] : memref<10240000xf32, #tpu.memory_space<hbm>> -> memref<10000xf32, #tpu.memory_space<hbm>>
    %dma_wait3A_550 = arith.constant 0 : i32
    %dma_wait3A_551 = tpu.memref_slice %arg2[%dma_wait3A_550] : memref<10240000xf32, #tpu.memory_space<hbm>> -> memref<10000xf32, #tpu.memory_space<hbm>>
    tpu.wait_dma2 semaphore(%arg21 : memref<!tpu.dma_semaphore, #tpu.memory_space<semaphore_mem>>) src(%dma_wait3A_551 : memref<10000xf32, #tpu.memory_space<hbm>>) dst(%arg10 : memref<10000xf32, #tpu.memory_space<vmem>>)
    %mul3A_552 = arith.constant 2 : i32
    %mul3A_553 = arith.muli %mul3A_552, %add3A_532 : i32
    %add3A_554 = arith.constant 2 : i32
    %add3A_555 = arith.addi %mul3A_553, %add3A_554 : i32
    %mul3A_556 = arith.constant 10000 : i32
    %mul3A_557 = arith.muli %add3A_555, %mul3A_556 : i32
    %dma_start3A_558 = tpu.memref_slice %arg2[%mul3A_557] : memref<10240000xf32, #tpu.memory_space<hbm>> -> memref<10000xf32, #tpu.memory_space<hbm>>
    %dma_start3A_559 = tpu.memref_slice %arg2[%mul3A_557] : memref<10240000xf32, #tpu.memory_space<hbm>> -> memref<10000xf32, #tpu.memory_space<hbm>>
    tpu.enqueue_dma source(%dma_start3A_559 : memref<10000xf32, #tpu.memory_space<hbm>>) target(%arg9 : memref<10000xf32, #tpu.memory_space<vmem>>) target_semaphore(%arg21 : memref<!tpu.dma_semaphore, #tpu.memory_space<semaphore_mem>>)
    %parallel_loop3A_560 = arith.constant 0 : i32
    %parallel_loop3A_561 = arith.constant 625 : i32
    %parallel_loop3A_562 = arith.constant 1 : i32
    scf.for %parallel_loop3A_910 = %parallel_loop3A_560 to %parallel_loop3A_561 step %parallel_loop3A_562  : i32 {
      %parallel_loop3A_911 = arith.constant 16 : i32
      %parallel_loop3A_912 = arith.muli %parallel_loop3A_910, %parallel_loop3A_911 : i32
      %parallel_loop3A_913 = arith.index_cast %parallel_loop3A_912 : i32 to index
      %parallel_loop3A_914 = tpu.vector_load %arg10[%parallel_loop3A_913] {strides = array<i32>} : memref<10000xf32, #tpu.memory_space<vmem>>, vector<16xf32>,
      %parallel_loop3A_915 = vector.bitcast %parallel_loop3A_914 : vector<16xf32> to vector<16xi32>
      %parallel_loop3A_916 = arith.constant 32768 : i32
      %parallel_loop3A_917 = vector.broadcast %parallel_loop3A_916 : i32 to vector<16xi32>
      %parallel_loop3A_918 = arith.addi %parallel_loop3A_915, %parallel_loop3A_917 : vector<16xi32>
      %parallel_loop3A_919 = arith.constant 16 : i32
      %parallel_loop3A_920 = vector.broadcast %parallel_loop3A_919 : i32 to vector<16xi32>
      %parallel_loop3A_921 = arith.shrui %parallel_loop3A_918, %parallel_loop3A_920 : vector<16xi32>
      %parallel_loop3A_922 = arith.constant 40000 : i32
      %parallel_loop3A_923 = arith.addi %parallel_loop3A_922, %parallel_loop3A_912 : i32
      %parallel_loop3A_924 = arith.index_cast %parallel_loop3A_923 : i32 to index
      %parallel_loop3A_925 = tpu.vector_load %arg8[%parallel_loop3A_924] {strides = array<i32>} : memref<80000xi32, #tpu.memory_space<vmem>>, vector<16xi32>,
      %parallel_loop3A_926 = arith.ori %parallel_loop3A_925, %parallel_loop3A_921 : vector<16xi32>
      %parallel_loop3A_927 = arith.index_cast %parallel_loop3A_923 : i32 to index
      %parallel_loop3A_928 = tpu.vector_load %arg8[%parallel_loop3A_927] {strides = array<i32>} : memref<80000xi32, #tpu.memory_space<vmem>>, vector<16xi32>,
      tpu.vector_store %arg8[%parallel_loop3A_927], %parallel_loop3A_926 {strides = array<i32>} : memref<80000xi32, #tpu.memory_space<vmem>>, vector<16xi32>,
    } {sc.loop_unroll_factor = 4 : i64, sc.parallel_access}
    %add3A_563 = arith.constant 5 : i32
    %add3A_564 = arith.addi %add3A_372, %add3A_563 : i32
    %dma_wait3A_565 = arith.constant 0 : i32
    %dma_wait3A_566 = tpu.memref_slice %arg2[%dma_wait3A_565] : memref<10240000xf32, #tpu.memory_space<hbm>> -> memref<10000xf32, #tpu.memory_space<hbm>>
    %dma_wait3A_567 = arith.constant 0 : i32
    %dma_wait3A_568 = tpu.memref_slice %arg2[%dma_wait3A_567] : memref<10240000xf32, #tpu.memory_space<hbm>> -> memref<10000xf32, #tpu.memory_space<hbm>>
    tpu.wait_dma2 semaphore(%arg21 : memref<!tpu.dma_semaphore, #tpu.memory_space<semaphore_mem>>) src(%dma_wait3A_568 : memref<10000xf32, #tpu.memory_space<hbm>>) dst(%arg9 : memref<10000xf32, #tpu.memory_space<vmem>>)
    %mul3A_569 = arith.constant 2 : i32
    %mul3A_570 = arith.muli %mul3A_569, %add3A_564 : i32
    %add3A_571 = arith.constant 1 : i32
    %add3A_572 = arith.addi %mul3A_570, %add3A_571 : i32
    %mul3A_573 = arith.constant 10000 : i32
    %mul3A_574 = arith.muli %add3A_572, %mul3A_573 : i32
    %dma_start3A_575 = tpu.memref_slice %arg2[%mul3A_574] : memref<10240000xf32, #tpu.memory_space<hbm>> -> memref<10000xf32, #tpu.memory_space<hbm>>
    %dma_start3A_576 = tpu.memref_slice %arg2[%mul3A_574] : memref<10240000xf32, #tpu.memory_space<hbm>> -> memref<10000xf32, #tpu.memory_space<hbm>>
    tpu.enqueue_dma source(%dma_start3A_576 : memref<10000xf32, #tpu.memory_space<hbm>>) target(%arg10 : memref<10000xf32, #tpu.memory_space<vmem>>) target_semaphore(%arg21 : memref<!tpu.dma_semaphore, #tpu.memory_space<semaphore_mem>>)
    %parallel_loop3A_577 = arith.constant 0 : i32
    %parallel_loop3A_578 = arith.constant 625 : i32
    %parallel_loop3A_579 = arith.constant 1 : i32
    scf.for %parallel_loop3A_910 = %parallel_loop3A_577 to %parallel_loop3A_578 step %parallel_loop3A_579  : i32 {
      %parallel_loop3A_911 = arith.constant 16 : i32
      %parallel_loop3A_912 = arith.muli %parallel_loop3A_910, %parallel_loop3A_911 : i32
      %parallel_loop3A_913 = arith.index_cast %parallel_loop3A_912 : i32 to index
      %parallel_loop3A_914 = tpu.vector_load %arg9[%parallel_loop3A_913] {strides = array<i32>} : memref<10000xf32, #tpu.memory_space<vmem>>, vector<16xf32>,
      %parallel_loop3A_915 = vector.bitcast %parallel_loop3A_914 : vector<16xf32> to vector<16xi32>
      %parallel_loop3A_916 = arith.constant 32768 : i32
      %parallel_loop3A_917 = vector.broadcast %parallel_loop3A_916 : i32 to vector<16xi32>
      %parallel_loop3A_918 = arith.addi %parallel_loop3A_915, %parallel_loop3A_917 : vector<16xi32>
      %parallel_loop3A_919 = arith.constant -65536 : i32
      %parallel_loop3A_920 = vector.broadcast %parallel_loop3A_919 : i32 to vector<16xi32>
      %parallel_loop3A_921 = arith.andi %parallel_loop3A_918, %parallel_loop3A_920 : vector<16xi32>
      %parallel_loop3A_922 = arith.constant 50000 : i32
      %parallel_loop3A_923 = arith.addi %parallel_loop3A_922, %parallel_loop3A_912 : i32
      %parallel_loop3A_924 = arith.index_cast %parallel_loop3A_923 : i32 to index
      %parallel_loop3A_925 = tpu.vector_load %arg8[%parallel_loop3A_924] {strides = array<i32>} : memref<80000xi32, #tpu.memory_space<vmem>>, vector<16xi32>,
      tpu.vector_store %arg8[%parallel_loop3A_924], %parallel_loop3A_921 {strides = array<i32>} : memref<80000xi32, #tpu.memory_space<vmem>>, vector<16xi32>,
    } {sc.loop_unroll_factor = 4 : i64, sc.parallel_access}
    %dma_wait3A_580 = arith.constant 0 : i32
    %dma_wait3A_581 = tpu.memref_slice %arg2[%dma_wait3A_580] : memref<10240000xf32, #tpu.memory_space<hbm>> -> memref<10000xf32, #tpu.memory_space<hbm>>
    %dma_wait3A_582 = arith.constant 0 : i32
    %dma_wait3A_583 = tpu.memref_slice %arg2[%dma_wait3A_582] : memref<10240000xf32, #tpu.memory_space<hbm>> -> memref<10000xf32, #tpu.memory_space<hbm>>
    tpu.wait_dma2 semaphore(%arg21 : memref<!tpu.dma_semaphore, #tpu.memory_space<semaphore_mem>>) src(%dma_wait3A_583 : memref<10000xf32, #tpu.memory_space<hbm>>) dst(%arg10 : memref<10000xf32, #tpu.memory_space<vmem>>)
    %mul3A_584 = arith.constant 2 : i32
    %mul3A_585 = arith.muli %mul3A_584, %add3A_564 : i32
    %add3A_586 = arith.constant 2 : i32
    %add3A_587 = arith.addi %mul3A_585, %add3A_586 : i32
    %mul3A_588 = arith.constant 10000 : i32
    %mul3A_589 = arith.muli %add3A_587, %mul3A_588 : i32
    %dma_start3A_590 = tpu.memref_slice %arg2[%mul3A_589] : memref<10240000xf32, #tpu.memory_space<hbm>> -> memref<10000xf32, #tpu.memory_space<hbm>>
    %dma_start3A_591 = tpu.memref_slice %arg2[%mul3A_589] : memref<10240000xf32, #tpu.memory_space<hbm>> -> memref<10000xf32, #tpu.memory_space<hbm>>
    tpu.enqueue_dma source(%dma_start3A_591 : memref<10000xf32, #tpu.memory_space<hbm>>) target(%arg9 : memref<10000xf32, #tpu.memory_space<vmem>>) target_semaphore(%arg21 : memref<!tpu.dma_semaphore, #tpu.memory_space<semaphore_mem>>)
    %parallel_loop3A_592 = arith.constant 0 : i32
    %parallel_loop3A_593 = arith.constant 625 : i32
    %parallel_loop3A_594 = arith.constant 1 : i32
    scf.for %parallel_loop3A_910 = %parallel_loop3A_592 to %parallel_loop3A_593 step %parallel_loop3A_594  : i32 {
      %parallel_loop3A_911 = arith.constant 16 : i32
      %parallel_loop3A_912 = arith.muli %parallel_loop3A_910, %parallel_loop3A_911 : i32
      %parallel_loop3A_913 = arith.index_cast %parallel_loop3A_912 : i32 to index
      %parallel_loop3A_914 = tpu.vector_load %arg10[%parallel_loop3A_913] {strides = array<i32>} : memref<10000xf32, #tpu.memory_space<vmem>>, vector<16xf32>,
      %parallel_loop3A_915 = vector.bitcast %parallel_loop3A_914 : vector<16xf32> to vector<16xi32>
      %parallel_loop3A_916 = arith.constant 32768 : i32
      %parallel_loop3A_917 = vector.broadcast %parallel_loop3A_916 : i32 to vector<16xi32>
      %parallel_loop3A_918 = arith.addi %parallel_loop3A_915, %parallel_loop3A_917 : vector<16xi32>
      %parallel_loop3A_919 = arith.constant 16 : i32
      %parallel_loop3A_920 = vector.broadcast %parallel_loop3A_919 : i32 to vector<16xi32>
      %parallel_loop3A_921 = arith.shrui %parallel_loop3A_918, %parallel_loop3A_920 : vector<16xi32>
      %parallel_loop3A_922 = arith.constant 50000 : i32
      %parallel_loop3A_923 = arith.addi %parallel_loop3A_922, %parallel_loop3A_912 : i32
      %parallel_loop3A_924 = arith.index_cast %parallel_loop3A_923 : i32 to index
      %parallel_loop3A_925 = tpu.vector_load %arg8[%parallel_loop3A_924] {strides = array<i32>} : memref<80000xi32, #tpu.memory_space<vmem>>, vector<16xi32>,
      %parallel_loop3A_926 = arith.ori %parallel_loop3A_925, %parallel_loop3A_921 : vector<16xi32>
      %parallel_loop3A_927 = arith.index_cast %parallel_loop3A_923 : i32 to index
      %parallel_loop3A_928 = tpu.vector_load %arg8[%parallel_loop3A_927] {strides = array<i32>} : memref<80000xi32, #tpu.memory_space<vmem>>, vector<16xi32>,
      tpu.vector_store %arg8[%parallel_loop3A_927], %parallel_loop3A_926 {strides = array<i32>} : memref<80000xi32, #tpu.memory_space<vmem>>, vector<16xi32>,
    } {sc.loop_unroll_factor = 4 : i64, sc.parallel_access}
    %add3A_595 = arith.constant 6 : i32
    %add3A_596 = arith.addi %add3A_372, %add3A_595 : i32
    %dma_wait3A_597 = arith.constant 0 : i32
    %dma_wait3A_598 = tpu.memref_slice %arg2[%dma_wait3A_597] : memref<10240000xf32, #tpu.memory_space<hbm>> -> memref<10000xf32, #tpu.memory_space<hbm>>
    %dma_wait3A_599 = arith.constant 0 : i32
    %dma_wait3A_600 = tpu.memref_slice %arg2[%dma_wait3A_599] : memref<10240000xf32, #tpu.memory_space<hbm>> -> memref<10000xf32, #tpu.memory_space<hbm>>
    tpu.wait_dma2 semaphore(%arg21 : memref<!tpu.dma_semaphore, #tpu.memory_space<semaphore_mem>>) src(%dma_wait3A_600 : memref<10000xf32, #tpu.memory_space<hbm>>) dst(%arg9 : memref<10000xf32, #tpu.memory_space<vmem>>)
    %mul3A_601 = arith.constant 2 : i32
    %mul3A_602 = arith.muli %mul3A_601, %add3A_596 : i32
    %add3A_603 = arith.constant 1 : i32
    %add3A_604 = arith.addi %mul3A_602, %add3A_603 : i32
    %mul3A_605 = arith.constant 10000 : i32
    %mul3A_606 = arith.muli %add3A_604, %mul3A_605 : i32
    %dma_start3A_607 = tpu.memref_slice %arg2[%mul3A_606] : memref<10240000xf32, #tpu.memory_space<hbm>> -> memref<10000xf32, #tpu.memory_space<hbm>>
    %dma_start3A_608 = tpu.memref_slice %arg2[%mul3A_606] : memref<10240000xf32, #tpu.memory_space<hbm>> -> memref<10000xf32, #tpu.memory_space<hbm>>
    tpu.enqueue_dma source(%dma_start3A_608 : memref<10000xf32, #tpu.memory_space<hbm>>) target(%arg10 : memref<10000xf32, #tpu.memory_space<vmem>>) target_semaphore(%arg21 : memref<!tpu.dma_semaphore, #tpu.memory_space<semaphore_mem>>)
    %parallel_loop3A_609 = arith.constant 0 : i32
    %parallel_loop3A_610 = arith.constant 625 : i32
    %parallel_loop3A_611 = arith.constant 1 : i32
    scf.for %parallel_loop3A_910 = %parallel_loop3A_609 to %parallel_loop3A_610 step %parallel_loop3A_611  : i32 {
      %parallel_loop3A_911 = arith.constant 16 : i32
      %parallel_loop3A_912 = arith.muli %parallel_loop3A_910, %parallel_loop3A_911 : i32
      %parallel_loop3A_913 = arith.index_cast %parallel_loop3A_912 : i32 to index
      %parallel_loop3A_914 = tpu.vector_load %arg9[%parallel_loop3A_913] {strides = array<i32>} : memref<10000xf32, #tpu.memory_space<vmem>>, vector<16xf32>,
      %parallel_loop3A_915 = vector.bitcast %parallel_loop3A_914 : vector<16xf32> to vector<16xi32>
      %parallel_loop3A_916 = arith.constant 32768 : i32
      %parallel_loop3A_917 = vector.broadcast %parallel_loop3A_916 : i32 to vector<16xi32>
      %parallel_loop3A_918 = arith.addi %parallel_loop3A_915, %parallel_loop3A_917 : vector<16xi32>
      %parallel_loop3A_919 = arith.constant -65536 : i32
      %parallel_loop3A_920 = vector.broadcast %parallel_loop3A_919 : i32 to vector<16xi32>
      %parallel_loop3A_921 = arith.andi %parallel_loop3A_918, %parallel_loop3A_920 : vector<16xi32>
      %parallel_loop3A_922 = arith.constant 60000 : i32
      %parallel_loop3A_923 = arith.addi %parallel_loop3A_922, %parallel_loop3A_912 : i32
      %parallel_loop3A_924 = arith.index_cast %parallel_loop3A_923 : i32 to index
      %parallel_loop3A_925 = tpu.vector_load %arg8[%parallel_loop3A_924] {strides = array<i32>} : memref<80000xi32, #tpu.memory_space<vmem>>, vector<16xi32>,
      tpu.vector_store %arg8[%parallel_loop3A_924], %parallel_loop3A_921 {strides = array<i32>} : memref<80000xi32, #tpu.memory_space<vmem>>, vector<16xi32>,
    } {sc.loop_unroll_factor = 4 : i64, sc.parallel_access}
    %dma_wait3A_612 = arith.constant 0 : i32
    %dma_wait3A_613 = tpu.memref_slice %arg2[%dma_wait3A_612] : memref<10240000xf32, #tpu.memory_space<hbm>> -> memref<10000xf32, #tpu.memory_space<hbm>>
    %dma_wait3A_614 = arith.constant 0 : i32
    %dma_wait3A_615 = tpu.memref_slice %arg2[%dma_wait3A_614] : memref<10240000xf32, #tpu.memory_space<hbm>> -> memref<10000xf32, #tpu.memory_space<hbm>>
    tpu.wait_dma2 semaphore(%arg21 : memref<!tpu.dma_semaphore, #tpu.memory_space<semaphore_mem>>) src(%dma_wait3A_615 : memref<10000xf32, #tpu.memory_space<hbm>>) dst(%arg10 : memref<10000xf32, #tpu.memory_space<vmem>>)
    %mul3A_616 = arith.constant 2 : i32
    %mul3A_617 = arith.muli %mul3A_616, %add3A_596 : i32
    %add3A_618 = arith.constant 2 : i32
    %add3A_619 = arith.addi %mul3A_617, %add3A_618 : i32
    %mul3A_620 = arith.constant 10000 : i32
    %mul3A_621 = arith.muli %add3A_619, %mul3A_620 : i32
    %dma_start3A_622 = tpu.memref_slice %arg2[%mul3A_621] : memref<10240000xf32, #tpu.memory_space<hbm>> -> memref<10000xf32, #tpu.memory_space<hbm>>
    %dma_start3A_623 = tpu.memref_slice %arg2[%mul3A_621] : memref<10240000xf32, #tpu.memory_space<hbm>> -> memref<10000xf32, #tpu.memory_space<hbm>>
    tpu.enqueue_dma source(%dma_start3A_623 : memref<10000xf32, #tpu.memory_space<hbm>>) target(%arg9 : memref<10000xf32, #tpu.memory_space<vmem>>) target_semaphore(%arg21 : memref<!tpu.dma_semaphore, #tpu.memory_space<semaphore_mem>>)
    %parallel_loop3A_624 = arith.constant 0 : i32
    %parallel_loop3A_625 = arith.constant 625 : i32
    %parallel_loop3A_626 = arith.constant 1 : i32
    scf.for %parallel_loop3A_910 = %parallel_loop3A_624 to %parallel_loop3A_625 step %parallel_loop3A_626  : i32 {
      %parallel_loop3A_911 = arith.constant 16 : i32
      %parallel_loop3A_912 = arith.muli %parallel_loop3A_910, %parallel_loop3A_911 : i32
      %parallel_loop3A_913 = arith.index_cast %parallel_loop3A_912 : i32 to index
      %parallel_loop3A_914 = tpu.vector_load %arg10[%parallel_loop3A_913] {strides = array<i32>} : memref<10000xf32, #tpu.memory_space<vmem>>, vector<16xf32>,
      %parallel_loop3A_915 = vector.bitcast %parallel_loop3A_914 : vector<16xf32> to vector<16xi32>
      %parallel_loop3A_916 = arith.constant 32768 : i32
      %parallel_loop3A_917 = vector.broadcast %parallel_loop3A_916 : i32 to vector<16xi32>
      %parallel_loop3A_918 = arith.addi %parallel_loop3A_915, %parallel_loop3A_917 : vector<16xi32>
      %parallel_loop3A_919 = arith.constant 16 : i32
      %parallel_loop3A_920 = vector.broadcast %parallel_loop3A_919 : i32 to vector<16xi32>
      %parallel_loop3A_921 = arith.shrui %parallel_loop3A_918, %parallel_loop3A_920 : vector<16xi32>
      %parallel_loop3A_922 = arith.constant 60000 : i32
      %parallel_loop3A_923 = arith.addi %parallel_loop3A_922, %parallel_loop3A_912 : i32
      %parallel_loop3A_924 = arith.index_cast %parallel_loop3A_923 : i32 to index
      %parallel_loop3A_925 = tpu.vector_load %arg8[%parallel_loop3A_924] {strides = array<i32>} : memref<80000xi32, #tpu.memory_space<vmem>>, vector<16xi32>,
      %parallel_loop3A_926 = arith.ori %parallel_loop3A_925, %parallel_loop3A_921 : vector<16xi32>
      %parallel_loop3A_927 = arith.index_cast %parallel_loop3A_923 : i32 to index
      %parallel_loop3A_928 = tpu.vector_load %arg8[%parallel_loop3A_927] {strides = array<i32>} : memref<80000xi32, #tpu.memory_space<vmem>>, vector<16xi32>,
      tpu.vector_store %arg8[%parallel_loop3A_927], %parallel_loop3A_926 {strides = array<i32>} : memref<80000xi32, #tpu.memory_space<vmem>>, vector<16xi32>,
    } {sc.loop_unroll_factor = 4 : i64, sc.parallel_access}
    %add3A_627 = arith.constant 7 : i32
    %add3A_628 = arith.addi %add3A_372, %add3A_627 : i32
    %dma_wait3A_629 = arith.constant 0 : i32
    %dma_wait3A_630 = tpu.memref_slice %arg2[%dma_wait3A_629] : memref<10240000xf32, #tpu.memory_space<hbm>> -> memref<10000xf32, #tpu.memory_space<hbm>>
    %dma_wait3A_631 = arith.constant 0 : i32
    %dma_wait3A_632 = tpu.memref_slice %arg2[%dma_wait3A_631] : memref<10240000xf32, #tpu.memory_space<hbm>> -> memref<10000xf32, #tpu.memory_space<hbm>>
    tpu.wait_dma2 semaphore(%arg21 : memref<!tpu.dma_semaphore, #tpu.memory_space<semaphore_mem>>) src(%dma_wait3A_632 : memref<10000xf32, #tpu.memory_space<hbm>>) dst(%arg9 : memref<10000xf32, #tpu.memory_space<vmem>>)
    %mul3A_633 = arith.constant 2 : i32
    %mul3A_634 = arith.muli %mul3A_633, %add3A_628 : i32
    %add3A_635 = arith.constant 1 : i32
    %add3A_636 = arith.addi %mul3A_634, %add3A_635 : i32
    %mul3A_637 = arith.constant 10000 : i32
    %mul3A_638 = arith.muli %add3A_636, %mul3A_637 : i32
    %dma_start3A_639 = tpu.memref_slice %arg2[%mul3A_638] : memref<10240000xf32, #tpu.memory_space<hbm>> -> memref<10000xf32, #tpu.memory_space<hbm>>
    %dma_start3A_640 = tpu.memref_slice %arg2[%mul3A_638] : memref<10240000xf32, #tpu.memory_space<hbm>> -> memref<10000xf32, #tpu.memory_space<hbm>>
    tpu.enqueue_dma source(%dma_start3A_640 : memref<10000xf32, #tpu.memory_space<hbm>>) target(%arg10 : memref<10000xf32, #tpu.memory_space<vmem>>) target_semaphore(%arg21 : memref<!tpu.dma_semaphore, #tpu.memory_space<semaphore_mem>>)
    %parallel_loop3A_641 = arith.constant 0 : i32
    %parallel_loop3A_642 = arith.constant 625 : i32
    %parallel_loop3A_643 = arith.constant 1 : i32
    scf.for %parallel_loop3A_910 = %parallel_loop3A_641 to %parallel_loop3A_642 step %parallel_loop3A_643  : i32 {
      %parallel_loop3A_911 = arith.constant 16 : i32
      %parallel_loop3A_912 = arith.muli %parallel_loop3A_910, %parallel_loop3A_911 : i32
      %parallel_loop3A_913 = arith.index_cast %parallel_loop3A_912 : i32 to index
      %parallel_loop3A_914 = tpu.vector_load %arg9[%parallel_loop3A_913] {strides = array<i32>} : memref<10000xf32, #tpu.memory_space<vmem>>, vector<16xf32>,
      %parallel_loop3A_915 = vector.bitcast %parallel_loop3A_914 : vector<16xf32> to vector<16xi32>
      %parallel_loop3A_916 = arith.constant 32768 : i32
      %parallel_loop3A_917 = vector.broadcast %parallel_loop3A_916 : i32 to vector<16xi32>
      %parallel_loop3A_918 = arith.addi %parallel_loop3A_915, %parallel_loop3A_917 : vector<16xi32>
      %parallel_loop3A_919 = arith.constant -65536 : i32
      %parallel_loop3A_920 = vector.broadcast %parallel_loop3A_919 : i32 to vector<16xi32>
      %parallel_loop3A_921 = arith.andi %parallel_loop3A_918, %parallel_loop3A_920 : vector<16xi32>
      %parallel_loop3A_922 = arith.constant 70000 : i32
      %parallel_loop3A_923 = arith.addi %parallel_loop3A_922, %parallel_loop3A_912 : i32
      %parallel_loop3A_924 = arith.index_cast %parallel_loop3A_923 : i32 to index
      %parallel_loop3A_925 = tpu.vector_load %arg8[%parallel_loop3A_924] {strides = array<i32>} : memref<80000xi32, #tpu.memory_space<vmem>>, vector<16xi32>,
      tpu.vector_store %arg8[%parallel_loop3A_924], %parallel_loop3A_921 {strides = array<i32>} : memref<80000xi32, #tpu.memory_space<vmem>>, vector<16xi32>,
    } {sc.loop_unroll_factor = 4 : i64, sc.parallel_access}
    %dma_wait3A_644 = arith.constant 0 : i32
    %dma_wait3A_645 = tpu.memref_slice %arg2[%dma_wait3A_644] : memref<10240000xf32, #tpu.memory_space<hbm>> -> memref<10000xf32, #tpu.memory_space<hbm>>
    %dma_wait3A_646 = arith.constant 0 : i32
    %dma_wait3A_647 = tpu.memref_slice %arg2[%dma_wait3A_646] : memref<10240000xf32, #tpu.memory_space<hbm>> -> memref<10000xf32, #tpu.memory_space<hbm>>
    tpu.wait_dma2 semaphore(%arg21 : memref<!tpu.dma_semaphore, #tpu.memory_space<semaphore_mem>>) src(%dma_wait3A_647 : memref<10000xf32, #tpu.memory_space<hbm>>) dst(%arg10 : memref<10000xf32, #tpu.memory_space<vmem>>)
    %parallel_loop3A_648 = arith.constant 0 : i32
    %parallel_loop3A_649 = arith.constant 625 : i32
    %parallel_loop3A_650 = arith.constant 1 : i32
    scf.for %parallel_loop3A_910 = %parallel_loop3A_648 to %parallel_loop3A_649 step %parallel_loop3A_650  : i32 {
      %parallel_loop3A_911 = arith.constant 16 : i32
      %parallel_loop3A_912 = arith.muli %parallel_loop3A_910, %parallel_loop3A_911 : i32
      %parallel_loop3A_913 = arith.index_cast %parallel_loop3A_912 : i32 to index
      %parallel_loop3A_914 = tpu.vector_load %arg10[%parallel_loop3A_913] {strides = array<i32>} : memref<10000xf32, #tpu.memory_space<vmem>>, vector<16xf32>,
      %parallel_loop3A_915 = vector.bitcast %parallel_loop3A_914 : vector<16xf32> to vector<16xi32>
      %parallel_loop3A_916 = arith.constant 32768 : i32
      %parallel_loop3A_917 = vector.broadcast %parallel_loop3A_916 : i32 to vector<16xi32>
      %parallel_loop3A_918 = arith.addi %parallel_loop3A_915, %parallel_loop3A_917 : vector<16xi32>
      %parallel_loop3A_919 = arith.constant 16 : i32
      %parallel_loop3A_920 = vector.broadcast %parallel_loop3A_919 : i32 to vector<16xi32>
      %parallel_loop3A_921 = arith.shrui %parallel_loop3A_918, %parallel_loop3A_920 : vector<16xi32>
      %parallel_loop3A_922 = arith.constant 70000 : i32
      %parallel_loop3A_923 = arith.addi %parallel_loop3A_922, %parallel_loop3A_912 : i32
      %parallel_loop3A_924 = arith.index_cast %parallel_loop3A_923 : i32 to index
      %parallel_loop3A_925 = tpu.vector_load %arg8[%parallel_loop3A_924] {strides = array<i32>} : memref<80000xi32, #tpu.memory_space<vmem>>, vector<16xi32>,
      %parallel_loop3A_926 = arith.ori %parallel_loop3A_925, %parallel_loop3A_921 : vector<16xi32>
      %parallel_loop3A_927 = arith.index_cast %parallel_loop3A_923 : i32 to index
      %parallel_loop3A_928 = tpu.vector_load %arg8[%parallel_loop3A_927] {strides = array<i32>} : memref<80000xi32, #tpu.memory_space<vmem>>, vector<16xi32>,
      tpu.vector_store %arg8[%parallel_loop3A_927], %parallel_loop3A_926 {strides = array<i32>} : memref<80000xi32, #tpu.memory_space<vmem>>, vector<16xi32>,
    } {sc.loop_unroll_factor = 4 : i64, sc.parallel_access}
    %broadcast_in_dim3A_651 = arith.constant 0.000000e+00 : f32
    %broadcast_in_dim3A_652 = vector.broadcast %broadcast_in_dim3A_651 : f32 to vector<16xf32>
    %broadcast_in_dim3A_653 = arith.constant 0.000000e+00 : f32
    %broadcast_in_dim3A_654 = vector.broadcast %broadcast_in_dim3A_653 : f32 to vector<16xf32>
    %broadcast_in_dim3A_655 = arith.constant 0.000000e+00 : f32
    %broadcast_in_dim3A_656 = vector.broadcast %broadcast_in_dim3A_655 : f32 to vector<16xf32>
    %broadcast_in_dim3A_657 = arith.constant 0.000000e+00 : f32
    %broadcast_in_dim3A_658 = vector.broadcast %broadcast_in_dim3A_657 : f32 to vector<16xf32>
    %broadcast_in_dim3A_659 = arith.constant 0.000000e+00 : f32
    %broadcast_in_dim3A_660 = vector.broadcast %broadcast_in_dim3A_659 : f32 to vector<16xf32>
    %broadcast_in_dim3A_661 = arith.constant 0.000000e+00 : f32
    %broadcast_in_dim3A_662 = vector.broadcast %broadcast_in_dim3A_661 : f32 to vector<16xf32>
    %broadcast_in_dim3A_663 = arith.constant 0.000000e+00 : f32
    %broadcast_in_dim3A_664 = vector.broadcast %broadcast_in_dim3A_663 : f32 to vector<16xf32>
    %broadcast_in_dim3A_665 = arith.constant 0.000000e+00 : f32
    %broadcast_in_dim3A_666 = vector.broadcast %broadcast_in_dim3A_665 : f32 to vector<16xf32>
    %scan3A_667 = arith.constant 0 : i32
    %scan3A_668 = arith.constant 625 : i32
    %scan3A_669 = arith.addi %scan3A_667, %scan3A_668 : i32
    %scan3A_670 = arith.constant 1 : i32
    %scan3A_671:16 = scf.for %scan3A_910 = %scan3A_667 to %scan3A_669 step %scan3A_670 iter_args(%scan3A_911 = %broadcast_in_dim3A_652, %scan3A_912 = %broadcast_in_dim3A_654, %scan3A_913 = %broadcast_in_dim3A_656, %scan3A_914 = %broadcast_in_dim3A_658, %scan3A_915 = %broadcast_in_dim3A_660, %scan3A_916 = %broadcast_in_dim3A_662, %scan3A_917 = %broadcast_in_dim3A_664, %scan3A_918 = %broadcast_in_dim3A_666, %scan3A_919 = %broadcast_in_dim3A_652, %scan3A_920 = %broadcast_in_dim3A_654, %scan3A_921 = %broadcast_in_dim3A_656, %scan3A_922 = %broadcast_in_dim3A_658, %scan3A_923 = %broadcast_in_dim3A_660, %scan3A_924 = %broadcast_in_dim3A_662, %scan3A_925 = %broadcast_in_dim3A_664, %scan3A_926 = %broadcast_in_dim3A_666) -> (vector<16xf32>, vector<16xf32>, vector<16xf32>, vector<16xf32>, vector<16xf32>, vector<16xf32>, vector<16xf32>, vector<16xf32>, vector<16xf32>, vector<16xf32>, vector<16xf32>, vector<16xf32>, vector<16xf32>, vector<16xf32>, vector<16xf32>, vector<16xf32>)  : i32 {
      %mul3A_927 = arith.constant 16 : i32
      %mul3A_928 = arith.muli %scan3A_910, %mul3A_927 : i32
      %get3A = arith.index_cast %mul3A_928 : i32 to index
      %get3A_929 = tpu.vector_load %arg11[%get3A] {strides = array<i32>} : memref<10000xf32, #tpu.memory_space<vmem>>, vector<16xf32>,
      %add3A_930 = arith.constant 0 : i32
      %add3A_931 = arith.addi %add3A_930, %mul3A_928 : i32
      %get3A_932 = arith.index_cast %add3A_931 : i32 to index
      %get3A_933 = tpu.vector_load %arg8[%get3A_932] {strides = array<i32>} : memref<80000xi32, #tpu.memory_space<vmem>>, vector<16xi32>,
      %and3A = arith.constant -65536 : i32
      %and3A_934 = vector.broadcast %and3A : i32 to vector<16xi32>
      %and3A_935 = arith.andi %get3A_933, %and3A_934 : vector<16xi32>
      %bitcast3A = vector.bitcast %and3A_935 : vector<16xi32> to vector<16xf32>
      %shift_left3A = arith.constant 16 : i32
      %shift_left3A_936 = vector.broadcast %shift_left3A : i32 to vector<16xi32>
      %shift_left3A_937 = arith.shli %get3A_933, %shift_left3A_936 : vector<16xi32>
      %bitcast3A_938 = vector.bitcast %shift_left3A_937 : vector<16xi32> to vector<16xf32>
      %mul3A_939 = arith.mulf %bitcast3A, %get3A_929 : vector<16xf32>
      %add3A_940 = arith.addf %scan3A_911, %mul3A_939 : vector<16xf32>
      %mul3A_941 = arith.mulf %bitcast3A_938, %get3A_929 : vector<16xf32>
      %add3A_942 = arith.addf %scan3A_919, %mul3A_941 : vector<16xf32>
      %add3A_943 = arith.constant 10000 : i32
      %add3A_944 = arith.addi %add3A_943, %mul3A_928 : i32
      %get3A_945 = arith.index_cast %add3A_944 : i32 to index
      %get3A_946 = tpu.vector_load %arg8[%get3A_945] {strides = array<i32>} : memref<80000xi32, #tpu.memory_space<vmem>>, vector<16xi32>,
      %and3A_947 = arith.constant -65536 : i32
      %and3A_948 = vector.broadcast %and3A_947 : i32 to vector<16xi32>
      %and3A_949 = arith.andi %get3A_946, %and3A_948 : vector<16xi32>
      %bitcast3A_950 = vector.bitcast %and3A_949 : vector<16xi32> to vector<16xf32>
      %shift_left3A_951 = arith.constant 16 : i32
      %shift_left3A_952 = vector.broadcast %shift_left3A_951 : i32 to vector<16xi32>
      %shift_left3A_953 = arith.shli %get3A_946, %shift_left3A_952 : vector<16xi32>
      %bitcast3A_954 = vector.bitcast %shift_left3A_953 : vector<16xi32> to vector<16xf32>
      %mul3A_955 = arith.mulf %bitcast3A_950, %get3A_929 : vector<16xf32>
      %add3A_956 = arith.addf %scan3A_912, %mul3A_955 : vector<16xf32>
      %mul3A_957 = arith.mulf %bitcast3A_954, %get3A_929 : vector<16xf32>
      %add3A_958 = arith.addf %scan3A_920, %mul3A_957 : vector<16xf32>
      %add3A_959 = arith.constant 20000 : i32
      %add3A_960 = arith.addi %add3A_959, %mul3A_928 : i32
      %get3A_961 = arith.index_cast %add3A_960 : i32 to index
      %get3A_962 = tpu.vector_load %arg8[%get3A_961] {strides = array<i32>} : memref<80000xi32, #tpu.memory_space<vmem>>, vector<16xi32>,
      %and3A_963 = arith.constant -65536 : i32
      %and3A_964 = vector.broadcast %and3A_963 : i32 to vector<16xi32>
      %and3A_965 = arith.andi %get3A_962, %and3A_964 : vector<16xi32>
      %bitcast3A_966 = vector.bitcast %and3A_965 : vector<16xi32> to vector<16xf32>
      %shift_left3A_967 = arith.constant 16 : i32
      %shift_left3A_968 = vector.broadcast %shift_left3A_967 : i32 to vector<16xi32>
      %shift_left3A_969 = arith.shli %get3A_962, %shift_left3A_968 : vector<16xi32>
      %bitcast3A_970 = vector.bitcast %shift_left3A_969 : vector<16xi32> to vector<16xf32>
      %mul3A_971 = arith.mulf %bitcast3A_966, %get3A_929 : vector<16xf32>
      %add3A_972 = arith.addf %scan3A_913, %mul3A_971 : vector<16xf32>
      %mul3A_973 = arith.mulf %bitcast3A_970, %get3A_929 : vector<16xf32>
      %add3A_974 = arith.addf %scan3A_921, %mul3A_973 : vector<16xf32>
      %add3A_975 = arith.constant 30000 : i32
      %add3A_976 = arith.addi %add3A_975, %mul3A_928 : i32
      %get3A_977 = arith.index_cast %add3A_976 : i32 to index
      %get3A_978 = tpu.vector_load %arg8[%get3A_977] {strides = array<i32>} : memref<80000xi32, #tpu.memory_space<vmem>>, vector<16xi32>,
      %and3A_979 = arith.constant -65536 : i32
      %and3A_980 = vector.broadcast %and3A_979 : i32 to vector<16xi32>
      %and3A_981 = arith.andi %get3A_978, %and3A_980 : vector<16xi32>
      %bitcast3A_982 = vector.bitcast %and3A_981 : vector<16xi32> to vector<16xf32>
      %shift_left3A_983 = arith.constant 16 : i32
      %shift_left3A_984 = vector.broadcast %shift_left3A_983 : i32 to vector<16xi32>
      %shift_left3A_985 = arith.shli %get3A_978, %shift_left3A_984 : vector<16xi32>
      %bitcast3A_986 = vector.bitcast %shift_left3A_985 : vector<16xi32> to vector<16xf32>
      %mul3A_987 = arith.mulf %bitcast3A_982, %get3A_929 : vector<16xf32>
      %add3A_988 = arith.addf %scan3A_914, %mul3A_987 : vector<16xf32>
      %mul3A_989 = arith.mulf %bitcast3A_986, %get3A_929 : vector<16xf32>
      %add3A_990 = arith.addf %scan3A_922, %mul3A_989 : vector<16xf32>
      %add3A_991 = arith.constant 40000 : i32
      %add3A_992 = arith.addi %add3A_991, %mul3A_928 : i32
      %get3A_993 = arith.index_cast %add3A_992 : i32 to index
      %get3A_994 = tpu.vector_load %arg8[%get3A_993] {strides = array<i32>} : memref<80000xi32, #tpu.memory_space<vmem>>, vector<16xi32>,
      %and3A_995 = arith.constant -65536 : i32
      %and3A_996 = vector.broadcast %and3A_995 : i32 to vector<16xi32>
      %and3A_997 = arith.andi %get3A_994, %and3A_996 : vector<16xi32>
      %bitcast3A_998 = vector.bitcast %and3A_997 : vector<16xi32> to vector<16xf32>
      %shift_left3A_999 = arith.constant 16 : i32
      %shift_left3A_1000 = vector.broadcast %shift_left3A_999 : i32 to vector<16xi32>
      %shift_left3A_1001 = arith.shli %get3A_994, %shift_left3A_1000 : vector<16xi32>
      %bitcast3A_1002 = vector.bitcast %shift_left3A_1001 : vector<16xi32> to vector<16xf32>
      %mul3A_1003 = arith.mulf %bitcast3A_998, %get3A_929 : vector<16xf32>
      %add3A_1004 = arith.addf %scan3A_915, %mul3A_1003 : vector<16xf32>
      %mul3A_1005 = arith.mulf %bitcast3A_1002, %get3A_929 : vector<16xf32>
      %add3A_1006 = arith.addf %scan3A_923, %mul3A_1005 : vector<16xf32>
      %add3A_1007 = arith.constant 50000 : i32
      %add3A_1008 = arith.addi %add3A_1007, %mul3A_928 : i32
      %get3A_1009 = arith.index_cast %add3A_1008 : i32 to index
      %get3A_1010 = tpu.vector_load %arg8[%get3A_1009] {strides = array<i32>} : memref<80000xi32, #tpu.memory_space<vmem>>, vector<16xi32>,
      %and3A_1011 = arith.constant -65536 : i32
      %and3A_1012 = vector.broadcast %and3A_1011 : i32 to vector<16xi32>
      %and3A_1013 = arith.andi %get3A_1010, %and3A_1012 : vector<16xi32>
      %bitcast3A_1014 = vector.bitcast %and3A_1013 : vector<16xi32> to vector<16xf32>
      %shift_left3A_1015 = arith.constant 16 : i32
      %shift_left3A_1016 = vector.broadcast %shift_left3A_1015 : i32 to vector<16xi32>
      %shift_left3A_1017 = arith.shli %get3A_1010, %shift_left3A_1016 : vector<16xi32>
      %bitcast3A_1018 = vector.bitcast %shift_left3A_1017 : vector<16xi32> to vector<16xf32>
      %mul3A_1019 = arith.mulf %bitcast3A_1014, %get3A_929 : vector<16xf32>
      %add3A_1020 = arith.addf %scan3A_916, %mul3A_1019 : vector<16xf32>
      %mul3A_1021 = arith.mulf %bitcast3A_1018, %get3A_929 : vector<16xf32>
      %add3A_1022 = arith.addf %scan3A_924, %mul3A_1021 : vector<16xf32>
      %add3A_1023 = arith.constant 60000 : i32
      %add3A_1024 = arith.addi %add3A_1023, %mul3A_928 : i32
      %get3A_1025 = arith.index_cast %add3A_1024 : i32 to index
      %get3A_1026 = tpu.vector_load %arg8[%get3A_1025] {strides = array<i32>} : memref<80000xi32, #tpu.memory_space<vmem>>, vector<16xi32>,
      %and3A_1027 = arith.constant -65536 : i32
      %and3A_1028 = vector.broadcast %and3A_1027 : i32 to vector<16xi32>
      %and3A_1029 = arith.andi %get3A_1026, %and3A_1028 : vector<16xi32>
      %bitcast3A_1030 = vector.bitcast %and3A_1029 : vector<16xi32> to vector<16xf32>
      %shift_left3A_1031 = arith.constant 16 : i32
      %shift_left3A_1032 = vector.broadcast %shift_left3A_1031 : i32 to vector<16xi32>
      %shift_left3A_1033 = arith.shli %get3A_1026, %shift_left3A_1032 : vector<16xi32>
      %bitcast3A_1034 = vector.bitcast %shift_left3A_1033 : vector<16xi32> to vector<16xf32>
      %mul3A_1035 = arith.mulf %bitcast3A_1030, %get3A_929 : vector<16xf32>
      %add3A_1036 = arith.addf %scan3A_917, %mul3A_1035 : vector<16xf32>
      %mul3A_1037 = arith.mulf %bitcast3A_1034, %get3A_929 : vector<16xf32>
      %add3A_1038 = arith.addf %scan3A_925, %mul3A_1037 : vector<16xf32>
      %add3A_1039 = arith.constant 70000 : i32
      %add3A_1040 = arith.addi %add3A_1039, %mul3A_928 : i32
      %get3A_1041 = arith.index_cast %add3A_1040 : i32 to index
      %get3A_1042 = tpu.vector_load %arg8[%get3A_1041] {strides = array<i32>} : memref<80000xi32, #tpu.memory_space<vmem>>, vector<16xi32>,
      %and3A_1043 = arith.constant -65536 : i32
      %and3A_1044 = vector.broadcast %and3A_1043 : i32 to vector<16xi32>
      %and3A_1045 = arith.andi %get3A_1042, %and3A_1044 : vector<16xi32>
      %bitcast3A_1046 = vector.bitcast %and3A_1045 : vector<16xi32> to vector<16xf32>
      %shift_left3A_1047 = arith.constant 16 : i32
      %shift_left3A_1048 = vector.broadcast %shift_left3A_1047 : i32 to vector<16xi32>
      %shift_left3A_1049 = arith.shli %get3A_1042, %shift_left3A_1048 : vector<16xi32>
      %bitcast3A_1050 = vector.bitcast %shift_left3A_1049 : vector<16xi32> to vector<16xf32>
      %mul3A_1051 = arith.mulf %bitcast3A_1046, %get3A_929 : vector<16xf32>
      %add3A_1052 = arith.addf %scan3A_918, %mul3A_1051 : vector<16xf32>
      %mul3A_1053 = arith.mulf %bitcast3A_1050, %get3A_929 : vector<16xf32>
      %add3A_1054 = arith.addf %scan3A_926, %mul3A_1053 : vector<16xf32>
      scf.yield %add3A_940, %add3A_956, %add3A_972, %add3A_988, %add3A_1004, %add3A_1020, %add3A_1036, %add3A_1052, %add3A_942, %add3A_958, %add3A_974, %add3A_990, %add3A_1006, %add3A_1022, %add3A_1038, %add3A_1054 : vector<16xf32>, vector<16xf32>, vector<16xf32>, vector<16xf32>, vector<16xf32>, vector<16xf32>, vector<16xf32>, vector<16xf32>, vector<16xf32>, vector<16xf32>, vector<16xf32>, vector<16xf32>, vector<16xf32>, vector<16xf32>, vector<16xf32>, vector<16xf32>
    }
    %scan3A_672 = arith.constant 625 : i32
    %scan3A_673 = arith.constant 0 : i32
    %scan3A_674 = arith.constant 25 : i32
    %scan3A_675 = arith.addi %scan3A_673, %scan3A_674 : i32
    %scan3A_676 = arith.constant 1 : i32
    %scan3A_677:16 = scf.for %scan3A_910 = %scan3A_673 to %scan3A_675 step %scan3A_676 iter_args(%scan3A_911 = %scan3A_671#0, %scan3A_912 = %scan3A_671#1, %scan3A_913 = %scan3A_671#2, %scan3A_914 = %scan3A_671#3, %scan3A_915 = %scan3A_671#4, %scan3A_916 = %scan3A_671#5, %scan3A_917 = %scan3A_671#6, %scan3A_918 = %scan3A_671#7, %scan3A_919 = %scan3A_671#8, %scan3A_920 = %scan3A_671#9, %scan3A_921 = %scan3A_671#10, %scan3A_922 = %scan3A_671#11, %scan3A_923 = %scan3A_671#12, %scan3A_924 = %scan3A_671#13, %scan3A_925 = %scan3A_671#14, %scan3A_926 = %scan3A_671#15) -> (vector<16xf32>, vector<16xf32>, vector<16xf32>, vector<16xf32>, vector<16xf32>, vector<16xf32>, vector<16xf32>, vector<16xf32>, vector<16xf32>, vector<16xf32>, vector<16xf32>, vector<16xf32>, vector<16xf32>, vector<16xf32>, vector<16xf32>, vector<16xf32>)  : i32 {
      %dma_wait3A_927 = arith.constant 0 : i32
      %dma_wait3A_928 = tpu.memref_slice %arg5[%dma_wait3A_927] : memref<160000xi32, #tpu.memory_space<hbm>> -> memref<3200xi32, #tpu.memory_space<hbm>>
      %dma_wait3A_929 = arith.constant 0 : i32
      %dma_wait3A_930 = tpu.memref_slice %arg5[%dma_wait3A_929] : memref<160000xi32, #tpu.memory_space<hbm>> -> memref<3200xi32, #tpu.memory_space<hbm>>
      tpu.wait_dma2 semaphore(%arg19 : memref<!tpu.dma_semaphore, #tpu.memory_space<semaphore_mem>>) src(%dma_wait3A_930 : memref<3200xi32, #tpu.memory_space<hbm>>) dst(%arg12 : memref<3200xi32, #tpu.memory_space<vmem>>)
      %dma_wait3A_931 = arith.constant 0 : i32
      %dma_wait3A_932 = tpu.memref_slice %arg6[%dma_wait3A_931] : memref<160000xi32, #tpu.memory_space<hbm>> -> memref<3200xi32, #tpu.memory_space<hbm>>
      %dma_wait3A_933 = arith.constant 0 : i32
      %dma_wait3A_934 = tpu.memref_slice %arg6[%dma_wait3A_933] : memref<160000xi32, #tpu.memory_space<hbm>> -> memref<3200xi32, #tpu.memory_space<hbm>>
      tpu.wait_dma2 semaphore(%arg19 : memref<!tpu.dma_semaphore, #tpu.memory_space<semaphore_mem>>) src(%dma_wait3A_934 : memref<3200xi32, #tpu.memory_space<hbm>>) dst(%arg13 : memref<3200xi32, #tpu.memory_space<vmem>>)
      %dma_wait3A_935 = arith.constant 0 : i32
      %dma_wait3A_936 = tpu.memref_slice %arg4[%dma_wait3A_935] : memref<160000xf32, #tpu.memory_space<hbm>> -> memref<3200xf32, #tpu.memory_space<hbm>>
      %dma_wait3A_937 = arith.constant 0 : i32
      %dma_wait3A_938 = tpu.memref_slice %arg4[%dma_wait3A_937] : memref<160000xf32, #tpu.memory_space<hbm>> -> memref<3200xf32, #tpu.memory_space<hbm>>
      tpu.wait_dma2 semaphore(%arg19 : memref<!tpu.dma_semaphore, #tpu.memory_space<semaphore_mem>>) src(%dma_wait3A_938 : memref<3200xf32, #tpu.memory_space<hbm>>) dst(%arg14 : memref<3200xf32, #tpu.memory_space<vmem>>)
      %parallel_loop3A_939 = arith.constant 0 : i32
      %parallel_loop3A_940 = arith.constant 200 : i32
      %parallel_loop3A_941 = arith.constant 1 : i32
      %parallel_loop3A_942:16 = scf.for %parallel_loop3A_966 = %parallel_loop3A_939 to %parallel_loop3A_940 step %parallel_loop3A_941 iter_args(%parallel_loop3A_967 = %scan3A_911, %parallel_loop3A_968 = %scan3A_912, %parallel_loop3A_969 = %scan3A_913, %parallel_loop3A_970 = %scan3A_914, %parallel_loop3A_971 = %scan3A_915, %parallel_loop3A_972 = %scan3A_916, %parallel_loop3A_973 = %scan3A_917, %parallel_loop3A_974 = %scan3A_918, %parallel_loop3A_975 = %scan3A_919, %parallel_loop3A_976 = %scan3A_920, %parallel_loop3A_977 = %scan3A_921, %parallel_loop3A_978 = %scan3A_922, %parallel_loop3A_979 = %scan3A_923, %parallel_loop3A_980 = %scan3A_924, %parallel_loop3A_981 = %scan3A_925, %parallel_loop3A_982 = %scan3A_926) -> (vector<16xf32>, vector<16xf32>, vector<16xf32>, vector<16xf32>, vector<16xf32>, vector<16xf32>, vector<16xf32>, vector<16xf32>, vector<16xf32>, vector<16xf32>, vector<16xf32>, vector<16xf32>, vector<16xf32>, vector<16xf32>, vector<16xf32>, vector<16xf32>)  : i32 {
        %parallel_loop3A_983 = arith.constant 16 : i32
        %parallel_loop3A_984 = arith.muli %parallel_loop3A_966, %parallel_loop3A_983 : i32
        %parallel_loop3A_985 = arith.index_cast %parallel_loop3A_984 : i32 to index
        %parallel_loop3A_986 = tpu.vector_load %arg12[%parallel_loop3A_985] {strides = array<i32>} : memref<3200xi32, #tpu.memory_space<vmem>>, vector<16xi32>,
        %parallel_loop3A_987 = arith.index_cast %parallel_loop3A_984 : i32 to index
        %parallel_loop3A_988 = tpu.vector_load %arg13[%parallel_loop3A_987] {strides = array<i32>} : memref<3200xi32, #tpu.memory_space<vmem>>, vector<16xi32>,
        %parallel_loop3A_989 = arith.index_cast %parallel_loop3A_984 : i32 to index
        %parallel_loop3A_990 = tpu.vector_load %arg14[%parallel_loop3A_989] {strides = array<i32>} : memref<3200xf32, #tpu.memory_space<vmem>>, vector<16xf32>,
        %parallel_loop3A_991 = arith.constant 0 : i32
        %parallel_loop3A_992 = tpu.memref_slice %arg8[%parallel_loop3A_991] : memref<80000xi32, #tpu.memory_space<vmem>> -> memref<10000xi32, #tpu.memory_space<vmem>>
        %parallel_loop3A_993 = tpu.vector_load_idx %parallel_loop3A_992[%parallel_loop3A_986] : memref<10000xi32, #tpu.memory_space<vmem>>[vector<16xi32>], vector<16xi32>,
        %parallel_loop3A_994 = arith.constant 0 : i32
        %parallel_loop3A_995 = tpu.memref_slice %arg8[%parallel_loop3A_994] : memref<80000xi32, #tpu.memory_space<vmem>> -> memref<10000xi32, #tpu.memory_space<vmem>>
        %parallel_loop3A_996 = tpu.vector_load_idx %parallel_loop3A_995[%parallel_loop3A_988] : memref<10000xi32, #tpu.memory_space<vmem>>[vector<16xi32>], vector<16xi32>,
        %parallel_loop3A_997 = arith.constant -65536 : i32
        %parallel_loop3A_998 = vector.broadcast %parallel_loop3A_997 : i32 to vector<16xi32>
        %parallel_loop3A_999 = arith.andi %parallel_loop3A_993, %parallel_loop3A_998 : vector<16xi32>
        %parallel_loop3A_1000 = vector.bitcast %parallel_loop3A_999 : vector<16xi32> to vector<16xf32>
        %parallel_loop3A_1001 = arith.constant -65536 : i32
        %parallel_loop3A_1002 = vector.broadcast %parallel_loop3A_1001 : i32 to vector<16xi32>
        %parallel_loop3A_1003 = arith.andi %parallel_loop3A_996, %parallel_loop3A_1002 : vector<16xi32>
        %parallel_loop3A_1004 = vector.bitcast %parallel_loop3A_1003 : vector<16xi32> to vector<16xf32>
        %parallel_loop3A_1005 = arith.constant 16 : i32
        %parallel_loop3A_1006 = vector.broadcast %parallel_loop3A_1005 : i32 to vector<16xi32>
        %parallel_loop3A_1007 = arith.shli %parallel_loop3A_993, %parallel_loop3A_1006 : vector<16xi32>
        %parallel_loop3A_1008 = vector.bitcast %parallel_loop3A_1007 : vector<16xi32> to vector<16xf32>
        %parallel_loop3A_1009 = arith.constant 16 : i32
        %parallel_loop3A_1010 = vector.broadcast %parallel_loop3A_1009 : i32 to vector<16xi32>
        %parallel_loop3A_1011 = arith.shli %parallel_loop3A_996, %parallel_loop3A_1010 : vector<16xi32>
        %parallel_loop3A_1012 = vector.bitcast %parallel_loop3A_1011 : vector<16xi32> to vector<16xf32>
        %parallel_loop3A_1013 = arith.mulf %parallel_loop3A_1000, %parallel_loop3A_1004 : vector<16xf32>
        %parallel_loop3A_1014 = arith.mulf %parallel_loop3A_1013, %parallel_loop3A_990 : vector<16xf32>
        %parallel_loop3A_1015 = arith.addf %parallel_loop3A_967, %parallel_loop3A_1014 : vector<16xf32>
        %parallel_loop3A_1016 = arith.mulf %parallel_loop3A_1008, %parallel_loop3A_1012 : vector<16xf32>
        %parallel_loop3A_1017 = arith.mulf %parallel_loop3A_1016, %parallel_loop3A_990 : vector<16xf32>
        %parallel_loop3A_1018 = arith.addf %parallel_loop3A_975, %parallel_loop3A_1017 : vector<16xf32>
        %parallel_loop3A_1019 = arith.constant 10000 : i32
        %parallel_loop3A_1020 = tpu.memref_slice %arg8[%parallel_loop3A_1019] : memref<80000xi32, #tpu.memory_space<vmem>> -> memref<10000xi32, #tpu.memory_space<vmem>>
        %parallel_loop3A_1021 = tpu.vector_load_idx %parallel_loop3A_1020[%parallel_loop3A_986] : memref<10000xi32, #tpu.memory_space<vmem>>[vector<16xi32>], vector<16xi32>,
        %parallel_loop3A_1022 = arith.constant 10000 : i32
        %parallel_loop3A_1023 = tpu.memref_slice %arg8[%parallel_loop3A_1022] : memref<80000xi32, #tpu.memory_space<vmem>> -> memref<10000xi32, #tpu.memory_space<vmem>>
        %parallel_loop3A_1024 = tpu.vector_load_idx %parallel_loop3A_1023[%parallel_loop3A_988] : memref<10000xi32, #tpu.memory_space<vmem>>[vector<16xi32>], vector<16xi32>,
        %parallel_loop3A_1025 = arith.constant -65536 : i32
        %parallel_loop3A_1026 = vector.broadcast %parallel_loop3A_1025 : i32 to vector<16xi32>
        %parallel_loop3A_1027 = arith.andi %parallel_loop3A_1021, %parallel_loop3A_1026 : vector<16xi32>
        %parallel_loop3A_1028 = vector.bitcast %parallel_loop3A_1027 : vector<16xi32> to vector<16xf32>
        %parallel_loop3A_1029 = arith.constant -65536 : i32
        %parallel_loop3A_1030 = vector.broadcast %parallel_loop3A_1029 : i32 to vector<16xi32>
        %parallel_loop3A_1031 = arith.andi %parallel_loop3A_1024, %parallel_loop3A_1030 : vector<16xi32>
        %parallel_loop3A_1032 = vector.bitcast %parallel_loop3A_1031 : vector<16xi32> to vector<16xf32>
        %parallel_loop3A_1033 = arith.constant 16 : i32
        %parallel_loop3A_1034 = vector.broadcast %parallel_loop3A_1033 : i32 to vector<16xi32>
        %parallel_loop3A_1035 = arith.shli %parallel_loop3A_1021, %parallel_loop3A_1034 : vector<16xi32>
        %parallel_loop3A_1036 = vector.bitcast %parallel_loop3A_1035 : vector<16xi32> to vector<16xf32>
        %parallel_loop3A_1037 = arith.constant 16 : i32
        %parallel_loop3A_1038 = vector.broadcast %parallel_loop3A_1037 : i32 to vector<16xi32>
        %parallel_loop3A_1039 = arith.shli %parallel_loop3A_1024, %parallel_loop3A_1038 : vector<16xi32>
        %parallel_loop3A_1040 = vector.bitcast %parallel_loop3A_1039 : vector<16xi32> to vector<16xf32>
        %parallel_loop3A_1041 = arith.mulf %parallel_loop3A_1028, %parallel_loop3A_1032 : vector<16xf32>
        %parallel_loop3A_1042 = arith.mulf %parallel_loop3A_1041, %parallel_loop3A_990 : vector<16xf32>
        %parallel_loop3A_1043 = arith.addf %parallel_loop3A_968, %parallel_loop3A_1042 : vector<16xf32>
        %parallel_loop3A_1044 = arith.mulf %parallel_loop3A_1036, %parallel_loop3A_1040 : vector<16xf32>
        %parallel_loop3A_1045 = arith.mulf %parallel_loop3A_1044, %parallel_loop3A_990 : vector<16xf32>
        %parallel_loop3A_1046 = arith.addf %parallel_loop3A_976, %parallel_loop3A_1045 : vector<16xf32>
        %parallel_loop3A_1047 = arith.constant 20000 : i32
        %parallel_loop3A_1048 = tpu.memref_slice %arg8[%parallel_loop3A_1047] : memref<80000xi32, #tpu.memory_space<vmem>> -> memref<10000xi32, #tpu.memory_space<vmem>>
        %parallel_loop3A_1049 = tpu.vector_load_idx %parallel_loop3A_1048[%parallel_loop3A_986] : memref<10000xi32, #tpu.memory_space<vmem>>[vector<16xi32>], vector<16xi32>,
        %parallel_loop3A_1050 = arith.constant 20000 : i32
        %parallel_loop3A_1051 = tpu.memref_slice %arg8[%parallel_loop3A_1050] : memref<80000xi32, #tpu.memory_space<vmem>> -> memref<10000xi32, #tpu.memory_space<vmem>>
        %parallel_loop3A_1052 = tpu.vector_load_idx %parallel_loop3A_1051[%parallel_loop3A_988] : memref<10000xi32, #tpu.memory_space<vmem>>[vector<16xi32>], vector<16xi32>,
        %parallel_loop3A_1053 = arith.constant -65536 : i32
        %parallel_loop3A_1054 = vector.broadcast %parallel_loop3A_1053 : i32 to vector<16xi32>
        %parallel_loop3A_1055 = arith.andi %parallel_loop3A_1049, %parallel_loop3A_1054 : vector<16xi32>
        %parallel_loop3A_1056 = vector.bitcast %parallel_loop3A_1055 : vector<16xi32> to vector<16xf32>
        %parallel_loop3A_1057 = arith.constant -65536 : i32
        %parallel_loop3A_1058 = vector.broadcast %parallel_loop3A_1057 : i32 to vector<16xi32>
        %parallel_loop3A_1059 = arith.andi %parallel_loop3A_1052, %parallel_loop3A_1058 : vector<16xi32>
        %parallel_loop3A_1060 = vector.bitcast %parallel_loop3A_1059 : vector<16xi32> to vector<16xf32>
        %parallel_loop3A_1061 = arith.constant 16 : i32
        %parallel_loop3A_1062 = vector.broadcast %parallel_loop3A_1061 : i32 to vector<16xi32>
        %parallel_loop3A_1063 = arith.shli %parallel_loop3A_1049, %parallel_loop3A_1062 : vector<16xi32>
        %parallel_loop3A_1064 = vector.bitcast %parallel_loop3A_1063 : vector<16xi32> to vector<16xf32>
        %parallel_loop3A_1065 = arith.constant 16 : i32
        %parallel_loop3A_1066 = vector.broadcast %parallel_loop3A_1065 : i32 to vector<16xi32>
        %parallel_loop3A_1067 = arith.shli %parallel_loop3A_1052, %parallel_loop3A_1066 : vector<16xi32>
        %parallel_loop3A_1068 = vector.bitcast %parallel_loop3A_1067 : vector<16xi32> to vector<16xf32>
        %parallel_loop3A_1069 = arith.mulf %parallel_loop3A_1056, %parallel_loop3A_1060 : vector<16xf32>
        %parallel_loop3A_1070 = arith.mulf %parallel_loop3A_1069, %parallel_loop3A_990 : vector<16xf32>
        %parallel_loop3A_1071 = arith.addf %parallel_loop3A_969, %parallel_loop3A_1070 : vector<16xf32>
        %parallel_loop3A_1072 = arith.mulf %parallel_loop3A_1064, %parallel_loop3A_1068 : vector<16xf32>
        %parallel_loop3A_1073 = arith.mulf %parallel_loop3A_1072, %parallel_loop3A_990 : vector<16xf32>
        %parallel_loop3A_1074 = arith.addf %parallel_loop3A_977, %parallel_loop3A_1073 : vector<16xf32>
        %parallel_loop3A_1075 = arith.constant 30000 : i32
        %parallel_loop3A_1076 = tpu.memref_slice %arg8[%parallel_loop3A_1075] : memref<80000xi32, #tpu.memory_space<vmem>> -> memref<10000xi32, #tpu.memory_space<vmem>>
        %parallel_loop3A_1077 = tpu.vector_load_idx %parallel_loop3A_1076[%parallel_loop3A_986] : memref<10000xi32, #tpu.memory_space<vmem>>[vector<16xi32>], vector<16xi32>,
        %parallel_loop3A_1078 = arith.constant 30000 : i32
        %parallel_loop3A_1079 = tpu.memref_slice %arg8[%parallel_loop3A_1078] : memref<80000xi32, #tpu.memory_space<vmem>> -> memref<10000xi32, #tpu.memory_space<vmem>>
        %parallel_loop3A_1080 = tpu.vector_load_idx %parallel_loop3A_1079[%parallel_loop3A_988] : memref<10000xi32, #tpu.memory_space<vmem>>[vector<16xi32>], vector<16xi32>,
        %parallel_loop3A_1081 = arith.constant -65536 : i32
        %parallel_loop3A_1082 = vector.broadcast %parallel_loop3A_1081 : i32 to vector<16xi32>
        %parallel_loop3A_1083 = arith.andi %parallel_loop3A_1077, %parallel_loop3A_1082 : vector<16xi32>
        %parallel_loop3A_1084 = vector.bitcast %parallel_loop3A_1083 : vector<16xi32> to vector<16xf32>
        %parallel_loop3A_1085 = arith.constant -65536 : i32
        %parallel_loop3A_1086 = vector.broadcast %parallel_loop3A_1085 : i32 to vector<16xi32>
        %parallel_loop3A_1087 = arith.andi %parallel_loop3A_1080, %parallel_loop3A_1086 : vector<16xi32>
        %parallel_loop3A_1088 = vector.bitcast %parallel_loop3A_1087 : vector<16xi32> to vector<16xf32>
        %parallel_loop3A_1089 = arith.constant 16 : i32
        %parallel_loop3A_1090 = vector.broadcast %parallel_loop3A_1089 : i32 to vector<16xi32>
        %parallel_loop3A_1091 = arith.shli %parallel_loop3A_1077, %parallel_loop3A_1090 : vector<16xi32>
        %parallel_loop3A_1092 = vector.bitcast %parallel_loop3A_1091 : vector<16xi32> to vector<16xf32>
        %parallel_loop3A_1093 = arith.constant 16 : i32
        %parallel_loop3A_1094 = vector.broadcast %parallel_loop3A_1093 : i32 to vector<16xi32>
        %parallel_loop3A_1095 = arith.shli %parallel_loop3A_1080, %parallel_loop3A_1094 : vector<16xi32>
        %parallel_loop3A_1096 = vector.bitcast %parallel_loop3A_1095 : vector<16xi32> to vector<16xf32>
        %parallel_loop3A_1097 = arith.mulf %parallel_loop3A_1084, %parallel_loop3A_1088 : vector<16xf32>
        %parallel_loop3A_1098 = arith.mulf %parallel_loop3A_1097, %parallel_loop3A_990 : vector<16xf32>
        %parallel_loop3A_1099 = arith.addf %parallel_loop3A_970, %parallel_loop3A_1098 : vector<16xf32>
        %parallel_loop3A_1100 = arith.mulf %parallel_loop3A_1092, %parallel_loop3A_1096 : vector<16xf32>
        %parallel_loop3A_1101 = arith.mulf %parallel_loop3A_1100, %parallel_loop3A_990 : vector<16xf32>
        %parallel_loop3A_1102 = arith.addf %parallel_loop3A_978, %parallel_loop3A_1101 : vector<16xf32>
        %parallel_loop3A_1103 = arith.constant 40000 : i32
        %parallel_loop3A_1104 = tpu.memref_slice %arg8[%parallel_loop3A_1103] : memref<80000xi32, #tpu.memory_space<vmem>> -> memref<10000xi32, #tpu.memory_space<vmem>>
        %parallel_loop3A_1105 = tpu.vector_load_idx %parallel_loop3A_1104[%parallel_loop3A_986] : memref<10000xi32, #tpu.memory_space<vmem>>[vector<16xi32>], vector<16xi32>,
        %parallel_loop3A_1106 = arith.constant 40000 : i32
        %parallel_loop3A_1107 = tpu.memref_slice %arg8[%parallel_loop3A_1106] : memref<80000xi32, #tpu.memory_space<vmem>> -> memref<10000xi32, #tpu.memory_space<vmem>>
        %parallel_loop3A_1108 = tpu.vector_load_idx %parallel_loop3A_1107[%parallel_loop3A_988] : memref<10000xi32, #tpu.memory_space<vmem>>[vector<16xi32>], vector<16xi32>,
        %parallel_loop3A_1109 = arith.constant -65536 : i32
        %parallel_loop3A_1110 = vector.broadcast %parallel_loop3A_1109 : i32 to vector<16xi32>
        %parallel_loop3A_1111 = arith.andi %parallel_loop3A_1105, %parallel_loop3A_1110 : vector<16xi32>
        %parallel_loop3A_1112 = vector.bitcast %parallel_loop3A_1111 : vector<16xi32> to vector<16xf32>
        %parallel_loop3A_1113 = arith.constant -65536 : i32
        %parallel_loop3A_1114 = vector.broadcast %parallel_loop3A_1113 : i32 to vector<16xi32>
        %parallel_loop3A_1115 = arith.andi %parallel_loop3A_1108, %parallel_loop3A_1114 : vector<16xi32>
        %parallel_loop3A_1116 = vector.bitcast %parallel_loop3A_1115 : vector<16xi32> to vector<16xf32>
        %parallel_loop3A_1117 = arith.constant 16 : i32
        %parallel_loop3A_1118 = vector.broadcast %parallel_loop3A_1117 : i32 to vector<16xi32>
        %parallel_loop3A_1119 = arith.shli %parallel_loop3A_1105, %parallel_loop3A_1118 : vector<16xi32>
        %parallel_loop3A_1120 = vector.bitcast %parallel_loop3A_1119 : vector<16xi32> to vector<16xf32>
        %parallel_loop3A_1121 = arith.constant 16 : i32
        %parallel_loop3A_1122 = vector.broadcast %parallel_loop3A_1121 : i32 to vector<16xi32>
        %parallel_loop3A_1123 = arith.shli %parallel_loop3A_1108, %parallel_loop3A_1122 : vector<16xi32>
        %parallel_loop3A_1124 = vector.bitcast %parallel_loop3A_1123 : vector<16xi32> to vector<16xf32>
        %parallel_loop3A_1125 = arith.mulf %parallel_loop3A_1112, %parallel_loop3A_1116 : vector<16xf32>
        %parallel_loop3A_1126 = arith.mulf %parallel_loop3A_1125, %parallel_loop3A_990 : vector<16xf32>
        %parallel_loop3A_1127 = arith.addf %parallel_loop3A_971, %parallel_loop3A_1126 : vector<16xf32>
        %parallel_loop3A_1128 = arith.mulf %parallel_loop3A_1120, %parallel_loop3A_1124 : vector<16xf32>
        %parallel_loop3A_1129 = arith.mulf %parallel_loop3A_1128, %parallel_loop3A_990 : vector<16xf32>
        %parallel_loop3A_1130 = arith.addf %parallel_loop3A_979, %parallel_loop3A_1129 : vector<16xf32>
        %parallel_loop3A_1131 = arith.constant 50000 : i32
        %parallel_loop3A_1132 = tpu.memref_slice %arg8[%parallel_loop3A_1131] : memref<80000xi32, #tpu.memory_space<vmem>> -> memref<10000xi32, #tpu.memory_space<vmem>>
        %parallel_loop3A_1133 = tpu.vector_load_idx %parallel_loop3A_1132[%parallel_loop3A_986] : memref<10000xi32, #tpu.memory_space<vmem>>[vector<16xi32>], vector<16xi32>,
        %parallel_loop3A_1134 = arith.constant 50000 : i32
        %parallel_loop3A_1135 = tpu.memref_slice %arg8[%parallel_loop3A_1134] : memref<80000xi32, #tpu.memory_space<vmem>> -> memref<10000xi32, #tpu.memory_space<vmem>>
        %parallel_loop3A_1136 = tpu.vector_load_idx %parallel_loop3A_1135[%parallel_loop3A_988] : memref<10000xi32, #tpu.memory_space<vmem>>[vector<16xi32>], vector<16xi32>,
        %parallel_loop3A_1137 = arith.constant -65536 : i32
        %parallel_loop3A_1138 = vector.broadcast %parallel_loop3A_1137 : i32 to vector<16xi32>
        %parallel_loop3A_1139 = arith.andi %parallel_loop3A_1133, %parallel_loop3A_1138 : vector<16xi32>
        %parallel_loop3A_1140 = vector.bitcast %parallel_loop3A_1139 : vector<16xi32> to vector<16xf32>
        %parallel_loop3A_1141 = arith.constant -65536 : i32
        %parallel_loop3A_1142 = vector.broadcast %parallel_loop3A_1141 : i32 to vector<16xi32>
        %parallel_loop3A_1143 = arith.andi %parallel_loop3A_1136, %parallel_loop3A_1142 : vector<16xi32>
        %parallel_loop3A_1144 = vector.bitcast %parallel_loop3A_1143 : vector<16xi32> to vector<16xf32>
        %parallel_loop3A_1145 = arith.constant 16 : i32
        %parallel_loop3A_1146 = vector.broadcast %parallel_loop3A_1145 : i32 to vector<16xi32>
        %parallel_loop3A_1147 = arith.shli %parallel_loop3A_1133, %parallel_loop3A_1146 : vector<16xi32>
        %parallel_loop3A_1148 = vector.bitcast %parallel_loop3A_1147 : vector<16xi32> to vector<16xf32>
        %parallel_loop3A_1149 = arith.constant 16 : i32
        %parallel_loop3A_1150 = vector.broadcast %parallel_loop3A_1149 : i32 to vector<16xi32>
        %parallel_loop3A_1151 = arith.shli %parallel_loop3A_1136, %parallel_loop3A_1150 : vector<16xi32>
        %parallel_loop3A_1152 = vector.bitcast %parallel_loop3A_1151 : vector<16xi32> to vector<16xf32>
        %parallel_loop3A_1153 = arith.mulf %parallel_loop3A_1140, %parallel_loop3A_1144 : vector<16xf32>
        %parallel_loop3A_1154 = arith.mulf %parallel_loop3A_1153, %parallel_loop3A_990 : vector<16xf32>
        %parallel_loop3A_1155 = arith.addf %parallel_loop3A_972, %parallel_loop3A_1154 : vector<16xf32>
        %parallel_loop3A_1156 = arith.mulf %parallel_loop3A_1148, %parallel_loop3A_1152 : vector<16xf32>
        %parallel_loop3A_1157 = arith.mulf %parallel_loop3A_1156, %parallel_loop3A_990 : vector<16xf32>
        %parallel_loop3A_1158 = arith.addf %parallel_loop3A_980, %parallel_loop3A_1157 : vector<16xf32>
        %parallel_loop3A_1159 = arith.constant 60000 : i32
        %parallel_loop3A_1160 = tpu.memref_slice %arg8[%parallel_loop3A_1159] : memref<80000xi32, #tpu.memory_space<vmem>> -> memref<10000xi32, #tpu.memory_space<vmem>>
        %parallel_loop3A_1161 = tpu.vector_load_idx %parallel_loop3A_1160[%parallel_loop3A_986] : memref<10000xi32, #tpu.memory_space<vmem>>[vector<16xi32>], vector<16xi32>,
        %parallel_loop3A_1162 = arith.constant 60000 : i32
        %parallel_loop3A_1163 = tpu.memref_slice %arg8[%parallel_loop3A_1162] : memref<80000xi32, #tpu.memory_space<vmem>> -> memref<10000xi32, #tpu.memory_space<vmem>>
        %parallel_loop3A_1164 = tpu.vector_load_idx %parallel_loop3A_1163[%parallel_loop3A_988] : memref<10000xi32, #tpu.memory_space<vmem>>[vector<16xi32>], vector<16xi32>,
        %parallel_loop3A_1165 = arith.constant -65536 : i32
        %parallel_loop3A_1166 = vector.broadcast %parallel_loop3A_1165 : i32 to vector<16xi32>
        %parallel_loop3A_1167 = arith.andi %parallel_loop3A_1161, %parallel_loop3A_1166 : vector<16xi32>
        %parallel_loop3A_1168 = vector.bitcast %parallel_loop3A_1167 : vector<16xi32> to vector<16xf32>
        %parallel_loop3A_1169 = arith.constant -65536 : i32
        %parallel_loop3A_1170 = vector.broadcast %parallel_loop3A_1169 : i32 to vector<16xi32>
        %parallel_loop3A_1171 = arith.andi %parallel_loop3A_1164, %parallel_loop3A_1170 : vector<16xi32>
        %parallel_loop3A_1172 = vector.bitcast %parallel_loop3A_1171 : vector<16xi32> to vector<16xf32>
        %parallel_loop3A_1173 = arith.constant 16 : i32
        %parallel_loop3A_1174 = vector.broadcast %parallel_loop3A_1173 : i32 to vector<16xi32>
        %parallel_loop3A_1175 = arith.shli %parallel_loop3A_1161, %parallel_loop3A_1174 : vector<16xi32>
        %parallel_loop3A_1176 = vector.bitcast %parallel_loop3A_1175 : vector<16xi32> to vector<16xf32>
        %parallel_loop3A_1177 = arith.constant 16 : i32
        %parallel_loop3A_1178 = vector.broadcast %parallel_loop3A_1177 : i32 to vector<16xi32>
        %parallel_loop3A_1179 = arith.shli %parallel_loop3A_1164, %parallel_loop3A_1178 : vector<16xi32>
        %parallel_loop3A_1180 = vector.bitcast %parallel_loop3A_1179 : vector<16xi32> to vector<16xf32>
        %parallel_loop3A_1181 = arith.mulf %parallel_loop3A_1168, %parallel_loop3A_1172 : vector<16xf32>
        %parallel_loop3A_1182 = arith.mulf %parallel_loop3A_1181, %parallel_loop3A_990 : vector<16xf32>
        %parallel_loop3A_1183 = arith.addf %parallel_loop3A_973, %parallel_loop3A_1182 : vector<16xf32>
        %parallel_loop3A_1184 = arith.mulf %parallel_loop3A_1176, %parallel_loop3A_1180 : vector<16xf32>
        %parallel_loop3A_1185 = arith.mulf %parallel_loop3A_1184, %parallel_loop3A_990 : vector<16xf32>
        %parallel_loop3A_1186 = arith.addf %parallel_loop3A_981, %parallel_loop3A_1185 : vector<16xf32>
        %parallel_loop3A_1187 = arith.constant 70000 : i32
        %parallel_loop3A_1188 = tpu.memref_slice %arg8[%parallel_loop3A_1187] : memref<80000xi32, #tpu.memory_space<vmem>> -> memref<10000xi32, #tpu.memory_space<vmem>>
        %parallel_loop3A_1189 = tpu.vector_load_idx %parallel_loop3A_1188[%parallel_loop3A_986] : memref<10000xi32, #tpu.memory_space<vmem>>[vector<16xi32>], vector<16xi32>,
        %parallel_loop3A_1190 = arith.constant 70000 : i32
        %parallel_loop3A_1191 = tpu.memref_slice %arg8[%parallel_loop3A_1190] : memref<80000xi32, #tpu.memory_space<vmem>> -> memref<10000xi32, #tpu.memory_space<vmem>>
        %parallel_loop3A_1192 = tpu.vector_load_idx %parallel_loop3A_1191[%parallel_loop3A_988] : memref<10000xi32, #tpu.memory_space<vmem>>[vector<16xi32>], vector<16xi32>,
        %parallel_loop3A_1193 = arith.constant -65536 : i32
        %parallel_loop3A_1194 = vector.broadcast %parallel_loop3A_1193 : i32 to vector<16xi32>
        %parallel_loop3A_1195 = arith.andi %parallel_loop3A_1189, %parallel_loop3A_1194 : vector<16xi32>
        %parallel_loop3A_1196 = vector.bitcast %parallel_loop3A_1195 : vector<16xi32> to vector<16xf32>
        %parallel_loop3A_1197 = arith.constant -65536 : i32
        %parallel_loop3A_1198 = vector.broadcast %parallel_loop3A_1197 : i32 to vector<16xi32>
        %parallel_loop3A_1199 = arith.andi %parallel_loop3A_1192, %parallel_loop3A_1198 : vector<16xi32>
        %parallel_loop3A_1200 = vector.bitcast %parallel_loop3A_1199 : vector<16xi32> to vector<16xf32>
        %parallel_loop3A_1201 = arith.constant 16 : i32
        %parallel_loop3A_1202 = vector.broadcast %parallel_loop3A_1201 : i32 to vector<16xi32>
        %parallel_loop3A_1203 = arith.shli %parallel_loop3A_1189, %parallel_loop3A_1202 : vector<16xi32>
        %parallel_loop3A_1204 = vector.bitcast %parallel_loop3A_1203 : vector<16xi32> to vector<16xf32>
        %parallel_loop3A_1205 = arith.constant 16 : i32
        %parallel_loop3A_1206 = vector.broadcast %parallel_loop3A_1205 : i32 to vector<16xi32>
        %parallel_loop3A_1207 = arith.shli %parallel_loop3A_1192, %parallel_loop3A_1206 : vector<16xi32>
        %parallel_loop3A_1208 = vector.bitcast %parallel_loop3A_1207 : vector<16xi32> to vector<16xf32>
        %parallel_loop3A_1209 = arith.mulf %parallel_loop3A_1196, %parallel_loop3A_1200 : vector<16xf32>
        %parallel_loop3A_1210 = arith.mulf %parallel_loop3A_1209, %parallel_loop3A_990 : vector<16xf32>
        %parallel_loop3A_1211 = arith.addf %parallel_loop3A_974, %parallel_loop3A_1210 : vector<16xf32>
        %parallel_loop3A_1212 = arith.mulf %parallel_loop3A_1204, %parallel_loop3A_1208 : vector<16xf32>
        %parallel_loop3A_1213 = arith.mulf %parallel_loop3A_1212, %parallel_loop3A_990 : vector<16xf32>
        %parallel_loop3A_1214 = arith.addf %parallel_loop3A_982, %parallel_loop3A_1213 : vector<16xf32>
        scf.yield %parallel_loop3A_1015, %parallel_loop3A_1043, %parallel_loop3A_1071, %parallel_loop3A_1099, %parallel_loop3A_1127, %parallel_loop3A_1155, %parallel_loop3A_1183, %parallel_loop3A_1211, %parallel_loop3A_1018, %parallel_loop3A_1046, %parallel_loop3A_1074, %parallel_loop3A_1102, %parallel_loop3A_1130, %parallel_loop3A_1158, %parallel_loop3A_1186, %parallel_loop3A_1214 : vector<16xf32>, vector<16xf32>, vector<16xf32>, vector<16xf32>, vector<16xf32>, vector<16xf32>, vector<16xf32>, vector<16xf32>, vector<16xf32>, vector<16xf32>, vector<16xf32>, vector<16xf32>, vector<16xf32>, vector<16xf32>, vector<16xf32>, vector<16xf32>
      } {sc.loop_unroll_factor = 2 : i64, sc.parallel_access}
      %lt3A = arith.constant 24 : i32
      %lt3A_943 = arith.cmpi slt, %scan3A_910, %lt3A : i32
      %convert_element_type3A = arith.extui %lt3A_943 : i1 to i32
      %cond3A = arith.constant 0 : i32
      %cond3A_944 = arith.cmpi ne, %convert_element_type3A, %cond3A : i32
      scf.if %cond3A_944 {
        %mul3A_966 = arith.constant 2 : i32
        %mul3A_967 = arith.muli %mul3A_966, %scan3A_910 : i32
        %add3A_968 = arith.constant 2 : i32
        %add3A_969 = arith.addi %mul3A_967, %add3A_968 : i32
        %mul3A_970 = arith.constant 3200 : i32
        %mul3A_971 = arith.muli %add3A_969, %mul3A_970 : i32
        %dma_start3A_972 = tpu.memref_slice %arg5[%mul3A_971] : memref<160000xi32, #tpu.memory_space<hbm>> -> memref<3200xi32, #tpu.memory_space<hbm>>
        %dma_start3A_973 = tpu.memref_slice %arg5[%mul3A_971] : memref<160000xi32, #tpu.memory_space<hbm>> -> memref<3200xi32, #tpu.memory_space<hbm>>
        tpu.enqueue_dma source(%dma_start3A_973 : memref<3200xi32, #tpu.memory_space<hbm>>) target(%arg12 : memref<3200xi32, #tpu.memory_space<vmem>>) target_semaphore(%arg19 : memref<!tpu.dma_semaphore, #tpu.memory_space<semaphore_mem>>)
        %dma_start3A_974 = tpu.memref_slice %arg6[%mul3A_971] : memref<160000xi32, #tpu.memory_space<hbm>> -> memref<3200xi32, #tpu.memory_space<hbm>>
        %dma_start3A_975 = tpu.memref_slice %arg6[%mul3A_971] : memref<160000xi32, #tpu.memory_space<hbm>> -> memref<3200xi32, #tpu.memory_space<hbm>>
        tpu.enqueue_dma source(%dma_start3A_975 : memref<3200xi32, #tpu.memory_space<hbm>>) target(%arg13 : memref<3200xi32, #tpu.memory_space<vmem>>) target_semaphore(%arg19 : memref<!tpu.dma_semaphore, #tpu.memory_space<semaphore_mem>>)
        %dma_start3A_976 = tpu.memref_slice %arg4[%mul3A_971] : memref<160000xf32, #tpu.memory_space<hbm>> -> memref<3200xf32, #tpu.memory_space<hbm>>
        %dma_start3A_977 = tpu.memref_slice %arg4[%mul3A_971] : memref<160000xf32, #tpu.memory_space<hbm>> -> memref<3200xf32, #tpu.memory_space<hbm>>
        tpu.enqueue_dma source(%dma_start3A_977 : memref<3200xf32, #tpu.memory_space<hbm>>) target(%arg14 : memref<3200xf32, #tpu.memory_space<vmem>>) target_semaphore(%arg19 : memref<!tpu.dma_semaphore, #tpu.memory_space<semaphore_mem>>)
      } else {
      }
      %dma_wait3A_945 = arith.constant 0 : i32
      %dma_wait3A_946 = tpu.memref_slice %arg5[%dma_wait3A_945] : memref<160000xi32, #tpu.memory_space<hbm>> -> memref<3200xi32, #tpu.memory_space<hbm>>
      %dma_wait3A_947 = arith.constant 0 : i32
      %dma_wait3A_948 = tpu.memref_slice %arg5[%dma_wait3A_947] : memref<160000xi32, #tpu.memory_space<hbm>> -> memref<3200xi32, #tpu.memory_space<hbm>>
      tpu.wait_dma2 semaphore(%arg20 : memref<!tpu.dma_semaphore, #tpu.memory_space<semaphore_mem>>) src(%dma_wait3A_948 : memref<3200xi32, #tpu.memory_space<hbm>>) dst(%arg15 : memref<3200xi32, #tpu.memory_space<vmem>>)
      %dma_wait3A_949 = arith.constant 0 : i32
      %dma_wait3A_950 = tpu.memref_slice %arg6[%dma_wait3A_949] : memref<160000xi32, #tpu.memory_space<hbm>> -> memref<3200xi32, #tpu.memory_space<hbm>>
      %dma_wait3A_951 = arith.constant 0 : i32
      %dma_wait3A_952 = tpu.memref_slice %arg6[%dma_wait3A_951] : memref<160000xi32, #tpu.memory_space<hbm>> -> memref<3200xi32, #tpu.memory_space<hbm>>
      tpu.wait_dma2 semaphore(%arg20 : memref<!tpu.dma_semaphore, #tpu.memory_space<semaphore_mem>>) src(%dma_wait3A_952 : memref<3200xi32, #tpu.memory_space<hbm>>) dst(%arg16 : memref<3200xi32, #tpu.memory_space<vmem>>)
      %dma_wait3A_953 = arith.constant 0 : i32
      %dma_wait3A_954 = tpu.memref_slice %arg4[%dma_wait3A_953] : memref<160000xf32, #tpu.memory_space<hbm>> -> memref<3200xf32, #tpu.memory_space<hbm>>
      %dma_wait3A_955 = arith.constant 0 : i32
      %dma_wait3A_956 = tpu.memref_slice %arg4[%dma_wait3A_955] : memref<160000xf32, #tpu.memory_space<hbm>> -> memref<3200xf32, #tpu.memory_space<hbm>>
      tpu.wait_dma2 semaphore(%arg20 : memref<!tpu.dma_semaphore, #tpu.memory_space<semaphore_mem>>) src(%dma_wait3A_956 : memref<3200xf32, #tpu.memory_space<hbm>>) dst(%arg17 : memref<3200xf32, #tpu.memory_space<vmem>>)
      %parallel_loop3A_957 = arith.constant 0 : i32
      %parallel_loop3A_958 = arith.constant 200 : i32
      %parallel_loop3A_959 = arith.constant 1 : i32
      %parallel_loop3A_960:16 = scf.for %parallel_loop3A_966 = %parallel_loop3A_957 to %parallel_loop3A_958 step %parallel_loop3A_959 iter_args(%parallel_loop3A_967 = %parallel_loop3A_942#0, %parallel_loop3A_968 = %parallel_loop3A_942#1, %parallel_loop3A_969 = %parallel_loop3A_942#2, %parallel_loop3A_970 = %parallel_loop3A_942#3, %parallel_loop3A_971 = %parallel_loop3A_942#4, %parallel_loop3A_972 = %parallel_loop3A_942#5, %parallel_loop3A_973 = %parallel_loop3A_942#6, %parallel_loop3A_974 = %parallel_loop3A_942#7, %parallel_loop3A_975 = %parallel_loop3A_942#8, %parallel_loop3A_976 = %parallel_loop3A_942#9, %parallel_loop3A_977 = %parallel_loop3A_942#10, %parallel_loop3A_978 = %parallel_loop3A_942#11, %parallel_loop3A_979 = %parallel_loop3A_942#12, %parallel_loop3A_980 = %parallel_loop3A_942#13, %parallel_loop3A_981 = %parallel_loop3A_942#14, %parallel_loop3A_982 = %parallel_loop3A_942#15) -> (vector<16xf32>, vector<16xf32>, vector<16xf32>, vector<16xf32>, vector<16xf32>, vector<16xf32>, vector<16xf32>, vector<16xf32>, vector<16xf32>, vector<16xf32>, vector<16xf32>, vector<16xf32>, vector<16xf32>, vector<16xf32>, vector<16xf32>, vector<16xf32>)  : i32 {
        %parallel_loop3A_983 = arith.constant 16 : i32
        %parallel_loop3A_984 = arith.muli %parallel_loop3A_966, %parallel_loop3A_983 : i32
        %parallel_loop3A_985 = arith.index_cast %parallel_loop3A_984 : i32 to index
        %parallel_loop3A_986 = tpu.vector_load %arg15[%parallel_loop3A_985] {strides = array<i32>} : memref<3200xi32, #tpu.memory_space<vmem>>, vector<16xi32>,
        %parallel_loop3A_987 = arith.index_cast %parallel_loop3A_984 : i32 to index
        %parallel_loop3A_988 = tpu.vector_load %arg16[%parallel_loop3A_987] {strides = array<i32>} : memref<3200xi32, #tpu.memory_space<vmem>>, vector<16xi32>,
        %parallel_loop3A_989 = arith.index_cast %parallel_loop3A_984 : i32 to index
        %parallel_loop3A_990 = tpu.vector_load %arg17[%parallel_loop3A_989] {strides = array<i32>} : memref<3200xf32, #tpu.memory_space<vmem>>, vector<16xf32>,
        %parallel_loop3A_991 = arith.constant 0 : i32
        %parallel_loop3A_992 = tpu.memref_slice %arg8[%parallel_loop3A_991] : memref<80000xi32, #tpu.memory_space<vmem>> -> memref<10000xi32, #tpu.memory_space<vmem>>
        %parallel_loop3A_993 = tpu.vector_load_idx %parallel_loop3A_992[%parallel_loop3A_986] : memref<10000xi32, #tpu.memory_space<vmem>>[vector<16xi32>], vector<16xi32>,
        %parallel_loop3A_994 = arith.constant 0 : i32
        %parallel_loop3A_995 = tpu.memref_slice %arg8[%parallel_loop3A_994] : memref<80000xi32, #tpu.memory_space<vmem>> -> memref<10000xi32, #tpu.memory_space<vmem>>
        %parallel_loop3A_996 = tpu.vector_load_idx %parallel_loop3A_995[%parallel_loop3A_988] : memref<10000xi32, #tpu.memory_space<vmem>>[vector<16xi32>], vector<16xi32>,
        %parallel_loop3A_997 = arith.constant -65536 : i32
        %parallel_loop3A_998 = vector.broadcast %parallel_loop3A_997 : i32 to vector<16xi32>
        %parallel_loop3A_999 = arith.andi %parallel_loop3A_993, %parallel_loop3A_998 : vector<16xi32>
        %parallel_loop3A_1000 = vector.bitcast %parallel_loop3A_999 : vector<16xi32> to vector<16xf32>
        %parallel_loop3A_1001 = arith.constant -65536 : i32
        %parallel_loop3A_1002 = vector.broadcast %parallel_loop3A_1001 : i32 to vector<16xi32>
        %parallel_loop3A_1003 = arith.andi %parallel_loop3A_996, %parallel_loop3A_1002 : vector<16xi32>
        %parallel_loop3A_1004 = vector.bitcast %parallel_loop3A_1003 : vector<16xi32> to vector<16xf32>
        %parallel_loop3A_1005 = arith.constant 16 : i32
        %parallel_loop3A_1006 = vector.broadcast %parallel_loop3A_1005 : i32 to vector<16xi32>
        %parallel_loop3A_1007 = arith.shli %parallel_loop3A_993, %parallel_loop3A_1006 : vector<16xi32>
        %parallel_loop3A_1008 = vector.bitcast %parallel_loop3A_1007 : vector<16xi32> to vector<16xf32>
        %parallel_loop3A_1009 = arith.constant 16 : i32
        %parallel_loop3A_1010 = vector.broadcast %parallel_loop3A_1009 : i32 to vector<16xi32>
        %parallel_loop3A_1011 = arith.shli %parallel_loop3A_996, %parallel_loop3A_1010 : vector<16xi32>
        %parallel_loop3A_1012 = vector.bitcast %parallel_loop3A_1011 : vector<16xi32> to vector<16xf32>
        %parallel_loop3A_1013 = arith.mulf %parallel_loop3A_1000, %parallel_loop3A_1004 : vector<16xf32>
        %parallel_loop3A_1014 = arith.mulf %parallel_loop3A_1013, %parallel_loop3A_990 : vector<16xf32>
        %parallel_loop3A_1015 = arith.addf %parallel_loop3A_967, %parallel_loop3A_1014 : vector<16xf32>
        %parallel_loop3A_1016 = arith.mulf %parallel_loop3A_1008, %parallel_loop3A_1012 : vector<16xf32>
        %parallel_loop3A_1017 = arith.mulf %parallel_loop3A_1016, %parallel_loop3A_990 : vector<16xf32>
        %parallel_loop3A_1018 = arith.addf %parallel_loop3A_975, %parallel_loop3A_1017 : vector<16xf32>
        %parallel_loop3A_1019 = arith.constant 10000 : i32
        %parallel_loop3A_1020 = tpu.memref_slice %arg8[%parallel_loop3A_1019] : memref<80000xi32, #tpu.memory_space<vmem>> -> memref<10000xi32, #tpu.memory_space<vmem>>
        %parallel_loop3A_1021 = tpu.vector_load_idx %parallel_loop3A_1020[%parallel_loop3A_986] : memref<10000xi32, #tpu.memory_space<vmem>>[vector<16xi32>], vector<16xi32>,
        %parallel_loop3A_1022 = arith.constant 10000 : i32
        %parallel_loop3A_1023 = tpu.memref_slice %arg8[%parallel_loop3A_1022] : memref<80000xi32, #tpu.memory_space<vmem>> -> memref<10000xi32, #tpu.memory_space<vmem>>
        %parallel_loop3A_1024 = tpu.vector_load_idx %parallel_loop3A_1023[%parallel_loop3A_988] : memref<10000xi32, #tpu.memory_space<vmem>>[vector<16xi32>], vector<16xi32>,
        %parallel_loop3A_1025 = arith.constant -65536 : i32
        %parallel_loop3A_1026 = vector.broadcast %parallel_loop3A_1025 : i32 to vector<16xi32>
        %parallel_loop3A_1027 = arith.andi %parallel_loop3A_1021, %parallel_loop3A_1026 : vector<16xi32>
        %parallel_loop3A_1028 = vector.bitcast %parallel_loop3A_1027 : vector<16xi32> to vector<16xf32>
        %parallel_loop3A_1029 = arith.constant -65536 : i32
        %parallel_loop3A_1030 = vector.broadcast %parallel_loop3A_1029 : i32 to vector<16xi32>
        %parallel_loop3A_1031 = arith.andi %parallel_loop3A_1024, %parallel_loop3A_1030 : vector<16xi32>
        %parallel_loop3A_1032 = vector.bitcast %parallel_loop3A_1031 : vector<16xi32> to vector<16xf32>
        %parallel_loop3A_1033 = arith.constant 16 : i32
        %parallel_loop3A_1034 = vector.broadcast %parallel_loop3A_1033 : i32 to vector<16xi32>
        %parallel_loop3A_1035 = arith.shli %parallel_loop3A_1021, %parallel_loop3A_1034 : vector<16xi32>
        %parallel_loop3A_1036 = vector.bitcast %parallel_loop3A_1035 : vector<16xi32> to vector<16xf32>
        %parallel_loop3A_1037 = arith.constant 16 : i32
        %parallel_loop3A_1038 = vector.broadcast %parallel_loop3A_1037 : i32 to vector<16xi32>
        %parallel_loop3A_1039 = arith.shli %parallel_loop3A_1024, %parallel_loop3A_1038 : vector<16xi32>
        %parallel_loop3A_1040 = vector.bitcast %parallel_loop3A_1039 : vector<16xi32> to vector<16xf32>
        %parallel_loop3A_1041 = arith.mulf %parallel_loop3A_1028, %parallel_loop3A_1032 : vector<16xf32>
        %parallel_loop3A_1042 = arith.mulf %parallel_loop3A_1041, %parallel_loop3A_990 : vector<16xf32>
        %parallel_loop3A_1043 = arith.addf %parallel_loop3A_968, %parallel_loop3A_1042 : vector<16xf32>
        %parallel_loop3A_1044 = arith.mulf %parallel_loop3A_1036, %parallel_loop3A_1040 : vector<16xf32>
        %parallel_loop3A_1045 = arith.mulf %parallel_loop3A_1044, %parallel_loop3A_990 : vector<16xf32>
        %parallel_loop3A_1046 = arith.addf %parallel_loop3A_976, %parallel_loop3A_1045 : vector<16xf32>
        %parallel_loop3A_1047 = arith.constant 20000 : i32
        %parallel_loop3A_1048 = tpu.memref_slice %arg8[%parallel_loop3A_1047] : memref<80000xi32, #tpu.memory_space<vmem>> -> memref<10000xi32, #tpu.memory_space<vmem>>
        %parallel_loop3A_1049 = tpu.vector_load_idx %parallel_loop3A_1048[%parallel_loop3A_986] : memref<10000xi32, #tpu.memory_space<vmem>>[vector<16xi32>], vector<16xi32>,
        %parallel_loop3A_1050 = arith.constant 20000 : i32
        %parallel_loop3A_1051 = tpu.memref_slice %arg8[%parallel_loop3A_1050] : memref<80000xi32, #tpu.memory_space<vmem>> -> memref<10000xi32, #tpu.memory_space<vmem>>
        %parallel_loop3A_1052 = tpu.vector_load_idx %parallel_loop3A_1051[%parallel_loop3A_988] : memref<10000xi32, #tpu.memory_space<vmem>>[vector<16xi32>], vector<16xi32>,
        %parallel_loop3A_1053 = arith.constant -65536 : i32
        %parallel_loop3A_1054 = vector.broadcast %parallel_loop3A_1053 : i32 to vector<16xi32>
        %parallel_loop3A_1055 = arith.andi %parallel_loop3A_1049, %parallel_loop3A_1054 : vector<16xi32>
        %parallel_loop3A_1056 = vector.bitcast %parallel_loop3A_1055 : vector<16xi32> to vector<16xf32>
        %parallel_loop3A_1057 = arith.constant -65536 : i32
        %parallel_loop3A_1058 = vector.broadcast %parallel_loop3A_1057 : i32 to vector<16xi32>
        %parallel_loop3A_1059 = arith.andi %parallel_loop3A_1052, %parallel_loop3A_1058 : vector<16xi32>
        %parallel_loop3A_1060 = vector.bitcast %parallel_loop3A_1059 : vector<16xi32> to vector<16xf32>
        %parallel_loop3A_1061 = arith.constant 16 : i32
        %parallel_loop3A_1062 = vector.broadcast %parallel_loop3A_1061 : i32 to vector<16xi32>
        %parallel_loop3A_1063 = arith.shli %parallel_loop3A_1049, %parallel_loop3A_1062 : vector<16xi32>
        %parallel_loop3A_1064 = vector.bitcast %parallel_loop3A_1063 : vector<16xi32> to vector<16xf32>
        %parallel_loop3A_1065 = arith.constant 16 : i32
        %parallel_loop3A_1066 = vector.broadcast %parallel_loop3A_1065 : i32 to vector<16xi32>
        %parallel_loop3A_1067 = arith.shli %parallel_loop3A_1052, %parallel_loop3A_1066 : vector<16xi32>
        %parallel_loop3A_1068 = vector.bitcast %parallel_loop3A_1067 : vector<16xi32> to vector<16xf32>
        %parallel_loop3A_1069 = arith.mulf %parallel_loop3A_1056, %parallel_loop3A_1060 : vector<16xf32>
        %parallel_loop3A_1070 = arith.mulf %parallel_loop3A_1069, %parallel_loop3A_990 : vector<16xf32>
        %parallel_loop3A_1071 = arith.addf %parallel_loop3A_969, %parallel_loop3A_1070 : vector<16xf32>
        %parallel_loop3A_1072 = arith.mulf %parallel_loop3A_1064, %parallel_loop3A_1068 : vector<16xf32>
        %parallel_loop3A_1073 = arith.mulf %parallel_loop3A_1072, %parallel_loop3A_990 : vector<16xf32>
        %parallel_loop3A_1074 = arith.addf %parallel_loop3A_977, %parallel_loop3A_1073 : vector<16xf32>
        %parallel_loop3A_1075 = arith.constant 30000 : i32
        %parallel_loop3A_1076 = tpu.memref_slice %arg8[%parallel_loop3A_1075] : memref<80000xi32, #tpu.memory_space<vmem>> -> memref<10000xi32, #tpu.memory_space<vmem>>
        %parallel_loop3A_1077 = tpu.vector_load_idx %parallel_loop3A_1076[%parallel_loop3A_986] : memref<10000xi32, #tpu.memory_space<vmem>>[vector<16xi32>], vector<16xi32>,
        %parallel_loop3A_1078 = arith.constant 30000 : i32
        %parallel_loop3A_1079 = tpu.memref_slice %arg8[%parallel_loop3A_1078] : memref<80000xi32, #tpu.memory_space<vmem>> -> memref<10000xi32, #tpu.memory_space<vmem>>
        %parallel_loop3A_1080 = tpu.vector_load_idx %parallel_loop3A_1079[%parallel_loop3A_988] : memref<10000xi32, #tpu.memory_space<vmem>>[vector<16xi32>], vector<16xi32>,
        %parallel_loop3A_1081 = arith.constant -65536 : i32
        %parallel_loop3A_1082 = vector.broadcast %parallel_loop3A_1081 : i32 to vector<16xi32>
        %parallel_loop3A_1083 = arith.andi %parallel_loop3A_1077, %parallel_loop3A_1082 : vector<16xi32>
        %parallel_loop3A_1084 = vector.bitcast %parallel_loop3A_1083 : vector<16xi32> to vector<16xf32>
        %parallel_loop3A_1085 = arith.constant -65536 : i32
        %parallel_loop3A_1086 = vector.broadcast %parallel_loop3A_1085 : i32 to vector<16xi32>
        %parallel_loop3A_1087 = arith.andi %parallel_loop3A_1080, %parallel_loop3A_1086 : vector<16xi32>
        %parallel_loop3A_1088 = vector.bitcast %parallel_loop3A_1087 : vector<16xi32> to vector<16xf32>
        %parallel_loop3A_1089 = arith.constant 16 : i32
        %parallel_loop3A_1090 = vector.broadcast %parallel_loop3A_1089 : i32 to vector<16xi32>
        %parallel_loop3A_1091 = arith.shli %parallel_loop3A_1077, %parallel_loop3A_1090 : vector<16xi32>
        %parallel_loop3A_1092 = vector.bitcast %parallel_loop3A_1091 : vector<16xi32> to vector<16xf32>
        %parallel_loop3A_1093 = arith.constant 16 : i32
        %parallel_loop3A_1094 = vector.broadcast %parallel_loop3A_1093 : i32 to vector<16xi32>
        %parallel_loop3A_1095 = arith.shli %parallel_loop3A_1080, %parallel_loop3A_1094 : vector<16xi32>
        %parallel_loop3A_1096 = vector.bitcast %parallel_loop3A_1095 : vector<16xi32> to vector<16xf32>
        %parallel_loop3A_1097 = arith.mulf %parallel_loop3A_1084, %parallel_loop3A_1088 : vector<16xf32>
        %parallel_loop3A_1098 = arith.mulf %parallel_loop3A_1097, %parallel_loop3A_990 : vector<16xf32>
        %parallel_loop3A_1099 = arith.addf %parallel_loop3A_970, %parallel_loop3A_1098 : vector<16xf32>
        %parallel_loop3A_1100 = arith.mulf %parallel_loop3A_1092, %parallel_loop3A_1096 : vector<16xf32>
        %parallel_loop3A_1101 = arith.mulf %parallel_loop3A_1100, %parallel_loop3A_990 : vector<16xf32>
        %parallel_loop3A_1102 = arith.addf %parallel_loop3A_978, %parallel_loop3A_1101 : vector<16xf32>
        %parallel_loop3A_1103 = arith.constant 40000 : i32
        %parallel_loop3A_1104 = tpu.memref_slice %arg8[%parallel_loop3A_1103] : memref<80000xi32, #tpu.memory_space<vmem>> -> memref<10000xi32, #tpu.memory_space<vmem>>
        %parallel_loop3A_1105 = tpu.vector_load_idx %parallel_loop3A_1104[%parallel_loop3A_986] : memref<10000xi32, #tpu.memory_space<vmem>>[vector<16xi32>], vector<16xi32>,
        %parallel_loop3A_1106 = arith.constant 40000 : i32
        %parallel_loop3A_1107 = tpu.memref_slice %arg8[%parallel_loop3A_1106] : memref<80000xi32, #tpu.memory_space<vmem>> -> memref<10000xi32, #tpu.memory_space<vmem>>
        %parallel_loop3A_1108 = tpu.vector_load_idx %parallel_loop3A_1107[%parallel_loop3A_988] : memref<10000xi32, #tpu.memory_space<vmem>>[vector<16xi32>], vector<16xi32>,
        %parallel_loop3A_1109 = arith.constant -65536 : i32
        %parallel_loop3A_1110 = vector.broadcast %parallel_loop3A_1109 : i32 to vector<16xi32>
        %parallel_loop3A_1111 = arith.andi %parallel_loop3A_1105, %parallel_loop3A_1110 : vector<16xi32>
        %parallel_loop3A_1112 = vector.bitcast %parallel_loop3A_1111 : vector<16xi32> to vector<16xf32>
        %parallel_loop3A_1113 = arith.constant -65536 : i32
        %parallel_loop3A_1114 = vector.broadcast %parallel_loop3A_1113 : i32 to vector<16xi32>
        %parallel_loop3A_1115 = arith.andi %parallel_loop3A_1108, %parallel_loop3A_1114 : vector<16xi32>
        %parallel_loop3A_1116 = vector.bitcast %parallel_loop3A_1115 : vector<16xi32> to vector<16xf32>
        %parallel_loop3A_1117 = arith.constant 16 : i32
        %parallel_loop3A_1118 = vector.broadcast %parallel_loop3A_1117 : i32 to vector<16xi32>
        %parallel_loop3A_1119 = arith.shli %parallel_loop3A_1105, %parallel_loop3A_1118 : vector<16xi32>
        %parallel_loop3A_1120 = vector.bitcast %parallel_loop3A_1119 : vector<16xi32> to vector<16xf32>
        %parallel_loop3A_1121 = arith.constant 16 : i32
        %parallel_loop3A_1122 = vector.broadcast %parallel_loop3A_1121 : i32 to vector<16xi32>
        %parallel_loop3A_1123 = arith.shli %parallel_loop3A_1108, %parallel_loop3A_1122 : vector<16xi32>
        %parallel_loop3A_1124 = vector.bitcast %parallel_loop3A_1123 : vector<16xi32> to vector<16xf32>
        %parallel_loop3A_1125 = arith.mulf %parallel_loop3A_1112, %parallel_loop3A_1116 : vector<16xf32>
        %parallel_loop3A_1126 = arith.mulf %parallel_loop3A_1125, %parallel_loop3A_990 : vector<16xf32>
        %parallel_loop3A_1127 = arith.addf %parallel_loop3A_971, %parallel_loop3A_1126 : vector<16xf32>
        %parallel_loop3A_1128 = arith.mulf %parallel_loop3A_1120, %parallel_loop3A_1124 : vector<16xf32>
        %parallel_loop3A_1129 = arith.mulf %parallel_loop3A_1128, %parallel_loop3A_990 : vector<16xf32>
        %parallel_loop3A_1130 = arith.addf %parallel_loop3A_979, %parallel_loop3A_1129 : vector<16xf32>
        %parallel_loop3A_1131 = arith.constant 50000 : i32
        %parallel_loop3A_1132 = tpu.memref_slice %arg8[%parallel_loop3A_1131] : memref<80000xi32, #tpu.memory_space<vmem>> -> memref<10000xi32, #tpu.memory_space<vmem>>
        %parallel_loop3A_1133 = tpu.vector_load_idx %parallel_loop3A_1132[%parallel_loop3A_986] : memref<10000xi32, #tpu.memory_space<vmem>>[vector<16xi32>], vector<16xi32>,
        %parallel_loop3A_1134 = arith.constant 50000 : i32
        %parallel_loop3A_1135 = tpu.memref_slice %arg8[%parallel_loop3A_1134] : memref<80000xi32, #tpu.memory_space<vmem>> -> memref<10000xi32, #tpu.memory_space<vmem>>
        %parallel_loop3A_1136 = tpu.vector_load_idx %parallel_loop3A_1135[%parallel_loop3A_988] : memref<10000xi32, #tpu.memory_space<vmem>>[vector<16xi32>], vector<16xi32>,
        %parallel_loop3A_1137 = arith.constant -65536 : i32
        %parallel_loop3A_1138 = vector.broadcast %parallel_loop3A_1137 : i32 to vector<16xi32>
        %parallel_loop3A_1139 = arith.andi %parallel_loop3A_1133, %parallel_loop3A_1138 : vector<16xi32>
        %parallel_loop3A_1140 = vector.bitcast %parallel_loop3A_1139 : vector<16xi32> to vector<16xf32>
        %parallel_loop3A_1141 = arith.constant -65536 : i32
        %parallel_loop3A_1142 = vector.broadcast %parallel_loop3A_1141 : i32 to vector<16xi32>
        %parallel_loop3A_1143 = arith.andi %parallel_loop3A_1136, %parallel_loop3A_1142 : vector<16xi32>
        %parallel_loop3A_1144 = vector.bitcast %parallel_loop3A_1143 : vector<16xi32> to vector<16xf32>
        %parallel_loop3A_1145 = arith.constant 16 : i32
        %parallel_loop3A_1146 = vector.broadcast %parallel_loop3A_1145 : i32 to vector<16xi32>
        %parallel_loop3A_1147 = arith.shli %parallel_loop3A_1133, %parallel_loop3A_1146 : vector<16xi32>
        %parallel_loop3A_1148 = vector.bitcast %parallel_loop3A_1147 : vector<16xi32> to vector<16xf32>
        %parallel_loop3A_1149 = arith.constant 16 : i32
        %parallel_loop3A_1150 = vector.broadcast %parallel_loop3A_1149 : i32 to vector<16xi32>
        %parallel_loop3A_1151 = arith.shli %parallel_loop3A_1136, %parallel_loop3A_1150 : vector<16xi32>
        %parallel_loop3A_1152 = vector.bitcast %parallel_loop3A_1151 : vector<16xi32> to vector<16xf32>
        %parallel_loop3A_1153 = arith.mulf %parallel_loop3A_1140, %parallel_loop3A_1144 : vector<16xf32>
        %parallel_loop3A_1154 = arith.mulf %parallel_loop3A_1153, %parallel_loop3A_990 : vector<16xf32>
        %parallel_loop3A_1155 = arith.addf %parallel_loop3A_972, %parallel_loop3A_1154 : vector<16xf32>
        %parallel_loop3A_1156 = arith.mulf %parallel_loop3A_1148, %parallel_loop3A_1152 : vector<16xf32>
        %parallel_loop3A_1157 = arith.mulf %parallel_loop3A_1156, %parallel_loop3A_990 : vector<16xf32>
        %parallel_loop3A_1158 = arith.addf %parallel_loop3A_980, %parallel_loop3A_1157 : vector<16xf32>
        %parallel_loop3A_1159 = arith.constant 60000 : i32
        %parallel_loop3A_1160 = tpu.memref_slice %arg8[%parallel_loop3A_1159] : memref<80000xi32, #tpu.memory_space<vmem>> -> memref<10000xi32, #tpu.memory_space<vmem>>
        %parallel_loop3A_1161 = tpu.vector_load_idx %parallel_loop3A_1160[%parallel_loop3A_986] : memref<10000xi32, #tpu.memory_space<vmem>>[vector<16xi32>], vector<16xi32>,
        %parallel_loop3A_1162 = arith.constant 60000 : i32
        %parallel_loop3A_1163 = tpu.memref_slice %arg8[%parallel_loop3A_1162] : memref<80000xi32, #tpu.memory_space<vmem>> -> memref<10000xi32, #tpu.memory_space<vmem>>
        %parallel_loop3A_1164 = tpu.vector_load_idx %parallel_loop3A_1163[%parallel_loop3A_988] : memref<10000xi32, #tpu.memory_space<vmem>>[vector<16xi32>], vector<16xi32>,
        %parallel_loop3A_1165 = arith.constant -65536 : i32
        %parallel_loop3A_1166 = vector.broadcast %parallel_loop3A_1165 : i32 to vector<16xi32>
        %parallel_loop3A_1167 = arith.andi %parallel_loop3A_1161, %parallel_loop3A_1166 : vector<16xi32>
        %parallel_loop3A_1168 = vector.bitcast %parallel_loop3A_1167 : vector<16xi32> to vector<16xf32>
        %parallel_loop3A_1169 = arith.constant -65536 : i32
        %parallel_loop3A_1170 = vector.broadcast %parallel_loop3A_1169 : i32 to vector<16xi32>
        %parallel_loop3A_1171 = arith.andi %parallel_loop3A_1164, %parallel_loop3A_1170 : vector<16xi32>
        %parallel_loop3A_1172 = vector.bitcast %parallel_loop3A_1171 : vector<16xi32> to vector<16xf32>
        %parallel_loop3A_1173 = arith.constant 16 : i32
        %parallel_loop3A_1174 = vector.broadcast %parallel_loop3A_1173 : i32 to vector<16xi32>
        %parallel_loop3A_1175 = arith.shli %parallel_loop3A_1161, %parallel_loop3A_1174 : vector<16xi32>
        %parallel_loop3A_1176 = vector.bitcast %parallel_loop3A_1175 : vector<16xi32> to vector<16xf32>
        %parallel_loop3A_1177 = arith.constant 16 : i32
        %parallel_loop3A_1178 = vector.broadcast %parallel_loop3A_1177 : i32 to vector<16xi32>
        %parallel_loop3A_1179 = arith.shli %parallel_loop3A_1164, %parallel_loop3A_1178 : vector<16xi32>
        %parallel_loop3A_1180 = vector.bitcast %parallel_loop3A_1179 : vector<16xi32> to vector<16xf32>
        %parallel_loop3A_1181 = arith.mulf %parallel_loop3A_1168, %parallel_loop3A_1172 : vector<16xf32>
        %parallel_loop3A_1182 = arith.mulf %parallel_loop3A_1181, %parallel_loop3A_990 : vector<16xf32>
        %parallel_loop3A_1183 = arith.addf %parallel_loop3A_973, %parallel_loop3A_1182 : vector<16xf32>
        %parallel_loop3A_1184 = arith.mulf %parallel_loop3A_1176, %parallel_loop3A_1180 : vector<16xf32>
        %parallel_loop3A_1185 = arith.mulf %parallel_loop3A_1184, %parallel_loop3A_990 : vector<16xf32>
        %parallel_loop3A_1186 = arith.addf %parallel_loop3A_981, %parallel_loop3A_1185 : vector<16xf32>
        %parallel_loop3A_1187 = arith.constant 70000 : i32
        %parallel_loop3A_1188 = tpu.memref_slice %arg8[%parallel_loop3A_1187] : memref<80000xi32, #tpu.memory_space<vmem>> -> memref<10000xi32, #tpu.memory_space<vmem>>
        %parallel_loop3A_1189 = tpu.vector_load_idx %parallel_loop3A_1188[%parallel_loop3A_986] : memref<10000xi32, #tpu.memory_space<vmem>>[vector<16xi32>], vector<16xi32>,
        %parallel_loop3A_1190 = arith.constant 70000 : i32
        %parallel_loop3A_1191 = tpu.memref_slice %arg8[%parallel_loop3A_1190] : memref<80000xi32, #tpu.memory_space<vmem>> -> memref<10000xi32, #tpu.memory_space<vmem>>
        %parallel_loop3A_1192 = tpu.vector_load_idx %parallel_loop3A_1191[%parallel_loop3A_988] : memref<10000xi32, #tpu.memory_space<vmem>>[vector<16xi32>], vector<16xi32>,
        %parallel_loop3A_1193 = arith.constant -65536 : i32
        %parallel_loop3A_1194 = vector.broadcast %parallel_loop3A_1193 : i32 to vector<16xi32>
        %parallel_loop3A_1195 = arith.andi %parallel_loop3A_1189, %parallel_loop3A_1194 : vector<16xi32>
        %parallel_loop3A_1196 = vector.bitcast %parallel_loop3A_1195 : vector<16xi32> to vector<16xf32>
        %parallel_loop3A_1197 = arith.constant -65536 : i32
        %parallel_loop3A_1198 = vector.broadcast %parallel_loop3A_1197 : i32 to vector<16xi32>
        %parallel_loop3A_1199 = arith.andi %parallel_loop3A_1192, %parallel_loop3A_1198 : vector<16xi32>
        %parallel_loop3A_1200 = vector.bitcast %parallel_loop3A_1199 : vector<16xi32> to vector<16xf32>
        %parallel_loop3A_1201 = arith.constant 16 : i32
        %parallel_loop3A_1202 = vector.broadcast %parallel_loop3A_1201 : i32 to vector<16xi32>
        %parallel_loop3A_1203 = arith.shli %parallel_loop3A_1189, %parallel_loop3A_1202 : vector<16xi32>
        %parallel_loop3A_1204 = vector.bitcast %parallel_loop3A_1203 : vector<16xi32> to vector<16xf32>
        %parallel_loop3A_1205 = arith.constant 16 : i32
        %parallel_loop3A_1206 = vector.broadcast %parallel_loop3A_1205 : i32 to vector<16xi32>
        %parallel_loop3A_1207 = arith.shli %parallel_loop3A_1192, %parallel_loop3A_1206 : vector<16xi32>
        %parallel_loop3A_1208 = vector.bitcast %parallel_loop3A_1207 : vector<16xi32> to vector<16xf32>
        %parallel_loop3A_1209 = arith.mulf %parallel_loop3A_1196, %parallel_loop3A_1200 : vector<16xf32>
        %parallel_loop3A_1210 = arith.mulf %parallel_loop3A_1209, %parallel_loop3A_990 : vector<16xf32>
        %parallel_loop3A_1211 = arith.addf %parallel_loop3A_974, %parallel_loop3A_1210 : vector<16xf32>
        %parallel_loop3A_1212 = arith.mulf %parallel_loop3A_1204, %parallel_loop3A_1208 : vector<16xf32>
        %parallel_loop3A_1213 = arith.mulf %parallel_loop3A_1212, %parallel_loop3A_990 : vector<16xf32>
        %parallel_loop3A_1214 = arith.addf %parallel_loop3A_982, %parallel_loop3A_1213 : vector<16xf32>
        scf.yield %parallel_loop3A_1015, %parallel_loop3A_1043, %parallel_loop3A_1071, %parallel_loop3A_1099, %parallel_loop3A_1127, %parallel_loop3A_1155, %parallel_loop3A_1183, %parallel_loop3A_1211, %parallel_loop3A_1018, %parallel_loop3A_1046, %parallel_loop3A_1074, %parallel_loop3A_1102, %parallel_loop3A_1130, %parallel_loop3A_1158, %parallel_loop3A_1186, %parallel_loop3A_1214 : vector<16xf32>, vector<16xf32>, vector<16xf32>, vector<16xf32>, vector<16xf32>, vector<16xf32>, vector<16xf32>, vector<16xf32>, vector<16xf32>, vector<16xf32>, vector<16xf32>, vector<16xf32>, vector<16xf32>, vector<16xf32>, vector<16xf32>, vector<16xf32>
      } {sc.loop_unroll_factor = 2 : i64, sc.parallel_access}
      %lt3A_961 = arith.constant 24 : i32
      %lt3A_962 = arith.cmpi slt, %scan3A_910, %lt3A_961 : i32
      %convert_element_type3A_963 = arith.extui %lt3A_962 : i1 to i32
      %cond3A_964 = arith.constant 0 : i32
      %cond3A_965 = arith.cmpi ne, %convert_element_type3A_963, %cond3A_964 : i32
      scf.if %cond3A_965 {
        %mul3A_966 = arith.constant 2 : i32
        %mul3A_967 = arith.muli %mul3A_966, %scan3A_910 : i32
        %add3A_968 = arith.constant 3 : i32
        %add3A_969 = arith.addi %mul3A_967, %add3A_968 : i32
        %mul3A_970 = arith.constant 3200 : i32
        %mul3A_971 = arith.muli %add3A_969, %mul3A_970 : i32
        %dma_start3A_972 = tpu.memref_slice %arg5[%mul3A_971] : memref<160000xi32, #tpu.memory_space<hbm>> -> memref<3200xi32, #tpu.memory_space<hbm>>
        %dma_start3A_973 = tpu.memref_slice %arg5[%mul3A_971] : memref<160000xi32, #tpu.memory_space<hbm>> -> memref<3200xi32, #tpu.memory_space<hbm>>
        tpu.enqueue_dma source(%dma_start3A_973 : memref<3200xi32, #tpu.memory_space<hbm>>) target(%arg15 : memref<3200xi32, #tpu.memory_space<vmem>>) target_semaphore(%arg20 : memref<!tpu.dma_semaphore, #tpu.memory_space<semaphore_mem>>)
        %dma_start3A_974 = tpu.memref_slice %arg6[%mul3A_971] : memref<160000xi32, #tpu.memory_space<hbm>> -> memref<3200xi32, #tpu.memory_space<hbm>>
        %dma_start3A_975 = tpu.memref_slice %arg6[%mul3A_971] : memref<160000xi32, #tpu.memory_space<hbm>> -> memref<3200xi32, #tpu.memory_space<hbm>>
        tpu.enqueue_dma source(%dma_start3A_975 : memref<3200xi32, #tpu.memory_space<hbm>>) target(%arg16 : memref<3200xi32, #tpu.memory_space<vmem>>) target_semaphore(%arg20 : memref<!tpu.dma_semaphore, #tpu.memory_space<semaphore_mem>>)
        %dma_start3A_976 = tpu.memref_slice %arg4[%mul3A_971] : memref<160000xf32, #tpu.memory_space<hbm>> -> memref<3200xf32, #tpu.memory_space<hbm>>
        %dma_start3A_977 = tpu.memref_slice %arg4[%mul3A_971] : memref<160000xf32, #tpu.memory_space<hbm>> -> memref<3200xf32, #tpu.memory_space<hbm>>
        tpu.enqueue_dma source(%dma_start3A_977 : memref<3200xf32, #tpu.memory_space<hbm>>) target(%arg17 : memref<3200xf32, #tpu.memory_space<vmem>>) target_semaphore(%arg20 : memref<!tpu.dma_semaphore, #tpu.memory_space<semaphore_mem>>)
      } else {
      }
      scf.yield %parallel_loop3A_960#0, %parallel_loop3A_960#1, %parallel_loop3A_960#2, %parallel_loop3A_960#3, %parallel_loop3A_960#4, %parallel_loop3A_960#5, %parallel_loop3A_960#6, %parallel_loop3A_960#7, %parallel_loop3A_960#8, %parallel_loop3A_960#9, %parallel_loop3A_960#10, %parallel_loop3A_960#11, %parallel_loop3A_960#12, %parallel_loop3A_960#13, %parallel_loop3A_960#14, %parallel_loop3A_960#15 : vector<16xf32>, vector<16xf32>, vector<16xf32>, vector<16xf32>, vector<16xf32>, vector<16xf32>, vector<16xf32>, vector<16xf32>, vector<16xf32>, vector<16xf32>, vector<16xf32>, vector<16xf32>, vector<16xf32>, vector<16xf32>, vector<16xf32>, vector<16xf32>
    }
    %scan3A_678 = arith.constant 25 : i32
    %reduce_sum3A_679 = arith.constant true
    %reduce_sum3A_680 = vector.broadcast %reduce_sum3A_679 : i1 to vector<16xi1>
    %reduce_sum3A_681 = tpu.scan <sum>, %scan3A_677#0 masked %reduce_sum3A_680 : vector<16xf32>, vector<16xi1> -> vector<16xf32>
    %reduce_sum3A_682 = vector.extract %reduce_sum3A_681[15] : f32 from vector<16xf32>
    %reduce_sum3A_683 = arith.constant true
    %reduce_sum3A_684 = vector.broadcast %reduce_sum3A_683 : i1 to vector<16xi1>
    %reduce_sum3A_685 = tpu.scan <sum>, %scan3A_677#8 masked %reduce_sum3A_684 : vector<16xf32>, vector<16xi1> -> vector<16xf32>
    %reduce_sum3A_686 = vector.extract %reduce_sum3A_685[15] : f32 from vector<16xf32>
    %reduce_sum3A_687 = arith.constant true
    %reduce_sum3A_688 = vector.broadcast %reduce_sum3A_687 : i1 to vector<16xi1>
    %reduce_sum3A_689 = tpu.scan <sum>, %scan3A_677#1 masked %reduce_sum3A_688 : vector<16xf32>, vector<16xi1> -> vector<16xf32>
    %reduce_sum3A_690 = vector.extract %reduce_sum3A_689[15] : f32 from vector<16xf32>
    %reduce_sum3A_691 = arith.constant true
    %reduce_sum3A_692 = vector.broadcast %reduce_sum3A_691 : i1 to vector<16xi1>
    %reduce_sum3A_693 = tpu.scan <sum>, %scan3A_677#9 masked %reduce_sum3A_692 : vector<16xf32>, vector<16xi1> -> vector<16xf32>
    %reduce_sum3A_694 = vector.extract %reduce_sum3A_693[15] : f32 from vector<16xf32>
    %reduce_sum3A_695 = arith.constant true
    %reduce_sum3A_696 = vector.broadcast %reduce_sum3A_695 : i1 to vector<16xi1>
    %reduce_sum3A_697 = tpu.scan <sum>, %scan3A_677#2 masked %reduce_sum3A_696 : vector<16xf32>, vector<16xi1> -> vector<16xf32>
    %reduce_sum3A_698 = vector.extract %reduce_sum3A_697[15] : f32 from vector<16xf32>
    %reduce_sum3A_699 = arith.constant true
    %reduce_sum3A_700 = vector.broadcast %reduce_sum3A_699 : i1 to vector<16xi1>
    %reduce_sum3A_701 = tpu.scan <sum>, %scan3A_677#10 masked %reduce_sum3A_700 : vector<16xf32>, vector<16xi1> -> vector<16xf32>
    %reduce_sum3A_702 = vector.extract %reduce_sum3A_701[15] : f32 from vector<16xf32>
    %reduce_sum3A_703 = arith.constant true
    %reduce_sum3A_704 = vector.broadcast %reduce_sum3A_703 : i1 to vector<16xi1>
    %reduce_sum3A_705 = tpu.scan <sum>, %scan3A_677#3 masked %reduce_sum3A_704 : vector<16xf32>, vector<16xi1> -> vector<16xf32>
    %reduce_sum3A_706 = vector.extract %reduce_sum3A_705[15] : f32 from vector<16xf32>
    %reduce_sum3A_707 = arith.constant true
    %reduce_sum3A_708 = vector.broadcast %reduce_sum3A_707 : i1 to vector<16xi1>
    %reduce_sum3A_709 = tpu.scan <sum>, %scan3A_677#11 masked %reduce_sum3A_708 : vector<16xf32>, vector<16xi1> -> vector<16xf32>
    %reduce_sum3A_710 = vector.extract %reduce_sum3A_709[15] : f32 from vector<16xf32>
    %reduce_sum3A_711 = arith.constant true
    %reduce_sum3A_712 = vector.broadcast %reduce_sum3A_711 : i1 to vector<16xi1>
    %reduce_sum3A_713 = tpu.scan <sum>, %scan3A_677#4 masked %reduce_sum3A_712 : vector<16xf32>, vector<16xi1> -> vector<16xf32>
    %reduce_sum3A_714 = vector.extract %reduce_sum3A_713[15] : f32 from vector<16xf32>
    %reduce_sum3A_715 = arith.constant true
    %reduce_sum3A_716 = vector.broadcast %reduce_sum3A_715 : i1 to vector<16xi1>
    %reduce_sum3A_717 = tpu.scan <sum>, %scan3A_677#12 masked %reduce_sum3A_716 : vector<16xf32>, vector<16xi1> -> vector<16xf32>
    %reduce_sum3A_718 = vector.extract %reduce_sum3A_717[15] : f32 from vector<16xf32>
    %reduce_sum3A_719 = arith.constant true
    %reduce_sum3A_720 = vector.broadcast %reduce_sum3A_719 : i1 to vector<16xi1>
    %reduce_sum3A_721 = tpu.scan <sum>, %scan3A_677#5 masked %reduce_sum3A_720 : vector<16xf32>, vector<16xi1> -> vector<16xf32>
    %reduce_sum3A_722 = vector.extract %reduce_sum3A_721[15] : f32 from vector<16xf32>
    %reduce_sum3A_723 = arith.constant true
    %reduce_sum3A_724 = vector.broadcast %reduce_sum3A_723 : i1 to vector<16xi1>
    %reduce_sum3A_725 = tpu.scan <sum>, %scan3A_677#13 masked %reduce_sum3A_724 : vector<16xf32>, vector<16xi1> -> vector<16xf32>
    %reduce_sum3A_726 = vector.extract %reduce_sum3A_725[15] : f32 from vector<16xf32>
    %reduce_sum3A_727 = arith.constant true
    %reduce_sum3A_728 = vector.broadcast %reduce_sum3A_727 : i1 to vector<16xi1>
    %reduce_sum3A_729 = tpu.scan <sum>, %scan3A_677#6 masked %reduce_sum3A_728 : vector<16xf32>, vector<16xi1> -> vector<16xf32>
    %reduce_sum3A_730 = vector.extract %reduce_sum3A_729[15] : f32 from vector<16xf32>
    %reduce_sum3A_731 = arith.constant true
    %reduce_sum3A_732 = vector.broadcast %reduce_sum3A_731 : i1 to vector<16xi1>
    %reduce_sum3A_733 = tpu.scan <sum>, %scan3A_677#14 masked %reduce_sum3A_732 : vector<16xf32>, vector<16xi1> -> vector<16xf32>
    %reduce_sum3A_734 = vector.extract %reduce_sum3A_733[15] : f32 from vector<16xf32>
    %reduce_sum3A_735 = arith.constant true
    %reduce_sum3A_736 = vector.broadcast %reduce_sum3A_735 : i1 to vector<16xi1>
    %reduce_sum3A_737 = tpu.scan <sum>, %scan3A_677#7 masked %reduce_sum3A_736 : vector<16xf32>, vector<16xi1> -> vector<16xf32>
    %reduce_sum3A_738 = vector.extract %reduce_sum3A_737[15] : f32 from vector<16xf32>
    %reduce_sum3A_739 = arith.constant true
    %reduce_sum3A_740 = vector.broadcast %reduce_sum3A_739 : i1 to vector<16xi1>
    %reduce_sum3A_741 = tpu.scan <sum>, %scan3A_677#15 masked %reduce_sum3A_740 : vector<16xf32>, vector<16xi1> -> vector<16xf32>
    %reduce_sum3A_742 = vector.extract %reduce_sum3A_741[15] : f32 from vector<16xf32>
    %broadcast_in_dim3A_743 = arith.constant 0.000000e+00 : f32
    %broadcast_in_dim3A_744 = vector.broadcast %broadcast_in_dim3A_743 : f32 to vector<16xf32>
    %eq3A = arith.constant 0 : i32
    %eq3A_745 = vector.broadcast %eq3A : i32 to vector<16xi32>
    %eq3A_746 = arith.cmpi eq, %iota3A, %eq3A_745 : vector<16xi32>
    %broadcast_in_dim3A_747 = vector.broadcast %reduce_sum3A_308 : f32 to vector<16xf32>
    %select_n3A = arith.select %eq3A_746, %broadcast_in_dim3A_747, %broadcast_in_dim3A_744 : vector<16xi1>, vector<16xf32>
    %eq3A_748 = arith.constant 1 : i32
    %eq3A_749 = vector.broadcast %eq3A_748 : i32 to vector<16xi32>
    %eq3A_750 = arith.cmpi eq, %iota3A, %eq3A_749 : vector<16xi32>
    %broadcast_in_dim3A_751 = vector.broadcast %reduce_sum3A_312 : f32 to vector<16xf32>
    %select_n3A_752 = arith.select %eq3A_750, %broadcast_in_dim3A_751, %select_n3A : vector<16xi1>, vector<16xf32>
    %eq3A_753 = arith.constant 2 : i32
    %eq3A_754 = vector.broadcast %eq3A_753 : i32 to vector<16xi32>
    %eq3A_755 = arith.cmpi eq, %iota3A, %eq3A_754 : vector<16xi32>
    %broadcast_in_dim3A_756 = vector.broadcast %reduce_sum3A_316 : f32 to vector<16xf32>
    %select_n3A_757 = arith.select %eq3A_755, %broadcast_in_dim3A_756, %select_n3A_752 : vector<16xi1>, vector<16xf32>
    %eq3A_758 = arith.constant 3 : i32
    %eq3A_759 = vector.broadcast %eq3A_758 : i32 to vector<16xi32>
    %eq3A_760 = arith.cmpi eq, %iota3A, %eq3A_759 : vector<16xi32>
    %broadcast_in_dim3A_761 = vector.broadcast %reduce_sum3A_320 : f32 to vector<16xf32>
    %select_n3A_762 = arith.select %eq3A_760, %broadcast_in_dim3A_761, %select_n3A_757 : vector<16xi1>, vector<16xf32>
    %eq3A_763 = arith.constant 4 : i32
    %eq3A_764 = vector.broadcast %eq3A_763 : i32 to vector<16xi32>
    %eq3A_765 = arith.cmpi eq, %iota3A, %eq3A_764 : vector<16xi32>
    %broadcast_in_dim3A_766 = vector.broadcast %reduce_sum3A_324 : f32 to vector<16xf32>
    %select_n3A_767 = arith.select %eq3A_765, %broadcast_in_dim3A_766, %select_n3A_762 : vector<16xi1>, vector<16xf32>
    %eq3A_768 = arith.constant 5 : i32
    %eq3A_769 = vector.broadcast %eq3A_768 : i32 to vector<16xi32>
    %eq3A_770 = arith.cmpi eq, %iota3A, %eq3A_769 : vector<16xi32>
    %broadcast_in_dim3A_771 = vector.broadcast %reduce_sum3A_328 : f32 to vector<16xf32>
    %select_n3A_772 = arith.select %eq3A_770, %broadcast_in_dim3A_771, %select_n3A_767 : vector<16xi1>, vector<16xf32>
    %eq3A_773 = arith.constant 6 : i32
    %eq3A_774 = vector.broadcast %eq3A_773 : i32 to vector<16xi32>
    %eq3A_775 = arith.cmpi eq, %iota3A, %eq3A_774 : vector<16xi32>
    %broadcast_in_dim3A_776 = vector.broadcast %reduce_sum3A_332 : f32 to vector<16xf32>
    %select_n3A_777 = arith.select %eq3A_775, %broadcast_in_dim3A_776, %select_n3A_772 : vector<16xi1>, vector<16xf32>
    %eq3A_778 = arith.constant 7 : i32
    %eq3A_779 = vector.broadcast %eq3A_778 : i32 to vector<16xi32>
    %eq3A_780 = arith.cmpi eq, %iota3A, %eq3A_779 : vector<16xi32>
    %broadcast_in_dim3A_781 = vector.broadcast %reduce_sum3A_336 : f32 to vector<16xf32>
    %select_n3A_782 = arith.select %eq3A_780, %broadcast_in_dim3A_781, %select_n3A_777 : vector<16xi1>, vector<16xf32>
    %eq3A_783 = arith.constant 8 : i32
    %eq3A_784 = vector.broadcast %eq3A_783 : i32 to vector<16xi32>
    %eq3A_785 = arith.cmpi eq, %iota3A, %eq3A_784 : vector<16xi32>
    %broadcast_in_dim3A_786 = vector.broadcast %reduce_sum3A_340 : f32 to vector<16xf32>
    %select_n3A_787 = arith.select %eq3A_785, %broadcast_in_dim3A_786, %select_n3A_782 : vector<16xi1>, vector<16xf32>
    %eq3A_788 = arith.constant 9 : i32
    %eq3A_789 = vector.broadcast %eq3A_788 : i32 to vector<16xi32>
    %eq3A_790 = arith.cmpi eq, %iota3A, %eq3A_789 : vector<16xi32>
    %broadcast_in_dim3A_791 = vector.broadcast %reduce_sum3A_344 : f32 to vector<16xf32>
    %select_n3A_792 = arith.select %eq3A_790, %broadcast_in_dim3A_791, %select_n3A_787 : vector<16xi1>, vector<16xf32>
    %eq3A_793 = arith.constant 10 : i32
    %eq3A_794 = vector.broadcast %eq3A_793 : i32 to vector<16xi32>
    %eq3A_795 = arith.cmpi eq, %iota3A, %eq3A_794 : vector<16xi32>
    %broadcast_in_dim3A_796 = vector.broadcast %reduce_sum3A_348 : f32 to vector<16xf32>
    %select_n3A_797 = arith.select %eq3A_795, %broadcast_in_dim3A_796, %select_n3A_792 : vector<16xi1>, vector<16xf32>
    %eq3A_798 = arith.constant 11 : i32
    %eq3A_799 = vector.broadcast %eq3A_798 : i32 to vector<16xi32>
    %eq3A_800 = arith.cmpi eq, %iota3A, %eq3A_799 : vector<16xi32>
    %broadcast_in_dim3A_801 = vector.broadcast %reduce_sum3A_352 : f32 to vector<16xf32>
    %select_n3A_802 = arith.select %eq3A_800, %broadcast_in_dim3A_801, %select_n3A_797 : vector<16xi1>, vector<16xf32>
    %eq3A_803 = arith.constant 12 : i32
    %eq3A_804 = vector.broadcast %eq3A_803 : i32 to vector<16xi32>
    %eq3A_805 = arith.cmpi eq, %iota3A, %eq3A_804 : vector<16xi32>
    %broadcast_in_dim3A_806 = vector.broadcast %reduce_sum3A_356 : f32 to vector<16xf32>
    %select_n3A_807 = arith.select %eq3A_805, %broadcast_in_dim3A_806, %select_n3A_802 : vector<16xi1>, vector<16xf32>
    %eq3A_808 = arith.constant 13 : i32
    %eq3A_809 = vector.broadcast %eq3A_808 : i32 to vector<16xi32>
    %eq3A_810 = arith.cmpi eq, %iota3A, %eq3A_809 : vector<16xi32>
    %broadcast_in_dim3A_811 = vector.broadcast %reduce_sum3A_360 : f32 to vector<16xf32>
    %select_n3A_812 = arith.select %eq3A_810, %broadcast_in_dim3A_811, %select_n3A_807 : vector<16xi1>, vector<16xf32>
    %eq3A_813 = arith.constant 14 : i32
    %eq3A_814 = vector.broadcast %eq3A_813 : i32 to vector<16xi32>
    %eq3A_815 = arith.cmpi eq, %iota3A, %eq3A_814 : vector<16xi32>
    %broadcast_in_dim3A_816 = vector.broadcast %reduce_sum3A_364 : f32 to vector<16xf32>
    %select_n3A_817 = arith.select %eq3A_815, %broadcast_in_dim3A_816, %select_n3A_812 : vector<16xi1>, vector<16xf32>
    %eq3A_818 = arith.constant 15 : i32
    %eq3A_819 = vector.broadcast %eq3A_818 : i32 to vector<16xi32>
    %eq3A_820 = arith.cmpi eq, %iota3A, %eq3A_819 : vector<16xi32>
    %broadcast_in_dim3A_821 = vector.broadcast %reduce_sum3A_368 : f32 to vector<16xf32>
    %select_n3A_822 = arith.select %eq3A_820, %broadcast_in_dim3A_821, %select_n3A_817 : vector<16xi1>, vector<16xf32>
    %swap3A = arith.constant 0 : index
    %swap3A_823 = tpu.vector_load %arg18[%swap3A] {strides = array<i32>} : memref<32xf32, #tpu.memory_space<vmem>>, vector<16xf32>,
    tpu.vector_store %arg18[%swap3A], %select_n3A_822 {strides = array<i32>} : memref<32xf32, #tpu.memory_space<vmem>>, vector<16xf32>,
    %broadcast_in_dim3A_824 = arith.constant 0.000000e+00 : f32
    %broadcast_in_dim3A_825 = vector.broadcast %broadcast_in_dim3A_824 : f32 to vector<16xf32>
    %eq3A_826 = arith.constant 0 : i32
    %eq3A_827 = vector.broadcast %eq3A_826 : i32 to vector<16xi32>
    %eq3A_828 = arith.cmpi eq, %iota3A, %eq3A_827 : vector<16xi32>
    %broadcast_in_dim3A_829 = vector.broadcast %reduce_sum3A_682 : f32 to vector<16xf32>
    %select_n3A_830 = arith.select %eq3A_828, %broadcast_in_dim3A_829, %broadcast_in_dim3A_825 : vector<16xi1>, vector<16xf32>
    %eq3A_831 = arith.constant 1 : i32
    %eq3A_832 = vector.broadcast %eq3A_831 : i32 to vector<16xi32>
    %eq3A_833 = arith.cmpi eq, %iota3A, %eq3A_832 : vector<16xi32>
    %broadcast_in_dim3A_834 = vector.broadcast %reduce_sum3A_686 : f32 to vector<16xf32>
    %select_n3A_835 = arith.select %eq3A_833, %broadcast_in_dim3A_834, %select_n3A_830 : vector<16xi1>, vector<16xf32>
    %eq3A_836 = arith.constant 2 : i32
    %eq3A_837 = vector.broadcast %eq3A_836 : i32 to vector<16xi32>
    %eq3A_838 = arith.cmpi eq, %iota3A, %eq3A_837 : vector<16xi32>
    %broadcast_in_dim3A_839 = vector.broadcast %reduce_sum3A_690 : f32 to vector<16xf32>
    %select_n3A_840 = arith.select %eq3A_838, %broadcast_in_dim3A_839, %select_n3A_835 : vector<16xi1>, vector<16xf32>
    %eq3A_841 = arith.constant 3 : i32
    %eq3A_842 = vector.broadcast %eq3A_841 : i32 to vector<16xi32>
    %eq3A_843 = arith.cmpi eq, %iota3A, %eq3A_842 : vector<16xi32>
    %broadcast_in_dim3A_844 = vector.broadcast %reduce_sum3A_694 : f32 to vector<16xf32>
    %select_n3A_845 = arith.select %eq3A_843, %broadcast_in_dim3A_844, %select_n3A_840 : vector<16xi1>, vector<16xf32>
    %eq3A_846 = arith.constant 4 : i32
    %eq3A_847 = vector.broadcast %eq3A_846 : i32 to vector<16xi32>
    %eq3A_848 = arith.cmpi eq, %iota3A, %eq3A_847 : vector<16xi32>
    %broadcast_in_dim3A_849 = vector.broadcast %reduce_sum3A_698 : f32 to vector<16xf32>
    %select_n3A_850 = arith.select %eq3A_848, %broadcast_in_dim3A_849, %select_n3A_845 : vector<16xi1>, vector<16xf32>
    %eq3A_851 = arith.constant 5 : i32
    %eq3A_852 = vector.broadcast %eq3A_851 : i32 to vector<16xi32>
    %eq3A_853 = arith.cmpi eq, %iota3A, %eq3A_852 : vector<16xi32>
    %broadcast_in_dim3A_854 = vector.broadcast %reduce_sum3A_702 : f32 to vector<16xf32>
    %select_n3A_855 = arith.select %eq3A_853, %broadcast_in_dim3A_854, %select_n3A_850 : vector<16xi1>, vector<16xf32>
    %eq3A_856 = arith.constant 6 : i32
    %eq3A_857 = vector.broadcast %eq3A_856 : i32 to vector<16xi32>
    %eq3A_858 = arith.cmpi eq, %iota3A, %eq3A_857 : vector<16xi32>
    %broadcast_in_dim3A_859 = vector.broadcast %reduce_sum3A_706 : f32 to vector<16xf32>
    %select_n3A_860 = arith.select %eq3A_858, %broadcast_in_dim3A_859, %select_n3A_855 : vector<16xi1>, vector<16xf32>
    %eq3A_861 = arith.constant 7 : i32
    %eq3A_862 = vector.broadcast %eq3A_861 : i32 to vector<16xi32>
    %eq3A_863 = arith.cmpi eq, %iota3A, %eq3A_862 : vector<16xi32>
    %broadcast_in_dim3A_864 = vector.broadcast %reduce_sum3A_710 : f32 to vector<16xf32>
    %select_n3A_865 = arith.select %eq3A_863, %broadcast_in_dim3A_864, %select_n3A_860 : vector<16xi1>, vector<16xf32>
    %eq3A_866 = arith.constant 8 : i32
    %eq3A_867 = vector.broadcast %eq3A_866 : i32 to vector<16xi32>
    %eq3A_868 = arith.cmpi eq, %iota3A, %eq3A_867 : vector<16xi32>
    %broadcast_in_dim3A_869 = vector.broadcast %reduce_sum3A_714 : f32 to vector<16xf32>
    %select_n3A_870 = arith.select %eq3A_868, %broadcast_in_dim3A_869, %select_n3A_865 : vector<16xi1>, vector<16xf32>
    %eq3A_871 = arith.constant 9 : i32
    %eq3A_872 = vector.broadcast %eq3A_871 : i32 to vector<16xi32>
    %eq3A_873 = arith.cmpi eq, %iota3A, %eq3A_872 : vector<16xi32>
    %broadcast_in_dim3A_874 = vector.broadcast %reduce_sum3A_718 : f32 to vector<16xf32>
    %select_n3A_875 = arith.select %eq3A_873, %broadcast_in_dim3A_874, %select_n3A_870 : vector<16xi1>, vector<16xf32>
    %eq3A_876 = arith.constant 10 : i32
    %eq3A_877 = vector.broadcast %eq3A_876 : i32 to vector<16xi32>
    %eq3A_878 = arith.cmpi eq, %iota3A, %eq3A_877 : vector<16xi32>
    %broadcast_in_dim3A_879 = vector.broadcast %reduce_sum3A_722 : f32 to vector<16xf32>
    %select_n3A_880 = arith.select %eq3A_878, %broadcast_in_dim3A_879, %select_n3A_875 : vector<16xi1>, vector<16xf32>
    %eq3A_881 = arith.constant 11 : i32
    %eq3A_882 = vector.broadcast %eq3A_881 : i32 to vector<16xi32>
    %eq3A_883 = arith.cmpi eq, %iota3A, %eq3A_882 : vector<16xi32>
    %broadcast_in_dim3A_884 = vector.broadcast %reduce_sum3A_726 : f32 to vector<16xf32>
    %select_n3A_885 = arith.select %eq3A_883, %broadcast_in_dim3A_884, %select_n3A_880 : vector<16xi1>, vector<16xf32>
    %eq3A_886 = arith.constant 12 : i32
    %eq3A_887 = vector.broadcast %eq3A_886 : i32 to vector<16xi32>
    %eq3A_888 = arith.cmpi eq, %iota3A, %eq3A_887 : vector<16xi32>
    %broadcast_in_dim3A_889 = vector.broadcast %reduce_sum3A_730 : f32 to vector<16xf32>
    %select_n3A_890 = arith.select %eq3A_888, %broadcast_in_dim3A_889, %select_n3A_885 : vector<16xi1>, vector<16xf32>
    %eq3A_891 = arith.constant 13 : i32
    %eq3A_892 = vector.broadcast %eq3A_891 : i32 to vector<16xi32>
    %eq3A_893 = arith.cmpi eq, %iota3A, %eq3A_892 : vector<16xi32>
    %broadcast_in_dim3A_894 = vector.broadcast %reduce_sum3A_734 : f32 to vector<16xf32>
    %select_n3A_895 = arith.select %eq3A_893, %broadcast_in_dim3A_894, %select_n3A_890 : vector<16xi1>, vector<16xf32>
    %eq3A_896 = arith.constant 14 : i32
    %eq3A_897 = vector.broadcast %eq3A_896 : i32 to vector<16xi32>
    %eq3A_898 = arith.cmpi eq, %iota3A, %eq3A_897 : vector<16xi32>
    %broadcast_in_dim3A_899 = vector.broadcast %reduce_sum3A_738 : f32 to vector<16xf32>
    %select_n3A_900 = arith.select %eq3A_898, %broadcast_in_dim3A_899, %select_n3A_895 : vector<16xi1>, vector<16xf32>
    %eq3A_901 = arith.constant 15 : i32
    %eq3A_902 = vector.broadcast %eq3A_901 : i32 to vector<16xi32>
    %eq3A_903 = arith.cmpi eq, %iota3A, %eq3A_902 : vector<16xi32>
    %broadcast_in_dim3A_904 = vector.broadcast %reduce_sum3A_742 : f32 to vector<16xf32>
    %select_n3A_905 = arith.select %eq3A_903, %broadcast_in_dim3A_904, %select_n3A_900 : vector<16xi1>, vector<16xf32>
    %swap3A_906 = arith.constant 16 : index
    %swap3A_907 = tpu.vector_load %arg18[%swap3A_906] {strides = array<i32>} : memref<32xf32, #tpu.memory_space<vmem>>, vector<16xf32>,
    tpu.vector_store %arg18[%swap3A_906], %select_n3A_905 {strides = array<i32>} : memref<32xf32, #tpu.memory_space<vmem>>, vector<16xf32>,
    %mul3A_908 = arith.constant 32 : i32
    %mul3A_909 = arith.muli %add3A, %mul3A_908 : i32
    "tpu.region"() ({
      %run_scoped3A = tpu.sem_alloc : memref<!tpu.dma_semaphore, #tpu.memory_space<semaphore_mem>>
      %dma_start3A_910 = tpu.memref_slice %arg7[%mul3A_909] : memref<1024xf32, #tpu.memory_space<hbm>> -> memref<32xf32, #tpu.memory_space<hbm>>
      %dma_start3A_911 = tpu.memref_slice %arg7[%mul3A_909] : memref<1024xf32, #tpu.memory_space<hbm>> -> memref<32xf32, #tpu.memory_space<hbm>>
      tpu.enqueue_dma source(%arg18 : memref<32xf32, #tpu.memory_space<vmem>>) target(%dma_start3A_911 : memref<32xf32, #tpu.memory_space<hbm>>) target_semaphore(%run_scoped3A : memref<!tpu.dma_semaphore, #tpu.memory_space<semaphore_mem>>)
      %dma_wait3A_912 = tpu.memref_slice %arg7[%mul3A_909] : memref<1024xf32, #tpu.memory_space<hbm>> -> memref<32xf32, #tpu.memory_space<hbm>>
      %dma_wait3A_913 = tpu.memref_slice %arg7[%mul3A_909] : memref<1024xf32, #tpu.memory_space<hbm>> -> memref<32xf32, #tpu.memory_space<hbm>>
      tpu.wait_dma2 semaphore(%run_scoped3A : memref<!tpu.dma_semaphore, #tpu.memory_space<semaphore_mem>>) src(%arg18 : memref<32xf32, #tpu.memory_space<vmem>>) dst(%dma_wait3A_913 : memref<32xf32, #tpu.memory_space<hbm>>)
      tpu.yield
    }) : () -> ()
    return
  }
}

</mosaic_0001>

<sc_bundles>
// kernel: kernel.3.cloned.1.call-start
scs
__scs_entry_jumppad:
0x0: {  	(pc) =	sbr.rel $0x88, $3  }
0x1: {  	(tag) =	ssettag $0x0;
	lr =	simm.s32 $0x1  }
0x2: {  	[smem:$0x3F9C] =	sst lr;
	_ =	strace $0xD0000000  }
0x3: {  	_ = 	snop  }
0x4: {  	_ = 	snop  }
0x5: {  	_ = 	snop  }
0x6: {  	_ = 	snop  }
0x7: {  	_ = 	snop  }
__scs_overlays_trampoline_lowered:
0x8: {  	[smem:$0x3FAB] =	sst s0  }
0x9: {  	[smem:$0x3FAC] =	sst s1  }
0xa: {  	[smem:$0x3FAD] =	sst s2  }
0xb: {  	[smem:$0x3FAE] =	sst s3  }
0xc: {  	[smem:$0x3FAF] =	sst s4  }
0xd: {  	[smem:$0x3FB0] =	sst s5  }
0xe: {  	[smem:$0x3FB1] =	sst s6  }
0xf: {  	[smem:$0x3FB2] =	sst s7  }
0x10: {  	[smem:$0x3FB3] =	sst s8  }
0x11: {  	[smem:$0x3FB4] =	sst s9;
	s0 =	simm.s32 @!p0 $0x0  }
0x12: {  	s1 =	sld [smem:$0x3F9A];
	s0 =	simm.s32 @p0 $0x1  }
0x13: {  	[smem:$0x3FB5] =	sst s0;
	s0 =	simm.s32 @!p1 $0x0  }
0x14: {  	s2 =	sld [smem:$0x3F99];
	s0 =	simm.s32 @p1 $0x1  }
0x15: {  	[smem:$0x3FB6] =	sst s0;
	s0 =	simm.s32 @!p2 $0x0  }
0x16: {  	s3 =	sld [smem:$0x3FDB];
	s0 =	simm.s32 @p2 $0x1  }
0x17: {  	s4 =	simm.s32 $0x1BF5;
	[smem:$0x3FB8] =	sst s0  }
0x18: {  	s0 =	sld [smem:$0x3F9B];
	_ =	swait.ge [sflag:s4], $0x0  }
0x19: {  	s7 =	sld [smem:$0x3F9C]  }
0x1a: {  	s8 =	sadd.s32 $0xFFFFE003, lr  }
0x1b: {  	s9 =	sadd.s32 $0xFFFFFEF7, lr;
	s5 =	simm.s32 $0xFFFFFFFF;
	p2 =	slt.u32 s8, $0xFFFFF086  }
0x1c: {  	p1 =	slt.u32 s9, $0xF7A;
	s5 =	simm.s32 @!p2 $0x0  }
0x1d: {  	s5 =	simm.s32 @p1 $0x1;
	p0 =	seq.s32 s7, s2  }
0x1e: {  	s7 =	smul.u32 @!p0 $0xF7A, s2;
	p2 =	seq.s32 @!p0 s5, $0x0  }
0x1f: {  	s9 =	smul.u32 $0xF7A, s1;
	s8 =	simm.s32 @!p0 $0x1BF5;
	p2 =	por !p2, p0  }
0x20: {  	[sflag:s8] =	ssyncset.s32 @!p0 $0xFFFFF086;
	s6 =	sadd.s32 @!p0 s3, s7;
	s7 =	simm.s32 @!p0 $0x108  }
0x21: {  	s3 =	sadd.s32 s3, s9;
	s6 =	sadd.s32 @!p0 $0x88, s6;
	s7 =	simm.s32 @p2 $0x1082  }
0x22: {  	[simem:s7], [sflag:s8] =	dma.local @!p0 [hbm:s6], $0xF7A  }
0x23: {  	s9 =	sor.u32 $0xD0000000, s2;
	s6 =	simm.s32 $0x108;
	_ =	swait.ge @!p0 [sflag:s8], $0x0  }
0x24: {  	s3 =	sadd.s32 $0x88, s3;
	s6 =	simm.s32 @!p1 $0x1082;
	[sflag:s4] =	ssyncset.s32 $0xFFFFF086  }
0x25: {  	[simem:s6], [sflag:s4] =	dma.local [hbm:s3], $0xF7A  }
0x26: {  	[smem:$0x3F9C] =	sst s1;
	(tag) =	ssettag s2;
	_ =	strace s9  }
0x27: {  	s1 =	sld [smem:$0x3FAC]  }
0x28: {  	s2 =	sld [smem:$0x3FAD]  }
0x29: {  	s4 =	sld [smem:$0x3FAF]  }
0x2a: {  	p0 =	seq.s32 s5, $0x0;
	s5 =	sld [smem:$0x3FB0]  }
0x2b: {  	s6 =	sld [smem:$0x3FB1]  }
0x2c: {  	s7 =	sld [smem:$0x3FB2]  }
0x2d: {  	s3 =	simm.s32 $0x108;
	s8 =	sld [smem:$0x3FB3]  }
0x2e: {  	s3 =	simm.s32 @!p0 $0x1082;
	s9 =	sld [smem:$0x3FB4]  }
0x2f: {  	lr =	sadd.s32 s0, s3;
	s0 =	sld [smem:$0x3FAB]  }
0x30: {  	s3 =	sld [smem:$0x3FAE]  }
0x31: {  	[smem:$0x3FB7] =	sst s10  }
0x32: {  	s10 =	sld [smem:$0x3FB5];
	_ =	sdelay $0x3  }
0x33: {  	p0 =	seq.s32 s10, $0x1;
	s10 =	sld [smem:$0x3FB7];
	_ =	sdelay $0x3  }
0x34: {  	[smem:$0x3FB7] =	sst s10  }
0x35: {  	s10 =	sld [smem:$0x3FB6];
	_ =	sdelay $0x3  }
0x36: {  	p1 =	seq.s32 s10, $0x1;
	s10 =	sld [smem:$0x3FB7];
	_ =	sdelay $0x3  }
0x37: {  	[smem:$0x3FB7] =	sst s10  }
0x38: {  	s10 =	sld [smem:$0x3FB8]  }
0x39: {  	_ = 	snop;
	(pc) =	sbr.ind lr, $3  }
0x3a: {  	_ = 	snop  }
0x3b: {  	_ = 	snop  }
0x3c: {  	p2 =	seq.s32 s10, $0x1;
	s10 =	sld [smem:$0x3FB7]  }
0x3d: {  	_ =	shalt  }
0x3e: {  	_ =	shalt  }
0x3f: {  	_ =	shalt  }
0x40: {  	_ =	shalt  }
0x41: {  	_ =	shalt  }
0x42: {  	_ =	shalt  }
0x43: {  	_ =	shalt  }
0x44: {  	_ =	shalt  }
0x45: {  	_ =	shalt  }
0x46: {  	_ =	shalt  }
0x47: {  	_ =	shalt  }
0x48: {  	_ =	shalt  }
0x49: {  	_ =	shalt  }
0x4a: {  	_ =	shalt  }
0x4b: {  	_ =	shalt  }
0x4c: {  	_ =	shalt  }
0x4d: {  	_ =	shalt  }
0x4e: {  	_ =	shalt  }
0x4f: {  	_ =	shalt  }
0x50: {  	_ =	shalt  }
0x51: {  	_ =	shalt  }
0x52: {  	_ =	shalt  }
0x53: {  	_ =	shalt  }
0x54: {  	_ =	shalt  }
0x55: {  	_ =	shalt  }
0x56: {  	_ =	shalt  }
0x57: {  	_ =	shalt  }
0x58: {  	_ =	shalt  }
0x59: {  	_ =	shalt  }
0x5a: {  	_ =	shalt  }
0x5b: {  	_ =	shalt  }
0x5c: {  	_ =	shalt  }
0x5d: {  	_ =	shalt  }
0x5e: {  	_ =	shalt  }
0x5f: {  	_ =	shalt  }
0x60: {  	_ =	shalt  }
0x61: {  	_ =	shalt  }
0x62: {  	_ =	shalt  }
0x63: {  	_ =	shalt  }
0x64: {  	_ =	shalt  }
0x65: {  	_ =	shalt  }
0x66: {  	_ =	shalt  }
0x67: {  	_ =	shalt  }
0x68: {  	_ =	shalt  }
0x69: {  	_ =	shalt  }
0x6a: {  	_ =	shalt  }
0x6b: {  	_ =	shalt  }
0x6c: {  	_ =	shalt  }
0x6d: {  	_ =	shalt  }
0x6e: {  	_ =	shalt  }
0x6f: {  	_ =	shalt  }
0x70: {  	_ =	shalt  }
0x71: {  	_ =	shalt  }
0x72: {  	_ =	shalt  }
0x73: {  	_ =	shalt  }
0x74: {  	_ =	shalt  }
0x75: {  	_ =	shalt  }
0x76: {  	_ =	shalt  }
0x77: {  	_ =	shalt  }
0x78: {  	_ =	shalt  }
0x79: {  	_ =	shalt  }
0x7a: {  	_ =	shalt  }
0x7b: {  	_ =	shalt  }
0x7c: {  	_ =	shalt  }
0x7d: {  	_ =	shalt  }
0x7e: {  	_ =	shalt  }
0x7f: {  	_ =	shalt  }
0x80: {  	_ =	shalt  }
0x81: {  	_ =	shalt  }
0x82: {  	_ =	shalt  }
0x83: {  	_ =	shalt  }
0x84: {  	_ =	shalt  }
0x85: {  	_ =	shalt  }
0x86: {  	_ =	shalt  }
0x87: {  	_ =	shalt  }
.Lfunc_end0:
.L_simem_size_0:
called_computation_lowered:
.L_overlay_start_0:
0x88: {  	s2 =	sld [smem:$0x3FD9]  }
0x89: {  	s3 =	sld [smem:$0x3FFE];
	_ =	sdelay $0x1  }
0x8a: {  	s1 =	srdreg.scid  }
0x8b: {  	s0 =	sand.u32 $0x1, s1  }
0x8c: {  	s17 =	sshll.u32 s0, $0xA;
	s2 =	sadd.s32 s3, s2  }
0x8d: {  	s2 =	sadd.s32 s2, s17  }
0x8e: {  	[smem:$0x3FC3] =	sst s2  }
0x8f: {  	_ = 	snop  }
0x90: {  	s2 =	sld [smem:$0x3FC8]  }
0x91: {  	s18 =	sld [smem:$0x3FC7]  }
0x92: {  	s4 =	sld [smem:$0x3FC6]  }
0x93: {  	s5 =	sld [smem:$0x3FC5]  }
0x94: {  	s6 =	sld [smem:$0x3FD0];
	(tm) =	ssettm $0x1  }
0x95: {  	s7 =	sld [smem:$0x3FFB];
	_ =	sdelay $0x3  }
0x96: {  	_ =	strace s7  }
0x97: {  	s7 =	sld [smem:$0x3FFC];
	_ =	sdelay $0x3  }
0x98: {  	_ =	strace s7  }
0x99: {  	s7 =	sld [smem:$0x3FFD];
	_ =	sdelay $0x3  }
0x9a: {  	_ =	strace s7  }
0x9b: {  	_ =	strace $0x8FFFFFFF  }
0x9c: {  	s19 =	sld [smem:$0x3FDB];
	_ =	sdelay $0x1  }
0x9d: {  	s8 =	simm.s32 $_scs_section_size  }
0x9e: {  	s9 =	simm.s32 $_size__tile_overlayer_lowered;
	s10 =	simm.s32 $_tile_overlayer_lowered  }
0x9f: {  	s22 =	simm.s32 $0x1BFF;
	s21 =	sshll.u32 s10, $0x1;
	s7 =	sadd.s32 s8, s19  }
0xa0: {  	s11 =	simm.s32 $0x0;
	s20 =	sshll.u32 s9, $0x1;
	s9 =	sadd.s32 s21, s7  }
0xa1: {  	[timem:s11], [sflag:s22] =	dma.local [hbm:s9], s20  }
0xa2: {  	_ =	swait.ge [sflag:s22], s20  }
0xa3: {  	s8 =	ssub.s32 $0x0, s20;
	[sflag:s22] =	ssyncset.done $0x0  }
0xa4: {  	[sflag:s22] =	ssyncadd.s32 s8;
	_ =	sdelay $0x1  }
0xa5: {  	s23 =	simm.s32 $0x1B8B  }
0xa6: {  	_ =	swait.ge [sflag:s23], $0x1  }
0xa7: {  	[sflag:s23] =	ssyncset.done $0x0  }
0xa8: {  	s25 =	simm.s32 $0x1B8E;
	s24 =	sld [smem:$0x3FFE];
	[sflag:s23] =	ssyncadd.s32 $0xFFFFFFFF  }
0xa9: {  	s26 =	simm.s32 $execute0_lowered;
	[smem:$0x3FD2] =	sst s25  }
0xaa: {  	s9 =	sshll.u32 s26, $0x1;
	_ =	strace $0x80000046;
	[dreg:$0x1] =	wrdreg $0xFFFFFFFF  }
0xab: {  	s28 =	simm.s32 $_size_execute0_lowered;
	s7 =	sadd.s32 s7, s9;
	[dreg:$0x0] =	wrdreg $0x0  }
0xac: {  	s9 =	sshll.u32 s28, $0x1;
	[dreg:$0x2] =	wrdreg s7  }
0xad: {  	[dreg:$0x3] =	wrdreg s9  }
0xae: {  	[dreg:$0x4] =	wrdreg $0xC0  }
0xaf: {  	_ =	task [dreg:s11], $0x5FFFF  }
0xb0: {  	[dreg:$0x1] =	wrdreg $0xFFFFFFFF  }
0xb1: {  	[dreg:$0x0] =	wrdreg $0x60  }
0xb2: {  	[dreg:$0x2] =	wrdreg s24  }
0xb3: {  	[dreg:$0x3] =	wrdreg s2  }
0xb4: {  	[dreg:$0x4] =	wrdreg s18  }
0xb5: {  	[dreg:$0x5] =	wrdreg s4  }
0xb6: {  	[dreg:$0x6] =	wrdreg s5  }
0xb7: {  	[dreg:$0x7] =	wrdreg s6  }
0xb8: {  	[dreg:$0x8] =	wrdreg $0x9  }
0xb9: {  	_ =	task.clear_ibuf [dreg:s11], $0x9FFFF;
	_ =	strace $0x90000046  }
0xba: {  	s29 =	simm.s32 $0x9;
	_ =	strace $0x80000048  }
0xbb: {  	_ =	swait.ge [sflag:s29], $0x1  }
0xbc: {  	[sflag:s29] =	ssyncadd.s32 $0xFFFFFFFF  }
0xbd: {  	_ =	strace $0x90000048  }
0xbe: {  	_ =	sfence  }
0xbf: {  	s30 =	sld [smem:$0x0];
	_ =	sdelay $0x2  }
0xc0: {  	s31 =	sshll.u32 s1, $0xD;
	s1 =	sshrl.u32 s1, $0x2  }
0xc1: {  	s3 =	sand.u32 $0x4000, s31;
	s1 =	sadd.s32 s1, s30  }
0xc2: {  	s0 =	sor.u32 s3, s0;
	s1 =	sshll.u32 s1, $0x11  }
0xc3: {  	s0 =	sor.u32 s1, s0  }
0xc4: {  	s0 =	sadd.s32 $0x8F2B, s0  }
0xc5: {  	[sflag:s0] =	ssyncadd.remote.s32 $0x1  }
0xc6: {  	_ =	sfence.sel $0xFFFF  }
0xc7: {  	[dreg:$0x0] =	wrdreg $0xFFFFFFFF;
	(pc) =	sbr.abs _section_cstart, $3  }
0xc8: {  	[dreg:$0x1] =	wrdreg $0xFFFFFFFF  }
0xc9: {  	_ =	task.clear_ibuf [dreg:s11], $0x2FFFF;
	_ =	strace $0x9FFFFFFF  }
0xca: {  	(tm) =	ssettm $0x7FFFFFFF  }
0xcb: {  	_ =	shalt  }
tec
execute0_lowered:
.L_overlay_start_1:
0x0: {  	(tag) =	ssettag $0x1  }
0x1: {  	s0 =	rddreg [dreg:$0x0]  }
0x2: {  	s2 =	rddreg [dreg:$0x2]  }
0x3: {  	s3 =	rddreg [dreg:$0x3]  }
0x4: {  	s1 =	srdreg.scid;
	s4 =	stileid.u32  }
0x5: {  	s5 =	rddreg [dreg:$0x4];
	s1 =	sand.u32 $0x1, s1;
	s4 =	sshll.u32 s4, $0x1  }
0x6: {  	s7 =	rddreg [dreg:$0x5];
	s6 =	simm.s32 $0x0;
	s4 =	sor.u32 s1, s4  }
0x7: {  	[smem:$0x7FF] =	sst s6;
	s0 =	sadd.s32 $0x13C400, s0;
	s8 =	smul.u32 $0x4E200, s4  }
0x8: {  	s10 =	smul.u32 $0x9C40, s4;
	s14 =	sshll.u32 s4, $0x4;
	s4 =	sshll.u32 s4, $0x2  }
0x9: {  	_ =	strace $0x80000047;
	s4 =	sadd.s32 s7, s4;
	s8 =	sshrl.u32 s8, $0x3  }
0xa: {  	s10 =	sadd.s32 s0, s10;
	[dreg:$0x15] =	wrdreg s4;
	s8 =	sadd.s32 s0, s8  }
0xb: {  	[dreg:$0x7] =	wrdreg s10;
	s15 =	sadd.s32 $0x4E2, s8  }
0xc: {  	s16 =	sadd.s32 $0x9C4, s8;
	[dreg:$0x8] =	wrdreg s15  }
0xd: {  	s17 =	sadd.s32 $0xEA6, s8;
	[dreg:$0x9] =	wrdreg s16  }
0xe: {  	s18 =	sadd.s32 $0x1388, s8;
	[dreg:$0xa] =	wrdreg s17  }
0xf: {  	s19 =	sadd.s32 $0x186A, s8;
	[dreg:$0xb] =	wrdreg s18  }
0x10: {  	s1 =	ssub.s32 $0x2, s1;
	s11 =	sadd.s32 $0x1D4C, s8;
	[dreg:$0xc] =	wrdreg s19  }
0x11: {  	s9 =	sshrl.u32 s1, $0x1;
	s21 =	sadd.s32 $0x222E, s8;
	[dreg:$0xd] =	wrdreg s11  }
0x12: {  	s1 =	ssub.s32 s1, s9;
	s22 =	sadd.s32 $0x2710, s8;
	[dreg:$0xe] =	wrdreg s21  }
0x13: {  	s9 =	sor.u32 $0x8, s14;
	s23 =	sadd.s32 $0x2BF2, s8;
	[dreg:$0xf] =	wrdreg s22  }
0x14: {  	s20 =	smul.u32 $0x9C4, s9;
	s24 =	sadd.s32 $0x30D4, s8;
	[dreg:$0x10] =	wrdreg s23  }
0x15: {  	s25 =	sadd.s32 $0x35B6, s8;
	[dreg:$0x11] =	wrdreg s24  }
0x16: {  	s10 =	sadd.s32 s0, s20;
	[dreg:$0x12] =	wrdreg s25  }
0x17: {  	s26 =	sadd.s32 $0x3A98, s8;
	[dreg:$0x13] =	wrdreg s10  }
0x18: {  	s12 =	sadd.s32 $0x493E, s8;
	[dreg:$0x14] =	wrdreg s26  }
0x19: {  	s13 =	sadd.s32 $0x5CC6, s8;
	[dreg:$0x1a] =	wrdreg s12  }
0x1a: {  	s14 =	sadd.s32 $0x61A8, s8;
	[dreg:$0x1b] =	wrdreg s13  }
0x1b: {  	s20 =	sadd.s32 $0x7EF4, s8;
	[dreg:$0x1c] =	wrdreg s14  }
0x1c: {  	s10 =	sadd.s32 $0x3F7A, s8;
	[smem:$0x7F7] =	sst s20  }
0x1d: {  	s11 =	sadd.s32 $0x445C, s8;
	[dreg:$0x18] =	wrdreg s10  }
0x1e: {  	s28 =	simm.s32 $0x7530;
	s15 =	sadd.s32 $0x668A, s8;
	[dreg:$0x19] =	wrdreg s11  }
0x1f: {  	s29 =	simm.s32 $0x9C40;
	s16 =	sadd.s32 $0x6B6C, s8;
	[dreg:$0x1d] =	wrdreg s15  }
0x20: {  	s30 =	simm.s32 $0xC350;
	s17 =	sadd.s32 $0x704E, s8;
	[dreg:$0x1e] =	wrdreg s16  }
0x21: {  	s31 =	simm.s32 $0xEA60;
	s18 =	sadd.s32 $0x7530, s8;
	[dreg:$0x1f] =	wrdreg s17  }
0x22: {  	s9 =	smul.u32 $0x4E20, s9;
	s19 =	sadd.s32 $0x7A12, s8;
	[smem:$0x7F5] =	sst s18  }
0x23: {  	s4 =	simm.s32 $0x11170;
	s21 =	sadd.s32 $0x83D6, s8;
	[smem:$0x7F6] =	sst s19  }
0x24: {  	s9 =	sshrl.u32 s9, $0x3;
	s22 =	sadd.s32 $0x88B8, s8;
	[smem:$0x7F8] =	sst s21  }
0x25: {  	s0 =	sadd.s32 s0, s9;
	s23 =	sadd.s32 $0x8D9A, s8;
	[smem:$0x7F9] =	sst s22  }
0x26: {  	s24 =	sadd.s32 $0x927C, s8;
	s25 =	sadd.s32 $0x975E, s8;
	[smem:$0x7FA] =	sst s23  }
0x27: {  	s26 =	smax.u32 s1, $0x1;
	s14 =	sadd.s32 $0x190, s3;
	[smem:$0x7FB] =	sst s24  }
0x28: {  	s20 =	simm.s32 $0x1ED80;
	s1 =	simm.s32 $0x0;
	[smem:$0x7FC] =	sst s25  }
0x29: {  	s9 =	sadd.s32 $0x4E2, s0;
	s0 =	sadd.s32 $0x9C4, s0;
	[smem:$0x7FD] =	sst s26  }
.Ltmp0:
0x2a: {  	s15 =	sadd.s32 $0x190, s5;
	s16 =	sadd.s32 $0x190, s2;
	(pc) =	sbr.rel .LBB2_1-.Ltmp0, $4  }
0x2b: {  	s17 =	simm.s32 $0x4;
	s18 =	simm.s32 $0x1D480;
	s19 =	simm.s32 $0x1E100  }
0x2c: {  	vm3 =	vmmov $0xf;
	s21 =	simm.s32 $0x13880;
	s22 =	simm.s32 $0x3;
	s23 =	simm.s32 $0x16000  }
0x2d: {  	vm4 =	vmmov $0x1f;
	vm5 =	vmmov $0x3f;
	vm6 =	vmmov $0x7f;
	s24 =	simm.s32 $0x1;
	s25 =	simm.s32 $0x2710;
	[dreg:$0x16] =	wrdreg s9  }
0x2e: {  	vm7 =	vmmov $0xff;
	vm8 =	vmmov $0x1ff;
	vm9 =	vmmov $0x3ff;
	s26 =	simm.s32 $0x4E20;
	[dreg:$0x17] =	wrdreg s0;
	s0 =	simm.s32 $0x2  }
.LBB2_83:
0x2f: {  	v1 =	vld [tilespmem:$0x1FFF0]  }
0x30: {  	v42 =	vld [tilespmem:$0x1FFE0]  }
0x31: {  	v43 =	vld [tilespmem:$0x1FF10]  }
0x32: {  	v44 =	vld [tilespmem:$0x1FEE0]  }
0x33: {  	v45 =	vld [tilespmem:$0x1FEF0]  }
0x34: {  	v46 =	vld [tilespmem:$0x1FF50];
	(xrf2) =	vadd.scan.msk.f32 $0xffff, v1  }
0x35: {  	v47 =	vld [tilespmem:$0x1FF60];
	(xrf2) =	vadd.scan.msk.f32 $0xffff, v42  }
0x36: {  	v48 =	vld [tilespmem:$0x1FF00];
	(xrf2) =	vadd.scan.msk.f32 $0xffff, v43  }
0x37: {  	v49 =	vld [tilespmem:$0x1FF70];
	(xrf2) =	vadd.scan.msk.f32 $0xffff, v44  }
0x38: {  	v50 =	vld [tilespmem:$0x1FEC0];
	(xrf2) =	vadd.scan.msk.f32 $0xffff, v45  }
0x39: {  	v2 =	vld [tilespmem:$0x1FF80];
	(xrf2) =	vadd.scan.msk.f32 $0xffff, v46  }
0x3a: {  	v3 =	vld [tilespmem:$0x1FFD0];
	(xrf2) =	vadd.scan.msk.f32 $0xffff, v47  }
0x3b: {  	v4 =	vld [tilespmem:$0x1FF20];
	(xrf2) =	vadd.scan.msk.f32 $0xffff, v48  }
0x3c: {  	v55 =	vld [tilespmem:$0x1FF30];
	(xrf2) =	vadd.scan.msk.f32 $0xffff, v49  }
0x3d: {  	v6 =	vld [tilespmem:$0x1FED0];
	(xrf2) =	vadd.scan.msk.f32 $0xffff, v50  }
0x3e: {  	v58 =	vld [tilespmem:$0x1FF40];
	v51, _, _ =	vpop (xrf2);
	(xrf2) =	vadd.scan.msk.f32 $0xffff, v2  }
0x3f: {  	v52, _, _ =	vpop (xrf2);
	(xrf2) =	vadd.scan.msk.f32 $0xffff, v3  }
0x40: {  	v53, _, _ =	vpop (xrf2);
	(xrf2) =	vadd.scan.msk.f32 $0xffff, v4  }
0x41: {  	v54, _, _ =	vpop (xrf2);
	(xrf2) =	vadd.scan.msk.f32 $0xffff, v55  }
0x42: {  	v56, _, _ =	vpop (xrf2);
	(xrf2) =	vadd.scan.msk.f32 $0xffff, v6  }
0x43: {  	v57, _, _ =	vpop (xrf2);
	(xrf2) =	vadd.scan.msk.f32 $0xffff, v58  }
0x44: {  	v59, _, _ =	vpop (xrf2);
	(xrf2) =	vadd.scan.msk.f32 $0xffff, v9  }
0x45: {  	v8, _, _ =	vpop (xrf2);
	(xrf2) =	vadd.scan.msk.f32 $0xffff, v17  }
0x46: {  	v60, _, _ =	vpop (xrf2);
	(xrf2) =	vadd.scan.msk.f32 $0xffff, v10  }
0x47: {  	v61, _, _ =	vpop (xrf2);
	(xrf2) =	vadd.scan.msk.f32 $0xffff, v22  }
0x48: {  	v1 =	vbroadcast v51, $0xF;
	v2 =	vbroadcast v52, $0xF;
	v11, _, _ =	vpop (xrf2);
	(xrf2) =	vadd.scan.msk.f32 $0xffff, v12  }
0x49: {  	vm0 =	vmmov $0x1;
	v3 =	vbroadcast v53, $0xF;
	v63, _, _ =	vpop (xrf2);
	(xrf2) =	vadd.scan.msk.f32 $0xffff, v19  }
0x4a: {  	vm1 =	vmmov $0x3;
	v1 =	vsel vm0, v1, v2;
	v62 =	vbroadcast v54, $0xF;
	v17, _, _ =	vpop (xrf2);
	(xrf2) =	vadd.scan.msk.f32 $0xffff, v20  }
0x4b: {  	vm2 =	vmmov $0x7;
	v1 =	vsel vm1, v1, v3;
	v15 =	vbroadcast v56, $0xF;
	v20, _, _ =	vpop (xrf2);
	(xrf2) =	vadd.scan.msk.f32 $0xffff, v18  }
0x4c: {  	v14 =	vmov v7;
	v1 =	vsel vm2, v1, v62;
	v19 =	vbroadcast v57, $0xF;
	v23, _, _ =	vpop (xrf2);
	(xrf2) =	vadd.scan.msk.f32 $0xffff, v25  }
0x4d: {  	v13 =	vmov v5;
	v1 =	vsel vm3, v1, v15;
	v22 =	vbroadcast v59, $0xF;
	v26, _, _ =	vpop (xrf2);
	(xrf2) =	vadd.scan.msk.f32 $0xffff, v14  }
0x4e: {  	v28 =	vbroadcast v60, $0xF;
	v1 =	vsel vm4, v1, v19;
	v25 =	vbroadcast v8, $0xF;
	v29, _, _ =	vpop (xrf2);
	(xrf2) =	vadd.scan.msk.f32 $0xffff, v27  }
0x4f: {  	v31 =	vbroadcast v61, $0xF;
	v32 =	vbroadcast v11, $0xF;
	v1 =	vsel vm5, v1, v22;
	v30, _, _ =	vpop (xrf2);
	(xrf2) =	vadd.scan.msk.f32 $0xffff, v16  }
0x50: {  	v1 =	vsel vm6, v1, v25;
	v9 =	vbroadcast v29, $0xF;
	v33, _, _ =	vpop (xrf2);
	(xrf2) =	vadd.scan.msk.f32 $0xffff, v13;
	v2 =	vbroadcast v30, $0xF  }
0x51: {  	v4 =	vbroadcast v63, $0xF;
	v1 =	vsel vm7, v1, v28;
	v34, _, _ =	vpop (xrf2);
	(xrf2) =	vadd.scan.msk.f32 $0xffff, v21;
	v35 =	vbroadcast v33, $0xF  }
0x52: {  	v1 =	vsel vm8, v1, v31;
	v36, _, _ =	vpop (xrf2);
	(xrf2) =	vadd.scan.msk.f32 $0xffff, v0;
	v38 =	vsel vm0, v9, v2;
	v39 =	vbroadcast v34, $0xF  }
0x53: {  	v37 =	vsel vm9, v1, v32;
	v40, _, _ =	vpop (xrf2);
	v1 =	vsel vm1, v38, v35;
	v41 =	vbroadcast v36, $0xF  }
0x54: {  	v5 =	vbroadcast v17, $0xF;
	v42, _, _ =	vpop (xrf2);
	v1 =	vsel vm2, v1, v39;
	v43 =	vbroadcast v40, $0xF  }
0x55: {  	v6 =	vbroadcast v20, $0xF;
	(xrf2) =	vadd.scan.msk.f32 $0xffff, v24;
	v44, _, _ =	vpop (xrf2);
	v1 =	vsel vm3, v1, v41;
	v45 =	vbroadcast v42, $0xF  }
0x56: {  	v59 =	vbroadcast v23, $0xF;
	v46, _, _ =	vpop (xrf2);
	v1 =	vsel vm4, v1, v43;
	v47 =	vbroadcast v44, $0xF  }
0x57: {  	vm0 =	vmmov $0x7ff;
	v48, _, _ =	vpop (xrf2);
	v1 =	vsel vm5, v1, v45;
	v49 =	vbroadcast v46, $0xF  }
0x58: {  	v0 =	vsel vm0, v37, v4;
	v50, _, _ =	vpop (xrf2);
	v1 =	vsel vm6, v1, v47;
	v51 =	vbroadcast v48, $0xF  }
0x59: {  	vm1 =	vmmov $0xfff;
	v52, _, _ =	vpop (xrf2);
	v1 =	vsel vm7, v1, v49;
	v53 =	vbroadcast v50, $0xF  }
0x5a: {  	v0 =	vsel vm1, v0, v5;
	v54, _, _ =	vpop (xrf2);
	v1 =	vsel vm8, v1, v51;
	v55 =	vbroadcast v52, $0xF  }
0x5b: {  	vm2 =	vmmov $0x1fff;
	v56, _, _ =	vpop (xrf2);
	v1 =	vsel vm9, v1, v53;
	v57 =	vbroadcast v54, $0xF  }
0x5c: {  	v0 =	vsel vm2, v0, v6;
	v58, _, _ =	vpop (xrf2);
	v1 =	vsel vm0, v1, v55;
	v60 =	vbroadcast v56, $0xF  }
0x5d: {  	vm0 =	vmmov $0x3fff;
	v1 =	vsel vm1, v1, v57;
	v61 =	vbroadcast v58, $0xF  }
0x5e: {  	v0 =	vsel vm0, v0, v59;
	vm1 =	vmmov $0x7fff;
	v1 =	vsel vm2, v1, v60  }
0x5f: {  	v62, _, _ =	vpop (xrf2);
	v0 =	vsel vm1, v0, v26;
	v1 =	vsel vm0, v1, v61  }
0x60: {  	[tilespmem:$0x1FA00] =	vst v0;
	v63 =	vsel vm1, v1, v62  }
0x61: {  	s7 =	rddreg [dreg:$0x15];
	s8 =	simm.s32 $0x1FA00;
	[tilespmem:$0x1FA10] =	vst v63  }
0x62: {  	[hbm4b:s7+s6] =	stream.linear.scatter [tilespmem:s8], [sflag:$0x4], $0x20, $0x38;
	[tilespmem:$0x1FA80] =	vst v63  }
0x63: {  	_ =	swait.ge [sflag:s17], $0x20  }
0x64: {  	s13 =	sld [smem:$0x7FD];
	_ =	sdelay $0x1  }
0x65: {  	s1 =	sadd.s32 $0x1, s1  }
0x66: {  	p0 =	sne.s32 s1, s13  }
.Ltmp1:
0x67: {  	_ = 	snop;
	(pc) =	sbr.rel @!p0 .LBB2_84-.Ltmp1, $3  }
0x68: {  	_ =	sdelay $0x1  }
0x69: {  	[sflag:s17] =	ssyncset.done $0x0  }
0x6a: {  	[sflag:s17] =	ssyncadd.s32 $0xFFFFFFE0  }
.LBB2_1:
0x6b: {  	s7 =	rddreg [dreg:$0x1];
	s8 =	simm.s32 $0x18780  }
0x6c: {  	[tilespmem:s8], [sflag:$0x4] =	stream.linear.gather [hbm4b:s7+s6], $0x2780, $0x38;
	[tilespmem:$0x1FA80] =	vst v63  }
0x6d: {  	_ =	swait.ge [sflag:s17], $0x2780  }
0x6e: {  	[sflag:s17] =	ssyncset.done $0x0  }
0x6f: {  	s8 =	simm.s32 $0x1AF00;
	[sflag:s17] =	ssyncadd.s32 $0xFFFFD880  }
0x70: {  	[tilespmem:s8], [sflag:$0x1] =	stream.linear.gather [hbm4b:s3+s6], $0xC80, $0x38;
	[tilespmem:$0x1FA80] =	vst v63  }
0x71: {  	s9 =	simm.s32 $0x1BB80  }
0x72: {  	[tilespmem:s9], [sflag:$0x1] =	stream.linear.gather [hbm4b:s5+s6], $0xC80, $0x38;
	[tilespmem:$0x1FA80] =	vst v63  }
0x73: {  	s10 =	simm.s32 $0x1C800  }
0x74: {  	[tilespmem:s10], [sflag:$0x1] =	stream.linear.gather [hbm4b:s2+s6], $0xC80, $0x38;
	[tilespmem:$0x1FA80] =	vst v63  }
0x75: {  	_ = 	snop  }
0x76: {  	[tilespmem:s18], [sflag:$0x2] =	stream.linear.gather [hbm4b:s14+s6], $0xC80, $0x38;
	[tilespmem:$0x1FA80] =	vst v63  }
0x77: {  	_ = 	snop  }
0x78: {  	[tilespmem:s19], [sflag:$0x2] =	stream.linear.gather [hbm4b:s15+s6], $0xC80, $0x38;
	[tilespmem:$0x1FA80] =	vst v63  }
0x79: {  	_ = 	snop  }
0x7a: {  	[tilespmem:s20], [sflag:$0x2] =	stream.linear.gather [hbm4b:s16+s6], $0xC80, $0x38;
	[tilespmem:$0x1FA80] =	vst v63  }
0x7b: {  	s11 =	rddreg [dreg:$0x7]  }
0x7c: {  	[tilespmem:s21], [sflag:$0x3] =	stream.linear.gather [hbm4b:s11+s6], $0x2710, $0x38;
	[tilespmem:$0x1FA80] =	vst v63  }
0x7d: {  	_ =	swait.ge [sflag:s22], $0x2710  }
0x7e: {  	[sflag:s22] =	ssyncset.done $0x0  }
0x7f: {  	s13 =	simm.s32 $0x138A0;
	s12 =	rddreg [dreg:$0x8];
	[sflag:s22] =	ssyncadd.s32 $0xFFFFD8F0  }
0x80: {  	[tilespmem:s23], [sflag:$0x3] =	stream.linear.gather [hbm4b:s12+s6], $0x2710, $0x38;
	[tilespmem:$0x1FA80] =	vst v63  }
0x81: {  	v0 =	vld [tilespmem:s13+$0xFFFFFFE0]  }
0x82: {  	v3 =	vld [tilespmem:s13+$0x0]  }
0x83: {  	v2 =	vld [tilespmem:s13+$0x10]  }
0x84: {  	v4 =	vld [tilespmem:s13+$0xFFFFFFF0];
	_ =	sdelay $0x1  }
0x85: {  	s8 =	simm.s32 $0x138E0;
	v0 =	vadd.s32 $0x8000, v0  }
0x86: {  	s7 =	simm.s32 $0x20;
	v1 =	vld [tilespmem:s8+$0xFFFFFFE0];
	v3 =	vadd.s32 $0x8000, v3;
	v5 =	vand.u32 $0xFFFF0000, v0  }
0x87: {  	v2 =	vadd.s32 $0x8000, v2;
	v0 =	vld [tilespmem:s8+$0x10];
	v6 =	vand.u32 $0xFFFF0000, v3;
	[tilespmem:s7+$0xFFFFFFE0] =	vst v5  }
0x88: {  	v4 =	vadd.s32 $0x8000, v4;
	v3 =	vld [tilespmem:s8+$0xFFFFFFF0];
	v5 =	vand.u32 $0xFFFF0000, v2;
	[tilespmem:s7+$0x0] =	vst v6  }
0x89: {  	s9 =	simm.s32 $0x4;
	v4 =	vand.u32 $0xFFFF0000, v4;
	v2 =	vld [tilespmem:s8+$0x0];
	[tilespmem:s7+$0x10] =	vst v5  }
.LBB2_2:
0x8a: {  	s9 =	sadd.s32 $0x4, s9  }
0x8b: {  	[tilespmem:s7+$0xFFFFFFF0] =	vst v4;
	s7 =	sadd.s32 $0x40, s7;
	p0 =	slt.u32 s9, $0x26C  }
.Ltmp2:
0x8c: {  	s8 =	sadd.s32 $0x40, s8;
	v4 =	vadd.s32 $0x8000, v1;
	(pc) =	sbr.rel @p0 .LBB2_2-.Ltmp2, $4  }
0x8d: {  	v1 =	vld [tilespmem:s8+$0xFFFFFFE0];
	v4 =	vand.u32 $0xFFFF0000, v4;
	v5 =	vadd.s32 $0x8000, v0  }
0x8e: {  	v0 =	vld [tilespmem:s8+$0x10];
	[tilespmem:s7+$0xFFFFFFE0] =	vst v4;
	v4 =	vadd.s32 $0x8000, v2;
	v5 =	vand.u32 $0xFFFF0000, v5  }
0x8f: {  	v2 =	vld [tilespmem:s8+$0x0];
	v6 =	vadd.s32 $0x8000, v3;
	v7 =	vand.u32 $0xFFFF0000, v4;
	[tilespmem:s7+$0x10] =	vst v5  }
0x90: {  	v3 =	vld [tilespmem:s8+$0xFFFFFFF0];
	v4 =	vand.u32 $0xFFFF0000, v6;
	[tilespmem:s7+$0x0] =	vst v7  }
0x91: {  	_ = 	snop  }
0x92: {  	v1 =	vadd.s32 $0x8000, v1  }
0x93: {  	[tilespmem:s7+$0xFFFFFFF0] =	vst v4;
	s12 =	sadd.s32 $0x40, s7;
	v1 =	vand.u32 $0xFFFF0000, v1;
	v0 =	vadd.s32 $0x8000, v0  }
0x94: {  	[tilespmem:s12+$0xFFFFFFE0] =	vst v1;
	v1 =	vadd.s32 $0x8000, v2;
	v0 =	vand.u32 $0xFFFF0000, v0  }
0x95: {  	v2 =	vadd.s32 $0x8000, v3;
	v1 =	vand.u32 $0xFFFF0000, v1;
	[tilespmem:s12+$0x10] =	vst v0  }
0x96: {  	v0 =	vand.u32 $0xFFFF0000, v2;
	[tilespmem:s12+$0x0] =	vst v1  }
0x97: {  	[tilespmem:s12+$0xFFFFFFF0] =	vst v0  }
0x98: {  	v0 =	vld [tilespmem:$0x15F80];
	_ =	sdelay $0x4  }
0x99: {  	v0 =	vadd.s32 $0x8000, v0  }
0x9a: {  	v0 =	vand.u32 $0xFFFF0000, v0  }
0x9b: {  	[tilespmem:$0x2700] =	vst v0  }
0x9c: {  	_ =	swait.ge [sflag:s22], $0x2710  }
0x9d: {  	[sflag:s22] =	ssyncset.done $0x0  }
0x9e: {  	s8 =	simm.s32 $0x16020;
	s13 =	rddreg [dreg:$0x9];
	[sflag:s22] =	ssyncadd.s32 $0xFFFFD8F0  }
0x9f: {  	[tilespmem:s21], [sflag:$0x3] =	stream.linear.gather [hbm4b:s13+s6], $0x2710, $0x38;
	[tilespmem:$0x1FA80] =	vst v63  }
0xa0: {  	v2 =	vld [tilespmem:s8+$0x10]  }
0xa1: {  	s7 =	simm.s32 $0x20;
	v4 =	vld [tilespmem:s8+$0xFFFFFFF0]  }
0xa2: {  	v6 =	vld [tilespmem:s7+$0x10]  }
0xa3: {  	v1 =	vld [tilespmem:s8+$0x0]  }
0xa4: {  	v3 =	vld [tilespmem:s8+$0xFFFFFFE0]  }
0xa5: {  	v0 =	vld [tilespmem:s7+$0xFFFFFFE0];
	v5 =	vadd.s32 $0x8000, v2  }
0xa6: {  	v4 =	vadd.s32 $0x8000, v4;
	v2 =	vld [tilespmem:s7+$0xFFFFFFF0];
	v7 =	vshrl.u32 v5, $0x10  }
0xa7: {  	s9 =	simm.s32 $0x0;
	s10 =	simm.s32 $0x16060;
	s8 =	simm.s32 $0x20;
	v5 =	vshrl.u32 v4, $0x10;
	v4 =	vld [tilespmem:s7+$0x0];
	v6 =	vor.u32 v6, v7  }
.LBB2_4:
0xa8: {  	v7 =	vld [tilespmem:s10+$0x10];
	s9 =	sadd.s32 $0x4, s9;
	v1 =	vadd.s32 $0x8000, v1;
	[tilespmem:s7+$0x10] =	vst v6  }
0xa9: {  	s7 =	sadd.s32 $0x40, s7;
	v6 =	vld [tilespmem:s10+$0xFFFFFFF0];
	p0 =	slt.u32 s9, $0x26C;
	v3 =	vadd.s32 $0x8000, v3;
	v8 =	vshrl.u32 v1, $0x10  }
0xaa: {  	v9 =	vld [tilespmem:s7+$0x10];
	v3 =	vshrl.u32 v3, $0x10  }
.Ltmp3:
0xab: {  	v1 =	vld [tilespmem:s10+$0x0];
	v0 =	vor.u32 v0, v3;
	v2 =	vor.u32 v2, v5;
	(pc) =	sbr.rel @p0 .LBB2_4-.Ltmp3, $4  }
0xac: {  	v3 =	vld [tilespmem:s10+$0xFFFFFFE0];
	[tilespmem:s8+$0xFFFFFFE0] =	vst v0;
	v4 =	vor.u32 v4, v8  }
0xad: {  	v0 =	vld [tilespmem:s7+$0xFFFFFFE0];
	v5 =	vadd.s32 $0x8000, v7;
	[tilespmem:s8+$0xFFFFFFF0] =	vst v2  }
0xae: {  	v6 =	vadd.s32 $0x8000, v6;
	v2 =	vld [tilespmem:s7+$0xFFFFFFF0];
	v7 =	vshrl.u32 v5, $0x10;
	[tilespmem:s8+$0x0] =	vst v4;
	s8 =	smov.u32 s7  }
0xaf: {  	s10 =	sadd.s32 $0x40, s10;
	v5 =	vshrl.u32 v6, $0x10;
	v4 =	vld [tilespmem:s7+$0x0];
	v6 =	vor.u32 v9, v7  }
0xb0: {  	_ = 	snop  }
0xb1: {  	v3 =	vadd.s32 $0x8000, v3  }
0xb2: {  	v3 =	vshrl.u32 v3, $0x10  }
0xb3: {  	v1 =	vadd.s32 $0x8000, v1;
	[tilespmem:s7+$0x10] =	vst v6;
	v0 =	vor.u32 v0, v3  }
0xb4: {  	v1 =	vshrl.u32 v1, $0x10;
	v2 =	vor.u32 v2, v5;
	[tilespmem:s8+$0xFFFFFFE0] =	vst v0  }
0xb5: {  	v0 =	vor.u32 v4, v1;
	[tilespmem:s8+$0xFFFFFFF0] =	vst v2  }
0xb6: {  	[tilespmem:s8+$0x0] =	vst v0  }
0xb7: {  	v0 =	vld [tilespmem:$0x18700];
	_ =	sdelay $0x1  }
0xb8: {  	v1 =	vld [tilespmem:$0x2700];
	_ =	sdelay $0x2  }
0xb9: {  	v0 =	vadd.s32 $0x8000, v0  }
0xba: {  	v0 =	vshrl.u32 v0, $0x10  }
0xbb: {  	v0 =	vor.u32 v1, v0  }
0xbc: {  	[tilespmem:$0x2700] =	vst v0  }
0xbd: {  	_ =	swait.ge [sflag:s22], $0x2710  }
0xbe: {  	[sflag:s22] =	ssyncset.done $0x0  }
0xbf: {  	s13 =	simm.s32 $0x138A0;
	s12 =	rddreg [dreg:$0xa];
	[sflag:s22] =	ssyncadd.s32 $0xFFFFD8F0  }
0xc0: {  	[tilespmem:s23], [sflag:$0x3] =	stream.linear.gather [hbm4b:s12+s6], $0x2710, $0x38;
	[tilespmem:$0x1FA80] =	vst v63  }
0xc1: {  	v0 =	vld [tilespmem:s13+$0xFFFFFFE0]  }
0xc2: {  	v3 =	vld [tilespmem:s13+$0x0]  }
0xc3: {  	v2 =	vld [tilespmem:s13+$0x10]  }
0xc4: {  	v4 =	vld [tilespmem:s13+$0xFFFFFFF0];
	_ =	sdelay $0x1  }
0xc5: {  	s8 =	simm.s32 $0x138E0;
	v0 =	vadd.s32 $0x8000, v0  }
0xc6: {  	s7 =	simm.s32 $0x2740;
	v1 =	vld [tilespmem:s8+$0xFFFFFFE0];
	v3 =	vadd.s32 $0x8000, v3;
	v5 =	vand.u32 $0xFFFF0000, v0  }
0xc7: {  	v2 =	vadd.s32 $0x8000, v2;
	v0 =	vld [tilespmem:s8+$0x10];
	v6 =	vand.u32 $0xFFFF0000, v3;
	[tilespmem:s7+$0xFFFFFFD0] =	vst v5  }
0xc8: {  	v4 =	vadd.s32 $0x8000, v4;
	v3 =	vld [tilespmem:s8+$0xFFFFFFF0];
	v5 =	vand.u32 $0xFFFF0000, v2;
	[tilespmem:s7+$0xFFFFFFF0] =	vst v6  }
0xc9: {  	s9 =	simm.s32 $0x4;
	v4 =	vand.u32 $0xFFFF0000, v4;
	v2 =	vld [tilespmem:s8+$0x0];
	[tilespmem:s7+$0x0] =	vst v5  }
.LBB2_6:
0xca: {  	s9 =	sadd.s32 $0x4, s9  }
0xcb: {  	[tilespmem:s7+$0xFFFFFFE0] =	vst v4;
	s7 =	sadd.s32 $0x40, s7;
	p0 =	slt.u32 s9, $0x26C  }
.Ltmp4:
0xcc: {  	s8 =	sadd.s32 $0x40, s8;
	v4 =	vadd.s32 $0x8000, v1;
	(pc) =	sbr.rel @p0 .LBB2_6-.Ltmp4, $4  }
0xcd: {  	v1 =	vld [tilespmem:s8+$0xFFFFFFE0];
	v4 =	vand.u32 $0xFFFF0000, v4;
	v5 =	vadd.s32 $0x8000, v0  }
0xce: {  	v0 =	vld [tilespmem:s8+$0x10];
	[tilespmem:s7+$0xFFFFFFD0] =	vst v4;
	v4 =	vadd.s32 $0x8000, v2;
	v5 =	vand.u32 $0xFFFF0000, v5  }
0xcf: {  	v2 =	vld [tilespmem:s8+$0x0];
	v6 =	vadd.s32 $0x8000, v3;
	v7 =	vand.u32 $0xFFFF0000, v4;
	[tilespmem:s7+$0x0] =	vst v5  }
0xd0: {  	v3 =	vld [tilespmem:s8+$0xFFFFFFF0];
	v4 =	vand.u32 $0xFFFF0000, v6;
	[tilespmem:s7+$0xFFFFFFF0] =	vst v7  }
0xd1: {  	_ = 	snop  }
0xd2: {  	v1 =	vadd.s32 $0x8000, v1  }
0xd3: {  	[tilespmem:s7+$0xFFFFFFE0] =	vst v4;
	s12 =	sadd.s32 $0x40, s7;
	v1 =	vand.u32 $0xFFFF0000, v1;
	v0 =	vadd.s32 $0x8000, v0  }
0xd4: {  	[tilespmem:s12+$0xFFFFFFD0] =	vst v1;
	v1 =	vadd.s32 $0x8000, v2;
	v0 =	vand.u32 $0xFFFF0000, v0  }
0xd5: {  	v2 =	vadd.s32 $0x8000, v3;
	v1 =	vand.u32 $0xFFFF0000, v1;
	[tilespmem:s12+$0x0] =	vst v0  }
0xd6: {  	v0 =	vand.u32 $0xFFFF0000, v2;
	[tilespmem:s12+$0xFFFFFFF0] =	vst v1  }
0xd7: {  	[tilespmem:s12+$0xFFFFFFE0] =	vst v0  }
0xd8: {  	v0 =	vld [tilespmem:$0x15F80];
	_ =	sdelay $0x4  }
0xd9: {  	v0 =	vadd.s32 $0x8000, v0  }
0xda: {  	v0 =	vand.u32 $0xFFFF0000, v0  }
0xdb: {  	[tilespmem:$0x4E10] =	vst v0  }
0xdc: {  	_ =	swait.ge [sflag:s22], $0x2710  }
0xdd: {  	[sflag:s22] =	ssyncset.done $0x0  }
0xde: {  	s8 =	simm.s32 $0x16020;
	s13 =	rddreg [dreg:$0xb];
	[sflag:s22] =	ssyncadd.s32 $0xFFFFD8F0  }
0xdf: {  	[tilespmem:s21], [sflag:$0x3] =	stream.linear.gather [hbm4b:s13+s6], $0x2710, $0x38;
	[tilespmem:$0x1FA80] =	vst v63  }
0xe0: {  	v2 =	vld [tilespmem:s8+$0x10]  }
0xe1: {  	s7 =	simm.s32 $0x2740;
	v4 =	vld [tilespmem:s8+$0xFFFFFFF0]  }
0xe2: {  	v6 =	vld [tilespmem:s7+$0x0]  }
0xe3: {  	v1 =	vld [tilespmem:s8+$0x0]  }
0xe4: {  	v3 =	vld [tilespmem:s8+$0xFFFFFFE0]  }
0xe5: {  	v0 =	vld [tilespmem:s7+$0xFFFFFFD0];
	v5 =	vadd.s32 $0x8000, v2  }
0xe6: {  	v4 =	vadd.s32 $0x8000, v4;
	v2 =	vld [tilespmem:s7+$0xFFFFFFE0];
	v7 =	vshrl.u32 v5, $0x10  }
0xe7: {  	s9 =	simm.s32 $0x0;
	s10 =	simm.s32 $0x16060;
	s8 =	simm.s32 $0x2740;
	v5 =	vshrl.u32 v4, $0x10;
	v4 =	vld [tilespmem:s7+$0xFFFFFFF0];
	v6 =	vor.u32 v6, v7  }
.LBB2_8:
0xe8: {  	v7 =	vld [tilespmem:s10+$0x10];
	s9 =	sadd.s32 $0x4, s9;
	v1 =	vadd.s32 $0x8000, v1;
	[tilespmem:s7+$0x0] =	vst v6  }
0xe9: {  	s7 =	sadd.s32 $0x40, s7;
	v6 =	vld [tilespmem:s10+$0xFFFFFFF0];
	p0 =	slt.u32 s9, $0x26C;
	v3 =	vadd.s32 $0x8000, v3;
	v8 =	vshrl.u32 v1, $0x10  }
0xea: {  	v9 =	vld [tilespmem:s7+$0x0];
	v3 =	vshrl.u32 v3, $0x10  }
.Ltmp5:
0xeb: {  	v1 =	vld [tilespmem:s10+$0x0];
	v0 =	vor.u32 v0, v3;
	v2 =	vor.u32 v2, v5;
	(pc) =	sbr.rel @p0 .LBB2_8-.Ltmp5, $4  }
0xec: {  	v3 =	vld [tilespmem:s10+$0xFFFFFFE0];
	[tilespmem:s8+$0xFFFFFFD0] =	vst v0;
	v4 =	vor.u32 v4, v8  }
0xed: {  	v0 =	vld [tilespmem:s7+$0xFFFFFFD0];
	v5 =	vadd.s32 $0x8000, v7;
	[tilespmem:s8+$0xFFFFFFE0] =	vst v2  }
0xee: {  	v6 =	vadd.s32 $0x8000, v6;
	v2 =	vld [tilespmem:s7+$0xFFFFFFE0];
	v7 =	vshrl.u32 v5, $0x10;
	[tilespmem:s8+$0xFFFFFFF0] =	vst v4;
	s8 =	smov.u32 s7  }
0xef: {  	s10 =	sadd.s32 $0x40, s10;
	v5 =	vshrl.u32 v6, $0x10;
	v4 =	vld [tilespmem:s7+$0xFFFFFFF0];
	v6 =	vor.u32 v9, v7  }
0xf0: {  	_ = 	snop  }
0xf1: {  	v3 =	vadd.s32 $0x8000, v3  }
0xf2: {  	v3 =	vshrl.u32 v3, $0x10  }
0xf3: {  	v1 =	vadd.s32 $0x8000, v1;
	[tilespmem:s7+$0x0] =	vst v6;
	v0 =	vor.u32 v0, v3  }
0xf4: {  	v1 =	vshrl.u32 v1, $0x10;
	v2 =	vor.u32 v2, v5;
	[tilespmem:s8+$0xFFFFFFD0] =	vst v0  }
0xf5: {  	v0 =	vor.u32 v4, v1;
	[tilespmem:s8+$0xFFFFFFE0] =	vst v2  }
0xf6: {  	[tilespmem:s8+$0xFFFFFFF0] =	vst v0  }
0xf7: {  	v0 =	vld [tilespmem:$0x18700];
	_ =	sdelay $0x1  }
0xf8: {  	v1 =	vld [tilespmem:$0x4E10];
	_ =	sdelay $0x2  }
0xf9: {  	v0 =	vadd.s32 $0x8000, v0  }
0xfa: {  	v0 =	vshrl.u32 v0, $0x10  }
0xfb: {  	v0 =	vor.u32 v1, v0  }
0xfc: {  	[tilespmem:$0x4E10] =	vst v0  }
0xfd: {  	_ =	swait.ge [sflag:s22], $0x2710  }
0xfe: {  	[sflag:s22] =	ssyncset.done $0x0  }
0xff: {  	s13 =	simm.s32 $0x138A0;
	s12 =	rddreg [dreg:$0xc];
	[sflag:s22] =	ssyncadd.s32 $0xFFFFD8F0  }
0x100: {  	[tilespmem:s23], [sflag:$0x3] =	stream.linear.gather [hbm4b:s12+s6], $0x2710, $0x38;
	[tilespmem:$0x1FA80] =	vst v63  }
0x101: {  	v0 =	vld [tilespmem:s13+$0xFFFFFFE0]  }
0x102: {  	v3 =	vld [tilespmem:s13+$0x0]  }
0x103: {  	v2 =	vld [tilespmem:s13+$0x10]  }
0x104: {  	v4 =	vld [tilespmem:s13+$0xFFFFFFF0];
	_ =	sdelay $0x1  }
0x105: {  	s8 =	simm.s32 $0x138E0;
	v0 =	vadd.s32 $0x8000, v0  }
0x106: {  	s7 =	simm.s32 $0x4E50;
	v1 =	vld [tilespmem:s8+$0xFFFFFFE0];
	v3 =	vadd.s32 $0x8000, v3;
	v5 =	vand.u32 $0xFFFF0000, v0  }
0x107: {  	v2 =	vadd.s32 $0x8000, v2;
	v0 =	vld [tilespmem:s8+$0x10];
	v6 =	vand.u32 $0xFFFF0000, v3;
	[tilespmem:s7+$0xFFFFFFD0] =	vst v5  }
0x108: {  	v4 =	vadd.s32 $0x8000, v4;
	v3 =	vld [tilespmem:s8+$0xFFFFFFF0];
	v5 =	vand.u32 $0xFFFF0000, v2;
	[tilespmem:s7+$0xFFFFFFF0] =	vst v6  }
0x109: {  	s9 =	simm.s32 $0x4;
	v4 =	vand.u32 $0xFFFF0000, v4;
	v2 =	vld [tilespmem:s8+$0x0];
	[tilespmem:s7+$0x0] =	vst v5  }
.LBB2_10:
0x10a: {  	s9 =	sadd.s32 $0x4, s9  }
0x10b: {  	[tilespmem:s7+$0xFFFFFFE0] =	vst v4;
	s7 =	sadd.s32 $0x40, s7;
	p0 =	slt.u32 s9, $0x26C  }
.Ltmp6:
0x10c: {  	s8 =	sadd.s32 $0x40, s8;
	v4 =	vadd.s32 $0x8000, v1;
	(pc) =	sbr.rel @p0 .LBB2_10-.Ltmp6, $4  }
0x10d: {  	v1 =	vld [tilespmem:s8+$0xFFFFFFE0];
	v4 =	vand.u32 $0xFFFF0000, v4;
	v5 =	vadd.s32 $0x8000, v0  }
0x10e: {  	v0 =	vld [tilespmem:s8+$0x10];
	[tilespmem:s7+$0xFFFFFFD0] =	vst v4;
	v4 =	vadd.s32 $0x8000, v2;
	v5 =	vand.u32 $0xFFFF0000, v5  }
0x10f: {  	v2 =	vld [tilespmem:s8+$0x0];
	v6 =	vadd.s32 $0x8000, v3;
	v7 =	vand.u32 $0xFFFF0000, v4;
	[tilespmem:s7+$0x0] =	vst v5  }
0x110: {  	v3 =	vld [tilespmem:s8+$0xFFFFFFF0];
	v4 =	vand.u32 $0xFFFF0000, v6;
	[tilespmem:s7+$0xFFFFFFF0] =	vst v7  }
0x111: {  	_ = 	snop  }
0x112: {  	v1 =	vadd.s32 $0x8000, v1  }
0x113: {  	[tilespmem:s7+$0xFFFFFFE0] =	vst v4;
	s12 =	sadd.s32 $0x40, s7;
	v1 =	vand.u32 $0xFFFF0000, v1;
	v0 =	vadd.s32 $0x8000, v0  }
0x114: {  	[tilespmem:s12+$0xFFFFFFD0] =	vst v1;
	v1 =	vadd.s32 $0x8000, v2;
	v0 =	vand.u32 $0xFFFF0000, v0  }
0x115: {  	v2 =	vadd.s32 $0x8000, v3;
	v1 =	vand.u32 $0xFFFF0000, v1;
	[tilespmem:s12+$0x0] =	vst v0  }
0x116: {  	v0 =	vand.u32 $0xFFFF0000, v2;
	[tilespmem:s12+$0xFFFFFFF0] =	vst v1  }
0x117: {  	[tilespmem:s12+$0xFFFFFFE0] =	vst v0  }
0x118: {  	v0 =	vld [tilespmem:$0x15F80];
	_ =	sdelay $0x4  }
0x119: {  	v0 =	vadd.s32 $0x8000, v0  }
0x11a: {  	v0 =	vand.u32 $0xFFFF0000, v0  }
0x11b: {  	[tilespmem:$0x7520] =	vst v0  }
0x11c: {  	_ =	swait.ge [sflag:s22], $0x2710  }
0x11d: {  	[sflag:s22] =	ssyncset.done $0x0  }
0x11e: {  	s8 =	simm.s32 $0x16020;
	s13 =	rddreg [dreg:$0xd];
	[sflag:s22] =	ssyncadd.s32 $0xFFFFD8F0  }
0x11f: {  	[tilespmem:s21], [sflag:$0x3] =	stream.linear.gather [hbm4b:s13+s6], $0x2710, $0x38;
	[tilespmem:$0x1FA80] =	vst v63  }
0x120: {  	v2 =	vld [tilespmem:s8+$0x10]  }
0x121: {  	s7 =	simm.s32 $0x4E50;
	v4 =	vld [tilespmem:s8+$0xFFFFFFF0]  }
0x122: {  	v6 =	vld [tilespmem:s7+$0x0]  }
0x123: {  	v1 =	vld [tilespmem:s8+$0x0]  }
0x124: {  	v3 =	vld [tilespmem:s8+$0xFFFFFFE0]  }
0x125: {  	v0 =	vld [tilespmem:s7+$0xFFFFFFD0];
	v5 =	vadd.s32 $0x8000, v2  }
0x126: {  	v4 =	vadd.s32 $0x8000, v4;
	v2 =	vld [tilespmem:s7+$0xFFFFFFE0];
	v7 =	vshrl.u32 v5, $0x10  }
0x127: {  	s9 =	simm.s32 $0x0;
	s10 =	simm.s32 $0x16060;
	s8 =	simm.s32 $0x4E50;
	v5 =	vshrl.u32 v4, $0x10;
	v4 =	vld [tilespmem:s7+$0xFFFFFFF0];
	v6 =	vor.u32 v6, v7  }
.LBB2_12:
0x128: {  	v7 =	vld [tilespmem:s10+$0x10];
	s9 =	sadd.s32 $0x4, s9;
	v1 =	vadd.s32 $0x8000, v1;
	[tilespmem:s7+$0x0] =	vst v6  }
0x129: {  	s7 =	sadd.s32 $0x40, s7;
	v6 =	vld [tilespmem:s10+$0xFFFFFFF0];
	p0 =	slt.u32 s9, $0x26C;
	v3 =	vadd.s32 $0x8000, v3;
	v8 =	vshrl.u32 v1, $0x10  }
0x12a: {  	v9 =	vld [tilespmem:s7+$0x0];
	v3 =	vshrl.u32 v3, $0x10  }
.Ltmp7:
0x12b: {  	v1 =	vld [tilespmem:s10+$0x0];
	v0 =	vor.u32 v0, v3;
	v2 =	vor.u32 v2, v5;
	(pc) =	sbr.rel @p0 .LBB2_12-.Ltmp7, $4  }
0x12c: {  	v3 =	vld [tilespmem:s10+$0xFFFFFFE0];
	[tilespmem:s8+$0xFFFFFFD0] =	vst v0;
	v4 =	vor.u32 v4, v8  }
0x12d: {  	v0 =	vld [tilespmem:s7+$0xFFFFFFD0];
	v5 =	vadd.s32 $0x8000, v7;
	[tilespmem:s8+$0xFFFFFFE0] =	vst v2  }
0x12e: {  	v6 =	vadd.s32 $0x8000, v6;
	v2 =	vld [tilespmem:s7+$0xFFFFFFE0];
	v7 =	vshrl.u32 v5, $0x10;
	[tilespmem:s8+$0xFFFFFFF0] =	vst v4;
	s8 =	smov.u32 s7  }
0x12f: {  	s10 =	sadd.s32 $0x40, s10;
	v5 =	vshrl.u32 v6, $0x10;
	v4 =	vld [tilespmem:s7+$0xFFFFFFF0];
	v6 =	vor.u32 v9, v7  }
0x130: {  	_ = 	snop  }
0x131: {  	v3 =	vadd.s32 $0x8000, v3  }
0x132: {  	v3 =	vshrl.u32 v3, $0x10  }
0x133: {  	v1 =	vadd.s32 $0x8000, v1;
	[tilespmem:s7+$0x0] =	vst v6;
	v0 =	vor.u32 v0, v3  }
0x134: {  	v1 =	vshrl.u32 v1, $0x10;
	v2 =	vor.u32 v2, v5;
	[tilespmem:s8+$0xFFFFFFD0] =	vst v0  }
0x135: {  	v0 =	vor.u32 v4, v1;
	[tilespmem:s8+$0xFFFFFFE0] =	vst v2  }
0x136: {  	[tilespmem:s8+$0xFFFFFFF0] =	vst v0  }
0x137: {  	v0 =	vld [tilespmem:$0x18700];
	_ =	sdelay $0x1  }
0x138: {  	v1 =	vld [tilespmem:$0x7520];
	_ =	sdelay $0x2  }
0x139: {  	v0 =	vadd.s32 $0x8000, v0  }
0x13a: {  	v0 =	vshrl.u32 v0, $0x10  }
0x13b: {  	v0 =	vor.u32 v1, v0  }
0x13c: {  	[tilespmem:$0x7520] =	vst v0  }
0x13d: {  	_ =	swait.ge [sflag:s22], $0x2710  }
0x13e: {  	[sflag:s22] =	ssyncset.done $0x0  }
0x13f: {  	s13 =	simm.s32 $0x138A0;
	s12 =	rddreg [dreg:$0xe];
	[sflag:s22] =	ssyncadd.s32 $0xFFFFD8F0  }
0x140: {  	[tilespmem:s23], [sflag:$0x3] =	stream.linear.gather [hbm4b:s12+s6], $0x2710, $0x38;
	[tilespmem:$0x1FA80] =	vst v63  }
0x141: {  	v0 =	vld [tilespmem:s13+$0xFFFFFFE0]  }
0x142: {  	v3 =	vld [tilespmem:s13+$0x0]  }
0x143: {  	v2 =	vld [tilespmem:s13+$0x10]  }
0x144: {  	v4 =	vld [tilespmem:s13+$0xFFFFFFF0];
	_ =	sdelay $0x1  }
0x145: {  	s8 =	simm.s32 $0x138E0;
	v0 =	vadd.s32 $0x8000, v0  }
0x146: {  	s7 =	simm.s32 $0x7560;
	v1 =	vld [tilespmem:s8+$0xFFFFFFE0];
	v3 =	vadd.s32 $0x8000, v3;
	v5 =	vand.u32 $0xFFFF0000, v0  }
0x147: {  	v2 =	vadd.s32 $0x8000, v2;
	v0 =	vld [tilespmem:s8+$0x10];
	v6 =	vand.u32 $0xFFFF0000, v3;
	[tilespmem:s7+$0xFFFFFFD0] =	vst v5  }
0x148: {  	v4 =	vadd.s32 $0x8000, v4;
	v3 =	vld [tilespmem:s8+$0xFFFFFFF0];
	v5 =	vand.u32 $0xFFFF0000, v2;
	[tilespmem:s7+$0xFFFFFFF0] =	vst v6  }
0x149: {  	s9 =	simm.s32 $0x4;
	v4 =	vand.u32 $0xFFFF0000, v4;
	v2 =	vld [tilespmem:s8+$0x0];
	[tilespmem:s7+$0x0] =	vst v5  }
.LBB2_14:
0x14a: {  	s9 =	sadd.s32 $0x4, s9  }
0x14b: {  	[tilespmem:s7+$0xFFFFFFE0] =	vst v4;
	s7 =	sadd.s32 $0x40, s7;
	p0 =	slt.u32 s9, $0x26C  }
.Ltmp8:
0x14c: {  	s8 =	sadd.s32 $0x40, s8;
	v4 =	vadd.s32 $0x8000, v1;
	(pc) =	sbr.rel @p0 .LBB2_14-.Ltmp8, $4  }
0x14d: {  	v1 =	vld [tilespmem:s8+$0xFFFFFFE0];
	v4 =	vand.u32 $0xFFFF0000, v4;
	v5 =	vadd.s32 $0x8000, v0  }
0x14e: {  	v0 =	vld [tilespmem:s8+$0x10];
	[tilespmem:s7+$0xFFFFFFD0] =	vst v4;
	v4 =	vadd.s32 $0x8000, v2;
	v5 =	vand.u32 $0xFFFF0000, v5  }
0x14f: {  	v2 =	vld [tilespmem:s8+$0x0];
	v6 =	vadd.s32 $0x8000, v3;
	v7 =	vand.u32 $0xFFFF0000, v4;
	[tilespmem:s7+$0x0] =	vst v5  }
0x150: {  	v3 =	vld [tilespmem:s8+$0xFFFFFFF0];
	v4 =	vand.u32 $0xFFFF0000, v6;
	[tilespmem:s7+$0xFFFFFFF0] =	vst v7  }
0x151: {  	_ = 	snop  }
0x152: {  	v1 =	vadd.s32 $0x8000, v1  }
0x153: {  	[tilespmem:s7+$0xFFFFFFE0] =	vst v4;
	s12 =	sadd.s32 $0x40, s7;
	v1 =	vand.u32 $0xFFFF0000, v1;
	v0 =	vadd.s32 $0x8000, v0  }
0x154: {  	[tilespmem:s12+$0xFFFFFFD0] =	vst v1;
	v1 =	vadd.s32 $0x8000, v2;
	v0 =	vand.u32 $0xFFFF0000, v0  }
0x155: {  	v2 =	vadd.s32 $0x8000, v3;
	v1 =	vand.u32 $0xFFFF0000, v1;
	[tilespmem:s12+$0x0] =	vst v0  }
0x156: {  	v0 =	vand.u32 $0xFFFF0000, v2;
	[tilespmem:s12+$0xFFFFFFF0] =	vst v1  }
0x157: {  	[tilespmem:s12+$0xFFFFFFE0] =	vst v0  }
0x158: {  	v0 =	vld [tilespmem:$0x15F80];
	_ =	sdelay $0x4  }
0x159: {  	v0 =	vadd.s32 $0x8000, v0  }
0x15a: {  	v0 =	vand.u32 $0xFFFF0000, v0  }
0x15b: {  	[tilespmem:$0x9C30] =	vst v0  }
0x15c: {  	_ =	swait.ge [sflag:s22], $0x2710  }
0x15d: {  	[sflag:s22] =	ssyncset.done $0x0  }
0x15e: {  	s8 =	simm.s32 $0x16020;
	s13 =	rddreg [dreg:$0xf];
	[sflag:s22] =	ssyncadd.s32 $0xFFFFD8F0  }
0x15f: {  	[tilespmem:s21], [sflag:$0x3] =	stream.linear.gather [hbm4b:s13+s6], $0x2710, $0x38;
	[tilespmem:$0x1FA80] =	vst v63  }
0x160: {  	v2 =	vld [tilespmem:s8+$0x10]  }
0x161: {  	s7 =	simm.s32 $0x7560;
	v4 =	vld [tilespmem:s8+$0xFFFFFFF0]  }
0x162: {  	v6 =	vld [tilespmem:s7+$0x0]  }
0x163: {  	v1 =	vld [tilespmem:s8+$0x0]  }
0x164: {  	v3 =	vld [tilespmem:s8+$0xFFFFFFE0]  }
0x165: {  	v0 =	vld [tilespmem:s7+$0xFFFFFFD0];
	v5 =	vadd.s32 $0x8000, v2  }
0x166: {  	v4 =	vadd.s32 $0x8000, v4;
	v2 =	vld [tilespmem:s7+$0xFFFFFFE0];
	v7 =	vshrl.u32 v5, $0x10  }
0x167: {  	s9 =	simm.s32 $0x0;
	s10 =	simm.s32 $0x16060;
	s8 =	simm.s32 $0x7560;
	v5 =	vshrl.u32 v4, $0x10;
	v4 =	vld [tilespmem:s7+$0xFFFFFFF0];
	v6 =	vor.u32 v6, v7  }
.LBB2_16:
0x168: {  	v7 =	vld [tilespmem:s10+$0x10];
	s9 =	sadd.s32 $0x4, s9;
	v1 =	vadd.s32 $0x8000, v1;
	[tilespmem:s7+$0x0] =	vst v6  }
0x169: {  	s7 =	sadd.s32 $0x40, s7;
	v6 =	vld [tilespmem:s10+$0xFFFFFFF0];
	p0 =	slt.u32 s9, $0x26C;
	v3 =	vadd.s32 $0x8000, v3;
	v8 =	vshrl.u32 v1, $0x10  }
0x16a: {  	v9 =	vld [tilespmem:s7+$0x0];
	v3 =	vshrl.u32 v3, $0x10  }
.Ltmp9:
0x16b: {  	v1 =	vld [tilespmem:s10+$0x0];
	v0 =	vor.u32 v0, v3;
	v2 =	vor.u32 v2, v5;
	(pc) =	sbr.rel @p0 .LBB2_16-.Ltmp9, $4  }
0x16c: {  	v3 =	vld [tilespmem:s10+$0xFFFFFFE0];
	[tilespmem:s8+$0xFFFFFFD0] =	vst v0;
	v4 =	vor.u32 v4, v8  }
0x16d: {  	v0 =	vld [tilespmem:s7+$0xFFFFFFD0];
	v5 =	vadd.s32 $0x8000, v7;
	[tilespmem:s8+$0xFFFFFFE0] =	vst v2  }
0x16e: {  	v6 =	vadd.s32 $0x8000, v6;
	v2 =	vld [tilespmem:s7+$0xFFFFFFE0];
	v7 =	vshrl.u32 v5, $0x10;
	[tilespmem:s8+$0xFFFFFFF0] =	vst v4;
	s8 =	smov.u32 s7  }
0x16f: {  	s10 =	sadd.s32 $0x40, s10;
	v5 =	vshrl.u32 v6, $0x10;
	v4 =	vld [tilespmem:s7+$0xFFFFFFF0];
	v6 =	vor.u32 v9, v7  }
0x170: {  	_ = 	snop  }
0x171: {  	v3 =	vadd.s32 $0x8000, v3  }
0x172: {  	v3 =	vshrl.u32 v3, $0x10  }
0x173: {  	v1 =	vadd.s32 $0x8000, v1;
	[tilespmem:s7+$0x0] =	vst v6;
	v0 =	vor.u32 v0, v3  }
0x174: {  	v1 =	vshrl.u32 v1, $0x10;
	v2 =	vor.u32 v2, v5;
	[tilespmem:s8+$0xFFFFFFD0] =	vst v0  }
0x175: {  	v0 =	vor.u32 v4, v1;
	[tilespmem:s8+$0xFFFFFFE0] =	vst v2  }
0x176: {  	[tilespmem:s8+$0xFFFFFFF0] =	vst v0  }
0x177: {  	v0 =	vld [tilespmem:$0x18700];
	_ =	sdelay $0x1  }
0x178: {  	v1 =	vld [tilespmem:$0x9C30];
	_ =	sdelay $0x2  }
0x179: {  	v0 =	vadd.s32 $0x8000, v0  }
0x17a: {  	v0 =	vshrl.u32 v0, $0x10  }
0x17b: {  	v0 =	vor.u32 v1, v0  }
0x17c: {  	[tilespmem:$0x9C30] =	vst v0  }
0x17d: {  	_ =	swait.ge [sflag:s22], $0x2710  }
0x17e: {  	[sflag:s22] =	ssyncset.done $0x0  }
0x17f: {  	s13 =	simm.s32 $0x138A0;
	s12 =	rddreg [dreg:$0x10];
	[sflag:s22] =	ssyncadd.s32 $0xFFFFD8F0  }
0x180: {  	[tilespmem:s23], [sflag:$0x3] =	stream.linear.gather [hbm4b:s12+s6], $0x2710, $0x38;
	[tilespmem:$0x1FA80] =	vst v63  }
0x181: {  	v0 =	vld [tilespmem:s13+$0xFFFFFFE0]  }
0x182: {  	v3 =	vld [tilespmem:s13+$0x0]  }
0x183: {  	v2 =	vld [tilespmem:s13+$0x10]  }
0x184: {  	v4 =	vld [tilespmem:s13+$0xFFFFFFF0];
	_ =	sdelay $0x1  }
0x185: {  	s8 =	simm.s32 $0x138E0;
	v0 =	vadd.s32 $0x8000, v0  }
0x186: {  	s7 =	simm.s32 $0x9C70;
	v1 =	vld [tilespmem:s8+$0xFFFFFFE0];
	v3 =	vadd.s32 $0x8000, v3;
	v5 =	vand.u32 $0xFFFF0000, v0  }
0x187: {  	v2 =	vadd.s32 $0x8000, v2;
	v0 =	vld [tilespmem:s8+$0x10];
	v6 =	vand.u32 $0xFFFF0000, v3;
	[tilespmem:s7+$0xFFFFFFD0] =	vst v5  }
0x188: {  	v4 =	vadd.s32 $0x8000, v4;
	v3 =	vld [tilespmem:s8+$0xFFFFFFF0];
	v5 =	vand.u32 $0xFFFF0000, v2;
	[tilespmem:s7+$0xFFFFFFF0] =	vst v6  }
0x189: {  	s9 =	simm.s32 $0x4;
	v4 =	vand.u32 $0xFFFF0000, v4;
	v2 =	vld [tilespmem:s8+$0x0];
	[tilespmem:s7+$0x0] =	vst v5  }
.LBB2_18:
0x18a: {  	s9 =	sadd.s32 $0x4, s9  }
0x18b: {  	[tilespmem:s7+$0xFFFFFFE0] =	vst v4;
	s7 =	sadd.s32 $0x40, s7;
	p0 =	slt.u32 s9, $0x26C  }
.Ltmp10:
0x18c: {  	s8 =	sadd.s32 $0x40, s8;
	v4 =	vadd.s32 $0x8000, v1;
	(pc) =	sbr.rel @p0 .LBB2_18-.Ltmp10, $4  }
0x18d: {  	v1 =	vld [tilespmem:s8+$0xFFFFFFE0];
	v4 =	vand.u32 $0xFFFF0000, v4;
	v5 =	vadd.s32 $0x8000, v0  }
0x18e: {  	v0 =	vld [tilespmem:s8+$0x10];
	[tilespmem:s7+$0xFFFFFFD0] =	vst v4;
	v4 =	vadd.s32 $0x8000, v2;
	v5 =	vand.u32 $0xFFFF0000, v5  }
0x18f: {  	v2 =	vld [tilespmem:s8+$0x0];
	v6 =	vadd.s32 $0x8000, v3;
	v7 =	vand.u32 $0xFFFF0000, v4;
	[tilespmem:s7+$0x0] =	vst v5  }
0x190: {  	v3 =	vld [tilespmem:s8+$0xFFFFFFF0];
	v4 =	vand.u32 $0xFFFF0000, v6;
	[tilespmem:s7+$0xFFFFFFF0] =	vst v7  }
0x191: {  	_ = 	snop  }
0x192: {  	v1 =	vadd.s32 $0x8000, v1  }
0x193: {  	[tilespmem:s7+$0xFFFFFFE0] =	vst v4;
	s12 =	sadd.s32 $0x40, s7;
	v1 =	vand.u32 $0xFFFF0000, v1;
	v0 =	vadd.s32 $0x8000, v0  }
0x194: {  	[tilespmem:s12+$0xFFFFFFD0] =	vst v1;
	v1 =	vadd.s32 $0x8000, v2;
	v0 =	vand.u32 $0xFFFF0000, v0  }
0x195: {  	v2 =	vadd.s32 $0x8000, v3;
	v1 =	vand.u32 $0xFFFF0000, v1;
	[tilespmem:s12+$0x0] =	vst v0  }
0x196: {  	v0 =	vand.u32 $0xFFFF0000, v2;
	[tilespmem:s12+$0xFFFFFFF0] =	vst v1  }
0x197: {  	[tilespmem:s12+$0xFFFFFFE0] =	vst v0  }
0x198: {  	v0 =	vld [tilespmem:$0x15F80];
	_ =	sdelay $0x4  }
0x199: {  	v0 =	vadd.s32 $0x8000, v0  }
0x19a: {  	v0 =	vand.u32 $0xFFFF0000, v0  }
0x19b: {  	[tilespmem:$0xC340] =	vst v0  }
0x19c: {  	_ =	swait.ge [sflag:s22], $0x2710  }
0x19d: {  	[sflag:s22] =	ssyncset.done $0x0  }
0x19e: {  	s8 =	simm.s32 $0x16020;
	s13 =	rddreg [dreg:$0x11];
	[sflag:s22] =	ssyncadd.s32 $0xFFFFD8F0  }
0x19f: {  	[tilespmem:s21], [sflag:$0x3] =	stream.linear.gather [hbm4b:s13+s6], $0x2710, $0x38;
	[tilespmem:$0x1FA80] =	vst v63  }
0x1a0: {  	v2 =	vld [tilespmem:s8+$0x10]  }
0x1a1: {  	s7 =	simm.s32 $0x9C70;
	v4 =	vld [tilespmem:s8+$0xFFFFFFF0]  }
0x1a2: {  	v6 =	vld [tilespmem:s7+$0x0]  }
0x1a3: {  	v1 =	vld [tilespmem:s8+$0x0]  }
0x1a4: {  	v3 =	vld [tilespmem:s8+$0xFFFFFFE0]  }
0x1a5: {  	v0 =	vld [tilespmem:s7+$0xFFFFFFD0];
	v5 =	vadd.s32 $0x8000, v2  }
0x1a6: {  	v4 =	vadd.s32 $0x8000, v4;
	v2 =	vld [tilespmem:s7+$0xFFFFFFE0];
	v7 =	vshrl.u32 v5, $0x10  }
0x1a7: {  	s9 =	simm.s32 $0x0;
	s10 =	simm.s32 $0x16060;
	s8 =	simm.s32 $0x9C70;
	v5 =	vshrl.u32 v4, $0x10;
	v4 =	vld [tilespmem:s7+$0xFFFFFFF0];
	v6 =	vor.u32 v6, v7  }
.LBB2_20:
0x1a8: {  	v7 =	vld [tilespmem:s10+$0x10];
	s9 =	sadd.s32 $0x4, s9;
	v1 =	vadd.s32 $0x8000, v1;
	[tilespmem:s7+$0x0] =	vst v6  }
0x1a9: {  	s7 =	sadd.s32 $0x40, s7;
	v6 =	vld [tilespmem:s10+$0xFFFFFFF0];
	p0 =	slt.u32 s9, $0x26C;
	v3 =	vadd.s32 $0x8000, v3;
	v8 =	vshrl.u32 v1, $0x10  }
0x1aa: {  	v9 =	vld [tilespmem:s7+$0x0];
	v3 =	vshrl.u32 v3, $0x10  }
.Ltmp11:
0x1ab: {  	v1 =	vld [tilespmem:s10+$0x0];
	v0 =	vor.u32 v0, v3;
	v2 =	vor.u32 v2, v5;
	(pc) =	sbr.rel @p0 .LBB2_20-.Ltmp11, $4  }
0x1ac: {  	v3 =	vld [tilespmem:s10+$0xFFFFFFE0];
	[tilespmem:s8+$0xFFFFFFD0] =	vst v0;
	v4 =	vor.u32 v4, v8  }
0x1ad: {  	v0 =	vld [tilespmem:s7+$0xFFFFFFD0];
	v5 =	vadd.s32 $0x8000, v7;
	[tilespmem:s8+$0xFFFFFFE0] =	vst v2  }
0x1ae: {  	v6 =	vadd.s32 $0x8000, v6;
	v2 =	vld [tilespmem:s7+$0xFFFFFFE0];
	v7 =	vshrl.u32 v5, $0x10;
	[tilespmem:s8+$0xFFFFFFF0] =	vst v4;
	s8 =	smov.u32 s7  }
0x1af: {  	s10 =	sadd.s32 $0x40, s10;
	v5 =	vshrl.u32 v6, $0x10;
	v4 =	vld [tilespmem:s7+$0xFFFFFFF0];
	v6 =	vor.u32 v9, v7  }
0x1b0: {  	_ = 	snop  }
0x1b1: {  	v3 =	vadd.s32 $0x8000, v3  }
0x1b2: {  	v3 =	vshrl.u32 v3, $0x10  }
0x1b3: {  	v1 =	vadd.s32 $0x8000, v1;
	[tilespmem:s7+$0x0] =	vst v6;
	v0 =	vor.u32 v0, v3  }
0x1b4: {  	v1 =	vshrl.u32 v1, $0x10;
	v2 =	vor.u32 v2, v5;
	[tilespmem:s8+$0xFFFFFFD0] =	vst v0  }
0x1b5: {  	v0 =	vor.u32 v4, v1;
	[tilespmem:s8+$0xFFFFFFE0] =	vst v2  }
0x1b6: {  	[tilespmem:s8+$0xFFFFFFF0] =	vst v0  }
0x1b7: {  	v0 =	vld [tilespmem:$0x18700];
	_ =	sdelay $0x1  }
0x1b8: {  	v1 =	vld [tilespmem:$0xC340];
	_ =	sdelay $0x2  }
0x1b9: {  	v0 =	vadd.s32 $0x8000, v0  }
0x1ba: {  	v0 =	vshrl.u32 v0, $0x10  }
0x1bb: {  	v0 =	vor.u32 v1, v0  }
0x1bc: {  	[tilespmem:$0xC340] =	vst v0  }
0x1bd: {  	_ =	swait.ge [sflag:s22], $0x2710  }
0x1be: {  	s7 =	simm.s32 $0x0;
	[sflag:s22] =	ssyncset.done $0x0  }
0x1bf: {  	s13 =	simm.s32 $0x138A0;
	s12 =	rddreg [dreg:$0x12];
	[sflag:s22] =	ssyncadd.s32 $0xFFFFD8F0  }
0x1c0: {  	[tilespmem:s23], [sflag:$0x3] =	stream.linear.gather [hbm4b:s12+s7], $0x2710, $0x38;
	[tilespmem:$0x1FA80] =	vst v63  }
0x1c1: {  	v0 =	vld [tilespmem:s13+$0xFFFFFFE0]  }
0x1c2: {  	v3 =	vld [tilespmem:s13+$0x0]  }
0x1c3: {  	v2 =	vld [tilespmem:s13+$0x10]  }
0x1c4: {  	v4 =	vld [tilespmem:s13+$0xFFFFFFF0];
	_ =	sdelay $0x1  }
0x1c5: {  	s9 =	simm.s32 $0x138E0;
	v0 =	vadd.s32 $0x8000, v0  }
0x1c6: {  	s8 =	simm.s32 $0xC370;
	v1 =	vld [tilespmem:s9+$0xFFFFFFE0];
	v3 =	vadd.s32 $0x8000, v3;
	v5 =	vand.u32 $0xFFFF0000, v0  }
0x1c7: {  	v2 =	vadd.s32 $0x8000, v2;
	v0 =	vld [tilespmem:s9+$0x10];
	v6 =	vand.u32 $0xFFFF0000, v3;
	[tilespmem:s8+$0xFFFFFFE0] =	vst v5  }
0x1c8: {  	s10 =	sand.u32 $0x3FC0, s7;
	v4 =	vadd.s32 $0x8000, v4;
	v3 =	vld [tilespmem:s9+$0xFFFFFFF0];
	v5 =	vand.u32 $0xFFFF0000, v2;
	[tilespmem:s8+$0x0] =	vst v6  }
0x1c9: {  	v4 =	vand.u32 $0xFFFF0000, v4;
	v2 =	vld [tilespmem:s9+$0x0];
	[tilespmem:s10+$0xC380] =	vst v5;
	s10 =	simm.s32 $0x4  }
.LBB2_22:
0x1ca: {  	s10 =	sadd.s32 $0x4, s10  }
0x1cb: {  	[tilespmem:s8+$0xFFFFFFF0] =	vst v4;
	s7 =	sadd.s32 $0x40, s7;
	s8 =	sadd.s32 $0x40, s8;
	p0 =	slt.u32 s10, $0x26C  }
.Ltmp12:
0x1cc: {  	s9 =	sadd.s32 $0x40, s9;
	v4 =	vadd.s32 $0x8000, v1;
	(pc) =	sbr.rel @p0 .LBB2_22-.Ltmp12, $4  }
0x1cd: {  	v1 =	vld [tilespmem:s9+$0xFFFFFFE0];
	v4 =	vand.u32 $0xFFFF0000, v4;
	v5 =	vadd.s32 $0x8000, v0  }
0x1ce: {  	s11 =	sand.u32 $0x3FC0, s7;
	v0 =	vld [tilespmem:s9+$0x10];
	[tilespmem:s8+$0xFFFFFFE0] =	vst v4;
	v4 =	vadd.s32 $0x8000, v2;
	v5 =	vand.u32 $0xFFFF0000, v5  }
0x1cf: {  	v2 =	vld [tilespmem:s9+$0x0];
	v6 =	vadd.s32 $0x8000, v3;
	v7 =	vand.u32 $0xFFFF0000, v4;
	[tilespmem:s11+$0xC380] =	vst v5  }
0x1d0: {  	v3 =	vld [tilespmem:s9+$0xFFFFFFF0];
	v4 =	vand.u32 $0xFFFF0000, v6;
	[tilespmem:s8+$0x0] =	vst v7  }
0x1d1: {  	_ = 	snop  }
0x1d2: {  	v1 =	vadd.s32 $0x8000, v1  }
0x1d3: {  	[tilespmem:s8+$0xFFFFFFF0] =	vst v4;
	s7 =	sadd.s32 $0x40, s7;
	s12 =	sadd.s32 $0x40, s8;
	v1 =	vand.u32 $0xFFFF0000, v1;
	v0 =	vadd.s32 $0x8000, v0  }
0x1d4: {  	s7 =	sand.u32 $0x3FC0, s7;
	[tilespmem:s12+$0xFFFFFFE0] =	vst v1;
	v1 =	vadd.s32 $0x8000, v2;
	v0 =	vand.u32 $0xFFFF0000, v0  }
0x1d5: {  	v2 =	vadd.s32 $0x8000, v3;
	v1 =	vand.u32 $0xFFFF0000, v1;
	[tilespmem:s7+$0xC380] =	vst v0  }
0x1d6: {  	v0 =	vand.u32 $0xFFFF0000, v2;
	[tilespmem:s12+$0x0] =	vst v1  }
0x1d7: {  	[tilespmem:s12+$0xFFFFFFF0] =	vst v0  }
0x1d8: {  	v0 =	vld [tilespmem:$0x15F80];
	_ =	sdelay $0x4  }
0x1d9: {  	v0 =	vadd.s32 $0x8000, v0  }
0x1da: {  	v0 =	vand.u32 $0xFFFF0000, v0  }
0x1db: {  	[tilespmem:$0xEA50] =	vst v0  }
0x1dc: {  	_ =	swait.ge [sflag:s22], $0x2710  }
0x1dd: {  	s8 =	simm.s32 $0x0;
	[sflag:s22] =	ssyncset.done $0x0  }
0x1de: {  	s7 =	simm.s32 $0xC370;
	s13 =	rddreg [dreg:$0x14];
	[sflag:s22] =	ssyncadd.s32 $0xFFFFD8F0  }
0x1df: {  	[tilespmem:s21], [sflag:$0x3] =	stream.linear.gather [hbm4b:s13+s8], $0x2710, $0x38;
	[tilespmem:$0x1FA80] =	vst v63  }
0x1e0: {  	s9 =	simm.s32 $0x16020;
	v4 =	vld [tilespmem:s7+$0xFFFFFFF0]  }
0x1e1: {  	v1 =	vld [tilespmem:s9+$0x10]  }
0x1e2: {  	s10 =	sand.u32 $0x3FC0, s8;
	v6 =	vld [tilespmem:s9+$0xFFFFFFF0]  }
0x1e3: {  	v5 =	vld [tilespmem:s10+$0xC380]  }
0x1e4: {  	v3 =	vld [tilespmem:s9+$0x0]  }
0x1e5: {  	v2 =	vld [tilespmem:s9+$0xFFFFFFE0]  }
0x1e6: {  	v0 =	vld [tilespmem:s7+$0x0];
	v7 =	vadd.s32 $0x8000, v1  }
0x1e7: {  	s11 =	simm.s32 $0x0;
	s12 =	simm.s32 $0xC3B0;
	v1 =	vld [tilespmem:s7+$0xFFFFFFE0];
	v6 =	vadd.s32 $0x8000, v6;
	v7 =	vshrl.u32 v7, $0x10  }
.LBB2_24:
0x1e8: {  	v8 =	vld [tilespmem:s12+$0xFFFFFFF0];
	v6 =	vshrl.u32 v6, $0x10;
	v5 =	vor.u32 v5, v7;
	s9 =	sadd.s32 $0x40, s9  }
0x1e9: {  	s11 =	sadd.s32 $0x4, s11;
	s8 =	sadd.s32 $0x40, s8;
	v7 =	vld [tilespmem:s9+$0x10];
	v4 =	vor.u32 v4, v6;
	v3 =	vadd.s32 $0x8000, v3;
	[tilespmem:s10+$0xC380] =	vst v5  }
0x1ea: {  	s10 =	sand.u32 $0x3FC0, s8;
	p0 =	slt.u32 s11, $0x26C;
	v6 =	vld [tilespmem:s9+$0xFFFFFFF0];
	v2 =	vadd.s32 $0x8000, v2;
	[tilespmem:s7+$0xFFFFFFF0] =	vst v4;
	v3 =	vshrl.u32 v3, $0x10  }
.Ltmp13:
0x1eb: {  	v5 =	vld [tilespmem:s10+$0xC380];
	v2 =	vshrl.u32 v2, $0x10;
	v0 =	vor.u32 v0, v3;
	(pc) =	sbr.rel @p0 .LBB2_24-.Ltmp13, $4  }
0x1ec: {  	v3 =	vld [tilespmem:s9+$0x0];
	v1 =	vor.u32 v1, v2;
	[tilespmem:s7+$0x0] =	vst v0  }
0x1ed: {  	v2 =	vld [tilespmem:s9+$0xFFFFFFE0];
	[tilespmem:s7+$0xFFFFFFE0] =	vst v1;
	v4 =	vmov v8;
	s7 =	smov.u32 s12  }
0x1ee: {  	v0 =	vld [tilespmem:s12+$0x0];
	v7 =	vadd.s32 $0x8000, v7  }
0x1ef: {  	s12 =	sadd.s32 $0x40, s12;
	v1 =	vld [tilespmem:s7+$0xFFFFFFE0];
	v6 =	vadd.s32 $0x8000, v6;
	v7 =	vshrl.u32 v7, $0x10  }
0x1f0: {  	_ = 	snop  }
0x1f1: {  	v6 =	vshrl.u32 v6, $0x10;
	v5 =	vor.u32 v5, v7;
	v3 =	vadd.s32 $0x8000, v3  }
0x1f2: {  	v4 =	vor.u32 v4, v6;
	[tilespmem:s10+$0xC380] =	vst v5;
	v2 =	vadd.s32 $0x8000, v2;
	v3 =	vshrl.u32 v3, $0x10  }
0x1f3: {  	[tilespmem:s7+$0xFFFFFFF0] =	vst v4;
	v2 =	vshrl.u32 v2, $0x10;
	v0 =	vor.u32 v0, v3  }
0x1f4: {  	v1 =	vor.u32 v1, v2;
	[tilespmem:s7+$0x0] =	vst v0  }
0x1f5: {  	[tilespmem:s7+$0xFFFFFFE0] =	vst v1  }
0x1f6: {  	v0 =	vld [tilespmem:$0x18700];
	_ =	sdelay $0x1  }
0x1f7: {  	v1 =	vld [tilespmem:$0xEA50];
	_ =	sdelay $0x2  }
0x1f8: {  	v0 =	vadd.s32 $0x8000, v0  }
0x1f9: {  	v0 =	vshrl.u32 v0, $0x10  }
0x1fa: {  	v0 =	vor.u32 v1, v0  }
0x1fb: {  	[tilespmem:$0xEA50] =	vst v0  }
0x1fc: {  	_ =	swait.ge [sflag:s22], $0x2710  }
0x1fd: {  	s13 =	simm.s32 $0x138A0;
	[sflag:s22] =	ssyncset.done $0x0  }
0x1fe: {  	s7 =	simm.s32 $0x0;
	s8 =	rddreg [dreg:$0x18];
	[sflag:s22] =	ssyncadd.s32 $0xFFFFD8F0  }
0x1ff: {  	[tilespmem:s23], [sflag:$0x3] =	stream.linear.gather [hbm4b:s8+s7], $0x2710, $0x38;
	[tilespmem:$0x1FA80] =	vst v63  }
0x200: {  	v0 =	vld [tilespmem:s13+$0xFFFFFFE0]  }
0x201: {  	v3 =	vld [tilespmem:s13+$0x0]  }
0x202: {  	v2 =	vld [tilespmem:s13+$0x10]  }
0x203: {  	v4 =	vld [tilespmem:s13+$0xFFFFFFF0];
	_ =	sdelay $0x1  }
0x204: {  	s9 =	simm.s32 $0x138E0;
	v0 =	vadd.s32 $0x8000, v0  }
0x205: {  	s8 =	simm.s32 $0xEA90;
	v1 =	vld [tilespmem:s9+$0xFFFFFFE0];
	v3 =	vadd.s32 $0x8000, v3;
	v5 =	vand.u32 $0xFFFF0000, v0  }
0x206: {  	s11 =	sand.u32 $0x3FC0, s7;
	v2 =	vadd.s32 $0x8000, v2;
	v0 =	vld [tilespmem:s9+$0x10];
	v6 =	vand.u32 $0xFFFF0000, v3;
	[tilespmem:s8+$0xFFFFFFD0] =	vst v5  }
0x207: {  	v4 =	vadd.s32 $0x8000, v4;
	v3 =	vld [tilespmem:s9+$0xFFFFFFF0];
	v5 =	vand.u32 $0xFFFF0000, v2;
	[tilespmem:s11+$0xEA80] =	vst v6  }
0x208: {  	s10 =	simm.s32 $0x4;
	v4 =	vand.u32 $0xFFFF0000, v4;
	v2 =	vld [tilespmem:s9+$0x0];
	[tilespmem:s8+$0x0] =	vst v5  }
.LBB2_26:
0x209: {  	s10 =	sadd.s32 $0x4, s10  }
0x20a: {  	[tilespmem:s8+$0xFFFFFFE0] =	vst v4;
	s7 =	sadd.s32 $0x40, s7;
	s8 =	sadd.s32 $0x40, s8;
	p0 =	slt.u32 s10, $0x26C  }
.Ltmp14:
0x20b: {  	s9 =	sadd.s32 $0x40, s9;
	v4 =	vadd.s32 $0x8000, v1;
	(pc) =	sbr.rel @p0 .LBB2_26-.Ltmp14, $4  }
0x20c: {  	v1 =	vld [tilespmem:s9+$0xFFFFFFE0];
	v4 =	vand.u32 $0xFFFF0000, v4;
	v5 =	vadd.s32 $0x8000, v0  }
0x20d: {  	v0 =	vld [tilespmem:s9+$0x10];
	[tilespmem:s8+$0xFFFFFFD0] =	vst v4;
	v4 =	vadd.s32 $0x8000, v2;
	v5 =	vand.u32 $0xFFFF0000, v5  }
0x20e: {  	s11 =	sand.u32 $0x3FC0, s7;
	v2 =	vld [tilespmem:s9+$0x0];
	v6 =	vadd.s32 $0x8000, v3;
	v7 =	vand.u32 $0xFFFF0000, v4;
	[tilespmem:s8+$0x0] =	vst v5  }
0x20f: {  	v3 =	vld [tilespmem:s9+$0xFFFFFFF0];
	v4 =	vand.u32 $0xFFFF0000, v6;
	[tilespmem:s11+$0xEA80] =	vst v7  }
0x210: {  	_ = 	snop  }
0x211: {  	v1 =	vadd.s32 $0x8000, v1  }
0x212: {  	[tilespmem:s8+$0xFFFFFFE0] =	vst v4;
	s11 =	sadd.s32 $0x40, s8;
	v1 =	vand.u32 $0xFFFF0000, v1;
	v0 =	vadd.s32 $0x8000, v0  }
0x213: {  	s7 =	sadd.s32 $0x40, s7;
	[tilespmem:s11+$0xFFFFFFD0] =	vst v1;
	v1 =	vadd.s32 $0x8000, v2;
	v0 =	vand.u32 $0xFFFF0000, v0  }
0x214: {  	s7 =	sand.u32 $0x3FC0, s7;
	v2 =	vadd.s32 $0x8000, v3;
	v1 =	vand.u32 $0xFFFF0000, v1;
	[tilespmem:s11+$0x0] =	vst v0  }
0x215: {  	v0 =	vand.u32 $0xFFFF0000, v2;
	[tilespmem:s7+$0xEA80] =	vst v1  }
0x216: {  	[tilespmem:s11+$0xFFFFFFE0] =	vst v0  }
0x217: {  	v0 =	vld [tilespmem:$0x15F80];
	_ =	sdelay $0x4  }
0x218: {  	v0 =	vadd.s32 $0x8000, v0  }
0x219: {  	v0 =	vand.u32 $0xFFFF0000, v0  }
0x21a: {  	[tilespmem:$0x11160] =	vst v0  }
0x21b: {  	_ =	swait.ge [sflag:s22], $0x2710  }
0x21c: {  	s12 =	simm.s32 $0x0;
	[sflag:s22] =	ssyncset.done $0x0  }
0x21d: {  	s7 =	sand.u32 $0x3FC0, s12;
	s13 =	rddreg [dreg:$0x19];
	[sflag:s22] =	ssyncadd.s32 $0xFFFFD8F0  }
0x21e: {  	[tilespmem:s21], [sflag:$0x3] =	stream.linear.gather [hbm4b:s13+s12], $0x2710, $0x38;
	[tilespmem:$0x1FA80] =	vst v63  }
0x21f: {  	s10 =	simm.s32 $0x16020;
	v0 =	vld [tilespmem:s7+$0xEA80]  }
0x220: {  	v6 =	vld [tilespmem:s10+$0x10]  }
0x221: {  	s8 =	simm.s32 $0xEA90;
	v2 =	vld [tilespmem:s10+$0xFFFFFFF0]  }
0x222: {  	v3 =	vld [tilespmem:s8+$0x0]  }
0x223: {  	v4 =	vld [tilespmem:s10+$0x0]  }
0x224: {  	v5 =	vld [tilespmem:s10+$0xFFFFFFE0]  }
0x225: {  	s9 =	simm.s32 $0xEA90;
	s11 =	simm.s32 $0x0;
	s12 =	simm.s32 $0x40;
	v1 =	vld [tilespmem:s8+$0xFFFFFFD0];
	v6 =	vadd.s32 $0x8000, v6  }
.LBB2_28:
0x226: {  	s13 =	sand.u32 $0x3FC0, s12;
	v2 =	vadd.s32 $0x8000, v2;
	v7 =	vld [tilespmem:s8+$0xFFFFFFE0];
	v6 =	vshrl.u32 v6, $0x10  }
0x227: {  	s10 =	sadd.s32 $0x40, s10;
	s11 =	sadd.s32 $0x4, s11;
	v8 =	vld [tilespmem:s13+$0xEA80];
	v9 =	vshrl.u32 v2, $0x10;
	v2 =	vor.u32 v3, v6  }
0x228: {  	p0 =	slt.u32 s11, $0x26C;
	v6 =	vld [tilespmem:s10+$0x10];
	v3 =	vadd.s32 $0x8000, v4;
	[tilespmem:s8+$0x0] =	vst v2  }
.Ltmp15:
0x229: {  	s8 =	sadd.s32 $0x40, s8;
	v2 =	vld [tilespmem:s10+$0xFFFFFFF0];
	v4 =	vadd.s32 $0x8000, v5;
	v5 =	vshrl.u32 v3, $0x10;
	(pc) =	sbr.rel @p0 .LBB2_28-.Ltmp15, $4  }
0x22a: {  	v3 =	vld [tilespmem:s8+$0x0];
	v10 =	vshrl.u32 v4, $0x10;
	v11 =	vor.u32 v0, v5  }
0x22b: {  	v4 =	vld [tilespmem:s10+$0x0];
	v1 =	vor.u32 v1, v10;
	v7 =	vor.u32 v7, v9;
	[tilespmem:s7+$0xEA80] =	vst v11;
	s7 =	smov.u32 s13  }
0x22c: {  	v5 =	vld [tilespmem:s10+$0xFFFFFFE0];
	[tilespmem:s9+$0xFFFFFFD0] =	vst v1;
	v0 =	vmov v8  }
0x22d: {  	s12 =	sadd.s32 $0x40, s12;
	v1 =	vld [tilespmem:s8+$0xFFFFFFD0];
	v6 =	vadd.s32 $0x8000, v6;
	[tilespmem:s9+$0xFFFFFFE0] =	vst v7;
	s9 =	smov.u32 s8  }
0x22e: {  	_ = 	snop  }
0x22f: {  	v7 =	vld [tilespmem:s8+$0xFFFFFFE0]  }
0x230: {  	v6 =	vshrl.u32 v6, $0x10;
	v4 =	vadd.s32 $0x8000, v4  }
0x231: {  	v3 =	vor.u32 v3, v6;
	v5 =	vadd.s32 $0x8000, v5;
	v4 =	vshrl.u32 v4, $0x10  }
0x232: {  	v2 =	vadd.s32 $0x8000, v2;
	[tilespmem:s8+$0x0] =	vst v3;
	v3 =	vshrl.u32 v5, $0x10;
	v0 =	vor.u32 v0, v4  }
0x233: {  	v2 =	vshrl.u32 v2, $0x10;
	v1 =	vor.u32 v1, v3;
	[tilespmem:s7+$0xEA80] =	vst v0  }
0x234: {  	v0 =	vor.u32 v7, v2;
	[tilespmem:s9+$0xFFFFFFD0] =	vst v1  }
0x235: {  	[tilespmem:s9+$0xFFFFFFE0] =	vst v0  }
0x236: {  	v0 =	vld [tilespmem:$0x18700];
	_ =	sdelay $0x1  }
0x237: {  	v1 =	vld [tilespmem:$0x11160];
	_ =	sdelay $0x2  }
0x238: {  	v0 =	vadd.s32 $0x8000, v0  }
0x239: {  	v0 =	vshrl.u32 v0, $0x10  }
0x23a: {  	v0 =	vor.u32 v1, v0  }
0x23b: {  	[tilespmem:$0x11160] =	vst v0  }
0x23c: {  	_ =	swait.ge [sflag:s22], $0x2710  }
0x23d: {  	s13 =	simm.s32 $0x138A0;
	[sflag:s22] =	ssyncset.done $0x0  }
0x23e: {  	s7 =	simm.s32 $0x0;
	s12 =	rddreg [dreg:$0x1a];
	[sflag:s22] =	ssyncadd.s32 $0xFFFFD8F0  }
0x23f: {  	[tilespmem:s23], [sflag:$0x3] =	stream.linear.gather [hbm4b:s12+s7], $0x2710, $0x38;
	[tilespmem:$0x1FA80] =	vst v63  }
0x240: {  	v0 =	vld [tilespmem:s13+$0xFFFFFFE0]  }
0x241: {  	v3 =	vld [tilespmem:s13+$0x0]  }
0x242: {  	v2 =	vld [tilespmem:s13+$0x10]  }
0x243: {  	v4 =	vld [tilespmem:s13+$0xFFFFFFF0];
	_ =	sdelay $0x1  }
0x244: {  	s9 =	simm.s32 $0x138E0;
	v0 =	vadd.s32 $0x8000, v0  }
0x245: {  	s8 =	simm.s32 $0x111A0;
	v1 =	vld [tilespmem:s9+$0xFFFFFFE0];
	v3 =	vadd.s32 $0x8000, v3;
	v5 =	vand.u32 $0xFFFF0000, v0  }
0x246: {  	v2 =	vadd.s32 $0x8000, v2;
	v0 =	vld [tilespmem:s9+$0x10];
	v6 =	vand.u32 $0xFFFF0000, v3;
	[tilespmem:s8+$0xFFFFFFD0] =	vst v5  }
0x247: {  	v4 =	vadd.s32 $0x8000, v4;
	v3 =	vld [tilespmem:s9+$0xFFFFFFF0];
	v5 =	vand.u32 $0xFFFF0000, v2;
	[tilespmem:s8+$0xFFFFFFF0] =	vst v6  }
0x248: {  	s10 =	simm.s32 $0x4;
	s11 =	sand.u32 $0x3FC0, s7;
	v4 =	vand.u32 $0xFFFF0000, v4;
	v2 =	vld [tilespmem:s9+$0x0];
	[tilespmem:s8+$0x0] =	vst v5  }
.LBB2_30:
0x249: {  	s10 =	sadd.s32 $0x4, s10  }
0x24a: {  	[tilespmem:s11+$0x11180] =	vst v4;
	s7 =	sadd.s32 $0x40, s7;
	s8 =	sadd.s32 $0x40, s8;
	p0 =	slt.u32 s10, $0x26C  }
.Ltmp16:
0x24b: {  	s9 =	sadd.s32 $0x40, s9;
	v4 =	vadd.s32 $0x8000, v1;
	(pc) =	sbr.rel @p0 .LBB2_30-.Ltmp16, $4  }
0x24c: {  	v1 =	vld [tilespmem:s9+$0xFFFFFFE0];
	v4 =	vand.u32 $0xFFFF0000, v4;
	v5 =	vadd.s32 $0x8000, v0  }
0x24d: {  	v0 =	vld [tilespmem:s9+$0x10];
	[tilespmem:s8+$0xFFFFFFD0] =	vst v4;
	v4 =	vadd.s32 $0x8000, v2;
	v5 =	vand.u32 $0xFFFF0000, v5  }
0x24e: {  	v2 =	vld [tilespmem:s9+$0x0];
	v6 =	vadd.s32 $0x8000, v3;
	v7 =	vand.u32 $0xFFFF0000, v4;
	[tilespmem:s8+$0x0] =	vst v5  }
0x24f: {  	s11 =	sand.u32 $0x3FC0, s7;
	v3 =	vld [tilespmem:s9+$0xFFFFFFF0];
	v4 =	vand.u32 $0xFFFF0000, v6;
	[tilespmem:s8+$0xFFFFFFF0] =	vst v7  }
0x250: {  	_ = 	snop  }
0x251: {  	v1 =	vadd.s32 $0x8000, v1  }
0x252: {  	[tilespmem:s11+$0x11180] =	vst v4;
	s8 =	sadd.s32 $0x40, s8;
	v1 =	vand.u32 $0xFFFF0000, v1;
	v0 =	vadd.s32 $0x8000, v0  }
0x253: {  	[tilespmem:s8+$0xFFFFFFD0] =	vst v1;
	v1 =	vadd.s32 $0x8000, v2;
	v0 =	vand.u32 $0xFFFF0000, v0  }
0x254: {  	s7 =	sadd.s32 $0x40, s7;
	v2 =	vadd.s32 $0x8000, v3;
	v1 =	vand.u32 $0xFFFF0000, v1;
	[tilespmem:s8+$0x0] =	vst v0  }
0x255: {  	s7 =	sand.u32 $0x3FC0, s7;
	v0 =	vand.u32 $0xFFFF0000, v2;
	[tilespmem:s8+$0xFFFFFFF0] =	vst v1  }
0x256: {  	[tilespmem:s7+$0x11180] =	vst v0  }
0x257: {  	v0 =	vld [tilespmem:$0x15F80];
	_ =	sdelay $0x4  }
0x258: {  	v0 =	vadd.s32 $0x8000, v0  }
0x259: {  	v0 =	vand.u32 $0xFFFF0000, v0  }
0x25a: {  	[tilespmem:$0x13870] =	vst v0  }
0x25b: {  	_ =	swait.ge [sflag:s22], $0x2710  }
0x25c: {  	s13 =	simm.s32 $0x0;
	[sflag:s22] =	ssyncset.done $0x0  }
0x25d: {  	s7 =	sand.u32 $0x3FC0, s13;
	[sflag:s22] =	ssyncadd.s32 $0xFFFFD8F0  }
0x25e: {  	s10 =	simm.s32 $0x16020;
	v3 =	vld [tilespmem:s7+$0x11180]  }
0x25f: {  	v6 =	vld [tilespmem:s10+$0x10]  }
0x260: {  	s8 =	simm.s32 $0x111A0;
	v5 =	vld [tilespmem:s10+$0xFFFFFFF0]  }
0x261: {  	v4 =	vld [tilespmem:s8+$0x0]  }
0x262: {  	v1 =	vld [tilespmem:s10+$0x0]  }
0x263: {  	v2 =	vld [tilespmem:s10+$0xFFFFFFE0]  }
0x264: {  	s11 =	simm.s32 $0x0;
	s12 =	simm.s32 $0x40;
	s9 =	simm.s32 $0x111A0;
	v0 =	vld [tilespmem:s8+$0xFFFFFFD0];
	v6 =	vadd.s32 $0x8000, v6  }
.LBB2_32:
0x265: {  	s13 =	sand.u32 $0x3FC0, s12;
	v5 =	vadd.s32 $0x8000, v5;
	v7 =	vld [tilespmem:s8+$0xFFFFFFF0];
	v6 =	vshrl.u32 v6, $0x10  }
0x266: {  	s10 =	sadd.s32 $0x40, s10;
	s11 =	sadd.s32 $0x4, s11;
	v8 =	vld [tilespmem:s13+$0x11180];
	v5 =	vshrl.u32 v5, $0x10;
	v4 =	vor.u32 v4, v6  }
0x267: {  	p0 =	slt.u32 s11, $0x26C;
	v6 =	vld [tilespmem:s10+$0x10];
	v3 =	vor.u32 v3, v5;
	v1 =	vadd.s32 $0x8000, v1;
	[tilespmem:s8+$0x0] =	vst v4  }
.Ltmp17:
0x268: {  	s8 =	sadd.s32 $0x40, s8;
	v5 =	vld [tilespmem:s10+$0xFFFFFFF0];
	v2 =	vadd.s32 $0x8000, v2;
	[tilespmem:s7+$0x11180] =	vst v3;
	v3 =	vshrl.u32 v1, $0x10;
	(pc) =	sbr.rel @p0 .LBB2_32-.Ltmp17, $4  }
0x269: {  	s7 =	smov.u32 s13;
	v4 =	vld [tilespmem:s8+$0x0];
	v2 =	vshrl.u32 v2, $0x10  }
0x26a: {  	v1 =	vld [tilespmem:s10+$0x0];
	v0 =	vor.u32 v0, v2;
	v7 =	vor.u32 v7, v3  }
0x26b: {  	v2 =	vld [tilespmem:s10+$0xFFFFFFE0];
	[tilespmem:s9+$0xFFFFFFD0] =	vst v0;
	v3 =	vmov v8  }
0x26c: {  	s12 =	sadd.s32 $0x40, s12;
	v0 =	vld [tilespmem:s8+$0xFFFFFFD0];
	v6 =	vadd.s32 $0x8000, v6;
	[tilespmem:s9+$0xFFFFFFF0] =	vst v7;
	s9 =	smov.u32 s8  }
0x26d: {  	_ = 	snop  }
0x26e: {  	v7 =	vld [tilespmem:s8+$0xFFFFFFF0]  }
0x26f: {  	v5 =	vadd.s32 $0x8000, v5;
	v6 =	vshrl.u32 v6, $0x10  }
0x270: {  	v5 =	vshrl.u32 v5, $0x10;
	v4 =	vor.u32 v4, v6;
	v2 =	vadd.s32 $0x8000, v2  }
0x271: {  	v3 =	vor.u32 v3, v5;
	v1 =	vadd.s32 $0x8000, v1;
	[tilespmem:s8+$0x0] =	vst v4;
	v2 =	vshrl.u32 v2, $0x10  }
0x272: {  	[tilespmem:s7+$0x11180] =	vst v3;
	v1 =	vshrl.u32 v1, $0x10;
	v0 =	vor.u32 v0, v2  }
0x273: {  	v1 =	vor.u32 v7, v1;
	[tilespmem:s9+$0xFFFFFFD0] =	vst v0  }
0x274: {  	[tilespmem:s9+$0xFFFFFFF0] =	vst v1  }
0x275: {  	v0 =	vld [tilespmem:$0x18700];
	_ =	sdelay $0x1  }
0x276: {  	v1 =	vld [tilespmem:$0x13870];
	_ =	sdelay $0x2  }
0x277: {  	v0 =	vadd.s32 $0x8000, v0  }
0x278: {  	v0 =	vshrl.u32 v0, $0x10  }
0x279: {  	v0 =	vor.u32 v1, v0  }
0x27a: {  	s13 =	simm.s32 $0x0;
	[tilespmem:$0x13870] =	vst v0  }
0x27b: {  	v0 =	vld [tilespmem:s13+$0x11170]  }
0x27c: {  	v4 =	vld [tilespmem:s13+$0xC350]  }
0x27d: {  	v5 =	vld [tilespmem:s13+$0x2710]  }
0x27e: {  	v3 =	vld [tilespmem:s13+$0xEA60]  }
0x27f: {  	v18 =	vimm.f32 $0.0e+00;
	v22 =	vld [tilespmem:s13+$0x7530]  }
0x280: {  	v12 =	vimm.f32 $0.0e+00;
	v10 =	vimm.f32 $0.0e+00;
	v14 =	vimm.f32 $0.0e+00;
	v1 =	vld [tilespmem:s13+$0x18780]  }
0x281: {  	v13 =	vimm.f32 $0.0e+00;
	v15 =	vimm.f32 $0.0e+00;
	v16 =	vimm.f32 $0.0e+00;
	v6 =	vld [tilespmem:s13+$0x0]  }
0x282: {  	v17 =	vimm.f32 $0.0e+00;
	v2 =	vshll.u32 v0, $0x10;
	v21 =	vshll.u32 v5, $0x10  }
0x283: {  	v11 =	vld [tilespmem:s13+$0x4E20];
	v9 =	vand.u32 $0xFFFF0000, v4;
	v4 =	vshll.u32 v4, $0x10;
	v23 =	vand.u32 $0xFFFF0000, v5  }
0x284: {  	v0 =	vand.u32 $0xFFFF0000, v0;
	v24 =	vand.u32 $0xFFFF0000, v3;
	v19 =	vand.u32 $0xFFFF0000, v22  }
0x285: {  	v7 =	vmul.f32 v2, v1;
	v2 =	vimm.f32 $0.0e+00;
	v5 =	vmul.f32 v9, v1  }
0x286: {  	v25 =	vld [tilespmem:s13+$0x9C40];
	v9 =	vand.u32 $0xFFFF0000, v6;
	v4 =	vmul.f32 v4, v1;
	v6 =	vshll.u32 v6, $0x10  }
0x287: {  	v20 =	vmul.f32 v9, v1;
	v27 =	vmul.f32 v6, v1;
	v8 =	vadd.f32 v7, v2  }
0x288: {  	v7 =	vand.u32 $0xFFFF0000, v11;
	v9 =	vadd.f32 v5, v2;
	v5 =	vmul.f32 v0, v1  }
0x289: {  	v6 =	vimm.f32 $0.0e+00;
	v26 =	vmul.f32 v7, v1;
	v0 =	vmovc v8;
	v8 =	vadd.f32 v4, v2  }
0x28a: {  	s8 =	simm.s32 $0x40;
	s7 =	simm.s32 $0x0;
	v7 =	vadd.f32 v5, v2;
	v5 =	vimm.f32 $0.0e+00;
	v4 =	vimm.f32 $0.0e+00  }
.LBB2_34:
0x28b: {  	s9 =	sshra.s32 s8, $0x2;
	p0 =	sne.s32 s8, $0x9C00;
	s8 =	sadd.s32 $0x40, s8;
	v11 =	vshll.u32 v11, $0x10;
	v22 =	vshll.u32 v22, $0x10;
	v28 =	vand.u32 $0xFFFF0000, v25  }
0x28c: {  	v21 =	vmul.f32 v21, v1;
	v5 =	vadd.f32 v26, v5;
	v29 =	vld [tilespmem:s9+$0x11170];
	v2 =	vadd.f32 v27, v2  }
0x28d: {  	v23 =	vmul.f32 v23, v1;
	v25 =	vshll.u32 v25, $0x10;
	v11 =	vmul.f32 v11, v1;
	v26 =	vld [tilespmem:s9+$0x18780]  }
0x28e: {  	v3 =	vshll.u32 v3, $0x10;
	v6 =	vadd.f32 v21, v6;
	v21 =	vmul.f32 v28, v1;
	v27 =	vld [tilespmem:s9+$0xC350]  }
0x28f: {  	v24 =	vmul.f32 v24, v1;
	v30 =	vmul.f32 v3, v1;
	v18 =	vadd.f32 v11, v18;
	v28 =	vld [tilespmem:s9+$0x2710]  }
0x290: {  	v12 =	vadd.f32 v20, v12;
	v20 =	vmul.f32 v22, v1;
	v25 =	vmul.f32 v25, v1;
	v11 =	vld [tilespmem:s9+$0x4E20]  }
0x291: {  	v4 =	vadd.f32 v23, v4;
	v10 =	vadd.f32 v21, v10;
	v3 =	vld [tilespmem:s9+$0xEA60];
	v22 =	vshll.u32 v29, $0x10  }
0x292: {  	v14 =	vadd.f32 v20, v14;
	v13 =	vadd.f32 v30, v13;
	v31 =	vld [tilespmem:s9+$0x0];
	v23 =	vmul.f32 v22, v26  }
0x293: {  	v19 =	vmul.f32 v19, v1;
	v16 =	vadd.f32 v24, v16;
	v15 =	vadd.f32 v25, v15;
	v1 =	vmovc v26;
	v22 =	vld [tilespmem:s9+$0x7530]  }
0x294: {  	v20 =	vand.u32 $0xFFFF0000, v27;
	v21 =	vshll.u32 v28, $0x10;
	v0 =	vadd.f32 v23, v0  }
0x295: {  	v17 =	vadd.f32 v19, v17;
	v26 =	vshll.u32 v27, $0x10;
	v24 =	vand.u32 $0xFFFF0000, v11  }
.Ltmp18:
0x296: {  	v27 =	vand.u32 $0xFFFF0000, v29;
	v23 =	vand.u32 $0xFFFF0000, v28;
	v19 =	vmul.f32 v20, v1;
	v25 =	vld [tilespmem:s9+$0x9C40];
	(pc) =	sbr.rel @p0 .LBB2_34-.Ltmp18, $4  }
0x297: {  	v29 =	vmul.f32 v26, v1;
	v20 =	vand.u32 $0xFFFF0000, v31;
	v28 =	vshll.u32 v31, $0x10  }
0x298: {  	v30 =	vmul.f32 v27, v1;
	v9 =	vadd.f32 v19, v9;
	v20 =	vmul.f32 v20, v1  }
0x299: {  	v26 =	vmul.f32 v24, v1;
	v8 =	vadd.f32 v29, v8;
	v24 =	vand.u32 $0xFFFF0000, v3  }
0x29a: {  	v7 =	vadd.f32 v30, v7;
	v27 =	vmul.f32 v28, v1;
	v19 =	vand.u32 $0xFFFF0000, v22  }
0x29b: {  	v11 =	vshll.u32 v11, $0x10  }
0x29c: {  	v22 =	vshll.u32 v22, $0x10;
	v28 =	vand.u32 $0xFFFF0000, v25;
	v21 =	vmul.f32 v21, v1  }
0x29d: {  	v5 =	vadd.f32 v26, v5;
	v23 =	vmul.f32 v23, v1;
	v3 =	vshll.u32 v3, $0x10  }
0x29e: {  	v24 =	vmul.f32 v24, v1;
	v2 =	vadd.f32 v27, v2;
	v59 =	vmul.f32 v28, v1  }
0x29f: {  	v62 =	vmul.f32 v3, v1;
	v22 =	vmul.f32 v22, v1;
	v6 =	vadd.f32 v21, v6  }
0x2a0: {  	v3 =	vadd.f32 v23, v4;
	[tilespmem:$0x1FFE0] =	vst v2;
	v2 =	vmul.f32 v11, v1;
	v11 =	vshll.u32 v25, $0x10  }
0x2a1: {  	v4 =	vadd.f32 v22, v14;
	v14 =	vadd.f32 v62, v13;
	v11 =	vmul.f32 v11, v1  }
0x2a2: {  	v1 =	vmul.f32 v19, v1;
	v63 =	vadd.f32 v2, v18;
	v2 =	vadd.f32 v20, v12  }
0x2a3: {  	[tilespmem:$0x1FFD0] =	vst v8;
	v8 =	vadd.f32 v11, v15;
	v15 =	vadd.f32 v24, v16  }
0x2a4: {  	v62 =	vadd.f32 v1, v17;
	[tilespmem:$0x1FFF0] =	vst v2;
	v2 =	vadd.f32 v59, v10  }
.LBB2_36:
0x2a5: {  	_ =	swait.ge [sflag:s24], $0xC80  }
0x2a6: {  	[sflag:s24] =	ssyncset.done $0x0  }
0x2a7: {  	[sflag:s24] =	ssyncadd.s32 $0xFFFFF380  }
0x2a8: {  	_ =	swait.ge [sflag:s24], $0xC80  }
0x2a9: {  	[sflag:s24] =	ssyncset.done $0x0  }
0x2aa: {  	[sflag:s24] =	ssyncadd.s32 $0xFFFFF380  }
0x2ab: {  	_ =	swait.ge [sflag:s24], $0xC80  }
0x2ac: {  	[sflag:s24] =	ssyncset.done $0x0  }
0x2ad: {  	s8 =	simm.s32 $0x1BB90;
	[sflag:s24] =	ssyncadd.s32 $0xFFFFF380  }
0x2ae: {  	v10 =	vld [tilespmem:s8+$0xFFFFFFF0]  }
0x2af: {  	v11 =	vld [tilespmem:s8+$0x0];
	_ =	sdelay $0x1  }
0x2b0: {  	s9 =	simm.s32 $0x1AF10  }
0x2b1: {  	v31 =	vld [tilespmem:s9+$0x0];
	_ =	sdelay $0x1  }
0x2b2: {  	s8 =	simm.s32 $0x1C810;
	v12 =	vld [tilespmem:s9+$0xFFFFFFF0]  }
0x2b3: {  	v16 =	vld [tilespmem:s8+$0x0]  }
0x2b4: {  	v13 =	vld.idx.msk [tilespmem:v10+s4+$0x0], $0xffff  }
0x2b5: {  	v17 =	vld.idx.msk [tilespmem:v11+s4+$0x0], $0xffff  }
0x2b6: {  	v19 =	vld.idx.msk [tilespmem:v10+s31+$0x0], $0xffff  }
0x2b7: {  	v18 =	vld.idx.msk [tilespmem:v11+s25+$0x0], $0xffff  }
0x2b8: {  	v20 =	vld.idx.msk [tilespmem:v31+s4+$0x0], $0xffff  }
0x2b9: {  	v25 =	vld.idx.msk [tilespmem:v10+s26+$0x0], $0xffff  }
0x2ba: {  	v27 =	vld.idx.msk [tilespmem:v10+s30+$0x0], $0xffff  }
0x2bb: {  	v29 =	vld.idx.msk [tilespmem:v12+s4+$0x0], $0xffff  }
0x2bc: {  	v38 =	vld.idx.msk [tilespmem:v31+s29+$0x0], $0xffff  }
0x2bd: {  	v61 =	vld.idx.msk [tilespmem:v10+s6+$0x0], $0xffff  }
0x2be: {  	v51 =	vld.idx.msk [tilespmem:v11+s31+$0x0], $0xffff;
	v24 =	vand.u32 $0xFFFF0000, v17  }
0x2bf: {  	v44 =	vld.idx.msk [tilespmem:v31+s6+$0x0], $0xffff;
	v26 =	vshll.u32 v18, $0x10;
	v17 =	vshll.u32 v17, $0x10;
	v28 =	vand.u32 $0xFFFF0000, v20  }
0x2c0: {  	v21 =	vld.idx.msk [tilespmem:v31+s25+$0x0], $0xffff;
	v20 =	vshll.u32 v20, $0x10;
	v18 =	vand.u32 $0xFFFF0000, v18;
	v36 =	vand.u32 $0xFFFF0000, v29  }
0x2c1: {  	v22 =	vld.idx.msk [tilespmem:v11+s30+$0x0], $0xffff;
	v37 =	vand.u32 $0xFFFF0000, v19;
	v40 =	vand.u32 $0xFFFF0000, v27;
	v39 =	vshll.u32 v19, $0x10  }
0x2c2: {  	v23 =	vld.idx.msk [tilespmem:v31+s30+$0x0], $0xffff;
	v42 =	vshll.u32 v29, $0x10;
	v48 =	vand.u32 $0xFFFF0000, v61;
	v49 =	vand.u32 $0xFFFF0000, v38  }
0x2c3: {  	v34 =	vld.idx.msk [tilespmem:v10+s29+$0x0], $0xffff;
	v52 =	vshll.u32 v27, $0x10;
	v54 =	vshll.u32 v25, $0x10;
	v27 =	vshll.u32 v51, $0x10  }
0x2c4: {  	v41 =	vld.idx.msk [tilespmem:v10+s28+$0x0], $0xffff;
	v55 =	vand.u32 $0xFFFF0000, v44;
	v44 =	vshll.u32 v44, $0x10;
	v57 =	vshll.u32 v61, $0x10  }
0x2c5: {  	v50 =	vld.idx.msk [tilespmem:v12+s26+$0x0], $0xffff;
	v24 =	vmul.f32 v24, v28;
	v28 =	vand.u32 $0xFFFF0000, v21;
	v30 =	vmul.f32 v17, v20  }
0x2c6: {  	v17 =	vshll.u32 v21, $0x10;
	v21 =	vld.idx.msk [tilespmem:v31+s26+$0x0], $0xffff;
	v20 =	vshll.u32 v22, $0x10;
	v22 =	vand.u32 $0xFFFF0000, v22  }
0x2c7: {  	v18 =	vmul.f32 v18, v28;
	v17 =	vmul.f32 v26, v17;
	v26 =	vshll.u32 v23, $0x10;
	v28 =	vld.idx.msk [tilespmem:v11+s29+$0x0], $0xffff  }
0x2c8: {  	v35 =	vld.idx.msk [tilespmem:v12+s28+$0x0], $0xffff;
	v23 =	vand.u32 $0xFFFF0000, v23;
	v20 =	vmul.f32 v20, v26;
	v24 =	vmul.f32 v24, v16  }
0x2c9: {  	v58 =	vand.u32 $0xFFFF0000, v34;
	v26 =	vld.idx.msk [tilespmem:v11+s26+$0x0], $0xffff;
	v33 =	vmul.f32 v22, v23;
	v23 =	vmul.f32 v17, v16  }
0x2ca: {  	v61 =	vand.u32 $0xFFFF0000, v41;
	v17 =	vmul.f32 v18, v16;
	v18 =	vmul.f32 v30, v16  }
0x2cb: {  	v32 =	vld.idx.msk [tilespmem:v12+s31+$0x0], $0xffff;
	v22 =	vmul.f32 v20, v16;
	v20 =	vmul.f32 v33, v16;
	v33 =	vand.u32 $0xFFFF0000, v50  }
0x2cc: {  	v46 =	vld.idx.msk [tilespmem:v11+s28+$0x0], $0xffff;
	v30 =	vand.u32 $0xFFFF0000, v21;
	v19 =	vshll.u32 v21, $0x10;
	v21 =	vshll.u32 v28, $0x10  }
0x2cd: {  	v43 =	vand.u32 $0xFFFF0000, v28;
	v28 =	vand.u32 $0xFFFF0000, v13;
	v13 =	vshll.u32 v13, $0x10  }
0x2ce: {  	v53 =	vld.idx.msk [tilespmem:v12+s29+$0x0], $0xffff;
	v29 =	vshll.u32 v26, $0x10;
	v45 =	vand.u32 $0xFFFF0000, v26;
	v26 =	vshll.u32 v35, $0x10  }
0x2cf: {  	v47 =	vmul.f32 v28, v36;
	v36 =	vld.idx.msk [tilespmem:v12+s6+$0x0], $0xffff;
	v35 =	vand.u32 $0xFFFF0000, v35;
	v13 =	vmul.f32 v13, v42  }
0x2d0: {  	v42 =	vshll.u32 v50, $0x10;
	v19 =	vmul.f32 v29, v19;
	v29 =	vand.u32 $0xFFFF0000, v25  }
0x2d1: {  	v45 =	vmul.f32 v45, v30;
	v25 =	vshll.u32 v32, $0x10;
	v30 =	vand.u32 $0xFFFF0000, v46  }
0x2d2: {  	v11 =	vld.idx.msk [tilespmem:v11+s6+$0x0], $0xffff;
	v32 =	vand.u32 $0xFFFF0000, v32;
	v42 =	vmul.f32 v54, v42;
	v39 =	vmul.f32 v39, v25  }
0x2d3: {  	v32 =	vmul.f32 v37, v32;
	v37 =	vshll.u32 v53, $0x10;
	v28 =	vmul.f32 v19, v16;
	v19 =	vld [tilespmem:s8+$0xFFFFFFF0]  }
0x2d4: {  	v25 =	vmul.f32 v45, v16;
	v45 =	vand.u32 $0xFFFF0000, v53;
	v59 =	vshll.u32 v36, $0x10  }
0x2d5: {  	v56 =	vld.idx.msk [tilespmem:v12+s25+$0x0], $0xffff;
	v58 =	vmul.f32 v58, v45;
	v36 =	vand.u32 $0xFFFF0000, v36;
	v50 =	vmul.f32 v57, v59  }
0x2d6: {  	v60 =	vld.idx.msk [tilespmem:v31+s28+$0x0], $0xffff;
	v59 =	vshll.u32 v34, $0x10;
	v34 =	vmul.f32 v43, v49;
	v49 =	vmul.f32 v61, v35  }
0x2d7: {  	v46 =	vshll.u32 v46, $0x10;
	v36 =	vmul.f32 v48, v36;
	v54 =	vmul.f32 v59, v37  }
0x2d8: {  	v43 =	vld.idx.msk [tilespmem:v12+s30+$0x0], $0xffff;
	v59 =	vand.u32 $0xFFFF0000, v11;
	v39 =	vmul.f32 v39, v19;
	v12 =	vmul.f32 v32, v19  }
0x2d9: {  	v11 =	vshll.u32 v11, $0x10;
	v36 =	vmul.f32 v36, v19;
	v48 =	vmul.f32 v58, v19  }
0x2da: {  	v10 =	vld.idx.msk [tilespmem:v10+s25+$0x0], $0xffff;
	v57 =	vand.u32 $0xFFFF0000, v56;
	v53 =	vmul.f32 v11, v44;
	v37 =	vmul.f32 v49, v19  }
0x2db: {  	v1 =	vld [tilespmem:$0x1FFE0];
	v32 =	vshll.u32 v60, $0x10;
	v13 =	vmul.f32 v13, v19;
	v35 =	vmul.f32 v54, v19  }
0x2dc: {  	v32 =	vmul.f32 v46, v32;
	v46 =	vshll.u32 v41, $0x10;
	v14 =	vadd.f32 v39, v14  }
0x2dd: {  	v15 =	vadd.f32 v12, v15;
	v12 =	vmul.f32 v50, v19;
	v50 =	vmul.f32 v53, v16  }
0x2de: {  	v61 =	vand.u32 $0xFFFF0000, v43;
	v11 =	vadd.f32 v35, v8;
	v35 =	vmul.f32 v59, v55  }
0x2df: {  	v54 =	vshll.u32 v43, $0x10;
	v55 =	vshll.u32 v56, $0x10;
	v56 =	vshll.u32 v10, $0x10  }
0x2e0: {  	v43 =	vmul.f32 v42, v19;
	v39 =	vadd.f32 v12, v1;
	v1 =	vld [tilespmem:$0x1FFF0];
	v40 =	vmul.f32 v40, v61  }
0x2e1: {  	v10 =	vand.u32 $0xFFFF0000, v10;
	v58 =	vmul.f32 v56, v55;
	v59 =	vmul.f32 v52, v54  }
0x2e2: {  	v44 =	vadd.f32 v48, v2;
	v61 =	vmul.f32 v47, v19;
	v10 =	vmul.f32 v10, v57  }
0x2e3: {  	v47 =	vand.u32 $0xFFFF0000, v60;
	v40 =	vmul.f32 v40, v19;
	v48 =	vmul.f32 v59, v19  }
0x2e4: {  	v49 =	vmul.f32 v58, v19;
	v7 =	vadd.f32 v61, v7;
	v42 =	vmul.f32 v10, v19  }
0x2e5: {  	v45 =	vld.idx.msk [tilespmem:v31+s31+$0x0], $0xffff;
	v41 =	vadd.f32 v40, v9;
	v40 =	vand.u32 $0xFFFF0000, v51;
	v12 =	vadd.f32 v36, v1  }
0x2e6: {  	s10 =	simm.s32 $0x1BBB0;
	s11 =	simm.s32 $0x1AF30;
	s9 =	simm.s32 $0x0;
	v36 =	vshll.u32 v38, $0x10;
	v38 =	vmul.f32 v32, v16;
	v32 =	vadd.f32 v13, v0;
	v0 =	vld [tilespmem:$0x1FFD0]  }
.LBB2_37:
0x2e7: {  	v31 =	vld [tilespmem:s10+$0xFFFFFFF0]  }
0x2e8: {  	v9 =	vmul.f32 v35, v16;
	v35 =	vld [tilespmem:s10+$0x0];
	_ =	sdelay $0x2  }
0x2e9: {  	v10 =	vmul.f32 v29, v33;
	v8 =	vld [tilespmem:s11+$0x0];
	v1 =	vadd.f32 v24, v7;
	v24 =	vmul.f32 v46, v26  }
0x2ea: {  	v0 =	vadd.f32 v48, v0;
	v6 =	vadd.f32 v49, v6;
	v26 =	vmul.f32 v34, v16  }
0x2eb: {  	s8 =	sadd.s32 $0x20, s8;
	v34 =	vld [tilespmem:s11+$0xFFFFFFF0];
	v10 =	vmul.f32 v10, v19;
	v19 =	vmul.f32 v24, v19;
	v24 =	vshll.u32 v45, $0x10  }
0x2ec: {  	v12 =	vadd.f32 v9, v12;
	v9 =	vadd.f32 v23, v6;
	v23 =	vmul.f32 v27, v24;
	v24 =	vld [tilespmem:s8+$0x0]  }
0x2ed: {  	v2 =	vadd.f32 v43, v63;
	v27 =	vld.idx.msk [tilespmem:v31+s4+$0x0], $0xffff  }
0x2ee: {  	v21 =	vmul.f32 v21, v36;
	v3 =	vadd.f32 v42, v3;
	v0 =	vadd.f32 v22, v0;
	v22 =	vld.idx.msk [tilespmem:v35+s4+$0x0], $0xffff  }
0x2ef: {  	v29 =	vmul.f32 v30, v47;
	v6 =	vadd.f32 v28, v2;
	v28 =	vld.idx.msk [tilespmem:v31+s31+$0x0], $0xffff  }
0x2f0: {  	v32 =	vadd.f32 v18, v32;
	v3 =	vadd.f32 v17, v3;
	v17 =	vmul.f32 v21, v16;
	v18 =	vld.idx.msk [tilespmem:v35+s25+$0x0], $0xffff  }
0x2f1: {  	[tilespmem:$0x1FFC0] =	vst v1;
	v1 =	vadd.f32 v26, v44;
	v5 =	vadd.f32 v10, v5;
	v21 =	vld.idx.msk [tilespmem:v8+s4+$0x0], $0xffff  }
0x2f2: {  	v10 =	vadd.f32 v20, v41;
	v20 =	vand.u32 $0xFFFF0000, v45;
	v11 =	vadd.f32 v17, v11;
	v17 =	vld.idx.msk [tilespmem:v8+s25+$0x0], $0xffff  }
0x2f3: {  	v13 =	vadd.f32 v50, v39;
	v26 =	vmul.f32 v29, v16;
	v20 =	vmul.f32 v40, v20;
	v30 =	vld.idx.msk [tilespmem:v31+s30+$0x0], $0xffff  }
0x2f4: {  	[tilespmem:$0x1FFB0] =	vst v1;
	v4 =	vadd.f32 v19, v4;
	v1 =	vadd.f32 v37, v62;
	v59 =	vld.idx.msk [tilespmem:v35+s26+$0x0], $0xffff  }
0x2f5: {  	v5 =	vadd.f32 v25, v5;
	v23 =	vmul.f32 v23, v16;
	v20 =	vmul.f32 v20, v16;
	v42 =	vld.idx.msk [tilespmem:v8+s29+$0x0], $0xffff  }
0x2f6: {  	v7 =	vadd.f32 v38, v4;
	v4 =	vadd.f32 v26, v1;
	v43 =	vld.idx.msk [tilespmem:v31+s6+$0x0], $0xffff  }
0x2f7: {  	v39 =	vld.idx.msk [tilespmem:v35+s28+$0x0], $0xffff;
	v14 =	vadd.f32 v23, v14;
	v15 =	vadd.f32 v20, v15;
	v23 =	vand.u32 $0xFFFF0000, v22  }
0x2f8: {  	v20 =	vld.idx.msk [tilespmem:v35+s30+$0x0], $0xffff;
	v26 =	vshll.u32 v18, $0x10;
	v22 =	vshll.u32 v22, $0x10;
	v29 =	vand.u32 $0xFFFF0000, v21  }
0x2f9: {  	v57 =	vld.idx.msk [tilespmem:v34+s4+$0x0], $0xffff;
	v21 =	vshll.u32 v21, $0x10;
	v18 =	vand.u32 $0xFFFF0000, v18;
	v44 =	vand.u32 $0xFFFF0000, v28  }
0x2fa: {  	v53 =	vld.idx.msk [tilespmem:v34+s6+$0x0], $0xffff;
	v46 =	vand.u32 $0xFFFF0000, v30;
	v48 =	vshll.u32 v28, $0x10;
	v63 =	vshll.u32 v59, $0x10  }
0x2fb: {  	v16 =	vmovc v24;
	v24 =	vld.idx.msk [tilespmem:v8+s30+$0x0], $0xffff;
	v52 =	vshll.u32 v27, $0x10;
	v50 =	vand.u32 $0xFFFF0000, v43;
	v55 =	vand.u32 $0xFFFF0000, v42  }
0x2fc: {  	v19 =	vld [tilespmem:s8+$0xFFFFFFF0];
	v43 =	vshll.u32 v43, $0x10;
	v2 =	vshll.u32 v39, $0x10;
	v23 =	vmul.f32 v23, v29  }
0x2fd: {  	v25 =	vld.idx.msk [tilespmem:v31+s26+$0x0], $0xffff;
	v21 =	vmul.f32 v22, v21;
	v22 =	vand.u32 $0xFFFF0000, v17;
	v17 =	vshll.u32 v17, $0x10  }
0x2fe: {  	v54 =	vld.idx.msk [tilespmem:v34+s26+$0x0], $0xffff;
	v61 =	vand.u32 $0xFFFF0000, v57;
	v49 =	vshll.u32 v57, $0x10;
	v57 =	vshll.u32 v30, $0x10  }
0x2ff: {  	v37 =	vld.idx.msk [tilespmem:v31+s29+$0x0], $0xffff;
	v30 =	vand.u32 $0xFFFF0000, v39;
	v39 =	vand.u32 $0xFFFF0000, v53;
	v18 =	vmul.f32 v18, v22  }
0x300: {  	v60 =	vld.idx.msk [tilespmem:v34+s28+$0x0], $0xffff;
	v17 =	vmul.f32 v26, v17;
	v22 =	vshll.u32 v20, $0x10;
	v58 =	vand.u32 $0xFFFF0000, v24  }
0x301: {  	v29 =	vld.idx.msk [tilespmem:v35+s29+$0x0], $0xffff;
	v24 =	vshll.u32 v24, $0x10;
	v49 =	vmul.f32 v52, v49;
	v39 =	vmul.f32 v50, v39  }
0x302: {  	v45 =	vld.idx.msk [tilespmem:v31+s28+$0x0], $0xffff;
	v20 =	vand.u32 $0xFFFF0000, v20;
	v22 =	vmul.f32 v22, v24;
	v24 =	vmul.f32 v23, v16  }
0x303: {  	v31 =	vld.idx.msk [tilespmem:v31+s25+$0x0], $0xffff;
	v52 =	vshll.u32 v54, $0x10;
	v20 =	vmul.f32 v20, v58;
	v23 =	vmul.f32 v17, v16  }
0x304: {  	v26 =	vld.idx.msk [tilespmem:v8+s26+$0x0], $0xffff;
	v58 =	vshll.u32 v25, $0x10;
	v17 =	vmul.f32 v18, v16;
	v18 =	vmul.f32 v21, v16  }
0x305: {  	v36 =	vld.idx.msk [tilespmem:v34+s31+$0x0], $0xffff;
	v41 =	vand.u32 $0xFFFF0000, v60;
	v52 =	vmul.f32 v58, v52;
	v58 =	vmul.f32 v39, v19  }
0x306: {  	v33 =	vld.idx.msk [tilespmem:v8+s6+$0x0], $0xffff;
	v22 =	vmul.f32 v22, v16;
	v20 =	vmul.f32 v20, v16;
	v21 =	vshll.u32 v29, $0x10  }
0x307: {  	v51 =	vand.u32 $0xFFFF0000, v29;
	v29 =	vand.u32 $0xFFFF0000, v27;
	v27 =	vand.u32 $0xFFFF0000, v59  }
0x308: {  	v12 =	vadd.f32 v58, v12;
	v58 =	vshll.u32 v31, $0x10;
	v31 =	vand.u32 $0xFFFF0000, v31  }
0x309: {  	v56 =	vld.idx.msk [tilespmem:v34+s29+$0x0], $0xffff;
	v62 =	vand.u32 $0xFFFF0000, v26;
	v28 =	vshll.u32 v26, $0x10;
	v26 =	vshll.u32 v60, $0x10  }
0x30a: {  	v38 =	vmul.f32 v29, v61;
	v29 =	vand.u32 $0xFFFF0000, v25;
	v25 =	vshll.u32 v36, $0x10  }
0x30b: {  	v40 =	vld.idx.msk [tilespmem:v35+s31+$0x0], $0xffff;
	v60 =	vand.u32 $0xFFFF0000, v33;
	v61 =	vshll.u32 v33, $0x10;
	v33 =	vand.u32 $0xFFFF0000, v54  }
0x30c: {  	v36 =	vand.u32 $0xFFFF0000, v36;
	v28 =	vmul.f32 v63, v28;
	v47 =	vmul.f32 v27, v62  }
0x30d: {  	v1 =	vld.idx.msk [tilespmem:v8+s28+$0x0], $0xffff;
	v62 =	vand.u32 $0xFFFF0000, v37;
	v63 =	vshll.u32 v53, $0x10;
	v48 =	vmul.f32 v48, v25  }
0x30e: {  	v35 =	vld.idx.msk [tilespmem:v35+s6+$0x0], $0xffff;
	v53 =	vand.u32 $0xFFFF0000, v45;
	v36 =	vmul.f32 v44, v36;
	v44 =	vshll.u32 v56, $0x10  }
0x30f: {  	v37 =	vshll.u32 v37, $0x10;
	v43 =	vmul.f32 v43, v63;
	v41 =	vmul.f32 v53, v41  }
0x310: {  	v59 =	vld.idx.msk [tilespmem:v34+s25+$0x0], $0xffff;
	v27 =	vshll.u32 v40, $0x10;
	v37 =	vmul.f32 v37, v44;
	v28 =	vmul.f32 v28, v16  }
0x311: {  	v40 =	vand.u32 $0xFFFF0000, v40;
	v25 =	vmul.f32 v47, v16;
	v48 =	vmul.f32 v48, v19  }
0x312: {  	v47 =	vand.u32 $0xFFFF0000, v56;
	v56 =	vld.idx.msk [tilespmem:v34+s30+$0x0], $0xffff;
	v34 =	vmul.f32 v51, v55;
	v36 =	vmul.f32 v36, v19  }
0x313: {  	v51 =	vshll.u32 v1, $0x10;
	v55 =	vand.u32 $0xFFFF0000, v35;
	v50 =	vmul.f32 v62, v47  }
0x314: {  	v35 =	vshll.u32 v35, $0x10;
	v53 =	vmul.f32 v43, v19;
	v37 =	vmul.f32 v37, v19  }
0x315: {  	v54 =	vand.u32 $0xFFFF0000, v59;
	v62 =	vmovc v4;
	v4 =	vmovc v7;
	v2 =	vmul.f32 v2, v51;
	v43 =	vmul.f32 v52, v19;
	v7 =	vld [tilespmem:$0x1FFB0]  }
0x316: {  	v63 =	vmovc v6;
	v6 =	vmovc v9;
	v9 =	vmul.f32 v38, v19;
	v47 =	vand.u32 $0xFFFF0000, v1;
	v14 =	vadd.f32 v48, v14  }
0x317: {  	v15 =	vadd.f32 v36, v15;
	v36 =	vshll.u32 v42, $0x10;
	v44 =	vmul.f32 v50, v19  }
0x318: {  	v39 =	vadd.f32 v53, v13;
	v53 =	vmul.f32 v35, v61;
	v35 =	vmul.f32 v55, v60  }
0x319: {  	s9 =	sadd.s32 $0x2, s9;
	v11 =	vadd.f32 v37, v11;
	v37 =	vmul.f32 v41, v19;
	v38 =	vmul.f32 v2, v16  }
0x31a: {  	p0 =	slt.u32 s9, $0xC6;
	v2 =	vmul.f32 v31, v54;
	v13 =	vand.u32 $0xFFFF0000, v56;
	v44 =	vadd.f32 v44, v7;
	v7 =	vld [tilespmem:$0x1FFC0]  }
.Ltmp19:
0x31b: {  	v61 =	vmul.f32 v49, v19;
	v55 =	vshll.u32 v56, $0x10;
	v13 =	vmul.f32 v46, v13;
	(pc) =	sbr.rel @p0 .LBB2_37-.Ltmp19, $4  }
0x31c: {  	v56 =	vshll.u32 v59, $0x10;
	v42 =	vmul.f32 v2, v19;
	v60 =	vmul.f32 v57, v55  }
0x31d: {  	v32 =	vadd.f32 v61, v32;
	v59 =	vmul.f32 v58, v56;
	v13 =	vmul.f32 v13, v19  }
0x31e: {  	v50 =	vmul.f32 v53, v16;
	v46 =	vshll.u32 v45, $0x10;
	v48 =	vmul.f32 v60, v19  }
0x31f: {  	s10 =	sadd.s32 $0x20, s10;
	s11 =	sadd.s32 $0x20, s11;
	v45 =	vld.idx.msk [tilespmem:v8+s31+$0x0], $0xffff;
	v49 =	vmul.f32 v59, v19;
	v41 =	vadd.f32 v13, v10;
	v7 =	vadd.f32 v9, v7  }
0x320: {  	p0 =	seq.s32 s7, $0x18  }
0x321: {  	s8 =	smul.u32 @!p0 $0x1900, s7;
	_ =	sdelay $0x1  }
0x322: {  	s8 =	sshrl.u32 @!p0 s8, $0x3  }
0x323: {  	s8 =	sadd.s32 @!p0 $0x320, s8  }
0x324: {  	s10 =	simm.s32 @!p0 $0x0;
	s11 =	simm.s32 @!p0 $0x1AF00;
	s9 =	sadd.s32 @!p0 s3, s8  }
0x325: {  	[tilespmem:s11], [sflag:$0x1] =	stream.linear.gather @!p0 [hbm4b:s9+s10], $0xC80, $0x38;
	[tilespmem:$0x1FA80] =	vst v63  }
0x326: {  	s9 =	sadd.s32 @!p0 s5, s8;
	s11 =	simm.s32 @!p0 $0x1BB80  }
0x327: {  	[tilespmem:s11], [sflag:$0x1] =	stream.linear.gather @!p0 [hbm4b:s9+s10], $0xC80, $0x38;
	[tilespmem:$0x1FA80] =	vst v63  }
0x328: {  	s8 =	sadd.s32 @!p0 s2, s8;
	s9 =	simm.s32 @!p0 $0x1C800  }
0x329: {  	[tilespmem:s9], [sflag:$0x1] =	stream.linear.gather @!p0 [hbm4b:s8+s10], $0xC80, $0x38;
	[tilespmem:$0x1FA80] =	vst v63  }
0x32a: {  	_ =	swait.ge [sflag:s0], $0xC80  }
0x32b: {  	[sflag:s0] =	ssyncset.done $0x0  }
0x32c: {  	[sflag:s0] =	ssyncadd.s32 $0xFFFFF380  }
0x32d: {  	_ =	swait.ge [sflag:s0], $0xC80  }
0x32e: {  	[sflag:s0] =	ssyncset.done $0x0  }
0x32f: {  	[sflag:s0] =	ssyncadd.s32 $0xFFFFF380  }
0x330: {  	_ =	swait.ge [sflag:s0], $0xC80  }
0x331: {  	[sflag:s0] =	ssyncset.done $0x0  }
0x332: {  	s12 =	simm.s32 $0x1E110;
	[sflag:s0] =	ssyncadd.s32 $0xFFFFF380  }
0x333: {  	v13 =	vld [tilespmem:s12+$0xFFFFFFF0]  }
0x334: {  	v8 =	vld [tilespmem:s12+$0x0];
	_ =	sdelay $0x1  }
0x335: {  	s13 =	simm.s32 $0x1D490  }
0x336: {  	v59 =	vld [tilespmem:s13+$0x0]  }
0x337: {  	v1 =	vadd.f32 v48, v0  }
0x338: {  	v2 =	vmul.f32 v35, v16;
	v10 =	vadd.f32 v24, v7;
	v7 =	vmul.f32 v29, v33;
	s8 =	simm.s32 $0x1ED90;
	v29 =	vld [tilespmem:s13+$0xFFFFFFF0]  }
0x339: {  	v26 =	vmul.f32 v46, v26;
	v31 =	vmul.f32 v34, v16;
	v6 =	vadd.f32 v49, v6;
	v0 =	vld [tilespmem:s8+$0xFFFFFFF0]  }
0x33a: {  	v24 =	vadd.f32 v50, v39;
	v39 =	vadd.f32 v43, v63;
	v43 =	vmul.f32 v7, v19;
	v35 =	vld.idx.msk [tilespmem:v13+s4+$0x0], $0xffff  }
0x33b: {  	v12 =	vadd.f32 v2, v12;
	v7 =	vmul.f32 v30, v47;
	v19 =	vmul.f32 v26, v19;
	v30 =	vld.idx.msk [tilespmem:v8+s4+$0x0], $0xffff  }
0x33c: {  	v26 =	vadd.f32 v31, v44;
	v2 =	vadd.f32 v28, v39;
	v31 =	vshll.u32 v45, $0x10;
	v28 =	vld.idx.msk [tilespmem:v13+s31+$0x0], $0xffff  }
0x33d: {  	v48 =	vadd.f32 v42, v3;
	v6 =	vadd.f32 v23, v6;
	v27 =	vmul.f32 v27, v31;
	v31 =	vld.idx.msk [tilespmem:v8+s25+$0x0], $0xffff  }
0x33e: {  	v36 =	vmul.f32 v21, v36;
	v23 =	vadd.f32 v20, v41;
	v4 =	vadd.f32 v19, v4;
	v46 =	vld.idx.msk [tilespmem:v59+s4+$0x0], $0xffff  }
0x33f: {  	v19 =	vmul.f32 v7, v16;
	v7 =	vadd.f32 v22, v1;
	v1 =	vand.u32 $0xFFFF0000, v45;
	v22 =	vld.idx.msk [tilespmem:v13+s26+$0x0], $0xffff  }
0x340: {  	v20 =	vadd.f32 v37, v62;
	v5 =	vadd.f32 v43, v5;
	v47 =	vmul.f32 v40, v1;
	v49 =	vld.idx.msk [tilespmem:v59+s25+$0x0], $0xffff  }
0x341: {  	v3 =	vadd.f32 v38, v4;
	v27 =	vmul.f32 v27, v16;
	v4 =	vadd.f32 v17, v48;
	v17 =	vld.idx.msk [tilespmem:v59+s30+$0x0], $0xffff  }
0x342: {  	v60 =	vadd.f32 v19, v20;
	v5 =	vadd.f32 v25, v5;
	v19 =	vmul.f32 v47, v16;
	v25 =	vld.idx.msk [tilespmem:v13+s30+$0x0], $0xffff  }
0x343: {  	v21 =	vadd.f32 v18, v32;
	v16 =	vmul.f32 v36, v16;
	v50 =	vld.idx.msk [tilespmem:v29+s4+$0x0], $0xffff  }
0x344: {  	v14 =	vadd.f32 v27, v14;
	v15 =	vadd.f32 v19, v15;
	v53 =	vld.idx.msk [tilespmem:v8+s26+$0x0], $0xffff  }
0x345: {  	v11 =	vadd.f32 v16, v11;
	v36 =	vld.idx.msk [tilespmem:v8+s29+$0x0], $0xffff;
	v16 =	vand.u32 $0xFFFF0000, v30;
	v19 =	vshll.u32 v30, $0x10  }
0x346: {  	v41 =	vld.idx.msk [tilespmem:v59+s29+$0x0], $0xffff;
	v27 =	vand.u32 $0xFFFF0000, v46;
	v30 =	vshll.u32 v46, $0x10;
	v51 =	vshll.u32 v31, $0x10  }
0x347: {  	v43 =	vld.idx.msk [tilespmem:v29+s6+$0x0], $0xffff;
	v31 =	vand.u32 $0xFFFF0000, v31;
	v52 =	vshll.u32 v49, $0x10;
	v54 =	vand.u32 $0xFFFF0000, v17  }
0x348: {  	v20 =	vld.idx.msk [tilespmem:v8+s30+$0x0], $0xffff;
	v17 =	vshll.u32 v17, $0x10;
	v38 =	vand.u32 $0xFFFF0000, v28;
	v40 =	vand.u32 $0xFFFF0000, v25  }
0x349: {  	v18 =	vld.idx.msk [tilespmem:v29+s31+$0x0], $0xffff;
	v28 =	vshll.u32 v28, $0x10;
	v32 =	vshll.u32 v50, $0x10;
	v56 =	vshll.u32 v53, $0x10  }
0x34a: {  	v39 =	vld.idx.msk [tilespmem:v29+s28+$0x0], $0xffff;
	v57 =	vand.u32 $0xFFFF0000, v36;
	v58 =	vand.u32 $0xFFFF0000, v35;
	v35 =	vshll.u32 v35, $0x10  }
0x34b: {  	v48 =	vld.idx.msk [tilespmem:v13+s28+$0x0], $0xffff;
	v34 =	vand.u32 $0xFFFF0000, v53;
	v61 =	vand.u32 $0xFFFF0000, v41;
	v62 =	vshll.u32 v22, $0x10  }
0x34c: {  	v63 =	vshll.u32 v43, $0x10;
	v53 =	vld.idx.msk [tilespmem:v59+s6+$0x0], $0xffff;
	v16 =	vmul.f32 v16, v27;
	v30 =	vmul.f32 v19, v30  }
0x34d: {  	v19 =	vld.idx.msk [tilespmem:v59+s26+$0x0], $0xffff;
	v27 =	vand.u32 $0xFFFF0000, v49;
	v33 =	vmul.f32 v51, v52;
	v32 =	vmul.f32 v35, v32  }
0x34e: {  	v49 =	vld.idx.msk [tilespmem:v29+s26+$0x0], $0xffff;
	v31 =	vmul.f32 v31, v27;
	v27 =	vshll.u32 v20, $0x10;
	v20 =	vand.u32 $0xFFFF0000, v20  }
0x34f: {  	v51 =	vld.idx.msk [tilespmem:v29+s29+$0x0], $0xffff;
	v17 =	vmul.f32 v27, v17;
	v37 =	vmul.f32 v20, v54;
	v20 =	vand.u32 $0xFFFF0000, v50  }
0x350: {  	v27 =	vld.idx.msk [tilespmem:v13+s6+$0x0], $0xffff;
	v47 =	vmul.f32 v58, v20;
	v20 =	vshll.u32 v18, $0x10;
	v18 =	vand.u32 $0xFFFF0000, v18  }
0x351: {  	v35 =	vld.idx.msk [tilespmem:v8+s28+$0x0], $0xffff;
	v54 =	vand.u32 $0xFFFF0000, v48;
	v20 =	vmul.f32 v28, v20;
	v18 =	vmul.f32 v38, v18  }
0x352: {  	v44 =	vld.idx.msk [tilespmem:v13+s29+$0x0], $0xffff;
	v58 =	vshll.u32 v53, $0x10;
	v55 =	vand.u32 $0xFFFF0000, v19;
	v19 =	vshll.u32 v19, $0x10  }
0x353: {  	v45 =	vmul.f32 v56, v19;
	v19 =	vand.u32 $0xFFFF0000, v39;
	v52 =	vmul.f32 v34, v55  }
0x354: {  	v20 =	vmul.f32 v20, v0;
	v56 =	vshll.u32 v49, $0x10;
	v18 =	vmul.f32 v18, v0  }
0x355: {  	v46 =	vld.idx.msk [tilespmem:v8+s6+$0x0], $0xffff;
	v28 =	vshll.u32 v27, $0x10;
	v50 =	vmul.f32 v54, v19;
	v19 =	vshll.u32 v51, $0x10  }
0x356: {  	v54 =	vmul.f32 v62, v56;
	v27 =	vand.u32 $0xFFFF0000, v27;
	v62 =	vld.idx.msk [tilespmem:v13+s25+$0x0], $0xffff;
	v13 =	vshll.u32 v35, $0x10  }
0x357: {  	v55 =	vld.idx.msk [tilespmem:v59+s28+$0x0], $0xffff;
	v42 =	vmul.f32 v28, v63;
	v28 =	vmul.f32 v57, v61;
	v57 =	vshll.u32 v44, $0x10  }
0x358: {  	v56 =	vld.idx.msk [tilespmem:v29+s25+$0x0], $0xffff;
	v61 =	vand.u32 $0xFFFF0000, v51;
	v34 =	vmul.f32 v57, v19;
	v19 =	vadd.f32 v20, v14  }
0x359: {  	v14 =	vand.u32 $0xFFFF0000, v53;
	v20 =	vand.u32 $0xFFFF0000, v44;
	v44 =	vld.idx.msk [tilespmem:v29+s30+$0x0], $0xffff;
	v29 =	vand.u32 $0xFFFF0000, v43  }
0x35a: {  	v27 =	vmul.f32 v27, v29;
	v43 =	vmul.f32 v20, v61;
	v20 =	vadd.f32 v18, v15  }
0x35b: {  	v15 =	vshll.u32 v46, $0x10;
	v18 =	vmul.f32 v42, v0;
	v29 =	vand.u32 $0xFFFF0000, v46  }
0x35c: {  	v63 =	vshll.u32 v55, $0x10;
	v57 =	vmul.f32 v15, v58;
	v29 =	vmul.f32 v29, v14  }
0x35d: {  	v53 =	vmul.f32 v13, v63;
	v38 =	vadd.f32 v18, v24;
	v18 =	vand.u32 $0xFFFF0000, v56  }
0x35e: {  	v13 =	vld [tilespmem:s8+$0x0];
	v24 =	vmul.f32 v27, v0;
	v61 =	vand.u32 $0xFFFF0000, v62;
	v15 =	vand.u32 $0xFFFF0000, v44  }
0x35f: {  	v58 =	vshll.u32 v62, $0x10;
	v62 =	vmul.f32 v61, v18;
	v14 =	vmul.f32 v40, v15  }
0x360: {  	v15 =	vshll.u32 v56, $0x10;
	v40 =	vadd.f32 v24, v12;
	v12 =	vmul.f32 v47, v0  }
0x361: {  	v58 =	vmul.f32 v58, v15;
	v15 =	vshll.u32 v25, $0x10;
	v25 =	vshll.u32 v44, $0x10  }
0x362: {  	v63 =	vld.idx.msk [tilespmem:v8+s31+$0x0], $0xffff;
	v44 =	vmul.f32 v62, v0;
	v25 =	vmul.f32 v15, v25  }
0x363: {  	v15 =	vmul.f32 v34, v0;
	v24 =	vmul.f32 v16, v13  }
0x364: {  	v18 =	vmul.f32 v33, v13;
	v8 =	vmul.f32 v14, v0  }
0x365: {  	v14 =	vmul.f32 v31, v13;
	v17 =	vmul.f32 v17, v13  }
0x366: {  	v46 =	vadd.f32 v12, v10;
	v16 =	vmul.f32 v37, v13;
	v10 =	vmul.f32 v32, v0  }
0x367: {  	v32 =	vshll.u32 v39, $0x10;
	v33 =	vand.u32 $0xFFFF0000, v22;
	v31 =	vshll.u32 v63, $0x10  }
0x368: {  	v34 =	vand.u32 $0xFFFF0000, v35;
	v22 =	vmul.f32 v54, v0;
	v39 =	vmul.f32 v50, v0  }
0x369: {  	v37 =	vshll.u32 v41, $0x10;
	v41 =	vmul.f32 v53, v13;
	v12 =	vand.u32 $0xFFFF0000, v55  }
0x36a: {  	v35 =	vand.u32 $0xFFFF0000, v63;
	v47 =	vmul.f32 v58, v0;
	v27 =	vadd.f32 v15, v11  }
0x36b: {  	v11 =	vmul.f32 v43, v0;
	v42 =	vadd.f32 v8, v23;
	v8 =	vmul.f32 v30, v13  }
0x36c: {  	v15 =	vshll.u32 v36, $0x10;
	v30 =	vmul.f32 v45, v13;
	v36 =	vand.u32 $0xFFFF0000, v49  }
0x36d: {  	v23 =	vmul.f32 v25, v0;
	v43 =	vadd.f32 v11, v26;
	v26 =	vadd.f32 v10, v21  }
0x36e: {  	s11 =	simm.s32 $0x1D4B0;
	s9 =	simm.s32 $0x0;
	s10 =	simm.s32 $0x1E130;
	v45 =	vld.idx.msk [tilespmem:v59+s31+$0x0], $0xffff;
	v21 =	vmul.f32 v52, v13;
	v11 =	vshll.u32 v48, $0x10;
	v10 =	vmul.f32 v57, v13  }
.LBB2_39:
0x36f: {  	v25 =	vld [tilespmem:s10+$0xFFFFFFF0]  }
0x370: {  	v48 =	vmul.f32 v29, v13;
	v29 =	vld [tilespmem:s10+$0x0];
	_ =	sdelay $0x2  }
0x371: {  	v11 =	vmul.f32 v11, v32;
	v1 =	vadd.f32 v24, v46;
	v24 =	vmul.f32 v33, v36  }
0x372: {  	v61 =	vmul.f32 v28, v13;
	v28 =	vld [tilespmem:s11+$0xFFFFFFF0];
	v6 =	vadd.f32 v47, v6;
	v2 =	vadd.f32 v22, v2  }
0x373: {  	s8 =	sadd.s32 $0x20, s8;
	v7 =	vadd.f32 v23, v7;
	v23 =	vadd.f32 v10, v38;
	v10 =	vld [tilespmem:s11+$0x0];
	v24 =	vmul.f32 v24, v0  }
0x374: {  	v0 =	vmul.f32 v11, v0;
	v11 =	vadd.f32 v18, v6;
	v6 =	vadd.f32 v30, v2;
	v30 =	vld [tilespmem:s8+$0x0]  }
0x375: {  	[tilespmem:$0x1FFA0] =	vst v1;
	v1 =	vadd.f32 v61, v43;
	v63 =	vld.idx.msk [tilespmem:v25+s4+$0x0], $0xffff  }
0x376: {  	v12 =	vmul.f32 v34, v12;
	v7 =	vadd.f32 v17, v7;
	v17 =	vld.idx.msk [tilespmem:v29+s4+$0x0], $0xffff  }
0x377: {  	v26 =	vadd.f32 v8, v26;
	v62 =	vshll.u32 v45, $0x10;
	[tilespmem:$0x1FF90] =	vst v1;
	v5 =	vadd.f32 v24, v5;
	v52 =	vld.idx.msk [tilespmem:v25+s31+$0x0], $0xffff  }
0x378: {  	v18 =	vmul.f32 v31, v62;
	v31 =	vmul.f32 v12, v13;
	v1 =	vadd.f32 v39, v60;
	v8 =	vld.idx.msk [tilespmem:v29+s25+$0x0], $0xffff  }
0x379: {  	v15 =	vmul.f32 v15, v37;
	v4 =	vadd.f32 v44, v4;
	v5 =	vadd.f32 v21, v5;
	v21 =	vld.idx.msk [tilespmem:v25+s26+$0x0], $0xffff  }
0x37a: {  	v12 =	vadd.f32 v16, v42;
	v16 =	vand.u32 $0xFFFF0000, v45;
	v2 =	vadd.f32 v31, v1;
	v31 =	vld.idx.msk [tilespmem:v25+s30+$0x0], $0xffff  }
0x37b: {  	v16 =	vmul.f32 v35, v16;
	v54 =	vld.idx.msk [tilespmem:v28+s4+$0x0], $0xffff  }
0x37c: {  	v4 =	vadd.f32 v14, v4;
	v14 =	vmul.f32 v15, v13;
	v3 =	vadd.f32 v0, v3;
	v55 =	vld.idx.msk [tilespmem:v29+s29+$0x0], $0xffff  }
0x37d: {  	v22 =	vadd.f32 v48, v40;
	v18 =	vmul.f32 v18, v13;
	v16 =	vmul.f32 v16, v13;
	v57 =	vld.idx.msk [tilespmem:v29+s26+$0x0], $0xffff  }
0x37e: {  	v27 =	vadd.f32 v14, v27;
	v3 =	vadd.f32 v41, v3;
	v58 =	vld.idx.msk [tilespmem:v28+s28+$0x0], $0xffff  }
0x37f: {  	v43 =	vld.idx.msk [tilespmem:v25+s6+$0x0], $0xffff;
	v19 =	vadd.f32 v18, v19;
	v20 =	vadd.f32 v16, v20;
	v18 =	vand.u32 $0xFFFF0000, v17  }
0x380: {  	v13 =	vmovc v30;
	v37 =	vld.idx.msk [tilespmem:v28+s31+$0x0], $0xffff;
	v30 =	vshll.u32 v8, $0x10;
	v17 =	vshll.u32 v17, $0x10;
	v8 =	vand.u32 $0xFFFF0000, v8  }
0x381: {  	v35 =	vld.idx.msk [tilespmem:v29+s31+$0x0], $0xffff;
	v59 =	vand.u32 $0xFFFF0000, v54;
	v44 =	vand.u32 $0xFFFF0000, v52;
	v46 =	vand.u32 $0xFFFF0000, v31  }
0x382: {  	v45 =	vld.idx.msk [tilespmem:v25+s28+$0x0], $0xffff;
	v48 =	vshll.u32 v52, $0x10;
	v49 =	vshll.u32 v54, $0x10;
	v61 =	vshll.u32 v57, $0x10  }
0x383: {  	v15 =	vld.idx.msk [tilespmem:v10+s4+$0x0], $0xffff;
	v50 =	vand.u32 $0xFFFF0000, v55;
	v62 =	vand.u32 $0xFFFF0000, v63;
	v51 =	vshll.u32 v63, $0x10  }
0x384: {  	v24 =	vld.idx.msk [tilespmem:v10+s30+$0x0], $0xffff;
	v39 =	vand.u32 $0xFFFF0000, v57;
	v32 =	vshll.u32 v58, $0x10;
	v54 =	vand.u32 $0xFFFF0000, v43  }
0x385: {  	v40 =	vand.u32 $0xFFFF0000, v58;
	v33 =	vand.u32 $0xFFFF0000, v21;
	v58 =	vshll.u32 v31, $0x10  }
0x386: {  	v38 =	vld.idx.msk [tilespmem:v25+s29+$0x0], $0xffff;
	v47 =	vshll.u32 v21, $0x10;
	v31 =	vshll.u32 v35, $0x10;
	v21 =	vshll.u32 v37, $0x10  }
0x387: {  	v14 =	vld.idx.msk [tilespmem:v10+s25+$0x0], $0xffff;
	v43 =	vshll.u32 v43, $0x10;
	v9 =	vand.u32 $0xFFFF0000, v45;
	v37 =	vand.u32 $0xFFFF0000, v37  }
0x388: {  	v0 =	vld [tilespmem:s8+$0xFFFFFFF0];
	v35 =	vand.u32 $0xFFFF0000, v35;
	v53 =	vand.u32 $0xFFFF0000, v15;
	v15 =	vshll.u32 v15, $0x10  }
0x389: {  	v16 =	vld.idx.msk [tilespmem:v29+s30+$0x0], $0xffff;
	v56 =	vand.u32 $0xFFFF0000, v24;
	v41 =	vmul.f32 v62, v59;
	v48 =	vmul.f32 v48, v21  }
0x38a: {  	v24 =	vshll.u32 v24, $0x10;
	v49 =	vmul.f32 v51, v49;
	v37 =	vmul.f32 v44, v37  }
0x38b: {  	v1 =	vld.idx.msk [tilespmem:v10+s28+$0x0], $0xffff;
	v62 =	vand.u32 $0xFFFF0000, v38;
	v9 =	vmul.f32 v9, v40;
	v18 =	vmul.f32 v18, v53  }
0x38c: {  	v42 =	vld.idx.msk [tilespmem:v10+s29+$0x0], $0xffff;
	v15 =	vmul.f32 v17, v15;
	v17 =	vand.u32 $0xFFFF0000, v14;
	v14 =	vshll.u32 v14, $0x10  }
0x38d: {  	v52 =	vld.idx.msk [tilespmem:v29+s28+$0x0], $0xffff;
	v38 =	vshll.u32 v38, $0x10;
	v8 =	vmul.f32 v8, v17;
	v14 =	vmul.f32 v30, v14  }
0x38e: {  	v17 =	vshll.u32 v16, $0x10;
	v48 =	vmul.f32 v48, v0;
	v37 =	vmul.f32 v37, v0  }
0x38f: {  	v53 =	vld.idx.msk [tilespmem:v28+s6+$0x0], $0xffff;
	v16 =	vand.u32 $0xFFFF0000, v16;
	v17 =	vmul.f32 v17, v24;
	v24 =	vmul.f32 v18, v13  }
0x390: {  	v40 =	vshll.u32 v1, $0x10;
	v30 =	vld.idx.msk [tilespmem:v10+s26+$0x0], $0xffff;
	v16 =	vmul.f32 v16, v56;
	v18 =	vmul.f32 v14, v13  }
0x391: {  	v56 =	vand.u32 $0xFFFF0000, v42;
	v14 =	vmul.f32 v8, v13;
	v8 =	vmul.f32 v15, v13  }
0x392: {  	v57 =	vld.idx.msk [tilespmem:v28+s29+$0x0], $0xffff;
	v15 =	vshll.u32 v55, $0x10;
	v34 =	vand.u32 $0xFFFF0000, v52;
	v52 =	vshll.u32 v52, $0x10  }
0x393: {  	v36 =	vld.idx.msk [tilespmem:v10+s6+$0x0], $0xffff;
	v19 =	vadd.f32 v48, v19;
	v20 =	vadd.f32 v37, v20;
	v17 =	vmul.f32 v17, v13  }
0x394: {  	v29 =	vld.idx.msk [tilespmem:v29+s6+$0x0], $0xffff;
	v37 =	vshll.u32 v42, $0x10;
	v16 =	vmul.f32 v16, v13;
	v52 =	vmul.f32 v52, v40  }
0x395: {  	v55 =	vld.idx.msk [tilespmem:v28+s26+$0x0], $0xffff;
	v63 =	vshll.u32 v53, $0x10;
	v53 =	vand.u32 $0xFFFF0000, v53;
	v60 =	vand.u32 $0xFFFF0000, v30  }
0x396: {  	v30 =	vshll.u32 v30, $0x10;
	v43 =	vmul.f32 v43, v63;
	v54 =	vmul.f32 v54, v53  }
0x397: {  	v63 =	vshll.u32 v57, $0x10;
	v30 =	vmul.f32 v61, v30;
	v39 =	vmul.f32 v39, v60  }
0x398: {  	v59 =	vld.idx.msk [tilespmem:v28+s25+$0x0], $0xffff;
	v60 =	vand.u32 $0xFFFF0000, v36;
	v61 =	vshll.u32 v36, $0x10;
	v38 =	vmul.f32 v38, v63  }
0x399: {  	v63 =	vand.u32 $0xFFFF0000, v29;
	v29 =	vshll.u32 v29, $0x10;
	v44 =	vmul.f32 v54, v0  }
0x39a: {  	v25 =	vld.idx.msk [tilespmem:v25+s25+$0x0], $0xffff;
	v51 =	vshll.u32 v55, $0x10;
	v30 =	vmul.f32 v30, v13;
	v21 =	vmul.f32 v39, v13  }
0x39b: {  	v39 =	vand.u32 $0xFFFF0000, v57;
	v57 =	vld.idx.msk [tilespmem:v28+s30+$0x0], $0xffff;
	v28 =	vmul.f32 v50, v56;
	v47 =	vmul.f32 v47, v51  }
0x39c: {  	v36 =	vand.u32 $0xFFFF0000, v55;
	v56 =	vmul.f32 v43, v0;
	v51 =	vmul.f32 v29, v61  }
0x39d: {  	v55 =	vand.u32 $0xFFFF0000, v59;
	v29 =	vmul.f32 v63, v60;
	v61 =	vmul.f32 v41, v0  }
0x39e: {  	v54 =	vshll.u32 v59, $0x10;
	v41 =	vmul.f32 v52, v13;
	v39 =	vmul.f32 v62, v39  }
0x39f: {  	v62 =	vmul.f32 v38, v0;
	v60 =	vmovc v2;
	v40 =	vadd.f32 v44, v22;
	v38 =	vadd.f32 v56, v23  }
0x3a0: {  	v2 =	vmovc v6;
	v6 =	vmovc v11;
	v11 =	vld [tilespmem:$0x1FF90];
	v56 =	vshll.u32 v25, $0x10;
	v22 =	vmul.f32 v47, v0;
	v25 =	vand.u32 $0xFFFF0000, v25  }
0x3a1: {  	s9 =	sadd.s32 $0x2, s9;
	v63 =	vld [tilespmem:$0x1FFA0];
	v50 =	vmul.f32 v39, v0;
	v27 =	vadd.f32 v62, v27;
	v39 =	vmul.f32 v9, v0  }
0x3a2: {  	p1 =	slt.u32 s9, $0xC6;
	v62 =	vmul.f32 v49, v0;
	v25 =	vmul.f32 v25, v55;
	v23 =	vand.u32 $0xFFFF0000, v57  }
.Ltmp20:
0x3a3: {  	v53 =	vshll.u32 v57, $0x10;
	v57 =	vmul.f32 v56, v54;
	v23 =	vmul.f32 v46, v23;
	(pc) =	sbr.rel @p1 .LBB2_39-.Ltmp20, $4  }
0x3a4: {  	v26 =	vadd.f32 v62, v26;
	v44 =	vmul.f32 v25, v0;
	v59 =	vmul.f32 v58, v53  }
0x3a5: {  	v43 =	vadd.f32 v50, v11;
	v11 =	vshll.u32 v45, $0x10;
	v9 =	vmul.f32 v23, v0  }
0x3a6: {  	v46 =	vadd.f32 v61, v63;
	v45 =	vld.idx.msk [tilespmem:v10+s31+$0x0], $0xffff;
	v10 =	vmul.f32 v51, v13;
	v47 =	vmul.f32 v57, v0  }
0x3a7: {  	s10 =	sadd.s32 $0x20, s10;
	s11 =	sadd.s32 $0x20, s11;
	v23 =	vmul.f32 v59, v0;
	v42 =	vadd.f32 v9, v12;
	v12 =	vand.u32 $0xFFFF0000, v1  }
0x3a8: {  	v9 =	vmul.f32 v29, v13;
	v10 =	vadd.f32 v10, v38  }
0x3a9: {  	v6 =	vadd.f32 v47, v6;
	v57 =	vmul.f32 v33, v36;
	v2 =	vadd.f32 v22, v2  }
0x3aa: {  	v1 =	vadd.f32 v23, v7;
	v7 =	vadd.f32 v24, v46;
	[tilespmem:$0x1FFE0] =	vst v10;
	v10 =	vmul.f32 v11, v32  }
0x3ab: {  	v11 =	vmul.f32 v28, v13;
	v9 =	vadd.f32 v9, v40;
	v6 =	vadd.f32 v18, v6  }
0x3ac: {  	v58 =	vmul.f32 v57, v0;
	v63 =	vadd.f32 v30, v2;
	v59 =	vadd.f32 v17, v1  }
0x3ad: {  	[tilespmem:$0x1FFF0] =	vst v9;
	v9 =	vmul.f32 v34, v12;
	v0 =	vmul.f32 v10, v0;
	v10 =	vadd.f32 v11, v43  }
0x3ae: {  	v1 =	vadd.f32 v58, v5;
	v5 =	vand.u32 $0xFFFF0000, v45;
	v11 =	vadd.f32 v44, v4  }
0x3af: {  	v12 =	vmul.f32 v15, v37;
	[tilespmem:$0x1FF70] =	vst v10;
	v10 =	vshll.u32 v45, $0x10;
	v3 =	vadd.f32 v0, v3  }
0x3b0: {  	v5 =	vmul.f32 v35, v5;
	v0 =	vadd.f32 v16, v42;
	v2 =	vmul.f32 v31, v10  }
.Ltmp21:
0x3b1: {  	v9 =	vmul.f32 v9, v13;
	v10 =	vadd.f32 v39, v60;
	v4 =	vadd.f32 v41, v3;
	(pc) =	sbr.rel @p0 .LBB2_42-.Ltmp21, $4  }
0x3b2: {  	[tilespmem:$0x1FF80] =	vst v0;
	v0 =	vadd.f32 v8, v26;
	v3 =	vadd.f32 v14, v11;
	v2 =	vmul.f32 v2, v13  }
0x3b3: {  	v62 =	vadd.f32 v9, v10;
	v9 =	vmul.f32 v5, v13;
	v10 =	vmul.f32 v12, v13  }
0x3b4: {  	v5 =	vadd.f32 v21, v1;
	v14 =	vadd.f32 v2, v19  }
0x3b5: {  	[tilespmem:$0x1FFD0] =	vst v59;
	v15 =	vadd.f32 v9, v20;
	v8 =	vadd.f32 v10, v27  }
0x3b6: {  	s8 =	smul.u32 $0x1900, s7;
	_ =	sdelay $0x1  }
0x3b7: {  	s8 =	sshrl.u32 s8, $0x3  }
0x3b8: {  	s8 =	sadd.s32 $0x4B0, s8  }
0x3b9: {  	s9 =	sadd.s32 s3, s8  }
0x3ba: {  	[tilespmem:s18], [sflag:$0x2] =	stream.linear.gather [hbm4b:s9+s6], $0xC80, $0x38;
	[tilespmem:$0x1FA80] =	vst v63  }
.Ltmp22:
0x3bb: {  	_ = 	snop;
	(pc) =	sbr.rel .LBB2_36-.Ltmp22, $4  }
0x3bc: {  	s13 =	sadd.s32 s5, s8  }
0x3bd: {  	[tilespmem:s19], [sflag:$0x2] =	stream.linear.gather [hbm4b:s13+s6], $0xC80, $0x38;
	[tilespmem:$0x1FA80] =	vst v63  }
0x3be: {  	s7 =	sadd.s32 $0x1, s7;
	v9 =	vld [tilespmem:$0x1FF80];
	s8 =	sadd.s32 s2, s8  }
0x3bf: {  	v2 =	vld [tilespmem:$0x1FF70];
	[tilespmem:s20], [sflag:$0x2] =	stream.linear.gather [hbm4b:s8+s6], $0xC80, $0x38  }
.LBB2_42:
0x3c0: {  	s7 =	simm.s32 $0x1AF00  }
0x3c1: {  	[tilespmem:s7], [sflag:$0x1] =	stream.linear.gather [hbm4b:s3+s6], $0xC80, $0x38;
	[tilespmem:$0x1FA80] =	vst v63  }
0x3c2: {  	s9 =	simm.s32 $0x1BB80  }
0x3c3: {  	[tilespmem:s9], [sflag:$0x1] =	stream.linear.gather [hbm4b:s5+s6], $0xC80, $0x38;
	[tilespmem:$0x1FA80] =	vst v63  }
0x3c4: {  	s10 =	simm.s32 $0x1C800  }
0x3c5: {  	[tilespmem:s10], [sflag:$0x1] =	stream.linear.gather [hbm4b:s2+s6], $0xC80, $0x38;
	[tilespmem:$0x1FA80] =	vst v63  }
0x3c6: {  	_ = 	snop  }
0x3c7: {  	[tilespmem:s18], [sflag:$0x2] =	stream.linear.gather [hbm4b:s14+s6], $0xC80, $0x38;
	[tilespmem:$0x1FA80] =	vst v63  }
0x3c8: {  	_ = 	snop  }
0x3c9: {  	[tilespmem:s19], [sflag:$0x2] =	stream.linear.gather [hbm4b:s15+s6], $0xC80, $0x38;
	[tilespmem:$0x1FA80] =	vst v63  }
0x3ca: {  	_ = 	snop  }
0x3cb: {  	[tilespmem:s20], [sflag:$0x2] =	stream.linear.gather [hbm4b:s16+s6], $0xC80, $0x38;
	[tilespmem:$0x1FA80] =	vst v63  }
0x3cc: {  	s11 =	rddreg [dreg:$0x13]  }
0x3cd: {  	[tilespmem:s21], [sflag:$0x3] =	stream.linear.gather [hbm4b:s11+s6], $0x2710, $0x38;
	[tilespmem:$0x1FA80] =	vst v63  }
0x3ce: {  	_ =	swait.ge [sflag:s22], $0x2710  }
0x3cf: {  	[sflag:s22] =	ssyncset.done $0x0  }
0x3d0: {  	s13 =	simm.s32 $0x138A0;
	s12 =	rddreg [dreg:$0x16];
	[sflag:s22] =	ssyncadd.s32 $0xFFFFD8F0  }
0x3d1: {  	[tilespmem:s23], [sflag:$0x3] =	stream.linear.gather [hbm4b:s12+s6], $0x2710, $0x38;
	[tilespmem:$0x1FA80] =	vst v63  }
0x3d2: {  	v1 =	vld [tilespmem:s13+$0xFFFFFFE0]  }
0x3d3: {  	v2 =	vld [tilespmem:s13+$0x10]  }
0x3d4: {  	v9 =	vld [tilespmem:s13+$0x0]  }
0x3d5: {  	v13 =	vld [tilespmem:s13+$0xFFFFFFF0];
	_ =	sdelay $0x1  }
0x3d6: {  	s8 =	simm.s32 $0x138E0;
	v1 =	vadd.s32 $0x8000, v1  }
0x3d7: {  	s7 =	simm.s32 $0x20;
	v11 =	vld [tilespmem:s8+$0xFFFFFFE0];
	v2 =	vadd.s32 $0x8000, v2;
	v1 =	vand.u32 $0xFFFF0000, v1  }
0x3d8: {  	v10 =	vld [tilespmem:s8+$0x10];
	v2 =	vand.u32 $0xFFFF0000, v2;
	[tilespmem:s7+$0xFFFFFFE0] =	vst v1;
	v1 =	vadd.s32 $0x8000, v9  }
0x3d9: {  	v12 =	vld [tilespmem:s8+$0x0];
	v9 =	vadd.s32 $0x8000, v13;
	[tilespmem:s7+$0x10] =	vst v2;
	v1 =	vand.u32 $0xFFFF0000, v1  }
0x3da: {  	s9 =	simm.s32 $0x4;
	v13 =	vld [tilespmem:s8+$0xFFFFFFF0];
	v16 =	vand.u32 $0xFFFF0000, v9;
	[tilespmem:s7+$0x0] =	vst v1  }
.LBB2_43:
0x3db: {  	s9 =	sadd.s32 $0x4, s9  }
0x3dc: {  	[tilespmem:s7+$0xFFFFFFF0] =	vst v16;
	s7 =	sadd.s32 $0x40, s7;
	p0 =	slt.u32 s9, $0x26C  }
.Ltmp23:
0x3dd: {  	s8 =	sadd.s32 $0x40, s8;
	v1 =	vadd.s32 $0x8000, v11;
	(pc) =	sbr.rel @p0 .LBB2_43-.Ltmp23, $4  }
0x3de: {  	v11 =	vld [tilespmem:s8+$0xFFFFFFE0];
	v1 =	vand.u32 $0xFFFF0000, v1;
	v2 =	vadd.s32 $0x8000, v10  }
0x3df: {  	v10 =	vld [tilespmem:s8+$0x10];
	[tilespmem:s7+$0xFFFFFFE0] =	vst v1;
	v1 =	vadd.s32 $0x8000, v12;
	v2 =	vand.u32 $0xFFFF0000, v2  }
0x3e0: {  	v12 =	vld [tilespmem:s8+$0x0];
	v9 =	vadd.s32 $0x8000, v13;
	v1 =	vand.u32 $0xFFFF0000, v1;
	[tilespmem:s7+$0x10] =	vst v2  }
0x3e1: {  	v13 =	vld [tilespmem:s8+$0xFFFFFFF0];
	v16 =	vand.u32 $0xFFFF0000, v9;
	[tilespmem:s7+$0x0] =	vst v1  }
0x3e2: {  	_ = 	snop  }
0x3e3: {  	v1 =	vadd.s32 $0x8000, v11  }
0x3e4: {  	[tilespmem:s7+$0xFFFFFFF0] =	vst v16;
	s12 =	sadd.s32 $0x40, s7;
	v1 =	vand.u32 $0xFFFF0000, v1;
	v2 =	vadd.s32 $0x8000, v10  }
0x3e5: {  	[tilespmem:s12+$0xFFFFFFE0] =	vst v1;
	v1 =	vadd.s32 $0x8000, v12;
	v2 =	vand.u32 $0xFFFF0000, v2  }
0x3e6: {  	v9 =	vadd.s32 $0x8000, v13;
	v1 =	vand.u32 $0xFFFF0000, v1;
	[tilespmem:s12+$0x10] =	vst v2  }
0x3e7: {  	v2 =	vand.u32 $0xFFFF0000, v9;
	[tilespmem:s12+$0x0] =	vst v1  }
0x3e8: {  	[tilespmem:s12+$0xFFFFFFF0] =	vst v2  }
0x3e9: {  	v1 =	vld [tilespmem:$0x15F80];
	_ =	sdelay $0x4  }
0x3ea: {  	v1 =	vadd.s32 $0x8000, v1  }
0x3eb: {  	v1 =	vand.u32 $0xFFFF0000, v1  }
0x3ec: {  	[tilespmem:$0x2700] =	vst v1  }
0x3ed: {  	_ =	swait.ge [sflag:s22], $0x2710  }
0x3ee: {  	[sflag:s22] =	ssyncset.done $0x0  }
0x3ef: {  	s8 =	simm.s32 $0x16020;
	s13 =	rddreg [dreg:$0x17];
	[sflag:s22] =	ssyncadd.s32 $0xFFFFD8F0  }
0x3f0: {  	[tilespmem:s21], [sflag:$0x3] =	stream.linear.gather [hbm4b:s13+s6], $0x2710, $0x38;
	[tilespmem:$0x1FA80] =	vst v63  }
0x3f1: {  	v1 =	vld [tilespmem:s8+$0x10]  }
0x3f2: {  	s7 =	simm.s32 $0x20;
	v2 =	vld [tilespmem:s8+$0xFFFFFFF0]  }
0x3f3: {  	v9 =	vld [tilespmem:s7+$0x10]  }
0x3f4: {  	v11 =	vld [tilespmem:s8+$0x0]  }
0x3f5: {  	v13 =	vld [tilespmem:s8+$0xFFFFFFE0]  }
0x3f6: {  	v10 =	vld [tilespmem:s7+$0xFFFFFFE0];
	v1 =	vadd.s32 $0x8000, v1  }
0x3f7: {  	v12 =	vld [tilespmem:s7+$0xFFFFFFF0];
	v2 =	vadd.s32 $0x8000, v2;
	v1 =	vshrl.u32 v1, $0x10  }
0x3f8: {  	s9 =	simm.s32 $0x0;
	s10 =	simm.s32 $0x16060;
	v16 =	vld [tilespmem:s7+$0x0];
	s8 =	simm.s32 $0x20;
	v17 =	vshrl.u32 v2, $0x10;
	v18 =	vor.u32 v9, v1  }
.LBB2_45:
0x3f9: {  	v1 =	vld [tilespmem:s10+$0x10];
	s9 =	sadd.s32 $0x4, s9;
	v2 =	vadd.s32 $0x8000, v11;
	[tilespmem:s7+$0x10] =	vst v18  }
0x3fa: {  	s7 =	sadd.s32 $0x40, s7;
	v9 =	vld [tilespmem:s10+$0xFFFFFFF0];
	p0 =	slt.u32 s9, $0x26C;
	v11 =	vadd.s32 $0x8000, v13;
	v2 =	vshrl.u32 v2, $0x10  }
0x3fb: {  	v18 =	vld [tilespmem:s7+$0x10];
	v13 =	vshrl.u32 v11, $0x10  }
.Ltmp24:
0x3fc: {  	v11 =	vld [tilespmem:s10+$0x0];
	v10 =	vor.u32 v10, v13;
	v12 =	vor.u32 v12, v17;
	(pc) =	sbr.rel @p0 .LBB2_45-.Ltmp24, $4  }
0x3fd: {  	v13 =	vld [tilespmem:s10+$0xFFFFFFE0];
	[tilespmem:s8+$0xFFFFFFE0] =	vst v10;
	v2 =	vor.u32 v16, v2  }
0x3fe: {  	v10 =	vld [tilespmem:s7+$0xFFFFFFE0];
	v1 =	vadd.s32 $0x8000, v1;
	[tilespmem:s8+$0xFFFFFFF0] =	vst v12  }
0x3ff: {  	v9 =	vadd.s32 $0x8000, v9;
	v12 =	vld [tilespmem:s7+$0xFFFFFFF0];
	v1 =	vshrl.u32 v1, $0x10;
	[tilespmem:s8+$0x0] =	vst v2;
	s8 =	smov.u32 s7  }
0x400: {  	s10 =	sadd.s32 $0x40, s10;
	v17 =	vshrl.u32 v9, $0x10;
	v16 =	vld [tilespmem:s7+$0x0];
	v18 =	vor.u32 v18, v1  }
0x401: {  	_ = 	snop  }
0x402: {  	v1 =	vadd.s32 $0x8000, v13  }
0x403: {  	v1 =	vshrl.u32 v1, $0x10  }
0x404: {  	v2 =	vadd.s32 $0x8000, v11;
	[tilespmem:s7+$0x10] =	vst v18;
	v1 =	vor.u32 v10, v1  }
0x405: {  	v2 =	vshrl.u32 v2, $0x10;
	v9 =	vor.u32 v12, v17;
	[tilespmem:s8+$0xFFFFFFE0] =	vst v1  }
0x406: {  	v1 =	vor.u32 v16, v2;
	[tilespmem:s8+$0xFFFFFFF0] =	vst v9  }
0x407: {  	[tilespmem:s8+$0x0] =	vst v1  }
0x408: {  	v1 =	vld [tilespmem:$0x18700];
	_ =	sdelay $0x1  }
0x409: {  	v2 =	vld [tilespmem:$0x2700];
	_ =	sdelay $0x2  }
0x40a: {  	v1 =	vadd.s32 $0x8000, v1  }
0x40b: {  	v1 =	vshrl.u32 v1, $0x10  }
0x40c: {  	v1 =	vor.u32 v2, v1  }
0x40d: {  	[tilespmem:$0x2700] =	vst v1  }
0x40e: {  	_ =	swait.ge [sflag:s22], $0x2710  }
0x40f: {  	[sflag:s22] =	ssyncset.done $0x0  }
0x410: {  	s13 =	simm.s32 $0x138A0;
	s12 =	rddreg [dreg:$0x1b];
	[sflag:s22] =	ssyncadd.s32 $0xFFFFD8F0  }
0x411: {  	[tilespmem:s23], [sflag:$0x3] =	stream.linear.gather [hbm4b:s12+s6], $0x2710, $0x38;
	[tilespmem:$0x1FA80] =	vst v63  }
0x412: {  	v1 =	vld [tilespmem:s13+$0xFFFFFFE0]  }
0x413: {  	v2 =	vld [tilespmem:s13+$0x10]  }
0x414: {  	v9 =	vld [tilespmem:s13+$0x0]  }
0x415: {  	v13 =	vld [tilespmem:s13+$0xFFFFFFF0];
	_ =	sdelay $0x1  }
0x416: {  	s8 =	simm.s32 $0x138E0;
	v1 =	vadd.s32 $0x8000, v1  }
0x417: {  	s7 =	simm.s32 $0x2740;
	v11 =	vld [tilespmem:s8+$0xFFFFFFE0];
	v2 =	vadd.s32 $0x8000, v2;
	v1 =	vand.u32 $0xFFFF0000, v1  }
0x418: {  	v10 =	vld [tilespmem:s8+$0x10];
	v2 =	vand.u32 $0xFFFF0000, v2;
	[tilespmem:s7+$0xFFFFFFD0] =	vst v1;
	v1 =	vadd.s32 $0x8000, v9  }
0x419: {  	v12 =	vld [tilespmem:s8+$0x0];
	v9 =	vadd.s32 $0x8000, v13;
	[tilespmem:s7+$0x0] =	vst v2;
	v1 =	vand.u32 $0xFFFF0000, v1  }
0x41a: {  	s9 =	simm.s32 $0x4;
	v13 =	vld [tilespmem:s8+$0xFFFFFFF0];
	v16 =	vand.u32 $0xFFFF0000, v9;
	[tilespmem:s7+$0xFFFFFFF0] =	vst v1  }
.LBB2_47:
0x41b: {  	s9 =	sadd.s32 $0x4, s9  }
0x41c: {  	[tilespmem:s7+$0xFFFFFFE0] =	vst v16;
	s7 =	sadd.s32 $0x40, s7;
	p0 =	slt.u32 s9, $0x26C  }
.Ltmp25:
0x41d: {  	s8 =	sadd.s32 $0x40, s8;
	v1 =	vadd.s32 $0x8000, v11;
	(pc) =	sbr.rel @p0 .LBB2_47-.Ltmp25, $4  }
0x41e: {  	v11 =	vld [tilespmem:s8+$0xFFFFFFE0];
	v1 =	vand.u32 $0xFFFF0000, v1;
	v2 =	vadd.s32 $0x8000, v10  }
0x41f: {  	v10 =	vld [tilespmem:s8+$0x10];
	[tilespmem:s7+$0xFFFFFFD0] =	vst v1;
	v1 =	vadd.s32 $0x8000, v12;
	v2 =	vand.u32 $0xFFFF0000, v2  }
0x420: {  	v12 =	vld [tilespmem:s8+$0x0];
	v9 =	vadd.s32 $0x8000, v13;
	v1 =	vand.u32 $0xFFFF0000, v1;
	[tilespmem:s7+$0x0] =	vst v2  }
0x421: {  	v13 =	vld [tilespmem:s8+$0xFFFFFFF0];
	v16 =	vand.u32 $0xFFFF0000, v9;
	[tilespmem:s7+$0xFFFFFFF0] =	vst v1  }
0x422: {  	_ = 	snop  }
0x423: {  	v1 =	vadd.s32 $0x8000, v11  }
0x424: {  	[tilespmem:s7+$0xFFFFFFE0] =	vst v16;
	s12 =	sadd.s32 $0x40, s7;
	v1 =	vand.u32 $0xFFFF0000, v1;
	v2 =	vadd.s32 $0x8000, v10  }
0x425: {  	[tilespmem:s12+$0xFFFFFFD0] =	vst v1;
	v1 =	vadd.s32 $0x8000, v12;
	v2 =	vand.u32 $0xFFFF0000, v2  }
0x426: {  	v9 =	vadd.s32 $0x8000, v13;
	v1 =	vand.u32 $0xFFFF0000, v1;
	[tilespmem:s12+$0x0] =	vst v2  }
0x427: {  	v2 =	vand.u32 $0xFFFF0000, v9;
	[tilespmem:s12+$0xFFFFFFF0] =	vst v1  }
0x428: {  	[tilespmem:s12+$0xFFFFFFE0] =	vst v2  }
0x429: {  	v1 =	vld [tilespmem:$0x15F80];
	_ =	sdelay $0x4  }
0x42a: {  	v1 =	vadd.s32 $0x8000, v1  }
0x42b: {  	v1 =	vand.u32 $0xFFFF0000, v1  }
0x42c: {  	[tilespmem:$0x4E10] =	vst v1  }
0x42d: {  	_ =	swait.ge [sflag:s22], $0x2710  }
0x42e: {  	[sflag:s22] =	ssyncset.done $0x0  }
0x42f: {  	s8 =	simm.s32 $0x16020;
	s13 =	rddreg [dreg:$0x1c];
	[sflag:s22] =	ssyncadd.s32 $0xFFFFD8F0  }
0x430: {  	[tilespmem:s21], [sflag:$0x3] =	stream.linear.gather [hbm4b:s13+s6], $0x2710, $0x38;
	[tilespmem:$0x1FA80] =	vst v63  }
0x431: {  	v1 =	vld [tilespmem:s8+$0x10]  }
0x432: {  	s7 =	simm.s32 $0x2740;
	v2 =	vld [tilespmem:s8+$0xFFFFFFF0]  }
0x433: {  	v9 =	vld [tilespmem:s7+$0x0]  }
0x434: {  	v11 =	vld [tilespmem:s8+$0x0]  }
0x435: {  	v13 =	vld [tilespmem:s8+$0xFFFFFFE0]  }
0x436: {  	v10 =	vld [tilespmem:s7+$0xFFFFFFD0];
	v1 =	vadd.s32 $0x8000, v1  }
0x437: {  	v12 =	vld [tilespmem:s7+$0xFFFFFFE0];
	v2 =	vadd.s32 $0x8000, v2;
	v1 =	vshrl.u32 v1, $0x10  }
0x438: {  	s9 =	simm.s32 $0x0;
	s10 =	simm.s32 $0x16060;
	v16 =	vld [tilespmem:s7+$0xFFFFFFF0];
	s8 =	simm.s32 $0x2740;
	v17 =	vshrl.u32 v2, $0x10;
	v18 =	vor.u32 v9, v1  }
.LBB2_49:
0x439: {  	v1 =	vld [tilespmem:s10+$0x10];
	s9 =	sadd.s32 $0x4, s9;
	v2 =	vadd.s32 $0x8000, v11;
	[tilespmem:s7+$0x0] =	vst v18  }
0x43a: {  	s7 =	sadd.s32 $0x40, s7;
	v9 =	vld [tilespmem:s10+$0xFFFFFFF0];
	p0 =	slt.u32 s9, $0x26C;
	v11 =	vadd.s32 $0x8000, v13;
	v2 =	vshrl.u32 v2, $0x10  }
0x43b: {  	v18 =	vld [tilespmem:s7+$0x0];
	v13 =	vshrl.u32 v11, $0x10  }
.Ltmp26:
0x43c: {  	v11 =	vld [tilespmem:s10+$0x0];
	v10 =	vor.u32 v10, v13;
	v12 =	vor.u32 v12, v17;
	(pc) =	sbr.rel @p0 .LBB2_49-.Ltmp26, $4  }
0x43d: {  	v13 =	vld [tilespmem:s10+$0xFFFFFFE0];
	[tilespmem:s8+$0xFFFFFFD0] =	vst v10;
	v2 =	vor.u32 v16, v2  }
0x43e: {  	v10 =	vld [tilespmem:s7+$0xFFFFFFD0];
	v1 =	vadd.s32 $0x8000, v1;
	[tilespmem:s8+$0xFFFFFFE0] =	vst v12  }
0x43f: {  	v9 =	vadd.s32 $0x8000, v9;
	v12 =	vld [tilespmem:s7+$0xFFFFFFE0];
	v1 =	vshrl.u32 v1, $0x10;
	[tilespmem:s8+$0xFFFFFFF0] =	vst v2;
	s8 =	smov.u32 s7  }
0x440: {  	s10 =	sadd.s32 $0x40, s10;
	v17 =	vshrl.u32 v9, $0x10;
	v16 =	vld [tilespmem:s7+$0xFFFFFFF0];
	v18 =	vor.u32 v18, v1  }
0x441: {  	_ = 	snop  }
0x442: {  	v1 =	vadd.s32 $0x8000, v13  }
0x443: {  	v1 =	vshrl.u32 v1, $0x10  }
0x444: {  	v2 =	vadd.s32 $0x8000, v11;
	[tilespmem:s7+$0x0] =	vst v18;
	v1 =	vor.u32 v10, v1  }
0x445: {  	v2 =	vshrl.u32 v2, $0x10;
	v9 =	vor.u32 v12, v17;
	[tilespmem:s8+$0xFFFFFFD0] =	vst v1  }
0x446: {  	v1 =	vor.u32 v16, v2;
	[tilespmem:s8+$0xFFFFFFE0] =	vst v9  }
0x447: {  	[tilespmem:s8+$0xFFFFFFF0] =	vst v1  }
0x448: {  	v1 =	vld [tilespmem:$0x18700];
	_ =	sdelay $0x1  }
0x449: {  	v2 =	vld [tilespmem:$0x4E10];
	_ =	sdelay $0x2  }
0x44a: {  	v1 =	vadd.s32 $0x8000, v1  }
0x44b: {  	v1 =	vshrl.u32 v1, $0x10  }
0x44c: {  	v1 =	vor.u32 v2, v1  }
0x44d: {  	[tilespmem:$0x4E10] =	vst v1  }
0x44e: {  	_ =	swait.ge [sflag:s22], $0x2710  }
0x44f: {  	[sflag:s22] =	ssyncset.done $0x0  }
0x450: {  	s13 =	simm.s32 $0x138A0;
	s12 =	rddreg [dreg:$0x1d];
	[sflag:s22] =	ssyncadd.s32 $0xFFFFD8F0  }
0x451: {  	[tilespmem:s23], [sflag:$0x3] =	stream.linear.gather [hbm4b:s12+s6], $0x2710, $0x38;
	[tilespmem:$0x1FA80] =	vst v63  }
0x452: {  	v1 =	vld [tilespmem:s13+$0xFFFFFFE0]  }
0x453: {  	v2 =	vld [tilespmem:s13+$0x10]  }
0x454: {  	v9 =	vld [tilespmem:s13+$0x0]  }
0x455: {  	v13 =	vld [tilespmem:s13+$0xFFFFFFF0];
	_ =	sdelay $0x1  }
0x456: {  	s8 =	simm.s32 $0x138E0;
	v1 =	vadd.s32 $0x8000, v1  }
0x457: {  	s7 =	simm.s32 $0x4E50;
	v11 =	vld [tilespmem:s8+$0xFFFFFFE0];
	v2 =	vadd.s32 $0x8000, v2;
	v1 =	vand.u32 $0xFFFF0000, v1  }
0x458: {  	v10 =	vld [tilespmem:s8+$0x10];
	v2 =	vand.u32 $0xFFFF0000, v2;
	[tilespmem:s7+$0xFFFFFFD0] =	vst v1;
	v1 =	vadd.s32 $0x8000, v9  }
0x459: {  	v12 =	vld [tilespmem:s8+$0x0];
	v9 =	vadd.s32 $0x8000, v13;
	[tilespmem:s7+$0x0] =	vst v2;
	v1 =	vand.u32 $0xFFFF0000, v1  }
0x45a: {  	s9 =	simm.s32 $0x4;
	v13 =	vld [tilespmem:s8+$0xFFFFFFF0];
	v16 =	vand.u32 $0xFFFF0000, v9;
	[tilespmem:s7+$0xFFFFFFF0] =	vst v1  }
.LBB2_51:
0x45b: {  	s9 =	sadd.s32 $0x4, s9  }
0x45c: {  	[tilespmem:s7+$0xFFFFFFE0] =	vst v16;
	s7 =	sadd.s32 $0x40, s7;
	p0 =	slt.u32 s9, $0x26C  }
.Ltmp27:
0x45d: {  	s8 =	sadd.s32 $0x40, s8;
	v1 =	vadd.s32 $0x8000, v11;
	(pc) =	sbr.rel @p0 .LBB2_51-.Ltmp27, $4  }
0x45e: {  	v11 =	vld [tilespmem:s8+$0xFFFFFFE0];
	v1 =	vand.u32 $0xFFFF0000, v1;
	v2 =	vadd.s32 $0x8000, v10  }
0x45f: {  	v10 =	vld [tilespmem:s8+$0x10];
	[tilespmem:s7+$0xFFFFFFD0] =	vst v1;
	v1 =	vadd.s32 $0x8000, v12;
	v2 =	vand.u32 $0xFFFF0000, v2  }
0x460: {  	v12 =	vld [tilespmem:s8+$0x0];
	v9 =	vadd.s32 $0x8000, v13;
	v1 =	vand.u32 $0xFFFF0000, v1;
	[tilespmem:s7+$0x0] =	vst v2  }
0x461: {  	v13 =	vld [tilespmem:s8+$0xFFFFFFF0];
	v16 =	vand.u32 $0xFFFF0000, v9;
	[tilespmem:s7+$0xFFFFFFF0] =	vst v1  }
0x462: {  	_ = 	snop  }
0x463: {  	v1 =	vadd.s32 $0x8000, v11  }
0x464: {  	[tilespmem:s7+$0xFFFFFFE0] =	vst v16;
	s12 =	sadd.s32 $0x40, s7;
	v1 =	vand.u32 $0xFFFF0000, v1;
	v2 =	vadd.s32 $0x8000, v10  }
0x465: {  	[tilespmem:s12+$0xFFFFFFD0] =	vst v1;
	v1 =	vadd.s32 $0x8000, v12;
	v2 =	vand.u32 $0xFFFF0000, v2  }
0x466: {  	v9 =	vadd.s32 $0x8000, v13;
	v1 =	vand.u32 $0xFFFF0000, v1;
	[tilespmem:s12+$0x0] =	vst v2  }
0x467: {  	v2 =	vand.u32 $0xFFFF0000, v9;
	[tilespmem:s12+$0xFFFFFFF0] =	vst v1  }
0x468: {  	[tilespmem:s12+$0xFFFFFFE0] =	vst v2  }
0x469: {  	v1 =	vld [tilespmem:$0x15F80];
	_ =	sdelay $0x4  }
0x46a: {  	v1 =	vadd.s32 $0x8000, v1  }
0x46b: {  	v1 =	vand.u32 $0xFFFF0000, v1  }
0x46c: {  	[tilespmem:$0x7520] =	vst v1  }
0x46d: {  	_ =	swait.ge [sflag:s22], $0x2710  }
0x46e: {  	[sflag:s22] =	ssyncset.done $0x0  }
0x46f: {  	s8 =	simm.s32 $0x16020;
	s13 =	rddreg [dreg:$0x1e];
	[sflag:s22] =	ssyncadd.s32 $0xFFFFD8F0  }
0x470: {  	[tilespmem:s21], [sflag:$0x3] =	stream.linear.gather [hbm4b:s13+s6], $0x2710, $0x38;
	[tilespmem:$0x1FA80] =	vst v63  }
0x471: {  	v1 =	vld [tilespmem:s8+$0x10]  }
0x472: {  	s7 =	simm.s32 $0x4E50;
	v2 =	vld [tilespmem:s8+$0xFFFFFFF0]  }
0x473: {  	v9 =	vld [tilespmem:s7+$0x0]  }
0x474: {  	v11 =	vld [tilespmem:s8+$0x0]  }
0x475: {  	v13 =	vld [tilespmem:s8+$0xFFFFFFE0]  }
0x476: {  	v10 =	vld [tilespmem:s7+$0xFFFFFFD0];
	v1 =	vadd.s32 $0x8000, v1  }
0x477: {  	v12 =	vld [tilespmem:s7+$0xFFFFFFE0];
	v2 =	vadd.s32 $0x8000, v2;
	v1 =	vshrl.u32 v1, $0x10  }
0x478: {  	s9 =	simm.s32 $0x0;
	s10 =	simm.s32 $0x16060;
	v16 =	vld [tilespmem:s7+$0xFFFFFFF0];
	s8 =	simm.s32 $0x4E50;
	v17 =	vshrl.u32 v2, $0x10;
	v18 =	vor.u32 v9, v1  }
.LBB2_53:
0x479: {  	v1 =	vld [tilespmem:s10+$0x10];
	s9 =	sadd.s32 $0x4, s9;
	v2 =	vadd.s32 $0x8000, v11;
	[tilespmem:s7+$0x0] =	vst v18  }
0x47a: {  	s7 =	sadd.s32 $0x40, s7;
	v9 =	vld [tilespmem:s10+$0xFFFFFFF0];
	p0 =	slt.u32 s9, $0x26C;
	v11 =	vadd.s32 $0x8000, v13;
	v2 =	vshrl.u32 v2, $0x10  }
0x47b: {  	v18 =	vld [tilespmem:s7+$0x0];
	v13 =	vshrl.u32 v11, $0x10  }
.Ltmp28:
0x47c: {  	v11 =	vld [tilespmem:s10+$0x0];
	v10 =	vor.u32 v10, v13;
	v12 =	vor.u32 v12, v17;
	(pc) =	sbr.rel @p0 .LBB2_53-.Ltmp28, $4  }
0x47d: {  	v13 =	vld [tilespmem:s10+$0xFFFFFFE0];
	[tilespmem:s8+$0xFFFFFFD0] =	vst v10;
	v2 =	vor.u32 v16, v2  }
0x47e: {  	v10 =	vld [tilespmem:s7+$0xFFFFFFD0];
	v1 =	vadd.s32 $0x8000, v1;
	[tilespmem:s8+$0xFFFFFFE0] =	vst v12  }
0x47f: {  	v9 =	vadd.s32 $0x8000, v9;
	v12 =	vld [tilespmem:s7+$0xFFFFFFE0];
	v1 =	vshrl.u32 v1, $0x10;
	[tilespmem:s8+$0xFFFFFFF0] =	vst v2;
	s8 =	smov.u32 s7  }
0x480: {  	s10 =	sadd.s32 $0x40, s10;
	v17 =	vshrl.u32 v9, $0x10;
	v16 =	vld [tilespmem:s7+$0xFFFFFFF0];
	v18 =	vor.u32 v18, v1  }
0x481: {  	_ = 	snop  }
0x482: {  	v1 =	vadd.s32 $0x8000, v13  }
0x483: {  	v1 =	vshrl.u32 v1, $0x10  }
0x484: {  	v2 =	vadd.s32 $0x8000, v11;
	[tilespmem:s7+$0x0] =	vst v18;
	v1 =	vor.u32 v10, v1  }
0x485: {  	v2 =	vshrl.u32 v2, $0x10;
	v9 =	vor.u32 v12, v17;
	[tilespmem:s8+$0xFFFFFFD0] =	vst v1  }
0x486: {  	v1 =	vor.u32 v16, v2;
	[tilespmem:s8+$0xFFFFFFE0] =	vst v9  }
0x487: {  	[tilespmem:s8+$0xFFFFFFF0] =	vst v1  }
0x488: {  	v1 =	vld [tilespmem:$0x18700];
	_ =	sdelay $0x1  }
0x489: {  	v2 =	vld [tilespmem:$0x7520];
	_ =	sdelay $0x2  }
0x48a: {  	v1 =	vadd.s32 $0x8000, v1  }
0x48b: {  	v1 =	vshrl.u32 v1, $0x10  }
0x48c: {  	v1 =	vor.u32 v2, v1  }
0x48d: {  	[tilespmem:$0x7520] =	vst v1  }
0x48e: {  	_ =	swait.ge [sflag:s22], $0x2710  }
0x48f: {  	[sflag:s22] =	ssyncset.done $0x0  }
0x490: {  	s13 =	simm.s32 $0x138A0;
	s12 =	rddreg [dreg:$0x1f];
	[sflag:s22] =	ssyncadd.s32 $0xFFFFD8F0  }
0x491: {  	[tilespmem:s23], [sflag:$0x3] =	stream.linear.gather [hbm4b:s12+s6], $0x2710, $0x38;
	[tilespmem:$0x1FA80] =	vst v63  }
0x492: {  	v1 =	vld [tilespmem:s13+$0xFFFFFFE0]  }
0x493: {  	v2 =	vld [tilespmem:s13+$0x10]  }
0x494: {  	v9 =	vld [tilespmem:s13+$0x0]  }
0x495: {  	v13 =	vld [tilespmem:s13+$0xFFFFFFF0];
	_ =	sdelay $0x1  }
0x496: {  	s8 =	simm.s32 $0x138E0;
	v1 =	vadd.s32 $0x8000, v1  }
0x497: {  	s7 =	simm.s32 $0x7560;
	v11 =	vld [tilespmem:s8+$0xFFFFFFE0];
	v2 =	vadd.s32 $0x8000, v2;
	v1 =	vand.u32 $0xFFFF0000, v1  }
0x498: {  	v10 =	vld [tilespmem:s8+$0x10];
	v2 =	vand.u32 $0xFFFF0000, v2;
	[tilespmem:s7+$0xFFFFFFD0] =	vst v1;
	v1 =	vadd.s32 $0x8000, v9  }
0x499: {  	v12 =	vld [tilespmem:s8+$0x0];
	v9 =	vadd.s32 $0x8000, v13;
	[tilespmem:s7+$0x0] =	vst v2;
	v1 =	vand.u32 $0xFFFF0000, v1  }
0x49a: {  	s9 =	simm.s32 $0x4;
	v13 =	vld [tilespmem:s8+$0xFFFFFFF0];
	v16 =	vand.u32 $0xFFFF0000, v9;
	[tilespmem:s7+$0xFFFFFFF0] =	vst v1  }
.LBB2_55:
0x49b: {  	s9 =	sadd.s32 $0x4, s9  }
0x49c: {  	[tilespmem:s7+$0xFFFFFFE0] =	vst v16;
	s7 =	sadd.s32 $0x40, s7;
	p0 =	slt.u32 s9, $0x26C  }
.Ltmp29:
0x49d: {  	s8 =	sadd.s32 $0x40, s8;
	v1 =	vadd.s32 $0x8000, v11;
	(pc) =	sbr.rel @p0 .LBB2_55-.Ltmp29, $4  }
0x49e: {  	v11 =	vld [tilespmem:s8+$0xFFFFFFE0];
	v1 =	vand.u32 $0xFFFF0000, v1;
	v2 =	vadd.s32 $0x8000, v10  }
0x49f: {  	v10 =	vld [tilespmem:s8+$0x10];
	[tilespmem:s7+$0xFFFFFFD0] =	vst v1;
	v1 =	vadd.s32 $0x8000, v12;
	v2 =	vand.u32 $0xFFFF0000, v2  }
0x4a0: {  	v12 =	vld [tilespmem:s8+$0x0];
	v9 =	vadd.s32 $0x8000, v13;
	v1 =	vand.u32 $0xFFFF0000, v1;
	[tilespmem:s7+$0x0] =	vst v2  }
0x4a1: {  	v13 =	vld [tilespmem:s8+$0xFFFFFFF0];
	v16 =	vand.u32 $0xFFFF0000, v9;
	[tilespmem:s7+$0xFFFFFFF0] =	vst v1  }
0x4a2: {  	_ = 	snop  }
0x4a3: {  	v1 =	vadd.s32 $0x8000, v11  }
0x4a4: {  	[tilespmem:s7+$0xFFFFFFE0] =	vst v16;
	s12 =	sadd.s32 $0x40, s7;
	v1 =	vand.u32 $0xFFFF0000, v1;
	v2 =	vadd.s32 $0x8000, v10  }
0x4a5: {  	[tilespmem:s12+$0xFFFFFFD0] =	vst v1;
	v1 =	vadd.s32 $0x8000, v12;
	v2 =	vand.u32 $0xFFFF0000, v2  }
0x4a6: {  	v9 =	vadd.s32 $0x8000, v13;
	v1 =	vand.u32 $0xFFFF0000, v1;
	[tilespmem:s12+$0x0] =	vst v2  }
0x4a7: {  	v2 =	vand.u32 $0xFFFF0000, v9;
	[tilespmem:s12+$0xFFFFFFF0] =	vst v1  }
0x4a8: {  	[tilespmem:s12+$0xFFFFFFE0] =	vst v2  }
0x4a9: {  	v1 =	vld [tilespmem:$0x15F80];
	_ =	sdelay $0x4  }
0x4aa: {  	v1 =	vadd.s32 $0x8000, v1  }
0x4ab: {  	v1 =	vand.u32 $0xFFFF0000, v1  }
0x4ac: {  	[tilespmem:$0x9C30] =	vst v1  }
0x4ad: {  	_ =	swait.ge [sflag:s22], $0x2710  }
0x4ae: {  	s13 =	sld [smem:$0x7F5]  }
0x4af: {  	[sflag:s22] =	ssyncset.done $0x0  }
0x4b0: {  	s8 =	simm.s32 $0x16020;
	[sflag:s22] =	ssyncadd.s32 $0xFFFFD8F0  }
0x4b1: {  	[tilespmem:s21], [sflag:$0x3] =	stream.linear.gather [hbm4b:s13+s6], $0x2710, $0x38;
	[tilespmem:$0x1FA80] =	vst v63  }
0x4b2: {  	v1 =	vld [tilespmem:s8+$0x10]  }
0x4b3: {  	s7 =	simm.s32 $0x7560;
	v2 =	vld [tilespmem:s8+$0xFFFFFFF0]  }
0x4b4: {  	v9 =	vld [tilespmem:s7+$0x0]  }
0x4b5: {  	v11 =	vld [tilespmem:s8+$0x0]  }
0x4b6: {  	v13 =	vld [tilespmem:s8+$0xFFFFFFE0]  }
0x4b7: {  	v10 =	vld [tilespmem:s7+$0xFFFFFFD0];
	v1 =	vadd.s32 $0x8000, v1  }
0x4b8: {  	v12 =	vld [tilespmem:s7+$0xFFFFFFE0];
	v2 =	vadd.s32 $0x8000, v2;
	v1 =	vshrl.u32 v1, $0x10  }
0x4b9: {  	s9 =	simm.s32 $0x0;
	s10 =	simm.s32 $0x16060;
	v16 =	vld [tilespmem:s7+$0xFFFFFFF0];
	s8 =	simm.s32 $0x7560;
	v17 =	vshrl.u32 v2, $0x10;
	v18 =	vor.u32 v9, v1  }
.LBB2_57:
0x4ba: {  	v1 =	vld [tilespmem:s10+$0x10];
	s9 =	sadd.s32 $0x4, s9;
	v2 =	vadd.s32 $0x8000, v11;
	[tilespmem:s7+$0x0] =	vst v18  }
0x4bb: {  	s7 =	sadd.s32 $0x40, s7;
	v9 =	vld [tilespmem:s10+$0xFFFFFFF0];
	p0 =	slt.u32 s9, $0x26C;
	v11 =	vadd.s32 $0x8000, v13;
	v2 =	vshrl.u32 v2, $0x10  }
0x4bc: {  	v18 =	vld [tilespmem:s7+$0x0];
	v13 =	vshrl.u32 v11, $0x10  }
.Ltmp30:
0x4bd: {  	v11 =	vld [tilespmem:s10+$0x0];
	v10 =	vor.u32 v10, v13;
	v12 =	vor.u32 v12, v17;
	(pc) =	sbr.rel @p0 .LBB2_57-.Ltmp30, $4  }
0x4be: {  	v13 =	vld [tilespmem:s10+$0xFFFFFFE0];
	[tilespmem:s8+$0xFFFFFFD0] =	vst v10;
	v2 =	vor.u32 v16, v2  }
0x4bf: {  	v10 =	vld [tilespmem:s7+$0xFFFFFFD0];
	v1 =	vadd.s32 $0x8000, v1;
	[tilespmem:s8+$0xFFFFFFE0] =	vst v12  }
0x4c0: {  	v9 =	vadd.s32 $0x8000, v9;
	v12 =	vld [tilespmem:s7+$0xFFFFFFE0];
	v1 =	vshrl.u32 v1, $0x10;
	[tilespmem:s8+$0xFFFFFFF0] =	vst v2;
	s8 =	smov.u32 s7  }
0x4c1: {  	s10 =	sadd.s32 $0x40, s10;
	v17 =	vshrl.u32 v9, $0x10;
	v16 =	vld [tilespmem:s7+$0xFFFFFFF0];
	v18 =	vor.u32 v18, v1  }
0x4c2: {  	_ = 	snop  }
0x4c3: {  	v1 =	vadd.s32 $0x8000, v13  }
0x4c4: {  	v1 =	vshrl.u32 v1, $0x10  }
0x4c5: {  	v2 =	vadd.s32 $0x8000, v11;
	[tilespmem:s7+$0x0] =	vst v18;
	v1 =	vor.u32 v10, v1  }
0x4c6: {  	v2 =	vshrl.u32 v2, $0x10;
	v9 =	vor.u32 v12, v17;
	[tilespmem:s8+$0xFFFFFFD0] =	vst v1  }
0x4c7: {  	v1 =	vor.u32 v16, v2;
	[tilespmem:s8+$0xFFFFFFE0] =	vst v9  }
0x4c8: {  	[tilespmem:s8+$0xFFFFFFF0] =	vst v1  }
0x4c9: {  	v1 =	vld [tilespmem:$0x18700];
	_ =	sdelay $0x1  }
0x4ca: {  	v2 =	vld [tilespmem:$0x9C30];
	_ =	sdelay $0x2  }
0x4cb: {  	v1 =	vadd.s32 $0x8000, v1  }
0x4cc: {  	v1 =	vshrl.u32 v1, $0x10  }
0x4cd: {  	v1 =	vor.u32 v2, v1  }
0x4ce: {  	[tilespmem:$0x9C30] =	vst v1  }
0x4cf: {  	_ =	swait.ge [sflag:s22], $0x2710  }
0x4d0: {  	s12 =	sld [smem:$0x7F6]  }
0x4d1: {  	[sflag:s22] =	ssyncset.done $0x0  }
0x4d2: {  	s13 =	simm.s32 $0x138A0;
	[sflag:s22] =	ssyncadd.s32 $0xFFFFD8F0  }
0x4d3: {  	[tilespmem:s23], [sflag:$0x3] =	stream.linear.gather [hbm4b:s12+s6], $0x2710, $0x38;
	[tilespmem:$0x1FA80] =	vst v63  }
0x4d4: {  	v1 =	vld [tilespmem:s13+$0xFFFFFFE0]  }
0x4d5: {  	v2 =	vld [tilespmem:s13+$0x10]  }
0x4d6: {  	v9 =	vld [tilespmem:s13+$0x0]  }
0x4d7: {  	v13 =	vld [tilespmem:s13+$0xFFFFFFF0];
	_ =	sdelay $0x1  }
0x4d8: {  	s8 =	simm.s32 $0x138E0;
	v1 =	vadd.s32 $0x8000, v1  }
0x4d9: {  	s7 =	simm.s32 $0x9C70;
	v11 =	vld [tilespmem:s8+$0xFFFFFFE0];
	v2 =	vadd.s32 $0x8000, v2;
	v1 =	vand.u32 $0xFFFF0000, v1  }
0x4da: {  	v10 =	vld [tilespmem:s8+$0x10];
	v2 =	vand.u32 $0xFFFF0000, v2;
	[tilespmem:s7+$0xFFFFFFD0] =	vst v1;
	v1 =	vadd.s32 $0x8000, v9  }
0x4db: {  	v12 =	vld [tilespmem:s8+$0x0];
	v9 =	vadd.s32 $0x8000, v13;
	[tilespmem:s7+$0x0] =	vst v2;
	v1 =	vand.u32 $0xFFFF0000, v1  }
0x4dc: {  	s9 =	simm.s32 $0x4;
	v13 =	vld [tilespmem:s8+$0xFFFFFFF0];
	v16 =	vand.u32 $0xFFFF0000, v9;
	[tilespmem:s7+$0xFFFFFFF0] =	vst v1  }
.LBB2_59:
0x4dd: {  	s9 =	sadd.s32 $0x4, s9  }
0x4de: {  	[tilespmem:s7+$0xFFFFFFE0] =	vst v16;
	s7 =	sadd.s32 $0x40, s7;
	p0 =	slt.u32 s9, $0x26C  }
.Ltmp31:
0x4df: {  	s8 =	sadd.s32 $0x40, s8;
	v1 =	vadd.s32 $0x8000, v11;
	(pc) =	sbr.rel @p0 .LBB2_59-.Ltmp31, $4  }
0x4e0: {  	v11 =	vld [tilespmem:s8+$0xFFFFFFE0];
	v1 =	vand.u32 $0xFFFF0000, v1;
	v2 =	vadd.s32 $0x8000, v10  }
0x4e1: {  	v10 =	vld [tilespmem:s8+$0x10];
	[tilespmem:s7+$0xFFFFFFD0] =	vst v1;
	v1 =	vadd.s32 $0x8000, v12;
	v2 =	vand.u32 $0xFFFF0000, v2  }
0x4e2: {  	v12 =	vld [tilespmem:s8+$0x0];
	v9 =	vadd.s32 $0x8000, v13;
	v1 =	vand.u32 $0xFFFF0000, v1;
	[tilespmem:s7+$0x0] =	vst v2  }
0x4e3: {  	v13 =	vld [tilespmem:s8+$0xFFFFFFF0];
	v16 =	vand.u32 $0xFFFF0000, v9;
	[tilespmem:s7+$0xFFFFFFF0] =	vst v1  }
0x4e4: {  	_ = 	snop  }
0x4e5: {  	v1 =	vadd.s32 $0x8000, v11  }
0x4e6: {  	[tilespmem:s7+$0xFFFFFFE0] =	vst v16;
	s12 =	sadd.s32 $0x40, s7;
	v1 =	vand.u32 $0xFFFF0000, v1;
	v2 =	vadd.s32 $0x8000, v10  }
0x4e7: {  	[tilespmem:s12+$0xFFFFFFD0] =	vst v1;
	v1 =	vadd.s32 $0x8000, v12;
	v2 =	vand.u32 $0xFFFF0000, v2  }
0x4e8: {  	v9 =	vadd.s32 $0x8000, v13;
	v1 =	vand.u32 $0xFFFF0000, v1;
	[tilespmem:s12+$0x0] =	vst v2  }
0x4e9: {  	v2 =	vand.u32 $0xFFFF0000, v9;
	[tilespmem:s12+$0xFFFFFFF0] =	vst v1  }
0x4ea: {  	[tilespmem:s12+$0xFFFFFFE0] =	vst v2  }
0x4eb: {  	v1 =	vld [tilespmem:$0x15F80];
	_ =	sdelay $0x4  }
0x4ec: {  	v1 =	vadd.s32 $0x8000, v1  }
0x4ed: {  	v1 =	vand.u32 $0xFFFF0000, v1  }
0x4ee: {  	[tilespmem:$0xC340] =	vst v1  }
0x4ef: {  	_ =	swait.ge [sflag:s22], $0x2710  }
0x4f0: {  	s13 =	sld [smem:$0x7F7]  }
0x4f1: {  	[sflag:s22] =	ssyncset.done $0x0  }
0x4f2: {  	s8 =	simm.s32 $0x16020;
	[sflag:s22] =	ssyncadd.s32 $0xFFFFD8F0  }
0x4f3: {  	[tilespmem:s21], [sflag:$0x3] =	stream.linear.gather [hbm4b:s13+s6], $0x2710, $0x38;
	[tilespmem:$0x1FA80] =	vst v63  }
0x4f4: {  	v1 =	vld [tilespmem:s8+$0x10]  }
0x4f5: {  	s7 =	simm.s32 $0x9C70;
	v2 =	vld [tilespmem:s8+$0xFFFFFFF0]  }
0x4f6: {  	v9 =	vld [tilespmem:s7+$0x0]  }
0x4f7: {  	v11 =	vld [tilespmem:s8+$0x0]  }
0x4f8: {  	v13 =	vld [tilespmem:s8+$0xFFFFFFE0]  }
0x4f9: {  	v10 =	vld [tilespmem:s7+$0xFFFFFFD0];
	v1 =	vadd.s32 $0x8000, v1  }
0x4fa: {  	v12 =	vld [tilespmem:s7+$0xFFFFFFE0];
	v2 =	vadd.s32 $0x8000, v2;
	v1 =	vshrl.u32 v1, $0x10  }
0x4fb: {  	s9 =	simm.s32 $0x0;
	s10 =	simm.s32 $0x16060;
	v16 =	vld [tilespmem:s7+$0xFFFFFFF0];
	s8 =	simm.s32 $0x9C70;
	v17 =	vshrl.u32 v2, $0x10;
	v18 =	vor.u32 v9, v1  }
.LBB2_61:
0x4fc: {  	v1 =	vld [tilespmem:s10+$0x10];
	s9 =	sadd.s32 $0x4, s9;
	v2 =	vadd.s32 $0x8000, v11;
	[tilespmem:s7+$0x0] =	vst v18  }
0x4fd: {  	s7 =	sadd.s32 $0x40, s7;
	v9 =	vld [tilespmem:s10+$0xFFFFFFF0];
	p0 =	slt.u32 s9, $0x26C;
	v11 =	vadd.s32 $0x8000, v13;
	v2 =	vshrl.u32 v2, $0x10  }
0x4fe: {  	v18 =	vld [tilespmem:s7+$0x0];
	v13 =	vshrl.u32 v11, $0x10  }
.Ltmp32:
0x4ff: {  	v11 =	vld [tilespmem:s10+$0x0];
	v10 =	vor.u32 v10, v13;
	v12 =	vor.u32 v12, v17;
	(pc) =	sbr.rel @p0 .LBB2_61-.Ltmp32, $4  }
0x500: {  	v13 =	vld [tilespmem:s10+$0xFFFFFFE0];
	[tilespmem:s8+$0xFFFFFFD0] =	vst v10;
	v2 =	vor.u32 v16, v2  }
0x501: {  	v10 =	vld [tilespmem:s7+$0xFFFFFFD0];
	v1 =	vadd.s32 $0x8000, v1;
	[tilespmem:s8+$0xFFFFFFE0] =	vst v12  }
0x502: {  	v9 =	vadd.s32 $0x8000, v9;
	v12 =	vld [tilespmem:s7+$0xFFFFFFE0];
	v1 =	vshrl.u32 v1, $0x10;
	[tilespmem:s8+$0xFFFFFFF0] =	vst v2;
	s8 =	smov.u32 s7  }
0x503: {  	s10 =	sadd.s32 $0x40, s10;
	v17 =	vshrl.u32 v9, $0x10;
	v16 =	vld [tilespmem:s7+$0xFFFFFFF0];
	v18 =	vor.u32 v18, v1  }
0x504: {  	_ = 	snop  }
0x505: {  	v1 =	vadd.s32 $0x8000, v13  }
0x506: {  	v1 =	vshrl.u32 v1, $0x10  }
0x507: {  	v2 =	vadd.s32 $0x8000, v11;
	[tilespmem:s7+$0x0] =	vst v18;
	v1 =	vor.u32 v10, v1  }
0x508: {  	v2 =	vshrl.u32 v2, $0x10;
	v9 =	vor.u32 v12, v17;
	[tilespmem:s8+$0xFFFFFFD0] =	vst v1  }
0x509: {  	v1 =	vor.u32 v16, v2;
	[tilespmem:s8+$0xFFFFFFE0] =	vst v9  }
0x50a: {  	[tilespmem:s8+$0xFFFFFFF0] =	vst v1  }
0x50b: {  	v1 =	vld [tilespmem:$0x18700];
	_ =	sdelay $0x1  }
0x50c: {  	v2 =	vld [tilespmem:$0xC340];
	_ =	sdelay $0x2  }
0x50d: {  	v1 =	vadd.s32 $0x8000, v1  }
0x50e: {  	v1 =	vshrl.u32 v1, $0x10  }
0x50f: {  	v1 =	vor.u32 v2, v1  }
0x510: {  	[tilespmem:$0xC340] =	vst v1  }
0x511: {  	_ =	swait.ge [sflag:s22], $0x2710  }
0x512: {  	s12 =	sld [smem:$0x7F8]  }
0x513: {  	[sflag:s22] =	ssyncset.done $0x0  }
0x514: {  	s7 =	simm.s32 $0x0;
	s13 =	simm.s32 $0x138A0;
	[sflag:s22] =	ssyncadd.s32 $0xFFFFD8F0  }
0x515: {  	[tilespmem:s23], [sflag:$0x3] =	stream.linear.gather [hbm4b:s12+s7], $0x2710, $0x38;
	[tilespmem:$0x1FA80] =	vst v63  }
0x516: {  	v1 =	vld [tilespmem:s13+$0xFFFFFFE0]  }
0x517: {  	v2 =	vld [tilespmem:s13+$0x10]  }
0x518: {  	v9 =	vld [tilespmem:s13+$0x0]  }
0x519: {  	v13 =	vld [tilespmem:s13+$0xFFFFFFF0];
	_ =	sdelay $0x1  }
0x51a: {  	s9 =	simm.s32 $0x138E0;
	v1 =	vadd.s32 $0x8000, v1  }
0x51b: {  	s8 =	simm.s32 $0xC370;
	v11 =	vld [tilespmem:s9+$0xFFFFFFE0];
	v2 =	vadd.s32 $0x8000, v2;
	v1 =	vand.u32 $0xFFFF0000, v1  }
0x51c: {  	s10 =	sand.u32 $0x3FC0, s7;
	v10 =	vld [tilespmem:s9+$0x10];
	v2 =	vand.u32 $0xFFFF0000, v2;
	[tilespmem:s8+$0xFFFFFFE0] =	vst v1;
	v1 =	vadd.s32 $0x8000, v9  }
0x51d: {  	v12 =	vld [tilespmem:s9+$0x0];
	v9 =	vadd.s32 $0x8000, v13;
	[tilespmem:s10+$0xC380] =	vst v2;
	v1 =	vand.u32 $0xFFFF0000, v1  }
0x51e: {  	s10 =	simm.s32 $0x4;
	v13 =	vld [tilespmem:s9+$0xFFFFFFF0];
	v16 =	vand.u32 $0xFFFF0000, v9;
	[tilespmem:s8+$0x0] =	vst v1  }
.LBB2_63:
0x51f: {  	s10 =	sadd.s32 $0x4, s10  }
0x520: {  	[tilespmem:s8+$0xFFFFFFF0] =	vst v16;
	s7 =	sadd.s32 $0x40, s7;
	s8 =	sadd.s32 $0x40, s8;
	p0 =	slt.u32 s10, $0x26C  }
.Ltmp33:
0x521: {  	s9 =	sadd.s32 $0x40, s9;
	v1 =	vadd.s32 $0x8000, v11;
	(pc) =	sbr.rel @p0 .LBB2_63-.Ltmp33, $4  }
0x522: {  	v11 =	vld [tilespmem:s9+$0xFFFFFFE0];
	v1 =	vand.u32 $0xFFFF0000, v1;
	v2 =	vadd.s32 $0x8000, v10  }
0x523: {  	s11 =	sand.u32 $0x3FC0, s7;
	v10 =	vld [tilespmem:s9+$0x10];
	[tilespmem:s8+$0xFFFFFFE0] =	vst v1;
	v1 =	vadd.s32 $0x8000, v12;
	v2 =	vand.u32 $0xFFFF0000, v2  }
0x524: {  	v12 =	vld [tilespmem:s9+$0x0];
	v9 =	vadd.s32 $0x8000, v13;
	v1 =	vand.u32 $0xFFFF0000, v1;
	[tilespmem:s11+$0xC380] =	vst v2  }
0x525: {  	v13 =	vld [tilespmem:s9+$0xFFFFFFF0];
	v16 =	vand.u32 $0xFFFF0000, v9;
	[tilespmem:s8+$0x0] =	vst v1  }
0x526: {  	_ = 	snop  }
0x527: {  	v1 =	vadd.s32 $0x8000, v11  }
0x528: {  	[tilespmem:s8+$0xFFFFFFF0] =	vst v16;
	s7 =	sadd.s32 $0x40, s7;
	s12 =	sadd.s32 $0x40, s8;
	v1 =	vand.u32 $0xFFFF0000, v1;
	v2 =	vadd.s32 $0x8000, v10  }
0x529: {  	s7 =	sand.u32 $0x3FC0, s7;
	[tilespmem:s12+$0xFFFFFFE0] =	vst v1;
	v1 =	vadd.s32 $0x8000, v12;
	v2 =	vand.u32 $0xFFFF0000, v2  }
0x52a: {  	v9 =	vadd.s32 $0x8000, v13;
	v1 =	vand.u32 $0xFFFF0000, v1;
	[tilespmem:s7+$0xC380] =	vst v2  }
0x52b: {  	v2 =	vand.u32 $0xFFFF0000, v9;
	[tilespmem:s12+$0x0] =	vst v1  }
0x52c: {  	[tilespmem:s12+$0xFFFFFFF0] =	vst v2  }
0x52d: {  	v1 =	vld [tilespmem:$0x15F80];
	_ =	sdelay $0x4  }
0x52e: {  	v1 =	vadd.s32 $0x8000, v1  }
0x52f: {  	v1 =	vand.u32 $0xFFFF0000, v1  }
0x530: {  	[tilespmem:$0xEA50] =	vst v1  }
0x531: {  	_ =	swait.ge [sflag:s22], $0x2710  }
0x532: {  	s13 =	sld [smem:$0x7F9]  }
0x533: {  	[sflag:s22] =	ssyncset.done $0x0  }
0x534: {  	s8 =	simm.s32 $0x0;
	s7 =	simm.s32 $0xC370;
	[sflag:s22] =	ssyncadd.s32 $0xFFFFD8F0  }
0x535: {  	[tilespmem:s21], [sflag:$0x3] =	stream.linear.gather [hbm4b:s13+s8], $0x2710, $0x38;
	[tilespmem:$0x1FA80] =	vst v63  }
0x536: {  	s9 =	simm.s32 $0x16020;
	v16 =	vld [tilespmem:s7+$0xFFFFFFF0]  }
0x537: {  	v1 =	vld [tilespmem:s9+$0x10]  }
0x538: {  	s10 =	sand.u32 $0x3FC0, s8;
	v2 =	vld [tilespmem:s9+$0xFFFFFFF0]  }
0x539: {  	v17 =	vld [tilespmem:s10+$0xC380]  }
0x53a: {  	v13 =	vld [tilespmem:s9+$0x0]  }
0x53b: {  	v12 =	vld [tilespmem:s9+$0xFFFFFFE0]  }
0x53c: {  	v10 =	vld [tilespmem:s7+$0x0];
	v1 =	vadd.s32 $0x8000, v1  }
0x53d: {  	s11 =	simm.s32 $0x0;
	s12 =	simm.s32 $0xC3B0;
	v11 =	vld [tilespmem:s7+$0xFFFFFFE0];
	v18 =	vadd.s32 $0x8000, v2;
	v19 =	vshrl.u32 v1, $0x10  }
.LBB2_65:
0x53e: {  	v1 =	vld [tilespmem:s12+$0xFFFFFFF0];
	v2 =	vshrl.u32 v18, $0x10;
	v9 =	vor.u32 v17, v19;
	s9 =	sadd.s32 $0x40, s9  }
0x53f: {  	s11 =	sadd.s32 $0x4, s11;
	s8 =	sadd.s32 $0x40, s8;
	v18 =	vld [tilespmem:s9+$0x10];
	v2 =	vor.u32 v16, v2;
	v13 =	vadd.s32 $0x8000, v13;
	[tilespmem:s10+$0xC380] =	vst v9  }
0x540: {  	s10 =	sand.u32 $0x3FC0, s8;
	p0 =	slt.u32 s11, $0x26C;
	v9 =	vld [tilespmem:s9+$0xFFFFFFF0];
	v12 =	vadd.s32 $0x8000, v12;
	[tilespmem:s7+$0xFFFFFFF0] =	vst v2;
	v2 =	vshrl.u32 v13, $0x10  }
.Ltmp34:
0x541: {  	v17 =	vld [tilespmem:s10+$0xC380];
	v12 =	vshrl.u32 v12, $0x10;
	v2 =	vor.u32 v10, v2;
	(pc) =	sbr.rel @p0 .LBB2_65-.Ltmp34, $4  }
0x542: {  	v13 =	vld [tilespmem:s9+$0x0];
	v10 =	vor.u32 v11, v12;
	[tilespmem:s7+$0x0] =	vst v2  }
0x543: {  	v12 =	vld [tilespmem:s9+$0xFFFFFFE0];
	[tilespmem:s7+$0xFFFFFFE0] =	vst v10;
	v16 =	vmov v1;
	s7 =	smov.u32 s12  }
0x544: {  	v10 =	vld [tilespmem:s12+$0x0];
	v1 =	vadd.s32 $0x8000, v18  }
0x545: {  	s12 =	sadd.s32 $0x40, s12;
	v11 =	vld [tilespmem:s7+$0xFFFFFFE0];
	v18 =	vadd.s32 $0x8000, v9;
	v19 =	vshrl.u32 v1, $0x10  }
0x546: {  	_ = 	snop  }
0x547: {  	v1 =	vshrl.u32 v18, $0x10;
	v2 =	vor.u32 v17, v19;
	v9 =	vadd.s32 $0x8000, v13  }
0x548: {  	v1 =	vor.u32 v16, v1;
	[tilespmem:s10+$0xC380] =	vst v2;
	v2 =	vadd.s32 $0x8000, v12;
	v9 =	vshrl.u32 v9, $0x10  }
0x549: {  	[tilespmem:s7+$0xFFFFFFF0] =	vst v1;
	v1 =	vshrl.u32 v2, $0x10;
	v2 =	vor.u32 v10, v9  }
0x54a: {  	v1 =	vor.u32 v11, v1;
	[tilespmem:s7+$0x0] =	vst v2  }
0x54b: {  	[tilespmem:s7+$0xFFFFFFE0] =	vst v1  }
0x54c: {  	v1 =	vld [tilespmem:$0x18700];
	_ =	sdelay $0x1  }
0x54d: {  	v2 =	vld [tilespmem:$0xEA50];
	_ =	sdelay $0x2  }
0x54e: {  	v1 =	vadd.s32 $0x8000, v1  }
0x54f: {  	v1 =	vshrl.u32 v1, $0x10  }
0x550: {  	v1 =	vor.u32 v2, v1  }
0x551: {  	[tilespmem:$0xEA50] =	vst v1  }
0x552: {  	_ =	swait.ge [sflag:s22], $0x2710  }
0x553: {  	s8 =	sld [smem:$0x7FA]  }
0x554: {  	[sflag:s22] =	ssyncset.done $0x0  }
0x555: {  	s13 =	simm.s32 $0x138A0;
	s7 =	simm.s32 $0x0;
	[sflag:s22] =	ssyncadd.s32 $0xFFFFD8F0  }
0x556: {  	[tilespmem:s23], [sflag:$0x3] =	stream.linear.gather [hbm4b:s8+s7], $0x2710, $0x38;
	[tilespmem:$0x1FA80] =	vst v63  }
0x557: {  	v1 =	vld [tilespmem:s13+$0xFFFFFFE0]  }
0x558: {  	v2 =	vld [tilespmem:s13+$0x10]  }
0x559: {  	v9 =	vld [tilespmem:s13+$0x0]  }
0x55a: {  	v13 =	vld [tilespmem:s13+$0xFFFFFFF0];
	_ =	sdelay $0x1  }
0x55b: {  	s9 =	simm.s32 $0x138E0;
	v1 =	vadd.s32 $0x8000, v1  }
0x55c: {  	s8 =	simm.s32 $0xEA90;
	v11 =	vld [tilespmem:s9+$0xFFFFFFE0];
	v2 =	vadd.s32 $0x8000, v2;
	v1 =	vand.u32 $0xFFFF0000, v1  }
0x55d: {  	v10 =	vld [tilespmem:s9+$0x10];
	v2 =	vand.u32 $0xFFFF0000, v2;
	[tilespmem:s8+$0xFFFFFFD0] =	vst v1;
	v1 =	vadd.s32 $0x8000, v9  }
0x55e: {  	s11 =	sand.u32 $0x3FC0, s7;
	v12 =	vld [tilespmem:s9+$0x0];
	v9 =	vadd.s32 $0x8000, v13;
	[tilespmem:s8+$0x0] =	vst v2;
	v1 =	vand.u32 $0xFFFF0000, v1  }
0x55f: {  	s10 =	simm.s32 $0x4;
	v13 =	vld [tilespmem:s9+$0xFFFFFFF0];
	v16 =	vand.u32 $0xFFFF0000, v9;
	[tilespmem:s11+$0xEA80] =	vst v1  }
.LBB2_67:
0x560: {  	s10 =	sadd.s32 $0x4, s10  }
0x561: {  	[tilespmem:s8+$0xFFFFFFE0] =	vst v16;
	s7 =	sadd.s32 $0x40, s7;
	s8 =	sadd.s32 $0x40, s8;
	p0 =	slt.u32 s10, $0x26C  }
.Ltmp35:
0x562: {  	s9 =	sadd.s32 $0x40, s9;
	v1 =	vadd.s32 $0x8000, v11;
	(pc) =	sbr.rel @p0 .LBB2_67-.Ltmp35, $4  }
0x563: {  	v11 =	vld [tilespmem:s9+$0xFFFFFFE0];
	v1 =	vand.u32 $0xFFFF0000, v1;
	v2 =	vadd.s32 $0x8000, v10  }
0x564: {  	v10 =	vld [tilespmem:s9+$0x10];
	[tilespmem:s8+$0xFFFFFFD0] =	vst v1;
	v1 =	vadd.s32 $0x8000, v12;
	v2 =	vand.u32 $0xFFFF0000, v2  }
0x565: {  	s11 =	sand.u32 $0x3FC0, s7;
	v12 =	vld [tilespmem:s9+$0x0];
	v9 =	vadd.s32 $0x8000, v13;
	v1 =	vand.u32 $0xFFFF0000, v1;
	[tilespmem:s8+$0x0] =	vst v2  }
0x566: {  	v13 =	vld [tilespmem:s9+$0xFFFFFFF0];
	v16 =	vand.u32 $0xFFFF0000, v9;
	[tilespmem:s11+$0xEA80] =	vst v1  }
0x567: {  	_ = 	snop  }
0x568: {  	v1 =	vadd.s32 $0x8000, v11  }
0x569: {  	[tilespmem:s8+$0xFFFFFFE0] =	vst v16;
	s11 =	sadd.s32 $0x40, s8;
	v1 =	vand.u32 $0xFFFF0000, v1;
	v2 =	vadd.s32 $0x8000, v10  }
0x56a: {  	s7 =	sadd.s32 $0x40, s7;
	[tilespmem:s11+$0xFFFFFFD0] =	vst v1;
	v1 =	vadd.s32 $0x8000, v12;
	v2 =	vand.u32 $0xFFFF0000, v2  }
0x56b: {  	s7 =	sand.u32 $0x3FC0, s7;
	v9 =	vadd.s32 $0x8000, v13;
	v1 =	vand.u32 $0xFFFF0000, v1;
	[tilespmem:s11+$0x0] =	vst v2  }
0x56c: {  	v2 =	vand.u32 $0xFFFF0000, v9;
	[tilespmem:s7+$0xEA80] =	vst v1  }
0x56d: {  	[tilespmem:s11+$0xFFFFFFE0] =	vst v2  }
0x56e: {  	v1 =	vld [tilespmem:$0x15F80];
	_ =	sdelay $0x4  }
0x56f: {  	v1 =	vadd.s32 $0x8000, v1  }
0x570: {  	v1 =	vand.u32 $0xFFFF0000, v1  }
0x571: {  	[tilespmem:$0x11160] =	vst v1  }
0x572: {  	_ =	swait.ge [sflag:s22], $0x2710  }
0x573: {  	s13 =	sld [smem:$0x7FB]  }
0x574: {  	s12 =	simm.s32 $0x0;
	[sflag:s22] =	ssyncset.done $0x0  }
0x575: {  	s7 =	sand.u32 $0x3FC0, s12;
	[sflag:s22] =	ssyncadd.s32 $0xFFFFD8F0  }
0x576: {  	[tilespmem:s21], [sflag:$0x3] =	stream.linear.gather [hbm4b:s13+s12], $0x2710, $0x38;
	[tilespmem:$0x1FA80] =	vst v63  }
0x577: {  	s10 =	simm.s32 $0x16020;
	v10 =	vld [tilespmem:s7+$0xEA80]  }
0x578: {  	v1 =	vld [tilespmem:s10+$0x10]  }
0x579: {  	s8 =	simm.s32 $0xEA90;
	v12 =	vld [tilespmem:s10+$0xFFFFFFF0]  }
0x57a: {  	v13 =	vld [tilespmem:s8+$0x0]  }
0x57b: {  	v16 =	vld [tilespmem:s10+$0x0]  }
0x57c: {  	v17 =	vld [tilespmem:s10+$0xFFFFFFE0]  }
0x57d: {  	s9 =	simm.s32 $0xEA90;
	s11 =	simm.s32 $0x0;
	s12 =	simm.s32 $0x40;
	v11 =	vld [tilespmem:s8+$0xFFFFFFD0];
	v18 =	vadd.s32 $0x8000, v1  }
.LBB2_69:
0x57e: {  	s13 =	sand.u32 $0x3FC0, s12;
	v1 =	vadd.s32 $0x8000, v12;
	v2 =	vld [tilespmem:s8+$0xFFFFFFE0];
	v9 =	vshrl.u32 v18, $0x10  }
0x57f: {  	s10 =	sadd.s32 $0x40, s10;
	s11 =	sadd.s32 $0x4, s11;
	v18 =	vld [tilespmem:s13+$0xEA80];
	v1 =	vshrl.u32 v1, $0x10;
	v9 =	vor.u32 v13, v9  }
0x580: {  	p0 =	slt.u32 s11, $0x26C;
	v19 =	vld [tilespmem:s10+$0x10];
	v13 =	vadd.s32 $0x8000, v16;
	[tilespmem:s8+$0x0] =	vst v9  }
.Ltmp36:
0x581: {  	s8 =	sadd.s32 $0x40, s8;
	v12 =	vld [tilespmem:s10+$0xFFFFFFF0];
	v9 =	vadd.s32 $0x8000, v17;
	v16 =	vshrl.u32 v13, $0x10;
	(pc) =	sbr.rel @p0 .LBB2_69-.Ltmp36, $4  }
0x582: {  	v13 =	vld [tilespmem:s8+$0x0];
	v9 =	vshrl.u32 v9, $0x10;
	v20 =	vor.u32 v10, v16  }
0x583: {  	v16 =	vld [tilespmem:s10+$0x0];
	v9 =	vor.u32 v11, v9;
	v1 =	vor.u32 v2, v1;
	[tilespmem:s7+$0xEA80] =	vst v20;
	s7 =	smov.u32 s13  }
0x584: {  	v17 =	vld [tilespmem:s10+$0xFFFFFFE0];
	[tilespmem:s9+$0xFFFFFFD0] =	vst v9;
	v10 =	vmov v18  }
0x585: {  	s12 =	sadd.s32 $0x40, s12;
	v11 =	vld [tilespmem:s8+$0xFFFFFFD0];
	v18 =	vadd.s32 $0x8000, v19;
	[tilespmem:s9+$0xFFFFFFE0] =	vst v1;
	s9 =	smov.u32 s8  }
0x586: {  	_ = 	snop  }
0x587: {  	v1 =	vld [tilespmem:s8+$0xFFFFFFE0]  }
0x588: {  	v2 =	vshrl.u32 v18, $0x10;
	v9 =	vadd.s32 $0x8000, v16  }
0x589: {  	v2 =	vor.u32 v13, v2;
	v13 =	vadd.s32 $0x8000, v17;
	v9 =	vshrl.u32 v9, $0x10  }
0x58a: {  	v12 =	vadd.s32 $0x8000, v12;
	[tilespmem:s8+$0x0] =	vst v2;
	v2 =	vshrl.u32 v13, $0x10;
	v9 =	vor.u32 v10, v9  }
0x58b: {  	v10 =	vshrl.u32 v12, $0x10;
	v2 =	vor.u32 v11, v2;
	[tilespmem:s7+$0xEA80] =	vst v9  }
0x58c: {  	v1 =	vor.u32 v1, v10;
	[tilespmem:s9+$0xFFFFFFD0] =	vst v2  }
0x58d: {  	[tilespmem:s9+$0xFFFFFFE0] =	vst v1  }
0x58e: {  	v1 =	vld [tilespmem:$0x18700];
	_ =	sdelay $0x1  }
0x58f: {  	v2 =	vld [tilespmem:$0x11160];
	_ =	sdelay $0x2  }
0x590: {  	v1 =	vadd.s32 $0x8000, v1  }
0x591: {  	v1 =	vshrl.u32 v1, $0x10  }
0x592: {  	v1 =	vor.u32 v2, v1  }
0x593: {  	[tilespmem:$0x11160] =	vst v1  }
0x594: {  	_ =	swait.ge [sflag:s22], $0x2710  }
0x595: {  	s12 =	sld [smem:$0x7FC]  }
0x596: {  	[sflag:s22] =	ssyncset.done $0x0  }
0x597: {  	s13 =	simm.s32 $0x138A0;
	s7 =	simm.s32 $0x0;
	[sflag:s22] =	ssyncadd.s32 $0xFFFFD8F0  }
0x598: {  	[tilespmem:s23], [sflag:$0x3] =	stream.linear.gather [hbm4b:s12+s7], $0x2710, $0x38;
	[tilespmem:$0x1FA80] =	vst v63  }
0x599: {  	v1 =	vld [tilespmem:s13+$0xFFFFFFE0]  }
0x59a: {  	v2 =	vld [tilespmem:s13+$0x10]  }
0x59b: {  	v9 =	vld [tilespmem:s13+$0x0]  }
0x59c: {  	v13 =	vld [tilespmem:s13+$0xFFFFFFF0];
	_ =	sdelay $0x1  }
0x59d: {  	s9 =	simm.s32 $0x138E0;
	v1 =	vadd.s32 $0x8000, v1  }
0x59e: {  	s8 =	simm.s32 $0x111A0;
	v11 =	vld [tilespmem:s9+$0xFFFFFFE0];
	v2 =	vadd.s32 $0x8000, v2;
	v1 =	vand.u32 $0xFFFF0000, v1  }
0x59f: {  	v10 =	vld [tilespmem:s9+$0x10];
	v2 =	vand.u32 $0xFFFF0000, v2;
	[tilespmem:s8+$0xFFFFFFD0] =	vst v1;
	v1 =	vadd.s32 $0x8000, v9  }
0x5a0: {  	v12 =	vld [tilespmem:s9+$0x0];
	v9 =	vadd.s32 $0x8000, v13;
	[tilespmem:s8+$0x0] =	vst v2;
	v1 =	vand.u32 $0xFFFF0000, v1  }
0x5a1: {  	s10 =	simm.s32 $0x4;
	s11 =	sand.u32 $0x3FC0, s7;
	v13 =	vld [tilespmem:s9+$0xFFFFFFF0];
	v16 =	vand.u32 $0xFFFF0000, v9;
	[tilespmem:s8+$0xFFFFFFF0] =	vst v1  }
.LBB2_71:
0x5a2: {  	s10 =	sadd.s32 $0x4, s10  }
0x5a3: {  	[tilespmem:s11+$0x11180] =	vst v16;
	s7 =	sadd.s32 $0x40, s7;
	s8 =	sadd.s32 $0x40, s8;
	p0 =	slt.u32 s10, $0x26C  }
.Ltmp37:
0x5a4: {  	s9 =	sadd.s32 $0x40, s9;
	v1 =	vadd.s32 $0x8000, v11;
	(pc) =	sbr.rel @p0 .LBB2_71-.Ltmp37, $4  }
0x5a5: {  	v11 =	vld [tilespmem:s9+$0xFFFFFFE0];
	v1 =	vand.u32 $0xFFFF0000, v1;
	v2 =	vadd.s32 $0x8000, v10  }
0x5a6: {  	v10 =	vld [tilespmem:s9+$0x10];
	[tilespmem:s8+$0xFFFFFFD0] =	vst v1;
	v1 =	vadd.s32 $0x8000, v12;
	v2 =	vand.u32 $0xFFFF0000, v2  }
0x5a7: {  	v12 =	vld [tilespmem:s9+$0x0];
	v9 =	vadd.s32 $0x8000, v13;
	v1 =	vand.u32 $0xFFFF0000, v1;
	[tilespmem:s8+$0x0] =	vst v2  }
0x5a8: {  	s11 =	sand.u32 $0x3FC0, s7;
	v13 =	vld [tilespmem:s9+$0xFFFFFFF0];
	v16 =	vand.u32 $0xFFFF0000, v9;
	[tilespmem:s8+$0xFFFFFFF0] =	vst v1  }
0x5a9: {  	[tilespmem:$0x1FF20] =	vst v15  }
0x5aa: {  	[tilespmem:$0x1FF30] =	vst v14  }
0x5ab: {  	[tilespmem:$0x1FF40] =	vst v0  }
0x5ac: {  	[tilespmem:$0x1FF50] =	vst v63  }
0x5ad: {  	[tilespmem:$0x1FF60] =	vst v62;
	v1 =	vadd.s32 $0x8000, v11  }
0x5ae: {  	s8 =	sadd.s32 $0x40, s8;
	[tilespmem:s11+$0x11180] =	vst v16;
	v1 =	vand.u32 $0xFFFF0000, v1;
	v2 =	vadd.s32 $0x8000, v10  }
0x5af: {  	[tilespmem:s8+$0xFFFFFFD0] =	vst v1;
	v1 =	vadd.s32 $0x8000, v12;
	v2 =	vand.u32 $0xFFFF0000, v2  }
0x5b0: {  	s7 =	sadd.s32 $0x40, s7;
	v9 =	vadd.s32 $0x8000, v13;
	v1 =	vand.u32 $0xFFFF0000, v1;
	[tilespmem:s8+$0x0] =	vst v2  }
0x5b1: {  	s7 =	sand.u32 $0x3FC0, s7;
	v2 =	vand.u32 $0xFFFF0000, v9;
	[tilespmem:s8+$0xFFFFFFF0] =	vst v1  }
0x5b2: {  	[tilespmem:s7+$0x11180] =	vst v2  }
0x5b3: {  	v1 =	vld [tilespmem:$0x15F80];
	_ =	sdelay $0x4  }
0x5b4: {  	v1 =	vadd.s32 $0x8000, v1  }
0x5b5: {  	v1 =	vand.u32 $0xFFFF0000, v1  }
0x5b6: {  	[tilespmem:$0x13870] =	vst v1  }
0x5b7: {  	_ =	swait.ge [sflag:s22], $0x2710  }
0x5b8: {  	s13 =	simm.s32 $0x0;
	[sflag:s22] =	ssyncset.done $0x0  }
0x5b9: {  	s7 =	sand.u32 $0x3FC0, s13;
	[sflag:s22] =	ssyncadd.s32 $0xFFFFD8F0  }
0x5ba: {  	s10 =	simm.s32 $0x16020;
	v13 =	vld [tilespmem:s7+$0x11180]  }
0x5bb: {  	v1 =	vld [tilespmem:s10+$0x10]  }
0x5bc: {  	s8 =	simm.s32 $0x111A0;
	v17 =	vld [tilespmem:s10+$0xFFFFFFF0]  }
0x5bd: {  	v16 =	vld [tilespmem:s8+$0x0]  }
0x5be: {  	v11 =	vld [tilespmem:s10+$0x0]  }
0x5bf: {  	v12 =	vld [tilespmem:s10+$0xFFFFFFE0]  }
0x5c0: {  	s12 =	simm.s32 $0x40;
	s9 =	simm.s32 $0x111A0;
	s11 =	simm.s32 $0x0;
	v10 =	vld [tilespmem:s8+$0xFFFFFFD0];
	v18 =	vadd.s32 $0x8000, v1  }
.LBB2_73:
0x5c1: {  	s13 =	sand.u32 $0x3FC0, s12;
	v1 =	vadd.s32 $0x8000, v17;
	v2 =	vld [tilespmem:s8+$0xFFFFFFF0];
	v9 =	vshrl.u32 v18, $0x10  }
0x5c2: {  	s10 =	sadd.s32 $0x40, s10;
	s11 =	sadd.s32 $0x4, s11;
	v18 =	vld [tilespmem:s13+$0x11180];
	v1 =	vshrl.u32 v1, $0x10;
	v9 =	vor.u32 v16, v9  }
0x5c3: {  	p0 =	slt.u32 s11, $0x26C;
	v19 =	vld [tilespmem:s10+$0x10];
	v1 =	vor.u32 v13, v1;
	v11 =	vadd.s32 $0x8000, v11;
	[tilespmem:s8+$0x0] =	vst v9  }
.Ltmp38:
0x5c4: {  	s8 =	sadd.s32 $0x40, s8;
	v17 =	vld [tilespmem:s10+$0xFFFFFFF0];
	v9 =	vadd.s32 $0x8000, v12;
	[tilespmem:s7+$0x11180] =	vst v1;
	v1 =	vshrl.u32 v11, $0x10;
	(pc) =	sbr.rel @p0 .LBB2_73-.Ltmp38, $4  }
0x5c5: {  	s7 =	smov.u32 s13;
	v16 =	vld [tilespmem:s8+$0x0];
	v9 =	vshrl.u32 v9, $0x10  }
0x5c6: {  	v11 =	vld [tilespmem:s10+$0x0];
	v9 =	vor.u32 v10, v9;
	v1 =	vor.u32 v2, v1  }
0x5c7: {  	v12 =	vld [tilespmem:s10+$0xFFFFFFE0];
	[tilespmem:s9+$0xFFFFFFD0] =	vst v9;
	v13 =	vmov v18  }
0x5c8: {  	s12 =	sadd.s32 $0x40, s12;
	v10 =	vld [tilespmem:s8+$0xFFFFFFD0];
	v18 =	vadd.s32 $0x8000, v19;
	[tilespmem:s9+$0xFFFFFFF0] =	vst v1;
	s9 =	smov.u32 s8  }
0x5c9: {  	[tilespmem:$0x1FED0] =	vst v7  }
0x5ca: {  	[tilespmem:$0x1FEE0] =	vst v6  }
0x5cb: {  	[tilespmem:$0x1FEF0] =	vst v5  }
0x5cc: {  	[tilespmem:$0x1FF00] =	vst v4  }
0x5cd: {  	[tilespmem:$0x1FF10] =	vst v3  }
0x5ce: {  	v1 =	vld [tilespmem:s8+$0xFFFFFFF0]  }
0x5cf: {  	v2 =	vadd.s32 $0x8000, v17;
	v9 =	vshrl.u32 v18, $0x10  }
0x5d0: {  	v2 =	vshrl.u32 v2, $0x10;
	v9 =	vor.u32 v16, v9;
	v12 =	vadd.s32 $0x8000, v12  }
0x5d1: {  	v2 =	vor.u32 v13, v2;
	v11 =	vadd.s32 $0x8000, v11;
	[tilespmem:s8+$0x0] =	vst v9;
	v9 =	vshrl.u32 v12, $0x10  }
0x5d2: {  	[tilespmem:s7+$0x11180] =	vst v2;
	v2 =	vshrl.u32 v11, $0x10;
	v9 =	vor.u32 v10, v9  }
0x5d3: {  	v1 =	vor.u32 v1, v2;
	[tilespmem:s9+$0xFFFFFFD0] =	vst v9  }
0x5d4: {  	[tilespmem:s9+$0xFFFFFFF0] =	vst v1  }
0x5d5: {  	v1 =	vld [tilespmem:$0x18700];
	_ =	sdelay $0x1  }
0x5d6: {  	v2 =	vld [tilespmem:$0x13870];
	_ =	sdelay $0x2  }
0x5d7: {  	v1 =	vadd.s32 $0x8000, v1  }
0x5d8: {  	v1 =	vshrl.u32 v1, $0x10  }
0x5d9: {  	v1 =	vor.u32 v2, v1  }
0x5da: {  	s13 =	simm.s32 $0x0;
	[tilespmem:$0x13870] =	vst v1  }
0x5db: {  	v1 =	vld [tilespmem:s13+$0x11170]  }
0x5dc: {  	v17 =	vld [tilespmem:s13+$0x18780]  }
0x5dd: {  	v2 =	vld [tilespmem:s13+$0xC350]  }
0x5de: {  	v18 =	vimm.f32 $0.0e+00;
	v9 =	vld [tilespmem:s13+$0x2710]  }
0x5df: {  	v22 =	vimm.f32 $0.0e+00;
	v33 =	vimm.f32 $0.0e+00;
	v29 =	vimm.f32 $0.0e+00;
	v11 =	vld [tilespmem:s13+$0x0]  }
0x5e0: {  	v21 =	vimm.f32 $0.0e+00;
	v26 =	vimm.f32 $0.0e+00;
	v34 =	vld [tilespmem:s13+$0x4E20];
	v10 =	vshll.u32 v1, $0x10  }
0x5e1: {  	v28 =	vimm.f32 $0.0e+00;
	v23 =	vimm.f32 $0.0e+00;
	v10 =	vmul.f32 v10, v17  }
0x5e2: {  	v30 =	vimm.f32 $0.0e+00;
	v31 =	vimm.f32 $0.0e+00;
	v32 =	vimm.f32 $0.0e+00;
	v38 =	vld [tilespmem:s13+$0x7530]  }
0x5e3: {  	v37 =	vshll.u32 v9, $0x10;
	v12 =	vand.u32 $0xFFFF0000, v2;
	v24 =	vadd.f32 v10, v18  }
0x5e4: {  	v19 =	vld [tilespmem:s13+$0xEA60];
	v10 =	vand.u32 $0xFFFF0000, v9;
	v9 =	vmul.f32 v12, v17;
	v12 =	vand.u32 $0xFFFF0000, v11  }
0x5e5: {  	v13 =	vand.u32 $0xFFFF0000, v34;
	v2 =	vshll.u32 v2, $0x10;
	v36 =	vmul.f32 v12, v17;
	v12 =	vld [tilespmem:s13+$0x9C40]  }
0x5e6: {  	v1 =	vand.u32 $0xFFFF0000, v1;
	v20 =	vshll.u32 v11, $0x10;
	v2 =	vmul.f32 v2, v17  }
0x5e7: {  	v35 =	vand.u32 $0xFFFF0000, v38;
	v1 =	vmul.f32 v1, v17;
	v13 =	vmul.f32 v13, v17  }
0x5e8: {  	v39 =	vmul.f32 v20, v17;
	v20 =	vimm.f32 $0.0e+00;
	v16 =	vadd.f32 v2, v18  }
0x5e9: {  	s8 =	simm.s32 $0x40;
	s7 =	simm.s32 $0x0;
	v11 =	vand.u32 $0xFFFF0000, v19;
	v0 =	vadd.f32 v1, v18;
	v27 =	vadd.f32 v9, v18  }
.LBB2_75:
0x5ea: {  	s9 =	sshra.s32 s8, $0x2;
	p0 =	sne.s32 s8, $0x9C00;
	s8 =	sadd.s32 $0x40, s8;
	v1 =	vshll.u32 v34, $0x10;
	v2 =	vshll.u32 v38, $0x10;
	v9 =	vand.u32 $0xFFFF0000, v12  }
0x5eb: {  	v34 =	vmul.f32 v37, v17;
	v20 =	vadd.f32 v13, v20;
	v40 =	vld [tilespmem:s9+$0x11170];
	v18 =	vadd.f32 v39, v18  }
0x5ec: {  	v10 =	vmul.f32 v10, v17;
	v12 =	vshll.u32 v12, $0x10;
	v1 =	vmul.f32 v1, v17;
	v13 =	vld [tilespmem:s9+$0x18780]  }
0x5ed: {  	v19 =	vshll.u32 v19, $0x10;
	v9 =	vmul.f32 v9, v17;
	v22 =	vadd.f32 v34, v22;
	v39 =	vld [tilespmem:s9+$0xC350]  }
0x5ee: {  	v33 =	vadd.f32 v1, v33;
	v1 =	vmul.f32 v11, v17;
	v11 =	vmul.f32 v19, v17;
	v41 =	vld [tilespmem:s9+$0x2710]  }
0x5ef: {  	v29 =	vadd.f32 v36, v29;
	v2 =	vmul.f32 v2, v17;
	v12 =	vmul.f32 v12, v17;
	v34 =	vld [tilespmem:s9+$0x4E20]  }
0x5f0: {  	v21 =	vadd.f32 v10, v21;
	v26 =	vadd.f32 v9, v26;
	v19 =	vld [tilespmem:s9+$0xEA60];
	v36 =	vshll.u32 v40, $0x10  }
0x5f1: {  	v28 =	vadd.f32 v2, v28;
	v23 =	vadd.f32 v11, v23;
	v9 =	vld [tilespmem:s9+$0x0];
	v10 =	vmul.f32 v36, v13  }
0x5f2: {  	v2 =	vmul.f32 v35, v17;
	v30 =	vadd.f32 v12, v30;
	v31 =	vadd.f32 v1, v31;
	v17 =	vmovc v13;
	v38 =	vld [tilespmem:s9+$0x7530]  }
0x5f3: {  	v1 =	vand.u32 $0xFFFF0000, v39;
	v37 =	vshll.u32 v41, $0x10;
	v24 =	vadd.f32 v10, v24  }
0x5f4: {  	v32 =	vadd.f32 v2, v32;
	v13 =	vshll.u32 v39, $0x10;
	v11 =	vand.u32 $0xFFFF0000, v34  }
.Ltmp39:
0x5f5: {  	v2 =	vand.u32 $0xFFFF0000, v40;
	v10 =	vand.u32 $0xFFFF0000, v41;
	v1 =	vmul.f32 v1, v17;
	v12 =	vld [tilespmem:s9+$0x9C40];
	(pc) =	sbr.rel @p0 .LBB2_75-.Ltmp39, $4  }
0x5f6: {  	v39 =	vmul.f32 v13, v17;
	v35 =	vand.u32 $0xFFFF0000, v9;
	v9 =	vshll.u32 v9, $0x10  }
0x5f7: {  	v27 =	vadd.f32 v1, v27;
	v1 =	vmul.f32 v2, v17;
	v36 =	vmul.f32 v35, v17  }
0x5f8: {  	v13 =	vmul.f32 v11, v17;
	v16 =	vadd.f32 v39, v16;
	v11 =	vand.u32 $0xFFFF0000, v19  }
0x5f9: {  	v39 =	vmul.f32 v9, v17;
	v35 =	vand.u32 $0xFFFF0000, v38;
	v0 =	vadd.f32 v1, v0  }
0x5fa: {  	v1 =	vshll.u32 v34, $0x10  }
0x5fb: {  	v2 =	vshll.u32 v38, $0x10;
	v9 =	vand.u32 $0xFFFF0000, v12;
	v61 =	vmul.f32 v37, v17  }
0x5fc: {  	v3 =	vadd.f32 v13, v20;
	v10 =	vmul.f32 v10, v17;
	v62 =	vshll.u32 v12, $0x10  }
0x5fd: {  	v63 =	vshll.u32 v19, $0x10;
	v11 =	vmul.f32 v11, v17;
	v6 =	vadd.f32 v36, v29  }
0x5fe: {  	v5 =	vadd.f32 v39, v18;
	v1 =	vmul.f32 v1, v17;
	v9 =	vmul.f32 v9, v17  }
0x5ff: {  	v2 =	vmul.f32 v2, v17;
	v12 =	vmul.f32 v62, v17;
	v22 =	vadd.f32 v61, v22  }
0x600: {  	v4 =	vadd.f32 v10, v21;
	v19 =	vadd.f32 v1, v33;
	v1 =	vmul.f32 v63, v17  }
0x601: {  	v25 =	vadd.f32 v9, v26;
	v18 =	vadd.f32 v2, v28;
	v2 =	vmul.f32 v35, v17  }
0x602: {  	v17 =	vmov v5;
	v7 =	vadd.f32 v12, v30;
	v5 =	vadd.f32 v11, v31  }
0x603: {  	[tilespmem:$0x1FEC0] =	vst v8;
	v21 =	vadd.f32 v1, v23;
	v20 =	vadd.f32 v2, v32  }
.LBB2_77:
0x604: {  	_ =	swait.ge [sflag:s24], $0xC80  }
0x605: {  	[sflag:s24] =	ssyncset.done $0x0  }
0x606: {  	[sflag:s24] =	ssyncadd.s32 $0xFFFFF380  }
0x607: {  	_ =	swait.ge [sflag:s24], $0xC80  }
0x608: {  	[sflag:s24] =	ssyncset.done $0x0  }
0x609: {  	[sflag:s24] =	ssyncadd.s32 $0xFFFFF380  }
0x60a: {  	_ =	swait.ge [sflag:s24], $0xC80  }
0x60b: {  	[sflag:s24] =	ssyncset.done $0x0  }
0x60c: {  	s8 =	simm.s32 $0x1BB90;
	[sflag:s24] =	ssyncadd.s32 $0xFFFFF380  }
0x60d: {  	v1 =	vld [tilespmem:s8+$0xFFFFFFF0]  }
0x60e: {  	v2 =	vld [tilespmem:s8+$0x0];
	_ =	sdelay $0x1  }
0x60f: {  	s9 =	simm.s32 $0x1AF10  }
0x610: {  	v47 =	vld [tilespmem:s9+$0x0];
	_ =	sdelay $0x2  }
0x611: {  	v9 =	vld [tilespmem:s9+$0xFFFFFFF0]  }
0x612: {  	v10 =	vld.idx.msk [tilespmem:v1+s4+$0x0], $0xffff  }
0x613: {  	v11 =	vld.idx.msk [tilespmem:v2+s4+$0x0], $0xffff  }
0x614: {  	v12 =	vld.idx.msk [tilespmem:v1+s31+$0x0], $0xffff  }
0x615: {  	v13 =	vld.idx.msk [tilespmem:v2+s25+$0x0], $0xffff  }
0x616: {  	v26 =	vld.idx.msk [tilespmem:v47+s4+$0x0], $0xffff  }
0x617: {  	v28 =	vld.idx.msk [tilespmem:v47+s25+$0x0], $0xffff  }
0x618: {  	v31 =	vld.idx.msk [tilespmem:v47+s30+$0x0], $0xffff  }
0x619: {  	v48 =	vld.idx.msk [tilespmem:v9+s31+$0x0], $0xffff  }
0x61a: {  	v35 =	vld.idx.msk [tilespmem:v1+s30+$0x0], $0xffff  }
0x61b: {  	v36 =	vld.idx.msk [tilespmem:v9+s4+$0x0], $0xffff  }
0x61c: {  	v38 =	vld.idx.msk [tilespmem:v2+s29+$0x0], $0xffff  }
0x61d: {  	v40 =	vld.idx.msk [tilespmem:v2+s26+$0x0], $0xffff;
	v32 =	vand.u32 $0xFFFF0000, v11  }
0x61e: {  	v43 =	vld.idx.msk [tilespmem:v9+s28+$0x0], $0xffff;
	v33 =	vshll.u32 v13, $0x10;
	v11 =	vshll.u32 v11, $0x10;
	v34 =	vand.u32 $0xFFFF0000, v26  }
0x61f: {  	v62 =	vld.idx.msk [tilespmem:v47+s29+$0x0], $0xffff;
	v26 =	vshll.u32 v26, $0x10;
	v52 =	vand.u32 $0xFFFF0000, v28;
	v13 =	vand.u32 $0xFFFF0000, v13  }
0x620: {  	v50 =	vld.idx.msk [tilespmem:v1+s29+$0x0], $0xffff;
	v53 =	vshll.u32 v31, $0x10;
	v31 =	vand.u32 $0xFFFF0000, v31;
	v49 =	vand.u32 $0xFFFF0000, v36  }
0x621: {  	v51 =	vand.u32 $0xFFFF0000, v12;
	v8 =	vand.u32 $0xFFFF0000, v35;
	v12 =	vshll.u32 v12, $0x10  }
0x622: {  	v30 =	vld.idx.msk [tilespmem:v2+s30+$0x0], $0xffff;
	v55 =	vshll.u32 v36, $0x10;
	v57 =	vshll.u32 v40, $0x10;
	v58 =	vand.u32 $0xFFFF0000, v38  }
0x623: {  	s8 =	simm.s32 $0x1C810;
	v54 =	vand.u32 $0xFFFF0000, v10;
	v14 =	vshll.u32 v10, $0x10;
	v60 =	vand.u32 $0xFFFF0000, v40  }
0x624: {  	v23 =	vld [tilespmem:s8+$0x0];
	v36 =	vshll.u32 v43, $0x10;
	v39 =	vand.u32 $0xFFFF0000, v62;
	v44 =	vshll.u32 v48, $0x10  }
0x625: {  	v29 =	vld.idx.msk [tilespmem:v1+s26+$0x0], $0xffff;
	v42 =	vand.u32 $0xFFFF0000, v50;
	v48 =	vand.u32 $0xFFFF0000, v48;
	v32 =	vmul.f32 v32, v34  }
0x626: {  	v37 =	vld.idx.msk [tilespmem:v47+s26+$0x0], $0xffff;
	v11 =	vmul.f32 v11, v26;
	v26 =	vshll.u32 v28, $0x10;
	v13 =	vmul.f32 v13, v52  }
0x627: {  	v28 =	vshll.u32 v30, $0x10;
	v52 =	vld.idx.msk [tilespmem:v1+s6+$0x0], $0xffff;
	[tilespmem:$0x1FE90] =	vst v8;
	v10 =	vmul.f32 v54, v49;
	v12 =	vmul.f32 v12, v44  }
0x628: {  	v30 =	vand.u32 $0xFFFF0000, v30;
	v54 =	vmul.f32 v14, v55;
	v55 =	vmul.f32 v51, v48;
	v56 =	vld.idx.msk [tilespmem:v1+s28+$0x0], $0xffff  }
0x629: {  	v51 =	vshll.u32 v50, $0x10;
	v50 =	vmul.f32 v58, v39;
	v26 =	vmul.f32 v33, v26;
	v8 =	vld.idx.msk [tilespmem:v2+s31+$0x0], $0xffff  }
0x62a: {  	v63 =	vand.u32 $0xFFFF0000, v43;
	v28 =	vmul.f32 v28, v53;
	v30 =	vmul.f32 v30, v31;
	v59 =	vld.idx.msk [tilespmem:v47+s6+$0x0], $0xffff  }
0x62b: {  	v53 =	vand.u32 $0xFFFF0000, v37;
	v37 =	vshll.u32 v37, $0x10;
	v61 =	vld.idx.msk [tilespmem:v2+s28+$0x0], $0xffff;
	v34 =	vmul.f32 v32, v23;
	[tilespmem:$0x1FEB0] =	vst v10  }
0x62c: {  	v37 =	vmul.f32 v57, v37;
	v10 =	vshll.u32 v35, $0x10;
	v35 =	vmul.f32 v60, v53;
	v49 =	vld.idx.msk [tilespmem:v9+s6+$0x0], $0xffff  }
0x62d: {  	v40 =	vand.u32 $0xFFFF0000, v29;
	v33 =	vmul.f32 v26, v23;
	v26 =	vmul.f32 v13, v23;
	v15 =	vld.idx.msk [tilespmem:v9+s26+$0x0], $0xffff;
	[tilespmem:$0x1FEA0] =	vst v10  }
0x62e: {  	v31 =	vshll.u32 v38, $0x10;
	v32 =	vmul.f32 v28, v23;
	v30 =	vmul.f32 v30, v23;
	v53 =	vld.idx.msk [tilespmem:v9+s29+$0x0], $0xffff  }
0x62f: {  	v60 =	vshll.u32 v29, $0x10;
	v28 =	vmul.f32 v11, v23;
	v38 =	vmul.f32 v37, v23;
	v29 =	vld [tilespmem:s8+$0xFFFFFFF0]  }
0x630: {  	v46 =	vld.idx.msk [tilespmem:v9+s25+$0x0], $0xffff;
	v35 =	vmul.f32 v35, v23;
	v57 =	vand.u32 $0xFFFF0000, v52;
	v52 =	vshll.u32 v52, $0x10  }
0x631: {  	v13 =	vld.idx.msk [tilespmem:v47+s28+$0x0], $0xffff;
	v37 =	vshll.u32 v8, $0x10;
	v45 =	vand.u32 $0xFFFF0000, v59;
	v59 =	vshll.u32 v59, $0x10  }
0x632: {  	v9 =	vld.idx.msk [tilespmem:v9+s30+$0x0], $0xffff;
	v43 =	vand.u32 $0xFFFF0000, v61;
	v61 =	vshll.u32 v61, $0x10;
	v10 =	vand.u32 $0xFFFF0000, v56  }
0x633: {  	v1 =	vld.idx.msk [tilespmem:v1+s25+$0x0], $0xffff;
	v10 =	vmul.f32 v10, v63;
	v41 =	vshll.u32 v49, $0x10;
	v44 =	vand.u32 $0xFFFF0000, v49  }
0x634: {  	v49 =	vand.u32 $0xFFFF0000, v15;
	v15 =	vshll.u32 v15, $0x10;
	v11 =	vand.u32 $0xFFFF0000, v53  }
0x635: {  	v12 =	vmul.f32 v12, v29;
	v52 =	vmul.f32 v52, v41;
	v14 =	vand.u32 $0xFFFF0000, v46  }
0x636: {  	v2 =	vld.idx.msk [tilespmem:v2+s6+$0x0], $0xffff;
	v48 =	vshll.u32 v53, $0x10;
	v58 =	vmul.f32 v55, v29;
	v63 =	vshll.u32 v13, $0x10  }
0x637: {  	v15 =	vmul.f32 v60, v15;
	v60 =	vand.u32 $0xFFFF0000, v9;
	v9 =	vshll.u32 v9, $0x10  }
0x638: {  	v53 =	vshll.u32 v1, $0x10;
	v1 =	vand.u32 $0xFFFF0000, v1;
	v48 =	vmul.f32 v51, v48  }
0x639: {  	v11 =	vmul.f32 v42, v11;
	v1 =	vmul.f32 v1, v14;
	v41 =	vadd.f32 v12, v21  }
0x63a: {  	v12 =	vmul.f32 v57, v44;
	v42 =	vadd.f32 v58, v5;
	v57 =	vmul.f32 v48, v29  }
0x63b: {  	v55 =	vmul.f32 v52, v29;
	v58 =	vand.u32 $0xFFFF0000, v2;
	v48 =	vmul.f32 v61, v63;
	v63 =	vld [tilespmem:$0x1FE90]  }
0x63c: {  	v2 =	vshll.u32 v2, $0x10;
	v11 =	vmul.f32 v11, v29;
	v44 =	vadd.f32 v57, v7;
	v57 =	vld [tilespmem:$0x1FEA0]  }
0x63d: {  	v52 =	vshll.u32 v46, $0x10;
	v2 =	vmul.f32 v2, v59;
	v59 =	vmul.f32 v15, v29  }
0x63e: {  	v15 =	vmul.f32 v53, v52;
	v52 =	vshll.u32 v62, $0x10;
	v62 =	vld [tilespmem:$0x1FEB0];
	v12 =	vmul.f32 v12, v29  }
0x63f: {  	v51 =	vmul.f32 v58, v45;
	v53 =	vmul.f32 v10, v29;
	v55 =	vadd.f32 v55, v17  }
0x640: {  	v45 =	vadd.f32 v12, v6;
	v12 =	vmul.f32 v63, v60;
	v63 =	vmul.f32 v54, v29  }
0x641: {  	v60 =	vadd.f32 v11, v25;
	v54 =	vmul.f32 v48, v23;
	v9 =	vmul.f32 v57, v9  }
0x642: {  	v11 =	vmul.f32 v15, v29;
	v58 =	vmul.f32 v12, v29;
	v48 =	vadd.f32 v63, v24  }
0x643: {  	v63 =	vand.u32 $0xFFFF0000, v13;
	v10 =	vmul.f32 v9, v29;
	v9 =	vmul.f32 v62, v29  }
0x644: {  	v39 =	vmovc v4;
	v13 =	vmul.f32 v2, v23;
	v62 =	vshll.u32 v56, $0x10;
	v57 =	vadd.f32 v58, v27  }
0x645: {  	s10 =	simm.s32 $0x1BBB0;
	s11 =	simm.s32 $0x1AF30;
	s9 =	simm.s32 $0x0;
	v61 =	vld.idx.msk [tilespmem:v47+s31+$0x0], $0xffff;
	v58 =	vmul.f32 v1, v29;
	v56 =	vand.u32 $0xFFFF0000, v8;
	v27 =	vmovc v3;
	v12 =	vadd.f32 v9, v0  }
.LBB2_78:
0x646: {  	v47 =	vld [tilespmem:s10+$0xFFFFFFF0]  }
0x647: {  	v2 =	vmul.f32 v51, v23;
	v51 =	vld [tilespmem:s10+$0x0]  }
0x648: {  	v0 =	vadd.f32 v34, v12;
	v12 =	vmul.f32 v62, v36  }
0x649: {  	v1 =	vadd.f32 v10, v16;
	v10 =	vmul.f32 v40, v49  }
0x64a: {  	v46 =	vadd.f32 v13, v55;
	v13 =	vmul.f32 v50, v23;
	v12 =	vmul.f32 v12, v29  }
0x64b: {  	v25 =	vld [tilespmem:s11+$0x0];
	v10 =	vmul.f32 v10, v29;
	v9 =	vadd.f32 v11, v22;
	v11 =	vadd.f32 v59, v19  }
0x64c: {  	s8 =	sadd.s32 $0x20, s8;
	v50 =	vld [tilespmem:s11+$0xFFFFFFF0];
	v24 =	vadd.f32 v13, v60;
	v12 =	vadd.f32 v12, v18  }
0x64d: {  	v13 =	vshll.u32 v61, $0x10;
	v59 =	vadd.f32 v10, v27;
	v21 =	vadd.f32 v38, v11;
	v11 =	vld [tilespmem:s8+$0x0]  }
0x64e: {  	v10 =	vand.u32 $0xFFFF0000, v61;
	v55 =	vadd.f32 v33, v9;
	v9 =	vmul.f32 v37, v13;
	v13 =	vld.idx.msk [tilespmem:v47+s4+$0x0], $0xffff  }
0x64f: {  	v22 =	vadd.f32 v30, v57;
	v10 =	vmul.f32 v56, v10;
	v30 =	vld.idx.msk [tilespmem:v51+s4+$0x0], $0xffff  }
0x650: {  	v18 =	vadd.f32 v54, v12;
	v12 =	vmul.f32 v31, v52;
	v31 =	vld.idx.msk [tilespmem:v47+s31+$0x0], $0xffff  }
0x651: {  	v43 =	vmul.f32 v43, v63;
	v60 =	vmul.f32 v10, v23;
	v10 =	vld.idx.msk [tilespmem:v51+s25+$0x0], $0xffff  }
0x652: {  	v14 =	vadd.f32 v58, v39;
	v19 =	vadd.f32 v32, v1;
	v1 =	vld.idx.msk [tilespmem:v47+s26+$0x0], $0xffff  }
0x653: {  	v15 =	vadd.f32 v53, v20;
	v45 =	vadd.f32 v2, v45;
	v2 =	vmul.f32 v43, v23;
	v61 =	vld.idx.msk [tilespmem:v25+s25+$0x0], $0xffff  }
0x654: {  	v48 =	vadd.f32 v28, v48;
	v9 =	vmul.f32 v9, v23;
	v63 =	vld.idx.msk [tilespmem:v25+s26+$0x0], $0xffff  }
0x655: {  	v39 =	vadd.f32 v26, v14;
	v20 =	vadd.f32 v2, v15;
	v4 =	vld.idx.msk [tilespmem:v51+s29+$0x0], $0xffff;
	v12 =	vmul.f32 v12, v23  }
0x656: {  	v27 =	vadd.f32 v35, v59;
	v5 =	vld.idx.msk [tilespmem:v51+s26+$0x0], $0xffff;
	v41 =	vadd.f32 v9, v41  }
0x657: {  	v35 =	vld.idx.msk [tilespmem:v47+s30+$0x0], $0xffff;
	v42 =	vadd.f32 v60, v42;
	v44 =	vadd.f32 v12, v44;
	v12 =	vand.u32 $0xFFFF0000, v30  }
0x658: {  	[tilespmem:$0x1FE80] =	vst v55;
	v55 =	vld.idx.msk [tilespmem:v25+s6+$0x0], $0xffff;
	v26 =	vshll.u32 v10, $0x10;
	v28 =	vshll.u32 v30, $0x10;
	v10 =	vand.u32 $0xFFFF0000, v10  }
0x659: {  	v52 =	vld.idx.msk [tilespmem:v47+s29+$0x0], $0xffff;
	v2 =	vshll.u32 v61, $0x10;
	v53 =	vand.u32 $0xFFFF0000, v31;
	v43 =	vand.u32 $0xFFFF0000, v63  }
0x65a: {  	v62 =	vld.idx.msk [tilespmem:v50+s4+$0x0], $0xffff;
	v49 =	vshll.u32 v31, $0x10;
	v37 =	vshll.u32 v63, $0x10;
	v31 =	vshll.u32 v4, $0x10  }
0x65b: {  	[tilespmem:$0x1FE70] =	vst v0;
	v9 =	vld.idx.msk [tilespmem:v25+s4+$0x0], $0xffff;
	v7 =	vshll.u32 v5, $0x10;
	v58 =	vand.u32 $0xFFFF0000, v4;
	v0 =	vand.u32 $0xFFFF0000, v13  }
0x65c: {  	v59 =	vld.idx.msk [tilespmem:v50+s25+$0x0], $0xffff;
	v13 =	vshll.u32 v13, $0x10;
	v3 =	vand.u32 $0xFFFF0000, v5;
	v40 =	vand.u32 $0xFFFF0000, v1  }
0x65d: {  	v23 =	vmovc v11;
	v11 =	vld.idx.msk [tilespmem:v51+s30+$0x0], $0xffff;
	v8 =	vshll.u32 v35, $0x10;
	v1 =	vshll.u32 v1, $0x10;
	v4 =	vand.u32 $0xFFFF0000, v55  }
0x65e: {  	v56 =	vld.idx.msk [tilespmem:v51+s31+$0x0], $0xffff;
	v5 =	vshll.u32 v55, $0x10;
	v55 =	vand.u32 $0xFFFF0000, v52;
	v52 =	vshll.u32 v52, $0x10  }
0x65f: {  	v14 =	vld.idx.msk [tilespmem:v25+s30+$0x0], $0xffff;
	v2 =	vmul.f32 v26, v2;
	v54 =	vshll.u32 v62, $0x10;
	v37 =	vmul.f32 v7, v37  }
0x660: {  	v30 =	vand.u32 $0xFFFF0000, v9;
	v9 =	vshll.u32 v9, $0x10;
	v13 =	vmul.f32 v13, v54  }
0x661: {  	v54 =	vshll.u32 v59, $0x10;
	v12 =	vmul.f32 v12, v30;
	v9 =	vmul.f32 v28, v9  }
0x662: {  	v15 =	vld.idx.msk [tilespmem:v50+s31+$0x0], $0xffff;
	v28 =	vand.u32 $0xFFFF0000, v61;
	v26 =	vshll.u32 v11, $0x10;
	v11 =	vand.u32 $0xFFFF0000, v11  }
0x663: {  	v60 =	vld.idx.msk [tilespmem:v51+s28+$0x0], $0xffff;
	v33 =	vmul.f32 v2, v23;
	v38 =	vmul.f32 v37, v23;
	v37 =	vshll.u32 v56, $0x10  }
0x664: {  	v10 =	vmul.f32 v10, v28;
	v28 =	vand.u32 $0xFFFF0000, v14;
	v14 =	vshll.u32 v14, $0x10  }
0x665: {  	v7 =	vld.idx.msk [tilespmem:v50+s29+$0x0], $0xffff;
	v56 =	vand.u32 $0xFFFF0000, v56;
	v14 =	vmul.f32 v26, v14;
	v34 =	vmul.f32 v12, v23  }
0x666: {  	v29 =	vld [tilespmem:s8+$0xFFFFFFF0];
	v6 =	vmul.f32 v11, v28;
	v11 =	vand.u32 $0xFFFF0000, v62;
	v28 =	vmul.f32 v9, v23  }
0x667: {  	v61 =	vld.idx.msk [tilespmem:v50+s6+$0x0], $0xffff;
	v9 =	vand.u32 $0xFFFF0000, v35;
	v35 =	vmul.f32 v3, v43;
	v3 =	vshll.u32 v15, $0x10  }
0x668: {  	v2 =	vld.idx.msk [tilespmem:v47+s28+$0x0], $0xffff;
	v43 =	vand.u32 $0xFFFF0000, v60;
	v60 =	vshll.u32 v60, $0x10;
	v26 =	vmul.f32 v10, v23  }
0x669: {  	v12 =	vld.idx.msk [tilespmem:v50+s28+$0x0], $0xffff;
	v15 =	vand.u32 $0xFFFF0000, v15;
	v11 =	vmul.f32 v0, v11;
	v3 =	vmul.f32 v49, v3  }
0x66a: {  	v62 =	vld.idx.msk [tilespmem:v50+s26+$0x0], $0xffff;
	v17 =	vand.u32 $0xFFFF0000, v7;
	v15 =	vmul.f32 v53, v15;
	v32 =	vmul.f32 v14, v23  }
0x66b: {  	v51 =	vld.idx.msk [tilespmem:v51+s6+$0x0], $0xffff;
	v7 =	vshll.u32 v7, $0x10;
	v30 =	vmul.f32 v6, v23;
	v35 =	vmul.f32 v35, v23  }
0x66c: {  	v10 =	vld.idx.msk [tilespmem:v25+s29+$0x0], $0xffff;
	v7 =	vmul.f32 v52, v7;
	v17 =	vmul.f32 v55, v17;
	v6 =	vshll.u32 v61, $0x10  }
0x66d: {  	v0 =	vld.idx.msk [tilespmem:v25+s28+$0x0], $0xffff;
	v61 =	vand.u32 $0xFFFF0000, v61;
	v3 =	vmul.f32 v3, v29;
	v15 =	vmul.f32 v15, v29  }
0x66e: {  	v16 =	vand.u32 $0xFFFF0000, v2;
	v7 =	vmul.f32 v7, v29;
	v17 =	vmul.f32 v17, v29  }
0x66f: {  	v14 =	vld.idx.msk [tilespmem:v47+s6+$0x0], $0xffff;
	v36 =	vshll.u32 v12, $0x10;
	v12 =	vand.u32 $0xFFFF0000, v12;
	v49 =	vand.u32 $0xFFFF0000, v62  }
0x670: {  	v53 =	vld.idx.msk [tilespmem:v50+s30+$0x0], $0xffff;
	v62 =	vshll.u32 v62, $0x10;
	v41 =	vadd.f32 v3, v41;
	v42 =	vadd.f32 v15, v42  }
0x671: {  	v15 =	vand.u32 $0xFFFF0000, v51;
	v51 =	vshll.u32 v51, $0x10;
	v63 =	vand.u32 $0xFFFF0000, v10  }
0x672: {  	v12 =	vmul.f32 v16, v12;
	v16 =	vshll.u32 v0, $0x10;
	v1 =	vmul.f32 v1, v62  }
0x673: {  	v5 =	vmul.f32 v51, v5;
	v44 =	vadd.f32 v7, v44;
	v51 =	vmul.f32 v15, v4  }
0x674: {  	v47 =	vld.idx.msk [tilespmem:v47+s25+$0x0], $0xffff;
	v52 =	vshll.u32 v10, $0x10;
	v57 =	vand.u32 $0xFFFF0000, v14;
	v14 =	vshll.u32 v14, $0x10  }
0x675: {  	v50 =	vmul.f32 v58, v63;
	v63 =	vand.u32 $0xFFFF0000, v53;
	v4 =	vmul.f32 v60, v16  }
0x676: {  	v53 =	vshll.u32 v53, $0x10;
	v58 =	vmul.f32 v11, v29;
	v6 =	vmul.f32 v14, v6  }
0x677: {  	v14 =	vand.u32 $0xFFFF0000, v59;
	v62 =	vmul.f32 v57, v61;
	v59 =	vmul.f32 v1, v29  }
0x678: {  	v60 =	vadd.f32 v17, v24;
	v61 =	vmul.f32 v13, v29;
	v6 =	vmul.f32 v6, v29  }
0x679: {  	s9 =	sadd.s32 $0x2, s9;
	v57 =	vand.u32 $0xFFFF0000, v47;
	v13 =	vmul.f32 v5, v23;
	v3 =	vmul.f32 v62, v29  }
0x67a: {  	p0 =	slt.u32 s9, $0xC6;
	v1 =	vmul.f32 v57, v14;
	v55 =	vadd.f32 v6, v46;
	v6 =	vmul.f32 v9, v63;
	v63 =	vld [tilespmem:$0x1FE70]  }
.Ltmp40:
0x67b: {  	v45 =	vadd.f32 v3, v45;
	v9 =	vshll.u32 v47, $0x10;
	v3 =	vmul.f32 v8, v53;
	(pc) =	sbr.rel @p0 .LBB2_78-.Ltmp40, $4  }
0x67c: {  	v62 =	vshll.u32 v2, $0x10;
	v7 =	vmul.f32 v9, v54;
	v6 =	vmul.f32 v6, v29  }
0x67d: {  	v48 =	vadd.f32 v61, v48;
	v53 =	vmul.f32 v12, v29;
	v54 =	vmul.f32 v4, v23  }
0x67e: {  	v61 =	vld.idx.msk [tilespmem:v25+s31+$0x0], $0xffff;
	v10 =	vmul.f32 v3, v29;
	v11 =	vmul.f32 v7, v29;
	v57 =	vadd.f32 v6, v22  }
0x67f: {  	s10 =	sadd.s32 $0x20, s10;
	s11 =	sadd.s32 $0x20, s11;
	v16 =	vmovc v19;
	v19 =	vmovc v21;
	v22 =	vld [tilespmem:$0x1FE80];
	v12 =	vadd.f32 v58, v63;
	v63 =	vand.u32 $0xFFFF0000, v0;
	v58 =	vmul.f32 v1, v29  }
0x680: {  	p0 =	seq.s32 s7, $0x18  }
0x681: {  	s8 =	smul.u32 @!p0 $0x1900, s7;
	_ =	sdelay $0x1  }
0x682: {  	s8 =	sshrl.u32 @!p0 s8, $0x3  }
0x683: {  	s8 =	sadd.s32 @!p0 $0x320, s8  }
0x684: {  	s10 =	simm.s32 @!p0 $0x0;
	s11 =	simm.s32 @!p0 $0x1AF00;
	s9 =	sadd.s32 @!p0 s3, s8  }
0x685: {  	[tilespmem:s11], [sflag:$0x1] =	stream.linear.gather @!p0 [hbm4b:s9+s10], $0xC80, $0x38;
	[tilespmem:$0x1FA80] =	vst v63  }
0x686: {  	s9 =	sadd.s32 @!p0 s5, s8;
	s11 =	simm.s32 @!p0 $0x1BB80  }
0x687: {  	[tilespmem:s11], [sflag:$0x1] =	stream.linear.gather @!p0 [hbm4b:s9+s10], $0xC80, $0x38;
	[tilespmem:$0x1FA80] =	vst v63  }
0x688: {  	s8 =	sadd.s32 @!p0 s2, s8;
	s9 =	simm.s32 @!p0 $0x1C800  }
0x689: {  	[tilespmem:s9], [sflag:$0x1] =	stream.linear.gather @!p0 [hbm4b:s8+s10], $0xC80, $0x38;
	[tilespmem:$0x1FA80] =	vst v63  }
0x68a: {  	_ =	swait.ge [sflag:s0], $0xC80  }
0x68b: {  	[sflag:s0] =	ssyncset.done $0x0  }
0x68c: {  	[sflag:s0] =	ssyncadd.s32 $0xFFFFF380  }
0x68d: {  	_ =	swait.ge [sflag:s0], $0xC80  }
0x68e: {  	[sflag:s0] =	ssyncset.done $0x0  }
0x68f: {  	[sflag:s0] =	ssyncadd.s32 $0xFFFFF380  }
0x690: {  	_ =	swait.ge [sflag:s0], $0xC80  }
0x691: {  	[sflag:s0] =	ssyncset.done $0x0  }
0x692: {  	s12 =	simm.s32 $0x1E110;
	[sflag:s0] =	ssyncadd.s32 $0xFFFFF380  }
0x693: {  	v46 =	vld [tilespmem:s12+$0xFFFFFFF0]  }
0x694: {  	v25 =	vld [tilespmem:s12+$0x0];
	_ =	sdelay $0x1  }
0x695: {  	s13 =	simm.s32 $0x1D490  }
0x696: {  	v0 =	vadd.f32 v10, v16;
	v2 =	vadd.f32 v34, v12;
	v17 =	vld [tilespmem:s13+$0x0]  }
0x697: {  	v1 =	vmul.f32 v51, v23;
	v3 =	vmul.f32 v40, v49;
	v40 =	vadd.f32 v13, v55  }
0x698: {  	v5 =	vmul.f32 v62, v36;
	v6 =	vmul.f32 v50, v23;
	v7 =	vadd.f32 v59, v19;
	[tilespmem:$0x1FE60] =	vst v2  }
0x699: {  	v8 =	vmul.f32 v43, v63;
	v30 =	vadd.f32 v30, v57;
	v12 =	vadd.f32 v58, v39;
	v4 =	vld [tilespmem:s13+$0xFFFFFFF0]  }
0x69a: {  	v3 =	vmul.f32 v3, v29;
	v36 =	vadd.f32 v1, v45;
	v5 =	vmul.f32 v5, v29;
	v1 =	vld.idx.msk [tilespmem:v46+s4+$0x0], $0xffff  }
0x69b: {  	v29 =	vadd.f32 v6, v60;
	v19 =	vadd.f32 v38, v7;
	v8 =	vmul.f32 v8, v23;
	v45 =	vld.idx.msk [tilespmem:v25+s4+$0x0], $0xffff  }
0x69c: {  	v24 =	vadd.f32 v32, v0;
	v9 =	vshll.u32 v61, $0x10;
	v34 =	vadd.f32 v11, v22;
	v47 =	vld.idx.msk [tilespmem:v46+s31+$0x0], $0xffff  }
0x69d: {  	v38 =	vadd.f32 v28, v48;
	v55 =	vmul.f32 v37, v9;
	v5 =	vadd.f32 v5, v18;
	v9 =	vld.idx.msk [tilespmem:v25+s25+$0x0], $0xffff  }
0x69e: {  	v11 =	vadd.f32 v53, v20;
	v22 =	vadd.f32 v33, v34;
	v33 =	vand.u32 $0xFFFF0000, v61;
	v10 =	vld.idx.msk [tilespmem:v17+s4+$0x0], $0xffff  }
0x69f: {  	v59 =	vadd.f32 v3, v27;
	v34 =	vmul.f32 v31, v52;
	v3 =	vmul.f32 v56, v33;
	v13 =	vld.idx.msk [tilespmem:v17+s25+$0x0], $0xffff  }
0x6a0: {  	v20 =	vadd.f32 v26, v12;
	v7 =	vmul.f32 v55, v23;
	v61 =	vadd.f32 v8, v11;
	v11 =	vld.idx.msk [tilespmem:v17+s30+$0x0], $0xffff  }
0x6a1: {  	v62 =	vadd.f32 v54, v5;
	v5 =	vmul.f32 v34, v23;
	v3 =	vmul.f32 v3, v23;
	v14 =	vld.idx.msk [tilespmem:v46+s30+$0x0], $0xffff  }
0x6a2: {  	v21 =	vadd.f32 v35, v59;
	v7 =	vadd.f32 v7, v41;
	v41 =	vld.idx.msk [tilespmem:v25+s29+$0x0], $0xffff  }
0x6a3: {  	v5 =	vadd.f32 v5, v44;
	v3 =	vadd.f32 v3, v42;
	v51 =	vld.idx.msk [tilespmem:v17+s29+$0x0], $0xffff;
	v12 =	vand.u32 $0xFFFF0000, v45  }
0x6a4: {  	v0 =	vld.idx.msk [tilespmem:v4+s31+$0x0], $0xffff;
	v6 =	vshll.u32 v45, $0x10;
	v15 =	vand.u32 $0xFFFF0000, v10;
	v10 =	vshll.u32 v10, $0x10  }
0x6a5: {  	v42 =	vld.idx.msk [tilespmem:v4+s28+$0x0], $0xffff;
	v26 =	vshll.u32 v9, $0x10;
	v9 =	vand.u32 $0xFFFF0000, v9;
	v28 =	vand.u32 $0xFFFF0000, v11  }
0x6a6: {  	v34 =	vld.idx.msk [tilespmem:v4+s6+$0x0], $0xffff;
	v11 =	vshll.u32 v11, $0x10;
	v31 =	vand.u32 $0xFFFF0000, v47;
	v32 =	vand.u32 $0xFFFF0000, v14  }
0x6a7: {  	v48 =	vld.idx.msk [tilespmem:v4+s29+$0x0], $0xffff;
	v2 =	vshll.u32 v47, $0x10;
	v44 =	vand.u32 $0xFFFF0000, v41;
	v55 =	vand.u32 $0xFFFF0000, v1  }
0x6a8: {  	v8 =	vld.idx.msk [tilespmem:v25+s30+$0x0], $0xffff;
	v1 =	vshll.u32 v1, $0x10;
	v47 =	vand.u32 $0xFFFF0000, v51;
	v14 =	vshll.u32 v14, $0x10  }
0x6a9: {  	v52 =	vld.idx.msk [tilespmem:v4+s26+$0x0], $0xffff;
	v12 =	vmul.f32 v12, v15;
	v6 =	vmul.f32 v6, v10;
	v15 =	vand.u32 $0xFFFF0000, v13  }
0x6aa: {  	s8 =	simm.s32 $0x1ED90;
	v23 =	vld.idx.msk [tilespmem:v4+s4+$0x0], $0xffff;
	v13 =	vshll.u32 v13, $0x10;
	v43 =	vand.u32 $0xFFFF0000, v42;
	v59 =	vshll.u32 v0, $0x10  }
0x6ab: {  	v16 =	vld [tilespmem:s8+$0xFFFFFFF0];
	v63 =	vshll.u32 v34, $0x10;
	v0 =	vand.u32 $0xFFFF0000, v0;
	v45 =	vmul.f32 v44, v47  }
0x6ac: {  	v57 =	vld.idx.msk [tilespmem:v46+s28+$0x0], $0xffff;
	v47 =	vshll.u32 v48, $0x10;
	v34 =	vand.u32 $0xFFFF0000, v34;
	v9 =	vmul.f32 v9, v15  }
0x6ad: {  	v10 =	vld.idx.msk [tilespmem:v17+s26+$0x0], $0xffff;
	v13 =	vmul.f32 v26, v13;
	v15 =	vshll.u32 v8, $0x10;
	v8 =	vand.u32 $0xFFFF0000, v8  }
0x6ae: {  	v37 =	vld.idx.msk [tilespmem:v46+s26+$0x0], $0xffff;
	v2 =	vmul.f32 v2, v59;
	v0 =	vmul.f32 v31, v0;
	v31 =	vshll.u32 v52, $0x10  }
0x6af: {  	v26 =	vld.idx.msk [tilespmem:v25+s26+$0x0], $0xffff;
	v52 =	vand.u32 $0xFFFF0000, v52;
	v11 =	vmul.f32 v15, v11;
	v15 =	vand.u32 $0xFFFF0000, v23  }
0x6b0: {  	v8 =	vmul.f32 v8, v28;
	v28 =	vld.idx.msk [tilespmem:v46+s6+$0x0], $0xffff;
	v23 =	vshll.u32 v23, $0x10;
	v15 =	vmul.f32 v55, v15  }
0x6b1: {  	v35 =	vld.idx.msk [tilespmem:v46+s29+$0x0], $0xffff;
	v1 =	vmul.f32 v1, v23;
	v2 =	vmul.f32 v2, v16;
	v23 =	vand.u32 $0xFFFF0000, v57  }
0x6b2: {  	v50 =	vld.idx.msk [tilespmem:v25+s28+$0x0], $0xffff;
	v0 =	vmul.f32 v0, v16;
	v55 =	vmul.f32 v23, v43;
	v39 =	vand.u32 $0xFFFF0000, v10  }
0x6b3: {  	v58 =	vld.idx.msk [tilespmem:v17+s28+$0x0], $0xffff;
	v10 =	vshll.u32 v10, $0x10;
	v33 =	vadd.f32 v2, v7;
	v1 =	vmul.f32 v1, v16  }
0x6b4: {  	v46 =	vld.idx.msk [tilespmem:v46+s25+$0x0], $0xffff;
	v54 =	vshll.u32 v26, $0x10;
	v26 =	vand.u32 $0xFFFF0000, v26;
	v55 =	vmul.f32 v55, v16  }
0x6b5: {  	v23 =	vld.idx.msk [tilespmem:v25+s6+$0x0], $0xffff;
	v10 =	vmul.f32 v54, v10;
	v53 =	vmul.f32 v26, v39;
	v60 =	vshll.u32 v28, $0x10  }
0x6b6: {  	v26 =	vshll.u32 v37, $0x10;
	v39 =	vld.idx.msk [tilespmem:v17+s6+$0x0], $0xffff;
	v28 =	vand.u32 $0xFFFF0000, v28;
	v54 =	vmul.f32 v60, v63  }
0x6b7: {  	v59 =	vmul.f32 v26, v31;
	v26 =	vshll.u32 v35, $0x10;
	v31 =	vld.idx.msk [tilespmem:v4+s25+$0x0], $0xffff;
	v35 =	vand.u32 $0xFFFF0000, v35  }
0x6b8: {  	v4 =	vld.idx.msk [tilespmem:v4+s30+$0x0], $0xffff;
	v63 =	vand.u32 $0xFFFF0000, v48;
	v28 =	vmul.f32 v28, v34;
	v48 =	vshll.u32 v58, $0x10  }
0x6b9: {  	v34 =	vadd.f32 v0, v3;
	v26 =	vmul.f32 v26, v47;
	v35 =	vmul.f32 v35, v63  }
0x6ba: {  	v49 =	vshll.u32 v23, $0x10;
	v23 =	vand.u32 $0xFFFF0000, v23;
	v56 =	vmul.f32 v54, v16  }
0x6bb: {  	v47 =	vshll.u32 v46, $0x10;
	v2 =	vand.u32 $0xFFFF0000, v39;
	v60 =	vshll.u32 v39, $0x10  }
0x6bc: {  	v39 =	vshll.u32 v50, $0x10;
	v54 =	vadd.f32 v56, v40;
	v50 =	vand.u32 $0xFFFF0000, v50  }
0x6bd: {  	v0 =	vmul.f32 v49, v60;
	v63 =	vand.u32 $0xFFFF0000, v4;
	v44 =	vmul.f32 v23, v2  }
0x6be: {  	v2 =	vmul.f32 v39, v48;
	v39 =	vshll.u32 v31, $0x10;
	v48 =	vmul.f32 v26, v16  }
0x6bf: {  	v23 =	vld [tilespmem:s8+$0x0];
	v4 =	vshll.u32 v4, $0x10;
	v26 =	vmul.f32 v28, v16;
	v49 =	vmul.f32 v35, v16  }
0x6c0: {  	v28 =	vand.u32 $0xFFFF0000, v46;
	v7 =	vmul.f32 v32, v63;
	v60 =	vmul.f32 v47, v39  }
0x6c1: {  	v3 =	vmul.f32 v14, v4;
	v14 =	vand.u32 $0xFFFF0000, v31;
	v43 =	vadd.f32 v48, v5  }
0x6c2: {  	v4 =	vmul.f32 v28, v14;
	v48 =	vshll.u32 v42, $0x10;
	v7 =	vmul.f32 v7, v16  }
0x6c3: {  	v42 =	vadd.f32 v1, v38;
	v38 =	vmul.f32 v3, v16;
	v39 =	vmul.f32 v60, v16  }
0x6c4: {  	v56 =	vadd.f32 v26, v36;
	v40 =	vmul.f32 v12, v23;
	v12 =	vmul.f32 v15, v16  }
0x6c5: {  	v63 =	vld.idx.msk [tilespmem:v25+s31+$0x0], $0xffff;
	v35 =	vadd.f32 v49, v29;
	v32 =	vmul.f32 v13, v23;
	v26 =	vmul.f32 v9, v23  }
0x6c6: {  	v13 =	vld [tilespmem:$0x1FE60];
	v31 =	vmul.f32 v11, v23;
	v36 =	vadd.f32 v7, v30;
	v30 =	vmul.f32 v8, v23  }
0x6c7: {  	v29 =	vshll.u32 v41, $0x10;
	v28 =	vmul.f32 v6, v23;
	v46 =	vmul.f32 v10, v23  }
0x6c8: {  	v49 =	vand.u32 $0xFFFF0000, v37;
	v37 =	vmul.f32 v53, v23;
	v10 =	vmul.f32 v59, v16  }
0x6c9: {  	v53 =	vshll.u32 v51, $0x10;
	v11 =	vshll.u32 v57, $0x10;
	v57 =	vmul.f32 v2, v23  }
0x6ca: {  	v27 =	vmul.f32 v0, v23;
	v47 =	vshll.u32 v63, $0x10;
	v51 =	vand.u32 $0xFFFF0000, v63  }
0x6cb: {  	s11 =	simm.s32 $0x1D4B0;
	s9 =	simm.s32 $0x0;
	s10 =	simm.s32 $0x1E130;
	v59 =	vld.idx.msk [tilespmem:v17+s31+$0x0], $0xffff;
	v12 =	vadd.f32 v12, v13;
	v13 =	vand.u32 $0xFFFF0000, v58;
	v58 =	vmul.f32 v4, v16  }
.LBB2_80:
0x6cc: {  	v41 =	vld [tilespmem:s10+$0xFFFFFFF0]  }
0x6cd: {  	v1 =	vmul.f32 v44, v23;
	v44 =	vld [tilespmem:s10+$0x0];
	_ =	sdelay $0x2  }
0x6ce: {  	v4 =	vadd.f32 v10, v19;
	v0 =	vadd.f32 v38, v24  }
0x6cf: {  	v6 =	vmul.f32 v45, v23;
	v45 =	vld [tilespmem:s11+$0xFFFFFFF0];
	v2 =	vadd.f32 v40, v12;
	v63 =	vadd.f32 v39, v22  }
0x6d0: {  	s8 =	sadd.s32 $0x20, s8;
	v3 =	vmul.f32 v49, v52;
	v36 =	vadd.f32 v30, v36;
	v39 =	vadd.f32 v27, v54;
	v27 =	vld [tilespmem:s11+$0x0]  }
0x6d1: {  	v5 =	vmul.f32 v11, v48;
	v7 =	vadd.f32 v58, v20;
	[tilespmem:$0x1FE50] =	vst v2;
	v2 =	vadd.f32 v32, v63;
	v63 =	vld [tilespmem:s8+$0x0]  }
0x6d2: {  	v48 =	vmul.f32 v29, v53;
	v8 =	vadd.f32 v55, v61;
	v35 =	vadd.f32 v6, v35;
	v6 =	vld.idx.msk [tilespmem:v41+s4+$0x0], $0xffff  }
0x6d3: {  	v42 =	vadd.f32 v28, v42;
	v3 =	vmul.f32 v3, v16;
	v5 =	vmul.f32 v5, v16;
	v9 =	vld.idx.msk [tilespmem:v44+s4+$0x0], $0xffff  }
0x6d4: {  	v38 =	vadd.f32 v1, v56;
	v18 =	vadd.f32 v46, v4;
	v54 =	vmul.f32 v50, v13;
	v50 =	vld.idx.msk [tilespmem:v44+s25+$0x0], $0xffff  }
0x6d5: {  	v24 =	vadd.f32 v31, v0;
	v56 =	vshll.u32 v59, $0x10;
	v5 =	vadd.f32 v5, v62;
	v0 =	vld.idx.msk [tilespmem:v41+s26+$0x0], $0xffff  }
0x6d6: {  	v46 =	vadd.f32 v3, v21;
	v60 =	vmul.f32 v47, v56;
	v47 =	vand.u32 $0xFFFF0000, v59;
	v53 =	vld.idx.msk [tilespmem:v44+s30+$0x0], $0xffff  }
0x6d7: {  	v20 =	vadd.f32 v26, v7;
	v1 =	vmul.f32 v54, v23;
	v3 =	vmul.f32 v51, v47;
	v14 =	vld.idx.msk [tilespmem:v45+s4+$0x0], $0xffff  }
0x6d8: {  	v22 =	vadd.f32 v57, v5;
	v5 =	vmul.f32 v48, v23;
	v21 =	vadd.f32 v37, v46;
	v15 =	vld.idx.msk [tilespmem:v44+s29+$0x0], $0xffff  }
0x6d9: {  	[tilespmem:$0x1FE40] =	vst v2;
	v2 =	vmul.f32 v60, v23;
	v49 =	vmul.f32 v3, v23;
	v56 =	vld.idx.msk [tilespmem:v44+s26+$0x0], $0xffff  }
0x6da: {  	v19 =	vadd.f32 v1, v8;
	v43 =	vadd.f32 v5, v43;
	v57 =	vld.idx.msk [tilespmem:v45+s28+$0x0], $0xffff  }
0x6db: {  	v33 =	vadd.f32 v2, v33;
	v34 =	vadd.f32 v49, v34;
	v51 =	vld.idx.msk [tilespmem:v27+s4+$0x0], $0xffff;
	v54 =	vand.u32 $0xFFFF0000, v9  }
0x6dc: {  	v52 =	vld.idx.msk [tilespmem:v27+s25+$0x0], $0xffff;
	v11 =	vshll.u32 v50, $0x10;
	v9 =	vshll.u32 v9, $0x10;
	v3 =	vand.u32 $0xFFFF0000, v50  }
0x6dd: {  	v55 =	vld.idx.msk [tilespmem:v27+s30+$0x0], $0xffff;
	v4 =	vand.u32 $0xFFFF0000, v53;
	v59 =	vand.u32 $0xFFFF0000, v14;
	v29 =	vshll.u32 v15, $0x10  }
0x6de: {  	v14 =	vshll.u32 v14, $0x10;
	v62 =	vshll.u32 v56, $0x10;
	v15 =	vand.u32 $0xFFFF0000, v15  }
0x6df: {  	v23 =	vmovc v63;
	v63 =	vand.u32 $0xFFFF0000, v6;
	v6 =	vshll.u32 v6, $0x10;
	v37 =	vand.u32 $0xFFFF0000, v56  }
0x6e0: {  	v16 =	vld [tilespmem:s8+$0xFFFFFFF0];
	v48 =	vshll.u32 v57, $0x10;
	v49 =	vand.u32 $0xFFFF0000, v0;
	v6 =	vmul.f32 v6, v14  }
0x6e1: {  	v61 =	vld.idx.msk [tilespmem:v27+s6+$0x0], $0xffff;
	v13 =	vand.u32 $0xFFFF0000, v51;
	v2 =	vshll.u32 v51, $0x10;
	v1 =	vshll.u32 v52, $0x10  }
0x6e2: {  	v10 =	vld.idx.msk [tilespmem:v41+s31+$0x0], $0xffff;
	v26 =	vand.u32 $0xFFFF0000, v55;
	v7 =	vshll.u32 v55, $0x10;
	v5 =	vmul.f32 v54, v13  }
0x6e3: {  	v12 =	vld.idx.msk [tilespmem:v41+s30+$0x0], $0xffff;
	v2 =	vmul.f32 v9, v2;
	v13 =	vand.u32 $0xFFFF0000, v52;
	v1 =	vmul.f32 v11, v1  }
0x6e4: {  	v8 =	vld.idx.msk [tilespmem:v45+s31+$0x0], $0xffff;
	v58 =	vmul.f32 v4, v26;
	v3 =	vmul.f32 v3, v13;
	v13 =	vshll.u32 v53, $0x10  }
0x6e5: {  	v0 =	vshll.u32 v0, $0x10;
	v51 =	vld.idx.msk [tilespmem:v44+s31+$0x0], $0xffff;
	v4 =	vmul.f32 v63, v59;
	v7 =	vmul.f32 v13, v7  }
0x6e6: {  	v55 =	vld.idx.msk [tilespmem:v45+s26+$0x0], $0xffff;
	v59 =	vand.u32 $0xFFFF0000, v61;
	v40 =	vmul.f32 v5, v23;
	v32 =	vmul.f32 v1, v23  }
0x6e7: {  	v11 =	vld.idx.msk [tilespmem:v27+s26+$0x0], $0xffff;
	v13 =	vand.u32 $0xFFFF0000, v10;
	v30 =	vmul.f32 v58, v23;
	v28 =	vmul.f32 v2, v23  }
0x6e8: {  	v52 =	vld.idx.msk [tilespmem:v44+s28+$0x0], $0xffff;
	v2 =	vand.u32 $0xFFFF0000, v12;
	v10 =	vshll.u32 v10, $0x10;
	v5 =	vand.u32 $0xFFFF0000, v57  }
0x6e9: {  	v9 =	vld.idx.msk [tilespmem:v41+s29+$0x0], $0xffff;
	v58 =	vshll.u32 v8, $0x10;
	v8 =	vand.u32 $0xFFFF0000, v8;
	v26 =	vmul.f32 v3, v23  }
0x6ea: {  	v53 =	vld.idx.msk [tilespmem:v45+s6+$0x0], $0xffff;
	v12 =	vshll.u32 v12, $0x10;
	v10 =	vmul.f32 v10, v58;
	v8 =	vmul.f32 v13, v8  }
0x6eb: {  	v1 =	vld.idx.msk [tilespmem:v41+s28+$0x0], $0xffff;
	v31 =	vmul.f32 v7, v23;
	v47 =	vshll.u32 v51, $0x10;
	v14 =	vshll.u32 v55, $0x10  }
0x6ec: {  	v57 =	vld.idx.msk [tilespmem:v45+s29+$0x0], $0xffff;
	v51 =	vand.u32 $0xFFFF0000, v51;
	v60 =	vand.u32 $0xFFFF0000, v11;
	v11 =	vshll.u32 v11, $0x10  }
0x6ed: {  	v50 =	vand.u32 $0xFFFF0000, v52;
	v63 =	vshll.u32 v52, $0x10;
	v10 =	vmul.f32 v10, v16  }
0x6ee: {  	v3 =	vld.idx.msk [tilespmem:v27+s29+$0x0], $0xffff;
	v52 =	vand.u32 $0xFFFF0000, v55;
	v8 =	vmul.f32 v8, v16;
	v0 =	vmul.f32 v0, v14  }
0x6ef: {  	v44 =	vld.idx.msk [tilespmem:v44+s6+$0x0], $0xffff;
	v11 =	vmul.f32 v62, v11;
	v37 =	vmul.f32 v37, v60;
	v60 =	vshll.u32 v61, $0x10  }
0x6f0: {  	v7 =	vld.idx.msk [tilespmem:v41+s6+$0x0], $0xffff;
	v61 =	vand.u32 $0xFFFF0000, v9;
	v62 =	vshll.u32 v53, $0x10;
	v53 =	vand.u32 $0xFFFF0000, v53  }
0x6f1: {  	v9 =	vshll.u32 v9, $0x10;
	v17 =	vand.u32 $0xFFFF0000, v1;
	v25 =	vand.u32 $0xFFFF0000, v57  }
0x6f2: {  	v58 =	vld.idx.msk [tilespmem:v27+s28+$0x0], $0xffff;
	v13 =	vshll.u32 v57, $0x10;
	v33 =	vadd.f32 v10, v33;
	v46 =	vmul.f32 v11, v23  }
0x6f3: {  	v55 =	vld.idx.msk [tilespmem:v45+s30+$0x0], $0xffff;
	v56 =	vand.u32 $0xFFFF0000, v3;
	v37 =	vmul.f32 v37, v23;
	v5 =	vmul.f32 v17, v5  }
0x6f4: {  	v9 =	vmul.f32 v9, v13;
	v14 =	vmul.f32 v61, v25;
	v17 =	vshll.u32 v44, $0x10  }
0x6f5: {  	v11 =	vld.idx.msk [tilespmem:v45+s25+$0x0], $0xffff;
	v54 =	vand.u32 $0xFFFF0000, v7;
	v7 =	vshll.u32 v7, $0x10;
	v45 =	vmul.f32 v15, v56  }
0x6f6: {  	v34 =	vadd.f32 v8, v34;
	v17 =	vmul.f32 v17, v60;
	v7 =	vmul.f32 v7, v62  }
0x6f7: {  	v15 =	vshll.u32 v58, $0x10;
	v10 =	vmul.f32 v54, v53;
	v8 =	vmul.f32 v9, v16  }
0x6f8: {  	v13 =	vld.idx.msk [tilespmem:v41+s25+$0x0], $0xffff;
	v9 =	vand.u32 $0xFFFF0000, v44;
	v14 =	vmul.f32 v14, v16;
	v53 =	vand.u32 $0xFFFF0000, v55  }
0x6f9: {  	v44 =	vmul.f32 v9, v59;
	v9 =	vshll.u32 v55, $0x10;
	v2 =	vmul.f32 v2, v53  }
0x6fa: {  	v55 =	vmul.f32 v5, v16;
	v53 =	vshll.u32 v3, $0x10;
	v3 =	vmul.f32 v4, v16  }
0x6fb: {  	v7 =	vmul.f32 v7, v16;
	v10 =	vmul.f32 v10, v16;
	v43 =	vadd.f32 v8, v43  }
0x6fc: {  	v8 =	vmul.f32 v63, v15;
	v9 =	vmul.f32 v12, v9;
	v35 =	vadd.f32 v14, v35  }
0x6fd: {  	s9 =	sadd.s32 $0x2, s9;
	v62 =	vand.u32 $0xFFFF0000, v11;
	v59 =	vshll.u32 v11, $0x10;
	v11 =	vshll.u32 v13, $0x10  }
0x6fe: {  	p1 =	slt.u32 s9, $0xC6;
	v63 =	vld [tilespmem:$0x1FE50];
	v60 =	vand.u32 $0xFFFF0000, v13;
	v2 =	vmul.f32 v2, v16;
	v54 =	vadd.f32 v7, v39  }
.Ltmp41:
0x6ff: {  	v56 =	vadd.f32 v10, v38;
	v10 =	vmul.f32 v0, v16;
	v7 =	vmul.f32 v11, v59;
	(pc) =	sbr.rel @p1 .LBB2_80-.Ltmp41, $4  }
0x700: {  	v38 =	vmul.f32 v9, v16;
	v11 =	vshll.u32 v1, $0x10;
	v1 =	vmul.f32 v6, v16  }
0x701: {  	v61 =	vmovc v19;
	v19 =	vmovc v18;
	v13 =	vand.u32 $0xFFFF0000, v58;
	v57 =	vmul.f32 v8, v23;
	v0 =	vmul.f32 v60, v62  }
0x702: {  	v59 =	vld.idx.msk [tilespmem:v27+s31+$0x0], $0xffff;
	v27 =	vmul.f32 v17, v23;
	v36 =	vadd.f32 v2, v36;
	v39 =	vmul.f32 v7, v16  }
0x703: {  	s10 =	sadd.s32 $0x20, s10;
	s11 =	sadd.s32 $0x20, s11;
	v62 =	vmovc v22;
	v22 =	vld [tilespmem:$0x1FE40];
	v42 =	vadd.f32 v1, v42;
	v58 =	vmul.f32 v0, v16;
	v12 =	vadd.f32 v3, v63  }
0x704: {  	v1 =	vadd.f32 v38, v24;
	v2 =	vmul.f32 v44, v23  }
0x705: {  	v4 =	vmul.f32 v49, v52;
	v17 =	vadd.f32 v27, v54;
	v5 =	vmul.f32 v11, v48  }
0x706: {  	v6 =	vmul.f32 v45, v23;
	v7 =	vadd.f32 v10, v19;
	v27 =	vadd.f32 v30, v36  }
0x707: {  	v0 =	vadd.f32 v40, v12;
	v4 =	vmul.f32 v4, v16;
	v9 =	vadd.f32 v2, v56  }
0x708: {  	v5 =	vmul.f32 v5, v16;
	v25 =	vadd.f32 v6, v35;
	v19 =	vadd.f32 v46, v7  }
0x709: {  	v2 =	vmul.f32 v50, v13;
	v16 =	vadd.f32 v31, v1;
	v7 =	vadd.f32 v58, v20  }
0x70a: {  	v6 =	vshll.u32 v59, $0x10;
	v3 =	vadd.f32 v39, v22;
	v5 =	vadd.f32 v5, v62  }
0x70b: {  	v2 =	vmul.f32 v2, v23;
	v1 =	vadd.f32 v4, v21;
	v4 =	vand.u32 $0xFFFF0000, v59  }
0x70c: {  	v4 =	vmul.f32 v51, v4;
	v22 =	vadd.f32 v32, v3;
	v3 =	vmul.f32 v47, v6  }
.Ltmp42:
0x70d: {  	v6 =	vadd.f32 v55, v61;
	v18 =	vadd.f32 v57, v5;
	v5 =	vmul.f32 v29, v53;
	(pc) =	sbr.rel @p0 .LBB2_83-.Ltmp42, $4  }
0x70e: {  	v24 =	vadd.f32 v28, v42;
	v10 =	vadd.f32 v26, v7;
	v3 =	vmul.f32 v3, v23  }
0x70f: {  	v20 =	vadd.f32 v2, v6;
	v2 =	vmul.f32 v4, v23;
	v4 =	vmul.f32 v5, v23  }
0x710: {  	v12 =	vadd.f32 v37, v1;
	v21 =	vadd.f32 v3, v33  }
0x711: {  	v5 =	vadd.f32 v2, v34;
	v7 =	vadd.f32 v4, v43  }
0x712: {  	s8 =	smul.u32 $0x1900, s7;
	_ =	sdelay $0x1  }
0x713: {  	s8 =	sshrl.u32 s8, $0x3  }
0x714: {  	s8 =	sadd.s32 $0x4B0, s8  }
0x715: {  	s9 =	sadd.s32 s3, s8  }
0x716: {  	[tilespmem:s18], [sflag:$0x2] =	stream.linear.gather [hbm4b:s9+s6], $0xC80, $0x38;
	[tilespmem:$0x1FA80] =	vst v63  }
.Ltmp43:
0x717: {  	_ = 	snop;
	(pc) =	sbr.rel .LBB2_77-.Ltmp43, $4  }
0x718: {  	s13 =	sadd.s32 s5, s8  }
0x719: {  	[tilespmem:s19], [sflag:$0x2] =	stream.linear.gather [hbm4b:s13+s6], $0xC80, $0x38;
	[tilespmem:$0x1FA80] =	vst v63  }
0x71a: {  	s7 =	sadd.s32 $0x1, s7;
	s8 =	sadd.s32 s2, s8  }
0x71b: {  	v4 =	vmov v10;
	v3 =	vmov v12;
	v6 =	vmov v9;
	[tilespmem:s20], [sflag:$0x2] =	stream.linear.gather [hbm4b:s8+s6], $0xC80, $0x38;
	[tilespmem:$0x1FA80] =	vst v63  }
.LBB2_84:
0x71c: {  	_ =	sfence.sel $0x180000  }
0x71d: {  	[bflag:$0x0] =	sbarrier.arrive $0xFFFF  }
0x71e: {  	_ =	strace $0x90000047  }
0x71f: {  	s0 =	stileid.u32;
	[bflag:$0x2] =	sbarrier.arrive $0xFFFF  }
0x720: {  	p0 =	sne.s32 s0, $0x0;
	s0 =	rddreg [dreg:$0x6]  }
0x721: {  	s0 =	sadd.s32 @!p0 $0x100000, s0  }
0x722: {  	[sflag:s0] =	ssyncadd.tile.s32 @!p0 $0x1;
	_ =	shalt  }
.Lfunc_end2:
_tile_overlayer_lowered:
.L_overlay_start_2:
0x723: {  	(tag) =	ssettag $0x2  }
0x724: {  	s0 =	rddreg [dreg:$0x0];
	s2 =	stileid.u32  }
0x725: {  	s1 =	rddreg [dreg:$0x1];
	p0 =	sne.s32 s2, $0x0  }
0x726: {  	s3 =	rddreg [dreg:$0x2];
	[bflag:$0x3] =	sbarrier.arrive $0xFFFF;
	s2 =	simm.s32 @!p0 $0x1C04  }
0x727: {  	[timem:s3], [sflag:s2] =	dma.local @!p0 [hbm:s0], s1  }
0x728: {  	s0 =	simm.s32 @!p0 $0x4  }
0x729: {  	_ =	swait.ge @!p0 [sflag:s0], s1  }
0x72a: {  	s1 =	ssub.s32 @!p0 $0x0, s1;
	[sflag:s0] =	ssyncset.done @!p0 $0x0  }
0x72b: {  	[sflag:s0] =	ssyncadd.s32 @!p0 s1  }
0x72c: {  	[bflag:$0x3] =	sbarrier.arrive $0xFFFF  }
0x72d: {  	_ =	shalt  }

</sc_bundles>
